<compile_context>
chip_gen: v7x
topology: tpu7x:2x2x1
jax: 0.10.2.dev20260603
libtpu: 0.0.44.dev20260713+nightly
codegen_flags: <defaults>
</compile_context>

<pallas_src>
import functools

import jax
import jax.numpy as jnp
from jax import lax
from jax.experimental import pallas as pl
from jax.experimental.pallas import tpu as pltpu
from jax.experimental.pallas import tpu_sc as plsc

D_MODEL = 64
SCALE = 8.0
NUM_WORKERS = 32
LANES = 16
TPAD = 131


def kernel(input, table):
    batch, hist = input.shape
    n_ht = hist // 8
    n_bt = batch // 128
    p_in = input.T.reshape(n_ht, 8, 128, 128).transpose(0, 2, 1, 3)
    if p_in.dtype != jnp.int32:
        p_in = p_in.astype(jnp.int32)

    n_units = n_ht * n_bt * 4
    units_per_w = n_units // NUM_WORKERS
    assert units_per_w * NUM_WORKERS == n_units and units_per_w % 2 == 0
    n2 = units_per_w // 2

    mesh = plsc.VectorSubcoreMesh(core_axis_name="c", subcore_axis_name="s")

    @functools.partial(
        pl.kernel,
        mesh=mesh,
        out_type=jax.ShapeDtypeStruct((hist, 8, n_bt, 8, 128), jnp.float32),
        scratch_types=[
            pltpu.VMEM((2, 2, 128), jnp.int32),
            pltpu.VMEM((2 * 2 * 128, D_MODEL), jnp.float32),
            pltpu.VMEM((2 * 2 * D_MODEL, TPAD), jnp.float32),
            pltpu.SemaphoreType.DMA,
            pltpu.SemaphoreType.DMA,
            pltpu.SemaphoreType.DMA,
            pltpu.SemaphoreType.DMA,
            pltpu.SemaphoreType.DMA,
            pltpu.SemaphoreType.DMA,
        ],
        compiler_params=pltpu.CompilerParams(use_tc_tiling_on_sc=False,
                                             needs_layout_passes=False),
    )
    def emb(idx_hbm, table_hbm, out_hbm, idx_v, rows_v, trans_v,
            isem0, isem1, gsem0, gsem1, ssem0, ssem1):
        isems = [isem0, isem1]
        gsems = [gsem0, gsem1]
        ssems = [ssem0, ssem1]
        wid = lax.axis_index("s") * 2 + lax.axis_index("c")
        u0 = wid * units_per_w

        def unit_coords(u):
            ht = u >> 9
            bt = (u >> 2) & 127
            hs0 = (u & 3) * 2
            return ht, bt, hs0

        def fire_idx(u, s):
            ht, bt, hs0 = unit_coords(u)
            pltpu.async_copy(idx_hbm.at[ht, bt, pl.ds(hs0, 2)],
                             idx_v.at[s], isems[s])

        def wait_idx(s):
            pltpu.make_async_copy(idx_hbm.at[0, 0, pl.ds(0, 2)],
                                  idx_v.at[s], isems[s]).wait()

        def fire_gathers(s):
            for hl in range(2):
                pltpu.async_copy(table_hbm.at[idx_v.at[s, hl]],
                                 rows_v.at[pl.ds((s * 2 + hl) * 128, 128)],
                                 gsems[s])

        def wait_gathers(s):
            for hl in range(2):
                pltpu.make_async_copy(
                    table_hbm.at[idx_v.at[s, hl]],
                    rows_v.at[pl.ds((s * 2 + hl) * 128, 128)],
                    gsems[s]).wait()

        def transpose_scale(s):
            iota = lax.iota(jnp.int32, LANES)

            @plsc.parallel_loop(0, 128)
            def body(bl):
                c_bl = jnp.full((LANES,), bl, jnp.int32)
                for hl in range(2):
                    rbase = (s * 2 + hl) * 128
                    tbase = (s * 2 + hl) * D_MODEL
                    for dg in range(D_MODEL // LANES):
                        vals = rows_v[rbase + bl, pl.ds(dg * LANES, LANES)]
                        rowv = (tbase + dg * LANES) + iota
                        plsc.store_scatter(trans_v, [rowv, c_bl],
                                           vals * SCALE)

        def fire_stores(u, s):
            ht, bt, hs0 = unit_coords(u)
            for hl in range(2):
                h = ht * 8 + hs0 + hl
                tbase = (s * 2 + hl) * D_MODEL
                for dt in range(8):
                    pltpu.async_copy(
                        trans_v.at[pl.ds(tbase + dt * 8, 8), pl.ds(0, 128)],
                        out_hbm.at[h, dt, bt], ssems[s])

        def wait_stores(s):
            for _ in range(16):
                pltpu.make_async_copy(
                    trans_v.at[pl.ds(0, 8), pl.ds(0, 128)],
                    out_hbm.at[0, 0, 0], ssems[s]).wait()

        fire_idx(u0, 0)
        fire_idx(u0 + 1, 1)
        wait_idx(0)
        fire_gathers(0)

        def outer(p, c):
            u = u0 + 2 * p
            wait_gathers(0)

            @pl.when(p < n2 - 1)
            def _():
                fire_idx(u + 2, 0)

            wait_idx(1)
            fire_gathers(1)

            @pl.when(p >= 1)
            def _():
                wait_stores(0)

            transpose_scale(0)
            fire_stores(u, 0)

            wait_gathers(1)

            @pl.when(p < n2 - 1)
            def _():
                fire_idx(u + 3, 1)
                wait_idx(0)
                fire_gathers(0)

            @pl.when(p >= 1)
            def _():
                wait_stores(1)

            transpose_scale(1)
            fire_stores(u + 1, 1)
            return c

        lax.fori_loop(0, n2, outer, 0)
        wait_stores(0)
        wait_stores(1)

    x = emb(p_in, table)
    return x.transpose(2, 4, 0, 1, 3).reshape(batch, hist, D_MODEL)

# --- scband reference (transcript-rebuilt; emitter-appended) ---
"""Pipeline reference for scband-input-embedder-1185410973823 (READ-ONLY COPY).

The authoritative reference and input builder live on the scoring server;
editing this copy changes nothing except your own understanding.
"""

import jax, jax.numpy as jnp
import numpy as np
import math

D_MODEL = 64
MAX_PATH_LEN = 1000000
BATCH = 16384
HIST = 200

def setup_inputs(seed: int = 0) -> dict:
    key = jax.random.key(seed)
    k1, k2 = jax.random.split(key)
    input_idx = jax.random.randint(k1, (BATCH, HIST), 0, MAX_PATH_LEN, dtype=jnp.int64) if jax.config.jax_enable_x64 else jax.random.randint(k1, (BATCH, HIST), 0, MAX_PATH_LEN, dtype=jnp.int32)
    table = jax.random.normal(k2, (MAX_PATH_LEN, D_MODEL), dtype=jnp.float32)
    return {"input": input_idx, "table": table}

def reference(input, table):
    # nn.Embedding lookup followed by scaling by sqrt(d_model)
    emb = jnp.take(table, input, axis=0)
    return emb * math.sqrt(D_MODEL)

if __name__ == "__main__":
    import jax
    _d = setup_inputs()
    print(jax.jit(kernel)(*tuple(_d.values())))

</pallas_src>

<mosaic_0001>
#map = affine_map<(d0, d1) -> (0, 0, 0, 0)>
#map1 = affine_map<(d0, d1) -> (0, 0)>
#map2 = affine_map<(d0, d1) -> (0, 0, 0, 0, 0)>
module attributes {stable_mosaic.version = 14 : i64} {
  func.func @emb(%arg0: i32, %arg1: i32, %arg2: memref<25x128x8x128xi32, #tpu.memory_space<hbm>>, %arg3: memref<1000000x64xf32, #tpu.memory_space<hbm>>, %arg4: memref<200x8x128x8x128xf32, #tpu.memory_space<hbm>>, %arg5: memref<2x2x128xi32, #tpu.memory_space<vmem>>, %arg6: memref<512x64xf32, #tpu.memory_space<vmem>>, %arg7: memref<256x131xf32, #tpu.memory_space<vmem>>, %arg8: memref<!tpu.dma_semaphore, #tpu.memory_space<semaphore_mem>>, %arg9: memref<!tpu.dma_semaphore, #tpu.memory_space<semaphore_mem>>, %arg10: memref<!tpu.dma_semaphore, #tpu.memory_space<semaphore_mem>>, %arg11: memref<!tpu.dma_semaphore, #tpu.memory_space<semaphore_mem>>, %arg12: memref<!tpu.dma_semaphore, #tpu.memory_space<semaphore_mem>>, %arg13: memref<!tpu.dma_semaphore, #tpu.memory_space<semaphore_mem>>) attributes {dimension_semantics = [#tpu.dimension_semantics<core_parallel>, #tpu.dimension_semantics<subcore_parallel>], iteration_bounds = array<i64: 2, 16>, scalar_prefetch = 0 : i64, scratch_operands = 9 : i64, tpu.core_type = #tpu.core_type<sc_vector_subcore>, window_params = [{transform_indices = #map}, {transform_indices = #map1}, {transform_indices = #map2}]} {
    %mul3A = arith.constant 2 : i32
    %mul3A_0 = arith.muli %arg1, %mul3A : i32
    %add3A = arith.addi %mul3A_0, %arg0 : i32
    %mul3A_1 = arith.constant 400 : i32
    %mul3A_2 = arith.muli %add3A, %mul3A_1 : i32
    %shift_right_arithmetic3A = arith.constant 9 : i32
    %shift_right_arithmetic3A_3 = arith.shrsi %mul3A_2, %shift_right_arithmetic3A : i32
    %shift_right_arithmetic3A_4 = arith.constant 2 : i32
    %shift_right_arithmetic3A_5 = arith.shrsi %mul3A_2, %shift_right_arithmetic3A_4 : i32
    %and3A = arith.constant 127 : i32
    %and3A_6 = arith.andi %shift_right_arithmetic3A_5, %and3A : i32
    %and3A_7 = arith.constant 3 : i32
    %and3A_8 = arith.andi %mul3A_2, %and3A_7 : i32
    %mul3A_9 = arith.constant 2 : i32
    %mul3A_10 = arith.muli %and3A_8, %mul3A_9 : i32
    %dma_start3A = arith.constant 0 : i32
    %dma_start3A_11 = arith.constant 0 : i32
    %dma_start3A_12 = arith.constant 0 : i32
    %dma_start3A_13 = tpu.memref_slice %arg5[%dma_start3A, %dma_start3A_11, %dma_start3A_12] : memref<2x2x128xi32, #tpu.memory_space<vmem>> -> memref<1x2x128xi32, #tpu.memory_space<vmem>>
    %dma_start3A_14 = tpu.memref_squeeze %dma_start3A_13 : memref<1x2x128xi32, #tpu.memory_space<vmem>> -> memref<2x128xi32, #tpu.memory_space<vmem>>
    %dma_start3A_15 = arith.constant 0 : i32
    %dma_start3A_16 = tpu.memref_slice %arg2[%shift_right_arithmetic3A_3, %and3A_6, %mul3A_10, %dma_start3A_15] : memref<25x128x8x128xi32, #tpu.memory_space<hbm>> -> memref<1x1x2x128xi32, #tpu.memory_space<hbm>>
    %dma_start3A_17 = tpu.memref_squeeze %dma_start3A_16 : memref<1x1x2x128xi32, #tpu.memory_space<hbm>> -> memref<2x128xi32, #tpu.memory_space<hbm>>
    %dma_start3A_18 = arith.constant 0 : i32
    %dma_start3A_19 = arith.constant 0 : i32
    %dma_start3A_20 = tpu.memref_slice %arg5[%dma_start3A, %dma_start3A_18, %dma_start3A_19] : memref<2x2x128xi32, #tpu.memory_space<vmem>> -> memref<1x2x128xi32, #tpu.memory_space<vmem>>
    %dma_start3A_21 = tpu.memref_squeeze %dma_start3A_20 : memref<1x2x128xi32, #tpu.memory_space<vmem>> -> memref<2x128xi32, #tpu.memory_space<vmem>>
    %dma_start3A_22 = arith.constant 0 : i32
    %dma_start3A_23 = tpu.memref_slice %arg2[%shift_right_arithmetic3A_3, %and3A_6, %mul3A_10, %dma_start3A_22] : memref<25x128x8x128xi32, #tpu.memory_space<hbm>> -> memref<1x1x2x128xi32, #tpu.memory_space<hbm>>
    %dma_start3A_24 = tpu.memref_squeeze %dma_start3A_23 : memref<1x1x2x128xi32, #tpu.memory_space<hbm>> -> memref<2x128xi32, #tpu.memory_space<hbm>>
    tpu.enqueue_dma source(%dma_start3A_24 : memref<2x128xi32, #tpu.memory_space<hbm>>) target(%dma_start3A_21 : memref<2x128xi32, #tpu.memory_space<vmem>>) target_semaphore(%arg8 : memref<!tpu.dma_semaphore, #tpu.memory_space<semaphore_mem>>)
    %add3A_25 = arith.constant 1 : i32
    %add3A_26 = arith.addi %mul3A_2, %add3A_25 : i32
    %shift_right_arithmetic3A_27 = arith.constant 9 : i32
    %shift_right_arithmetic3A_28 = arith.shrsi %add3A_26, %shift_right_arithmetic3A_27 : i32
    %shift_right_arithmetic3A_29 = arith.constant 2 : i32
    %shift_right_arithmetic3A_30 = arith.shrsi %add3A_26, %shift_right_arithmetic3A_29 : i32
    %and3A_31 = arith.constant 127 : i32
    %and3A_32 = arith.andi %shift_right_arithmetic3A_30, %and3A_31 : i32
    %and3A_33 = arith.constant 3 : i32
    %and3A_34 = arith.andi %add3A_26, %and3A_33 : i32
    %mul3A_35 = arith.constant 2 : i32
    %mul3A_36 = arith.muli %and3A_34, %mul3A_35 : i32
    %dma_start3A_37 = arith.constant 1 : i32
    %dma_start3A_38 = arith.constant 0 : i32
    %dma_start3A_39 = arith.constant 0 : i32
    %dma_start3A_40 = tpu.memref_slice %arg5[%dma_start3A_37, %dma_start3A_38, %dma_start3A_39] : memref<2x2x128xi32, #tpu.memory_space<vmem>> -> memref<1x2x128xi32, #tpu.memory_space<vmem>>
    %dma_start3A_41 = tpu.memref_squeeze %dma_start3A_40 : memref<1x2x128xi32, #tpu.memory_space<vmem>> -> memref<2x128xi32, #tpu.memory_space<vmem>>
    %dma_start3A_42 = arith.constant 0 : i32
    %dma_start3A_43 = tpu.memref_slice %arg2[%shift_right_arithmetic3A_28, %and3A_32, %mul3A_36, %dma_start3A_42] : memref<25x128x8x128xi32, #tpu.memory_space<hbm>> -> memref<1x1x2x128xi32, #tpu.memory_space<hbm>>
    %dma_start3A_44 = tpu.memref_squeeze %dma_start3A_43 : memref<1x1x2x128xi32, #tpu.memory_space<hbm>> -> memref<2x128xi32, #tpu.memory_space<hbm>>
    %dma_start3A_45 = arith.constant 0 : i32
    %dma_start3A_46 = arith.constant 0 : i32
    %dma_start3A_47 = tpu.memref_slice %arg5[%dma_start3A_37, %dma_start3A_45, %dma_start3A_46] : memref<2x2x128xi32, #tpu.memory_space<vmem>> -> memref<1x2x128xi32, #tpu.memory_space<vmem>>
    %dma_start3A_48 = tpu.memref_squeeze %dma_start3A_47 : memref<1x2x128xi32, #tpu.memory_space<vmem>> -> memref<2x128xi32, #tpu.memory_space<vmem>>
    %dma_start3A_49 = arith.constant 0 : i32
    %dma_start3A_50 = tpu.memref_slice %arg2[%shift_right_arithmetic3A_28, %and3A_32, %mul3A_36, %dma_start3A_49] : memref<25x128x8x128xi32, #tpu.memory_space<hbm>> -> memref<1x1x2x128xi32, #tpu.memory_space<hbm>>
    %dma_start3A_51 = tpu.memref_squeeze %dma_start3A_50 : memref<1x1x2x128xi32, #tpu.memory_space<hbm>> -> memref<2x128xi32, #tpu.memory_space<hbm>>
    tpu.enqueue_dma source(%dma_start3A_51 : memref<2x128xi32, #tpu.memory_space<hbm>>) target(%dma_start3A_48 : memref<2x128xi32, #tpu.memory_space<vmem>>) target_semaphore(%arg9 : memref<!tpu.dma_semaphore, #tpu.memory_space<semaphore_mem>>)
    %dma_wait3A = arith.constant 0 : i32
    %dma_wait3A_52 = arith.constant 0 : i32
    %dma_wait3A_53 = arith.constant 0 : i32
    %dma_wait3A_54 = arith.constant 0 : i32
    %dma_wait3A_55 = arith.constant 0 : i32
    %dma_wait3A_56 = tpu.memref_slice %arg5[%dma_wait3A_53, %dma_wait3A_54, %dma_wait3A_55] : memref<2x2x128xi32, #tpu.memory_space<vmem>> -> memref<1x2x128xi32, #tpu.memory_space<vmem>>
    %dma_wait3A_57 = tpu.memref_squeeze %dma_wait3A_56 : memref<1x2x128xi32, #tpu.memory_space<vmem>> -> memref<2x128xi32, #tpu.memory_space<vmem>>
    %dma_wait3A_58 = arith.constant 0 : i32
    %dma_wait3A_59 = arith.constant 0 : i32
    %dma_wait3A_60 = tpu.memref_slice %arg2[%dma_wait3A, %dma_wait3A_52, %dma_wait3A_58, %dma_wait3A_59] : memref<25x128x8x128xi32, #tpu.memory_space<hbm>> -> memref<1x1x2x128xi32, #tpu.memory_space<hbm>>
    %dma_wait3A_61 = tpu.memref_squeeze %dma_wait3A_60 : memref<1x1x2x128xi32, #tpu.memory_space<hbm>> -> memref<2x128xi32, #tpu.memory_space<hbm>>
    %dma_wait3A_62 = arith.constant 0 : i32
    %dma_wait3A_63 = arith.constant 0 : i32
    %dma_wait3A_64 = tpu.memref_slice %arg5[%dma_wait3A_53, %dma_wait3A_62, %dma_wait3A_63] : memref<2x2x128xi32, #tpu.memory_space<vmem>> -> memref<1x2x128xi32, #tpu.memory_space<vmem>>
    %dma_wait3A_65 = tpu.memref_squeeze %dma_wait3A_64 : memref<1x2x128xi32, #tpu.memory_space<vmem>> -> memref<2x128xi32, #tpu.memory_space<vmem>>
    %dma_wait3A_66 = arith.constant 0 : i32
    %dma_wait3A_67 = arith.constant 0 : i32
    %dma_wait3A_68 = tpu.memref_slice %arg2[%dma_wait3A, %dma_wait3A_52, %dma_wait3A_66, %dma_wait3A_67] : memref<25x128x8x128xi32, #tpu.memory_space<hbm>> -> memref<1x1x2x128xi32, #tpu.memory_space<hbm>>
    %dma_wait3A_69 = tpu.memref_squeeze %dma_wait3A_68 : memref<1x1x2x128xi32, #tpu.memory_space<hbm>> -> memref<2x128xi32, #tpu.memory_space<hbm>>
    tpu.wait_dma2 semaphore(%arg8 : memref<!tpu.dma_semaphore, #tpu.memory_space<semaphore_mem>>) src(%dma_wait3A_69 : memref<2x128xi32, #tpu.memory_space<hbm>>) dst(%dma_wait3A_65 : memref<2x128xi32, #tpu.memory_space<vmem>>)
    %dma_start3A_70 = arith.constant 0 : i32
    %dma_start3A_71 = arith.constant 0 : i32
    %dma_start3A_72 = arith.constant 0 : i32
    %dma_start3A_73 = arith.constant 0 : i32
    %dma_start3A_74 = tpu.memref_slice %arg6[%dma_start3A_72, %dma_start3A_73] : memref<512x64xf32, #tpu.memory_space<vmem>> -> memref<128x64xf32, #tpu.memory_space<vmem>>
    %dma_start3A_75 = arith.constant 0 : i32
    %dma_start3A_76 = tpu.memref_slice %arg5[%dma_start3A_70, %dma_start3A_71, %dma_start3A_75] : memref<2x2x128xi32, #tpu.memory_space<vmem>> -> memref<1x1x128xi32, #tpu.memory_space<vmem>>
    %dma_start3A_77 = tpu.memref_squeeze %dma_start3A_76 : memref<1x1x128xi32, #tpu.memory_space<vmem>> -> memref<128xi32, #tpu.memory_space<vmem>>
    %dma_start3A_78 = arith.constant 0 : i32
    %dma_start3A_79 = arith.constant 0 : i32
    %dma_start3A_80 = tpu.memref_slice %arg3[%dma_start3A_78, %dma_start3A_79] : memref<1000000x64xf32, #tpu.memory_space<hbm>> -> memref<1000000x64xf32, #tpu.memory_space<hbm>>
    tpu.enqueue_indirect_dma source(%dma_start3A_80 : memref<1000000x64xf32, #tpu.memory_space<hbm>>) target(%dma_start3A_74 : memref<128x64xf32, #tpu.memory_space<vmem>>) offsets(%dma_start3A_77 : memref<128xi32, #tpu.memory_space<vmem>>) semaphore(%arg10 : memref<!tpu.dma_semaphore, #tpu.memory_space<semaphore_mem>>)
    %dma_start3A_81 = arith.constant 0 : i32
    %dma_start3A_82 = arith.constant 1 : i32
    %dma_start3A_83 = arith.constant 128 : i32
    %dma_start3A_84 = arith.constant 0 : i32
    %dma_start3A_85 = tpu.memref_slice %arg6[%dma_start3A_83, %dma_start3A_84] : memref<512x64xf32, #tpu.memory_space<vmem>> -> memref<128x64xf32, #tpu.memory_space<vmem>>
    %dma_start3A_86 = arith.constant 0 : i32
    %dma_start3A_87 = tpu.memref_slice %arg5[%dma_start3A_81, %dma_start3A_82, %dma_start3A_86] : memref<2x2x128xi32, #tpu.memory_space<vmem>> -> memref<1x1x128xi32, #tpu.memory_space<vmem>>
    %dma_start3A_88 = tpu.memref_squeeze %dma_start3A_87 : memref<1x1x128xi32, #tpu.memory_space<vmem>> -> memref<128xi32, #tpu.memory_space<vmem>>
    %dma_start3A_89 = arith.constant 0 : i32
    %dma_start3A_90 = arith.constant 0 : i32
    %dma_start3A_91 = tpu.memref_slice %arg3[%dma_start3A_89, %dma_start3A_90] : memref<1000000x64xf32, #tpu.memory_space<hbm>> -> memref<1000000x64xf32, #tpu.memory_space<hbm>>
    tpu.enqueue_indirect_dma source(%dma_start3A_91 : memref<1000000x64xf32, #tpu.memory_space<hbm>>) target(%dma_start3A_85 : memref<128x64xf32, #tpu.memory_space<vmem>>) offsets(%dma_start3A_88 : memref<128xi32, #tpu.memory_space<vmem>>) semaphore(%arg10 : memref<!tpu.dma_semaphore, #tpu.memory_space<semaphore_mem>>)
    %scan3A = arith.constant 0 : i32
    %scan3A_92 = arith.constant 0 : i32
    %scan3A_93 = arith.constant 200 : i32
    %scan3A_94 = arith.addi %scan3A_92, %scan3A_93 : i32
    %scan3A_95 = arith.constant 1 : i32
    scf.for %scan3A_641 = %scan3A_92 to %scan3A_94 step %scan3A_95  : i32 {
      %mul3A_642 = arith.constant 2 : i32
      %mul3A_643 = arith.muli %mul3A_642, %scan3A_641 : i32
      %add3A_644 = arith.addi %mul3A_2, %mul3A_643 : i32
      %dma_wait3A_645 = arith.constant 0 : i32
      %dma_wait3A_646 = arith.constant 0 : i32
      %dma_wait3A_647 = arith.constant 0 : i32
      %dma_wait3A_648 = arith.constant 0 : i32
      %dma_wait3A_649 = tpu.memref_slice %arg6[%dma_wait3A_647, %dma_wait3A_648] : memref<512x64xf32, #tpu.memory_space<vmem>> -> memref<128x64xf32, #tpu.memory_space<vmem>>
      %dma_wait3A_650 = arith.constant 0 : i32
      %dma_wait3A_651 = tpu.memref_slice %arg5[%dma_wait3A_645, %dma_wait3A_646, %dma_wait3A_650] : memref<2x2x128xi32, #tpu.memory_space<vmem>> -> memref<1x1x128xi32, #tpu.memory_space<vmem>>
      %dma_wait3A_652 = tpu.memref_squeeze %dma_wait3A_651 : memref<1x1x128xi32, #tpu.memory_space<vmem>> -> memref<128xi32, #tpu.memory_space<vmem>>
      %dma_wait3A_653 = arith.constant 0 : i32
      %dma_wait3A_654 = arith.constant 0 : i32
      %dma_wait3A_655 = tpu.memref_slice %arg3[%dma_wait3A_653, %dma_wait3A_654] : memref<1000000x64xf32, #tpu.memory_space<hbm>> -> memref<1000000x64xf32, #tpu.memory_space<hbm>>
      tpu.wait_indirect_dma semaphore(%arg10 : memref<!tpu.dma_semaphore, #tpu.memory_space<semaphore_mem>>) src(%dma_wait3A_655 : memref<1000000x64xf32, #tpu.memory_space<hbm>>) dst(%dma_wait3A_649 : memref<128x64xf32, #tpu.memory_space<vmem>>)
      %dma_wait3A_656 = arith.constant 0 : i32
      %dma_wait3A_657 = arith.constant 1 : i32
      %dma_wait3A_658 = arith.constant 128 : i32
      %dma_wait3A_659 = arith.constant 0 : i32
      %dma_wait3A_660 = tpu.memref_slice %arg6[%dma_wait3A_658, %dma_wait3A_659] : memref<512x64xf32, #tpu.memory_space<vmem>> -> memref<128x64xf32, #tpu.memory_space<vmem>>
      %dma_wait3A_661 = arith.constant 0 : i32
      %dma_wait3A_662 = tpu.memref_slice %arg5[%dma_wait3A_656, %dma_wait3A_657, %dma_wait3A_661] : memref<2x2x128xi32, #tpu.memory_space<vmem>> -> memref<1x1x128xi32, #tpu.memory_space<vmem>>
      %dma_wait3A_663 = tpu.memref_squeeze %dma_wait3A_662 : memref<1x1x128xi32, #tpu.memory_space<vmem>> -> memref<128xi32, #tpu.memory_space<vmem>>
      %dma_wait3A_664 = arith.constant 0 : i32
      %dma_wait3A_665 = arith.constant 0 : i32
      %dma_wait3A_666 = tpu.memref_slice %arg3[%dma_wait3A_664, %dma_wait3A_665] : memref<1000000x64xf32, #tpu.memory_space<hbm>> -> memref<1000000x64xf32, #tpu.memory_space<hbm>>
      tpu.wait_indirect_dma semaphore(%arg10 : memref<!tpu.dma_semaphore, #tpu.memory_space<semaphore_mem>>) src(%dma_wait3A_666 : memref<1000000x64xf32, #tpu.memory_space<hbm>>) dst(%dma_wait3A_660 : memref<128x64xf32, #tpu.memory_space<vmem>>)
      %lt3A = arith.constant 199 : i32
      %lt3A_667 = arith.cmpi slt, %scan3A_641, %lt3A : i32
      %convert_element_type3A = arith.extui %lt3A_667 : i1 to i32
      %cond3A = arith.constant 0 : i32
      %cond3A_668 = arith.cmpi ne, %convert_element_type3A, %cond3A : i32
      scf.if %cond3A_668 {
        %add3A_1274 = arith.constant 2 : i32
        %add3A_1275 = arith.addi %add3A_644, %add3A_1274 : i32
        %shift_right_arithmetic3A_1276 = arith.constant 9 : i32
        %shift_right_arithmetic3A_1277 = arith.shrsi %add3A_1275, %shift_right_arithmetic3A_1276 : i32
        %shift_right_arithmetic3A_1278 = arith.constant 2 : i32
        %shift_right_arithmetic3A_1279 = arith.shrsi %add3A_1275, %shift_right_arithmetic3A_1278 : i32
        %and3A_1280 = arith.constant 127 : i32
        %and3A_1281 = arith.andi %shift_right_arithmetic3A_1279, %and3A_1280 : i32
        %and3A_1282 = arith.constant 3 : i32
        %and3A_1283 = arith.andi %add3A_1275, %and3A_1282 : i32
        %mul3A_1284 = arith.constant 2 : i32
        %mul3A_1285 = arith.muli %and3A_1283, %mul3A_1284 : i32
        %dma_start3A_1286 = arith.constant 0 : i32
        %dma_start3A_1287 = arith.constant 0 : i32
        %dma_start3A_1288 = arith.constant 0 : i32
        %dma_start3A_1289 = tpu.memref_slice %arg5[%dma_start3A_1286, %dma_start3A_1287, %dma_start3A_1288] : memref<2x2x128xi32, #tpu.memory_space<vmem>> -> memref<1x2x128xi32, #tpu.memory_space<vmem>>
        %dma_start3A_1290 = tpu.memref_squeeze %dma_start3A_1289 : memref<1x2x128xi32, #tpu.memory_space<vmem>> -> memref<2x128xi32, #tpu.memory_space<vmem>>
        %dma_start3A_1291 = arith.constant 0 : i32
        %dma_start3A_1292 = tpu.memref_slice %arg2[%shift_right_arithmetic3A_1277, %and3A_1281, %mul3A_1285, %dma_start3A_1291] : memref<25x128x8x128xi32, #tpu.memory_space<hbm>> -> memref<1x1x2x128xi32, #tpu.memory_space<hbm>>
        %dma_start3A_1293 = tpu.memref_squeeze %dma_start3A_1292 : memref<1x1x2x128xi32, #tpu.memory_space<hbm>> -> memref<2x128xi32, #tpu.memory_space<hbm>>
        %dma_start3A_1294 = arith.constant 0 : i32
        %dma_start3A_1295 = arith.constant 0 : i32
        %dma_start3A_1296 = tpu.memref_slice %arg5[%dma_start3A_1286, %dma_start3A_1294, %dma_start3A_1295] : memref<2x2x128xi32, #tpu.memory_space<vmem>> -> memref<1x2x128xi32, #tpu.memory_space<vmem>>
        %dma_start3A_1297 = tpu.memref_squeeze %dma_start3A_1296 : memref<1x2x128xi32, #tpu.memory_space<vmem>> -> memref<2x128xi32, #tpu.memory_space<vmem>>
        %dma_start3A_1298 = arith.constant 0 : i32
        %dma_start3A_1299 = tpu.memref_slice %arg2[%shift_right_arithmetic3A_1277, %and3A_1281, %mul3A_1285, %dma_start3A_1298] : memref<25x128x8x128xi32, #tpu.memory_space<hbm>> -> memref<1x1x2x128xi32, #tpu.memory_space<hbm>>
        %dma_start3A_1300 = tpu.memref_squeeze %dma_start3A_1299 : memref<1x1x2x128xi32, #tpu.memory_space<hbm>> -> memref<2x128xi32, #tpu.memory_space<hbm>>
        tpu.enqueue_dma source(%dma_start3A_1300 : memref<2x128xi32, #tpu.memory_space<hbm>>) target(%dma_start3A_1297 : memref<2x128xi32, #tpu.memory_space<vmem>>) target_semaphore(%arg8 : memref<!tpu.dma_semaphore, #tpu.memory_space<semaphore_mem>>)
      } else {
      }
      %dma_wait3A_669 = arith.constant 0 : i32
      %dma_wait3A_670 = arith.constant 0 : i32
      %dma_wait3A_671 = arith.constant 1 : i32
      %dma_wait3A_672 = arith.constant 0 : i32
      %dma_wait3A_673 = arith.constant 0 : i32
      %dma_wait3A_674 = tpu.memref_slice %arg5[%dma_wait3A_671, %dma_wait3A_672, %dma_wait3A_673] : memref<2x2x128xi32, #tpu.memory_space<vmem>> -> memref<1x2x128xi32, #tpu.memory_space<vmem>>
      %dma_wait3A_675 = tpu.memref_squeeze %dma_wait3A_674 : memref<1x2x128xi32, #tpu.memory_space<vmem>> -> memref<2x128xi32, #tpu.memory_space<vmem>>
      %dma_wait3A_676 = arith.constant 0 : i32
      %dma_wait3A_677 = arith.constant 0 : i32
      %dma_wait3A_678 = tpu.memref_slice %arg2[%dma_wait3A_669, %dma_wait3A_670, %dma_wait3A_676, %dma_wait3A_677] : memref<25x128x8x128xi32, #tpu.memory_space<hbm>> -> memref<1x1x2x128xi32, #tpu.memory_space<hbm>>
      %dma_wait3A_679 = tpu.memref_squeeze %dma_wait3A_678 : memref<1x1x2x128xi32, #tpu.memory_space<hbm>> -> memref<2x128xi32, #tpu.memory_space<hbm>>
      %dma_wait3A_680 = arith.constant 0 : i32
      %dma_wait3A_681 = arith.constant 0 : i32
      %dma_wait3A_682 = tpu.memref_slice %arg5[%dma_wait3A_671, %dma_wait3A_680, %dma_wait3A_681] : memref<2x2x128xi32, #tpu.memory_space<vmem>> -> memref<1x2x128xi32, #tpu.memory_space<vmem>>
      %dma_wait3A_683 = tpu.memref_squeeze %dma_wait3A_682 : memref<1x2x128xi32, #tpu.memory_space<vmem>> -> memref<2x128xi32, #tpu.memory_space<vmem>>
      %dma_wait3A_684 = arith.constant 0 : i32
      %dma_wait3A_685 = arith.constant 0 : i32
      %dma_wait3A_686 = tpu.memref_slice %arg2[%dma_wait3A_669, %dma_wait3A_670, %dma_wait3A_684, %dma_wait3A_685] : memref<25x128x8x128xi32, #tpu.memory_space<hbm>> -> memref<1x1x2x128xi32, #tpu.memory_space<hbm>>
      %dma_wait3A_687 = tpu.memref_squeeze %dma_wait3A_686 : memref<1x1x2x128xi32, #tpu.memory_space<hbm>> -> memref<2x128xi32, #tpu.memory_space<hbm>>
      tpu.wait_dma2 semaphore(%arg9 : memref<!tpu.dma_semaphore, #tpu.memory_space<semaphore_mem>>) src(%dma_wait3A_687 : memref<2x128xi32, #tpu.memory_space<hbm>>) dst(%dma_wait3A_683 : memref<2x128xi32, #tpu.memory_space<vmem>>)
      %dma_start3A_688 = arith.constant 1 : i32
      %dma_start3A_689 = arith.constant 0 : i32
      %dma_start3A_690 = arith.constant 256 : i32
      %dma_start3A_691 = arith.constant 0 : i32
      %dma_start3A_692 = tpu.memref_slice %arg6[%dma_start3A_690, %dma_start3A_691] : memref<512x64xf32, #tpu.memory_space<vmem>> -> memref<128x64xf32, #tpu.memory_space<vmem>>
      %dma_start3A_693 = arith.constant 0 : i32
      %dma_start3A_694 = tpu.memref_slice %arg5[%dma_start3A_688, %dma_start3A_689, %dma_start3A_693] : memref<2x2x128xi32, #tpu.memory_space<vmem>> -> memref<1x1x128xi32, #tpu.memory_space<vmem>>
      %dma_start3A_695 = tpu.memref_squeeze %dma_start3A_694 : memref<1x1x128xi32, #tpu.memory_space<vmem>> -> memref<128xi32, #tpu.memory_space<vmem>>
      %dma_start3A_696 = arith.constant 0 : i32
      %dma_start3A_697 = arith.constant 0 : i32
      %dma_start3A_698 = tpu.memref_slice %arg3[%dma_start3A_696, %dma_start3A_697] : memref<1000000x64xf32, #tpu.memory_space<hbm>> -> memref<1000000x64xf32, #tpu.memory_space<hbm>>
      tpu.enqueue_indirect_dma source(%dma_start3A_698 : memref<1000000x64xf32, #tpu.memory_space<hbm>>) target(%dma_start3A_692 : memref<128x64xf32, #tpu.memory_space<vmem>>) offsets(%dma_start3A_695 : memref<128xi32, #tpu.memory_space<vmem>>) semaphore(%arg11 : memref<!tpu.dma_semaphore, #tpu.memory_space<semaphore_mem>>)
      %dma_start3A_699 = arith.constant 1 : i32
      %dma_start3A_700 = arith.constant 1 : i32
      %dma_start3A_701 = arith.constant 384 : i32
      %dma_start3A_702 = arith.constant 0 : i32
      %dma_start3A_703 = tpu.memref_slice %arg6[%dma_start3A_701, %dma_start3A_702] : memref<512x64xf32, #tpu.memory_space<vmem>> -> memref<128x64xf32, #tpu.memory_space<vmem>>
      %dma_start3A_704 = arith.constant 0 : i32
      %dma_start3A_705 = tpu.memref_slice %arg5[%dma_start3A_699, %dma_start3A_700, %dma_start3A_704] : memref<2x2x128xi32, #tpu.memory_space<vmem>> -> memref<1x1x128xi32, #tpu.memory_space<vmem>>
      %dma_start3A_706 = tpu.memref_squeeze %dma_start3A_705 : memref<1x1x128xi32, #tpu.memory_space<vmem>> -> memref<128xi32, #tpu.memory_space<vmem>>
      %dma_start3A_707 = arith.constant 0 : i32
      %dma_start3A_708 = arith.constant 0 : i32
      %dma_start3A_709 = tpu.memref_slice %arg3[%dma_start3A_707, %dma_start3A_708] : memref<1000000x64xf32, #tpu.memory_space<hbm>> -> memref<1000000x64xf32, #tpu.memory_space<hbm>>
      tpu.enqueue_indirect_dma source(%dma_start3A_709 : memref<1000000x64xf32, #tpu.memory_space<hbm>>) target(%dma_start3A_703 : memref<128x64xf32, #tpu.memory_space<vmem>>) offsets(%dma_start3A_706 : memref<128xi32, #tpu.memory_space<vmem>>) semaphore(%arg11 : memref<!tpu.dma_semaphore, #tpu.memory_space<semaphore_mem>>)
      %ge3A = arith.constant 1 : i32
      %ge3A_710 = arith.cmpi sge, %scan3A_641, %ge3A : i32
      %convert_element_type3A_711 = arith.extui %ge3A_710 : i1 to i32
      %cond3A_712 = arith.constant 0 : i32
      %cond3A_713 = arith.cmpi ne, %convert_element_type3A_711, %cond3A_712 : i32
      scf.if %cond3A_713 {
        %dma_wait3A_1274 = arith.constant 0 : i32
        %dma_wait3A_1275 = arith.constant 0 : i32
        %dma_wait3A_1276 = arith.constant 0 : i32
        %dma_wait3A_1277 = arith.constant 0 : i32
        %dma_wait3A_1278 = arith.constant 0 : i32
        %dma_wait3A_1279 = tpu.memref_slice %arg7[%dma_wait3A_1277, %dma_wait3A_1278] : memref<256x131xf32, #tpu.memory_space<vmem>> -> memref<8x128xf32, #tpu.memory_space<vmem>>
        %dma_wait3A_1280 = arith.constant 0 : i32
        %dma_wait3A_1281 = arith.constant 0 : i32
        %dma_wait3A_1282 = tpu.memref_slice %arg4[%dma_wait3A_1274, %dma_wait3A_1275, %dma_wait3A_1276, %dma_wait3A_1280, %dma_wait3A_1281] : memref<200x8x128x8x128xf32, #tpu.memory_space<hbm>> -> memref<1x1x1x8x128xf32, #tpu.memory_space<hbm>>
        %dma_wait3A_1283 = tpu.memref_squeeze %dma_wait3A_1282 : memref<1x1x1x8x128xf32, #tpu.memory_space<hbm>> -> memref<8x128xf32, #tpu.memory_space<hbm>>
        %dma_wait3A_1284 = arith.constant 0 : i32
        %dma_wait3A_1285 = arith.constant 0 : i32
        %dma_wait3A_1286 = tpu.memref_slice %arg4[%dma_wait3A_1274, %dma_wait3A_1275, %dma_wait3A_1276, %dma_wait3A_1284, %dma_wait3A_1285] : memref<200x8x128x8x128xf32, #tpu.memory_space<hbm>> -> memref<1x1x1x8x128xf32, #tpu.memory_space<hbm>>
        %dma_wait3A_1287 = tpu.memref_squeeze %dma_wait3A_1286 : memref<1x1x1x8x128xf32, #tpu.memory_space<hbm>> -> memref<8x128xf32, #tpu.memory_space<hbm>>
        %dma_wait3A_1288 = arith.constant 0 : i32
        %dma_wait3A_1289 = arith.constant 0 : i32
        %dma_wait3A_1290 = tpu.memref_slice %arg7[%dma_wait3A_1288, %dma_wait3A_1289] : memref<256x131xf32, #tpu.memory_space<vmem>> -> memref<8x128xf32, #tpu.memory_space<vmem>>
        tpu.wait_dma2 semaphore(%arg12 : memref<!tpu.dma_semaphore, #tpu.memory_space<semaphore_mem>>) src(%dma_wait3A_1290 : memref<8x128xf32, #tpu.memory_space<vmem>>) dst(%dma_wait3A_1287 : memref<8x128xf32, #tpu.memory_space<hbm>>)
        %dma_wait3A_1291 = arith.constant 0 : i32
        %dma_wait3A_1292 = arith.constant 0 : i32
        %dma_wait3A_1293 = arith.constant 0 : i32
        %dma_wait3A_1294 = arith.constant 0 : i32
        %dma_wait3A_1295 = arith.constant 0 : i32
        %dma_wait3A_1296 = tpu.memref_slice %arg7[%dma_wait3A_1294, %dma_wait3A_1295] : memref<256x131xf32, #tpu.memory_space<vmem>> -> memref<8x128xf32, #tpu.memory_space<vmem>>
        %dma_wait3A_1297 = arith.constant 0 : i32
        %dma_wait3A_1298 = arith.constant 0 : i32
        %dma_wait3A_1299 = tpu.memref_slice %arg4[%dma_wait3A_1291, %dma_wait3A_1292, %dma_wait3A_1293, %dma_wait3A_1297, %dma_wait3A_1298] : memref<200x8x128x8x128xf32, #tpu.memory_space<hbm>> -> memref<1x1x1x8x128xf32, #tpu.memory_space<hbm>>
        %dma_wait3A_1300 = tpu.memref_squeeze %dma_wait3A_1299 : memref<1x1x1x8x128xf32, #tpu.memory_space<hbm>> -> memref<8x128xf32, #tpu.memory_space<hbm>>
        %dma_wait3A_1301 = arith.constant 0 : i32
        %dma_wait3A_1302 = arith.constant 0 : i32
        %dma_wait3A_1303 = tpu.memref_slice %arg4[%dma_wait3A_1291, %dma_wait3A_1292, %dma_wait3A_1293, %dma_wait3A_1301, %dma_wait3A_1302] : memref<200x8x128x8x128xf32, #tpu.memory_space<hbm>> -> memref<1x1x1x8x128xf32, #tpu.memory_space<hbm>>
        %dma_wait3A_1304 = tpu.memref_squeeze %dma_wait3A_1303 : memref<1x1x1x8x128xf32, #tpu.memory_space<hbm>> -> memref<8x128xf32, #tpu.memory_space<hbm>>
        %dma_wait3A_1305 = arith.constant 0 : i32
        %dma_wait3A_1306 = arith.constant 0 : i32
        %dma_wait3A_1307 = tpu.memref_slice %arg7[%dma_wait3A_1305, %dma_wait3A_1306] : memref<256x131xf32, #tpu.memory_space<vmem>> -> memref<8x128xf32, #tpu.memory_space<vmem>>
        tpu.wait_dma2 semaphore(%arg12 : memref<!tpu.dma_semaphore, #tpu.memory_space<semaphore_mem>>) src(%dma_wait3A_1307 : memref<8x128xf32, #tpu.memory_space<vmem>>) dst(%dma_wait3A_1304 : memref<8x128xf32, #tpu.memory_space<hbm>>)
        %dma_wait3A_1308 = arith.constant 0 : i32
        %dma_wait3A_1309 = arith.constant 0 : i32
        %dma_wait3A_1310 = arith.constant 0 : i32
        %dma_wait3A_1311 = arith.constant 0 : i32
        %dma_wait3A_1312 = arith.constant 0 : i32
        %dma_wait3A_1313 = tpu.memref_slice %arg7[%dma_wait3A_1311, %dma_wait3A_1312] : memref<256x131xf32, #tpu.memory_space<vmem>> -> memref<8x128xf32, #tpu.memory_space<vmem>>
        %dma_wait3A_1314 = arith.constant 0 : i32
        %dma_wait3A_1315 = arith.constant 0 : i32
        %dma_wait3A_1316 = tpu.memref_slice %arg4[%dma_wait3A_1308, %dma_wait3A_1309, %dma_wait3A_1310, %dma_wait3A_1314, %dma_wait3A_1315] : memref<200x8x128x8x128xf32, #tpu.memory_space<hbm>> -> memref<1x1x1x8x128xf32, #tpu.memory_space<hbm>>
        %dma_wait3A_1317 = tpu.memref_squeeze %dma_wait3A_1316 : memref<1x1x1x8x128xf32, #tpu.memory_space<hbm>> -> memref<8x128xf32, #tpu.memory_space<hbm>>
        %dma_wait3A_1318 = arith.constant 0 : i32
        %dma_wait3A_1319 = arith.constant 0 : i32
        %dma_wait3A_1320 = tpu.memref_slice %arg4[%dma_wait3A_1308, %dma_wait3A_1309, %dma_wait3A_1310, %dma_wait3A_1318, %dma_wait3A_1319] : memref<200x8x128x8x128xf32, #tpu.memory_space<hbm>> -> memref<1x1x1x8x128xf32, #tpu.memory_space<hbm>>
        %dma_wait3A_1321 = tpu.memref_squeeze %dma_wait3A_1320 : memref<1x1x1x8x128xf32, #tpu.memory_space<hbm>> -> memref<8x128xf32, #tpu.memory_space<hbm>>
        %dma_wait3A_1322 = arith.constant 0 : i32
        %dma_wait3A_1323 = arith.constant 0 : i32
        %dma_wait3A_1324 = tpu.memref_slice %arg7[%dma_wait3A_1322, %dma_wait3A_1323] : memref<256x131xf32, #tpu.memory_space<vmem>> -> memref<8x128xf32, #tpu.memory_space<vmem>>
        tpu.wait_dma2 semaphore(%arg12 : memref<!tpu.dma_semaphore, #tpu.memory_space<semaphore_mem>>) src(%dma_wait3A_1324 : memref<8x128xf32, #tpu.memory_space<vmem>>) dst(%dma_wait3A_1321 : memref<8x128xf32, #tpu.memory_space<hbm>>)
        %dma_wait3A_1325 = arith.constant 0 : i32
        %dma_wait3A_1326 = arith.constant 0 : i32
        %dma_wait3A_1327 = arith.constant 0 : i32
        %dma_wait3A_1328 = arith.constant 0 : i32
        %dma_wait3A_1329 = arith.constant 0 : i32
        %dma_wait3A_1330 = tpu.memref_slice %arg7[%dma_wait3A_1328, %dma_wait3A_1329] : memref<256x131xf32, #tpu.memory_space<vmem>> -> memref<8x128xf32, #tpu.memory_space<vmem>>
        %dma_wait3A_1331 = arith.constant 0 : i32
        %dma_wait3A_1332 = arith.constant 0 : i32
        %dma_wait3A_1333 = tpu.memref_slice %arg4[%dma_wait3A_1325, %dma_wait3A_1326, %dma_wait3A_1327, %dma_wait3A_1331, %dma_wait3A_1332] : memref<200x8x128x8x128xf32, #tpu.memory_space<hbm>> -> memref<1x1x1x8x128xf32, #tpu.memory_space<hbm>>
        %dma_wait3A_1334 = tpu.memref_squeeze %dma_wait3A_1333 : memref<1x1x1x8x128xf32, #tpu.memory_space<hbm>> -> memref<8x128xf32, #tpu.memory_space<hbm>>
        %dma_wait3A_1335 = arith.constant 0 : i32
        %dma_wait3A_1336 = arith.constant 0 : i32
        %dma_wait3A_1337 = tpu.memref_slice %arg4[%dma_wait3A_1325, %dma_wait3A_1326, %dma_wait3A_1327, %dma_wait3A_1335, %dma_wait3A_1336] : memref<200x8x128x8x128xf32, #tpu.memory_space<hbm>> -> memref<1x1x1x8x128xf32, #tpu.memory_space<hbm>>
        %dma_wait3A_1338 = tpu.memref_squeeze %dma_wait3A_1337 : memref<1x1x1x8x128xf32, #tpu.memory_space<hbm>> -> memref<8x128xf32, #tpu.memory_space<hbm>>
        %dma_wait3A_1339 = arith.constant 0 : i32
        %dma_wait3A_1340 = arith.constant 0 : i32
        %dma_wait3A_1341 = tpu.memref_slice %arg7[%dma_wait3A_1339, %dma_wait3A_1340] : memref<256x131xf32, #tpu.memory_space<vmem>> -> memref<8x128xf32, #tpu.memory_space<vmem>>
        tpu.wait_dma2 semaphore(%arg12 : memref<!tpu.dma_semaphore, #tpu.memory_space<semaphore_mem>>) src(%dma_wait3A_1341 : memref<8x128xf32, #tpu.memory_space<vmem>>) dst(%dma_wait3A_1338 : memref<8x128xf32, #tpu.memory_space<hbm>>)
        %dma_wait3A_1342 = arith.constant 0 : i32
        %dma_wait3A_1343 = arith.constant 0 : i32
        %dma_wait3A_1344 = arith.constant 0 : i32
        %dma_wait3A_1345 = arith.constant 0 : i32
        %dma_wait3A_1346 = arith.constant 0 : i32
        %dma_wait3A_1347 = tpu.memref_slice %arg7[%dma_wait3A_1345, %dma_wait3A_1346] : memref<256x131xf32, #tpu.memory_space<vmem>> -> memref<8x128xf32, #tpu.memory_space<vmem>>
        %dma_wait3A_1348 = arith.constant 0 : i32
        %dma_wait3A_1349 = arith.constant 0 : i32
        %dma_wait3A_1350 = tpu.memref_slice %arg4[%dma_wait3A_1342, %dma_wait3A_1343, %dma_wait3A_1344, %dma_wait3A_1348, %dma_wait3A_1349] : memref<200x8x128x8x128xf32, #tpu.memory_space<hbm>> -> memref<1x1x1x8x128xf32, #tpu.memory_space<hbm>>
        %dma_wait3A_1351 = tpu.memref_squeeze %dma_wait3A_1350 : memref<1x1x1x8x128xf32, #tpu.memory_space<hbm>> -> memref<8x128xf32, #tpu.memory_space<hbm>>
        %dma_wait3A_1352 = arith.constant 0 : i32
        %dma_wait3A_1353 = arith.constant 0 : i32
        %dma_wait3A_1354 = tpu.memref_slice %arg4[%dma_wait3A_1342, %dma_wait3A_1343, %dma_wait3A_1344, %dma_wait3A_1352, %dma_wait3A_1353] : memref<200x8x128x8x128xf32, #tpu.memory_space<hbm>> -> memref<1x1x1x8x128xf32, #tpu.memory_space<hbm>>
        %dma_wait3A_1355 = tpu.memref_squeeze %dma_wait3A_1354 : memref<1x1x1x8x128xf32, #tpu.memory_space<hbm>> -> memref<8x128xf32, #tpu.memory_space<hbm>>
        %dma_wait3A_1356 = arith.constant 0 : i32
        %dma_wait3A_1357 = arith.constant 0 : i32
        %dma_wait3A_1358 = tpu.memref_slice %arg7[%dma_wait3A_1356, %dma_wait3A_1357] : memref<256x131xf32, #tpu.memory_space<vmem>> -> memref<8x128xf32, #tpu.memory_space<vmem>>
        tpu.wait_dma2 semaphore(%arg12 : memref<!tpu.dma_semaphore, #tpu.memory_space<semaphore_mem>>) src(%dma_wait3A_1358 : memref<8x128xf32, #tpu.memory_space<vmem>>) dst(%dma_wait3A_1355 : memref<8x128xf32, #tpu.memory_space<hbm>>)
        %dma_wait3A_1359 = arith.constant 0 : i32
        %dma_wait3A_1360 = arith.constant 0 : i32
        %dma_wait3A_1361 = arith.constant 0 : i32
        %dma_wait3A_1362 = arith.constant 0 : i32
        %dma_wait3A_1363 = arith.constant 0 : i32
        %dma_wait3A_1364 = tpu.memref_slice %arg7[%dma_wait3A_1362, %dma_wait3A_1363] : memref<256x131xf32, #tpu.memory_space<vmem>> -> memref<8x128xf32, #tpu.memory_space<vmem>>
        %dma_wait3A_1365 = arith.constant 0 : i32
        %dma_wait3A_1366 = arith.constant 0 : i32
        %dma_wait3A_1367 = tpu.memref_slice %arg4[%dma_wait3A_1359, %dma_wait3A_1360, %dma_wait3A_1361, %dma_wait3A_1365, %dma_wait3A_1366] : memref<200x8x128x8x128xf32, #tpu.memory_space<hbm>> -> memref<1x1x1x8x128xf32, #tpu.memory_space<hbm>>
        %dma_wait3A_1368 = tpu.memref_squeeze %dma_wait3A_1367 : memref<1x1x1x8x128xf32, #tpu.memory_space<hbm>> -> memref<8x128xf32, #tpu.memory_space<hbm>>
        %dma_wait3A_1369 = arith.constant 0 : i32
        %dma_wait3A_1370 = arith.constant 0 : i32
        %dma_wait3A_1371 = tpu.memref_slice %arg4[%dma_wait3A_1359, %dma_wait3A_1360, %dma_wait3A_1361, %dma_wait3A_1369, %dma_wait3A_1370] : memref<200x8x128x8x128xf32, #tpu.memory_space<hbm>> -> memref<1x1x1x8x128xf32, #tpu.memory_space<hbm>>
        %dma_wait3A_1372 = tpu.memref_squeeze %dma_wait3A_1371 : memref<1x1x1x8x128xf32, #tpu.memory_space<hbm>> -> memref<8x128xf32, #tpu.memory_space<hbm>>
        %dma_wait3A_1373 = arith.constant 0 : i32
        %dma_wait3A_1374 = arith.constant 0 : i32
        %dma_wait3A_1375 = tpu.memref_slice %arg7[%dma_wait3A_1373, %dma_wait3A_1374] : memref<256x131xf32, #tpu.memory_space<vmem>> -> memref<8x128xf32, #tpu.memory_space<vmem>>
        tpu.wait_dma2 semaphore(%arg12 : memref<!tpu.dma_semaphore, #tpu.memory_space<semaphore_mem>>) src(%dma_wait3A_1375 : memref<8x128xf32, #tpu.memory_space<vmem>>) dst(%dma_wait3A_1372 : memref<8x128xf32, #tpu.memory_space<hbm>>)
        %dma_wait3A_1376 = arith.constant 0 : i32
        %dma_wait3A_1377 = arith.constant 0 : i32
        %dma_wait3A_1378 = arith.constant 0 : i32
        %dma_wait3A_1379 = arith.constant 0 : i32
        %dma_wait3A_1380 = arith.constant 0 : i32
        %dma_wait3A_1381 = tpu.memref_slice %arg7[%dma_wait3A_1379, %dma_wait3A_1380] : memref<256x131xf32, #tpu.memory_space<vmem>> -> memref<8x128xf32, #tpu.memory_space<vmem>>
        %dma_wait3A_1382 = arith.constant 0 : i32
        %dma_wait3A_1383 = arith.constant 0 : i32
        %dma_wait3A_1384 = tpu.memref_slice %arg4[%dma_wait3A_1376, %dma_wait3A_1377, %dma_wait3A_1378, %dma_wait3A_1382, %dma_wait3A_1383] : memref<200x8x128x8x128xf32, #tpu.memory_space<hbm>> -> memref<1x1x1x8x128xf32, #tpu.memory_space<hbm>>
        %dma_wait3A_1385 = tpu.memref_squeeze %dma_wait3A_1384 : memref<1x1x1x8x128xf32, #tpu.memory_space<hbm>> -> memref<8x128xf32, #tpu.memory_space<hbm>>
        %dma_wait3A_1386 = arith.constant 0 : i32
        %dma_wait3A_1387 = arith.constant 0 : i32
        %dma_wait3A_1388 = tpu.memref_slice %arg4[%dma_wait3A_1376, %dma_wait3A_1377, %dma_wait3A_1378, %dma_wait3A_1386, %dma_wait3A_1387] : memref<200x8x128x8x128xf32, #tpu.memory_space<hbm>> -> memref<1x1x1x8x128xf32, #tpu.memory_space<hbm>>
        %dma_wait3A_1389 = tpu.memref_squeeze %dma_wait3A_1388 : memref<1x1x1x8x128xf32, #tpu.memory_space<hbm>> -> memref<8x128xf32, #tpu.memory_space<hbm>>
        %dma_wait3A_1390 = arith.constant 0 : i32
        %dma_wait3A_1391 = arith.constant 0 : i32
        %dma_wait3A_1392 = tpu.memref_slice %arg7[%dma_wait3A_1390, %dma_wait3A_1391] : memref<256x131xf32, #tpu.memory_space<vmem>> -> memref<8x128xf32, #tpu.memory_space<vmem>>
        tpu.wait_dma2 semaphore(%arg12 : memref<!tpu.dma_semaphore, #tpu.memory_space<semaphore_mem>>) src(%dma_wait3A_1392 : memref<8x128xf32, #tpu.memory_space<vmem>>) dst(%dma_wait3A_1389 : memref<8x128xf32, #tpu.memory_space<hbm>>)
        %dma_wait3A_1393 = arith.constant 0 : i32
        %dma_wait3A_1394 = arith.constant 0 : i32
        %dma_wait3A_1395 = arith.constant 0 : i32
        %dma_wait3A_1396 = arith.constant 0 : i32
        %dma_wait3A_1397 = arith.constant 0 : i32
        %dma_wait3A_1398 = tpu.memref_slice %arg7[%dma_wait3A_1396, %dma_wait3A_1397] : memref<256x131xf32, #tpu.memory_space<vmem>> -> memref<8x128xf32, #tpu.memory_space<vmem>>
        %dma_wait3A_1399 = arith.constant 0 : i32
        %dma_wait3A_1400 = arith.constant 0 : i32
        %dma_wait3A_1401 = tpu.memref_slice %arg4[%dma_wait3A_1393, %dma_wait3A_1394, %dma_wait3A_1395, %dma_wait3A_1399, %dma_wait3A_1400] : memref<200x8x128x8x128xf32, #tpu.memory_space<hbm>> -> memref<1x1x1x8x128xf32, #tpu.memory_space<hbm>>
        %dma_wait3A_1402 = tpu.memref_squeeze %dma_wait3A_1401 : memref<1x1x1x8x128xf32, #tpu.memory_space<hbm>> -> memref<8x128xf32, #tpu.memory_space<hbm>>
        %dma_wait3A_1403 = arith.constant 0 : i32
        %dma_wait3A_1404 = arith.constant 0 : i32
        %dma_wait3A_1405 = tpu.memref_slice %arg4[%dma_wait3A_1393, %dma_wait3A_1394, %dma_wait3A_1395, %dma_wait3A_1403, %dma_wait3A_1404] : memref<200x8x128x8x128xf32, #tpu.memory_space<hbm>> -> memref<1x1x1x8x128xf32, #tpu.memory_space<hbm>>
        %dma_wait3A_1406 = tpu.memref_squeeze %dma_wait3A_1405 : memref<1x1x1x8x128xf32, #tpu.memory_space<hbm>> -> memref<8x128xf32, #tpu.memory_space<hbm>>
        %dma_wait3A_1407 = arith.constant 0 : i32
        %dma_wait3A_1408 = arith.constant 0 : i32
        %dma_wait3A_1409 = tpu.memref_slice %arg7[%dma_wait3A_1407, %dma_wait3A_1408] : memref<256x131xf32, #tpu.memory_space<vmem>> -> memref<8x128xf32, #tpu.memory_space<vmem>>
        tpu.wait_dma2 semaphore(%arg12 : memref<!tpu.dma_semaphore, #tpu.memory_space<semaphore_mem>>) src(%dma_wait3A_1409 : memref<8x128xf32, #tpu.memory_space<vmem>>) dst(%dma_wait3A_1406 : memref<8x128xf32, #tpu.memory_space<hbm>>)
        %dma_wait3A_1410 = arith.constant 0 : i32
        %dma_wait3A_1411 = arith.constant 0 : i32
        %dma_wait3A_1412 = arith.constant 0 : i32
        %dma_wait3A_1413 = arith.constant 0 : i32
        %dma_wait3A_1414 = arith.constant 0 : i32
        %dma_wait3A_1415 = tpu.memref_slice %arg7[%dma_wait3A_1413, %dma_wait3A_1414] : memref<256x131xf32, #tpu.memory_space<vmem>> -> memref<8x128xf32, #tpu.memory_space<vmem>>
        %dma_wait3A_1416 = arith.constant 0 : i32
        %dma_wait3A_1417 = arith.constant 0 : i32
        %dma_wait3A_1418 = tpu.memref_slice %arg4[%dma_wait3A_1410, %dma_wait3A_1411, %dma_wait3A_1412, %dma_wait3A_1416, %dma_wait3A_1417] : memref<200x8x128x8x128xf32, #tpu.memory_space<hbm>> -> memref<1x1x1x8x128xf32, #tpu.memory_space<hbm>>
        %dma_wait3A_1419 = tpu.memref_squeeze %dma_wait3A_1418 : memref<1x1x1x8x128xf32, #tpu.memory_space<hbm>> -> memref<8x128xf32, #tpu.memory_space<hbm>>
        %dma_wait3A_1420 = arith.constant 0 : i32
        %dma_wait3A_1421 = arith.constant 0 : i32
        %dma_wait3A_1422 = tpu.memref_slice %arg4[%dma_wait3A_1410, %dma_wait3A_1411, %dma_wait3A_1412, %dma_wait3A_1420, %dma_wait3A_1421] : memref<200x8x128x8x128xf32, #tpu.memory_space<hbm>> -> memref<1x1x1x8x128xf32, #tpu.memory_space<hbm>>
        %dma_wait3A_1423 = tpu.memref_squeeze %dma_wait3A_1422 : memref<1x1x1x8x128xf32, #tpu.memory_space<hbm>> -> memref<8x128xf32, #tpu.memory_space<hbm>>
        %dma_wait3A_1424 = arith.constant 0 : i32
        %dma_wait3A_1425 = arith.constant 0 : i32
        %dma_wait3A_1426 = tpu.memref_slice %arg7[%dma_wait3A_1424, %dma_wait3A_1425] : memref<256x131xf32, #tpu.memory_space<vmem>> -> memref<8x128xf32, #tpu.memory_space<vmem>>
        tpu.wait_dma2 semaphore(%arg12 : memref<!tpu.dma_semaphore, #tpu.memory_space<semaphore_mem>>) src(%dma_wait3A_1426 : memref<8x128xf32, #tpu.memory_space<vmem>>) dst(%dma_wait3A_1423 : memref<8x128xf32, #tpu.memory_space<hbm>>)
        %dma_wait3A_1427 = arith.constant 0 : i32
        %dma_wait3A_1428 = arith.constant 0 : i32
        %dma_wait3A_1429 = arith.constant 0 : i32
        %dma_wait3A_1430 = arith.constant 0 : i32
        %dma_wait3A_1431 = arith.constant 0 : i32
        %dma_wait3A_1432 = tpu.memref_slice %arg7[%dma_wait3A_1430, %dma_wait3A_1431] : memref<256x131xf32, #tpu.memory_space<vmem>> -> memref<8x128xf32, #tpu.memory_space<vmem>>
        %dma_wait3A_1433 = arith.constant 0 : i32
        %dma_wait3A_1434 = arith.constant 0 : i32
        %dma_wait3A_1435 = tpu.memref_slice %arg4[%dma_wait3A_1427, %dma_wait3A_1428, %dma_wait3A_1429, %dma_wait3A_1433, %dma_wait3A_1434] : memref<200x8x128x8x128xf32, #tpu.memory_space<hbm>> -> memref<1x1x1x8x128xf32, #tpu.memory_space<hbm>>
        %dma_wait3A_1436 = tpu.memref_squeeze %dma_wait3A_1435 : memref<1x1x1x8x128xf32, #tpu.memory_space<hbm>> -> memref<8x128xf32, #tpu.memory_space<hbm>>
        %dma_wait3A_1437 = arith.constant 0 : i32
        %dma_wait3A_1438 = arith.constant 0 : i32
        %dma_wait3A_1439 = tpu.memref_slice %arg4[%dma_wait3A_1427, %dma_wait3A_1428, %dma_wait3A_1429, %dma_wait3A_1437, %dma_wait3A_1438] : memref<200x8x128x8x128xf32, #tpu.memory_space<hbm>> -> memref<1x1x1x8x128xf32, #tpu.memory_space<hbm>>
        %dma_wait3A_1440 = tpu.memref_squeeze %dma_wait3A_1439 : memref<1x1x1x8x128xf32, #tpu.memory_space<hbm>> -> memref<8x128xf32, #tpu.memory_space<hbm>>
        %dma_wait3A_1441 = arith.constant 0 : i32
        %dma_wait3A_1442 = arith.constant 0 : i32
        %dma_wait3A_1443 = tpu.memref_slice %arg7[%dma_wait3A_1441, %dma_wait3A_1442] : memref<256x131xf32, #tpu.memory_space<vmem>> -> memref<8x128xf32, #tpu.memory_space<vmem>>
        tpu.wait_dma2 semaphore(%arg12 : memref<!tpu.dma_semaphore, #tpu.memory_space<semaphore_mem>>) src(%dma_wait3A_1443 : memref<8x128xf32, #tpu.memory_space<vmem>>) dst(%dma_wait3A_1440 : memref<8x128xf32, #tpu.memory_space<hbm>>)
        %dma_wait3A_1444 = arith.constant 0 : i32
        %dma_wait3A_1445 = arith.constant 0 : i32
        %dma_wait3A_1446 = arith.constant 0 : i32
        %dma_wait3A_1447 = arith.constant 0 : i32
        %dma_wait3A_1448 = arith.constant 0 : i32
        %dma_wait3A_1449 = tpu.memref_slice %arg7[%dma_wait3A_1447, %dma_wait3A_1448] : memref<256x131xf32, #tpu.memory_space<vmem>> -> memref<8x128xf32, #tpu.memory_space<vmem>>
        %dma_wait3A_1450 = arith.constant 0 : i32
        %dma_wait3A_1451 = arith.constant 0 : i32
        %dma_wait3A_1452 = tpu.memref_slice %arg4[%dma_wait3A_1444, %dma_wait3A_1445, %dma_wait3A_1446, %dma_wait3A_1450, %dma_wait3A_1451] : memref<200x8x128x8x128xf32, #tpu.memory_space<hbm>> -> memref<1x1x1x8x128xf32, #tpu.memory_space<hbm>>
        %dma_wait3A_1453 = tpu.memref_squeeze %dma_wait3A_1452 : memref<1x1x1x8x128xf32, #tpu.memory_space<hbm>> -> memref<8x128xf32, #tpu.memory_space<hbm>>
        %dma_wait3A_1454 = arith.constant 0 : i32
        %dma_wait3A_1455 = arith.constant 0 : i32
        %dma_wait3A_1456 = tpu.memref_slice %arg4[%dma_wait3A_1444, %dma_wait3A_1445, %dma_wait3A_1446, %dma_wait3A_1454, %dma_wait3A_1455] : memref<200x8x128x8x128xf32, #tpu.memory_space<hbm>> -> memref<1x1x1x8x128xf32, #tpu.memory_space<hbm>>
        %dma_wait3A_1457 = tpu.memref_squeeze %dma_wait3A_1456 : memref<1x1x1x8x128xf32, #tpu.memory_space<hbm>> -> memref<8x128xf32, #tpu.memory_space<hbm>>
        %dma_wait3A_1458 = arith.constant 0 : i32
        %dma_wait3A_1459 = arith.constant 0 : i32
        %dma_wait3A_1460 = tpu.memref_slice %arg7[%dma_wait3A_1458, %dma_wait3A_1459] : memref<256x131xf32, #tpu.memory_space<vmem>> -> memref<8x128xf32, #tpu.memory_space<vmem>>
        tpu.wait_dma2 semaphore(%arg12 : memref<!tpu.dma_semaphore, #tpu.memory_space<semaphore_mem>>) src(%dma_wait3A_1460 : memref<8x128xf32, #tpu.memory_space<vmem>>) dst(%dma_wait3A_1457 : memref<8x128xf32, #tpu.memory_space<hbm>>)
        %dma_wait3A_1461 = arith.constant 0 : i32
        %dma_wait3A_1462 = arith.constant 0 : i32
        %dma_wait3A_1463 = arith.constant 0 : i32
        %dma_wait3A_1464 = arith.constant 0 : i32
        %dma_wait3A_1465 = arith.constant 0 : i32
        %dma_wait3A_1466 = tpu.memref_slice %arg7[%dma_wait3A_1464, %dma_wait3A_1465] : memref<256x131xf32, #tpu.memory_space<vmem>> -> memref<8x128xf32, #tpu.memory_space<vmem>>
        %dma_wait3A_1467 = arith.constant 0 : i32
        %dma_wait3A_1468 = arith.constant 0 : i32
        %dma_wait3A_1469 = tpu.memref_slice %arg4[%dma_wait3A_1461, %dma_wait3A_1462, %dma_wait3A_1463, %dma_wait3A_1467, %dma_wait3A_1468] : memref<200x8x128x8x128xf32, #tpu.memory_space<hbm>> -> memref<1x1x1x8x128xf32, #tpu.memory_space<hbm>>
        %dma_wait3A_1470 = tpu.memref_squeeze %dma_wait3A_1469 : memref<1x1x1x8x128xf32, #tpu.memory_space<hbm>> -> memref<8x128xf32, #tpu.memory_space<hbm>>
        %dma_wait3A_1471 = arith.constant 0 : i32
        %dma_wait3A_1472 = arith.constant 0 : i32
        %dma_wait3A_1473 = tpu.memref_slice %arg4[%dma_wait3A_1461, %dma_wait3A_1462, %dma_wait3A_1463, %dma_wait3A_1471, %dma_wait3A_1472] : memref<200x8x128x8x128xf32, #tpu.memory_space<hbm>> -> memref<1x1x1x8x128xf32, #tpu.memory_space<hbm>>
        %dma_wait3A_1474 = tpu.memref_squeeze %dma_wait3A_1473 : memref<1x1x1x8x128xf32, #tpu.memory_space<hbm>> -> memref<8x128xf32, #tpu.memory_space<hbm>>
        %dma_wait3A_1475 = arith.constant 0 : i32
        %dma_wait3A_1476 = arith.constant 0 : i32
        %dma_wait3A_1477 = tpu.memref_slice %arg7[%dma_wait3A_1475, %dma_wait3A_1476] : memref<256x131xf32, #tpu.memory_space<vmem>> -> memref<8x128xf32, #tpu.memory_space<vmem>>
        tpu.wait_dma2 semaphore(%arg12 : memref<!tpu.dma_semaphore, #tpu.memory_space<semaphore_mem>>) src(%dma_wait3A_1477 : memref<8x128xf32, #tpu.memory_space<vmem>>) dst(%dma_wait3A_1474 : memref<8x128xf32, #tpu.memory_space<hbm>>)
        %dma_wait3A_1478 = arith.constant 0 : i32
        %dma_wait3A_1479 = arith.constant 0 : i32
        %dma_wait3A_1480 = arith.constant 0 : i32
        %dma_wait3A_1481 = arith.constant 0 : i32
        %dma_wait3A_1482 = arith.constant 0 : i32
        %dma_wait3A_1483 = tpu.memref_slice %arg7[%dma_wait3A_1481, %dma_wait3A_1482] : memref<256x131xf32, #tpu.memory_space<vmem>> -> memref<8x128xf32, #tpu.memory_space<vmem>>
        %dma_wait3A_1484 = arith.constant 0 : i32
        %dma_wait3A_1485 = arith.constant 0 : i32
        %dma_wait3A_1486 = tpu.memref_slice %arg4[%dma_wait3A_1478, %dma_wait3A_1479, %dma_wait3A_1480, %dma_wait3A_1484, %dma_wait3A_1485] : memref<200x8x128x8x128xf32, #tpu.memory_space<hbm>> -> memref<1x1x1x8x128xf32, #tpu.memory_space<hbm>>
        %dma_wait3A_1487 = tpu.memref_squeeze %dma_wait3A_1486 : memref<1x1x1x8x128xf32, #tpu.memory_space<hbm>> -> memref<8x128xf32, #tpu.memory_space<hbm>>
        %dma_wait3A_1488 = arith.constant 0 : i32
        %dma_wait3A_1489 = arith.constant 0 : i32
        %dma_wait3A_1490 = tpu.memref_slice %arg4[%dma_wait3A_1478, %dma_wait3A_1479, %dma_wait3A_1480, %dma_wait3A_1488, %dma_wait3A_1489] : memref<200x8x128x8x128xf32, #tpu.memory_space<hbm>> -> memref<1x1x1x8x128xf32, #tpu.memory_space<hbm>>
        %dma_wait3A_1491 = tpu.memref_squeeze %dma_wait3A_1490 : memref<1x1x1x8x128xf32, #tpu.memory_space<hbm>> -> memref<8x128xf32, #tpu.memory_space<hbm>>
        %dma_wait3A_1492 = arith.constant 0 : i32
        %dma_wait3A_1493 = arith.constant 0 : i32
        %dma_wait3A_1494 = tpu.memref_slice %arg7[%dma_wait3A_1492, %dma_wait3A_1493] : memref<256x131xf32, #tpu.memory_space<vmem>> -> memref<8x128xf32, #tpu.memory_space<vmem>>
        tpu.wait_dma2 semaphore(%arg12 : memref<!tpu.dma_semaphore, #tpu.memory_space<semaphore_mem>>) src(%dma_wait3A_1494 : memref<8x128xf32, #tpu.memory_space<vmem>>) dst(%dma_wait3A_1491 : memref<8x128xf32, #tpu.memory_space<hbm>>)
        %dma_wait3A_1495 = arith.constant 0 : i32
        %dma_wait3A_1496 = arith.constant 0 : i32
        %dma_wait3A_1497 = arith.constant 0 : i32
        %dma_wait3A_1498 = arith.constant 0 : i32
        %dma_wait3A_1499 = arith.constant 0 : i32
        %dma_wait3A_1500 = tpu.memref_slice %arg7[%dma_wait3A_1498, %dma_wait3A_1499] : memref<256x131xf32, #tpu.memory_space<vmem>> -> memref<8x128xf32, #tpu.memory_space<vmem>>
        %dma_wait3A_1501 = arith.constant 0 : i32
        %dma_wait3A_1502 = arith.constant 0 : i32
        %dma_wait3A_1503 = tpu.memref_slice %arg4[%dma_wait3A_1495, %dma_wait3A_1496, %dma_wait3A_1497, %dma_wait3A_1501, %dma_wait3A_1502] : memref<200x8x128x8x128xf32, #tpu.memory_space<hbm>> -> memref<1x1x1x8x128xf32, #tpu.memory_space<hbm>>
        %dma_wait3A_1504 = tpu.memref_squeeze %dma_wait3A_1503 : memref<1x1x1x8x128xf32, #tpu.memory_space<hbm>> -> memref<8x128xf32, #tpu.memory_space<hbm>>
        %dma_wait3A_1505 = arith.constant 0 : i32
        %dma_wait3A_1506 = arith.constant 0 : i32
        %dma_wait3A_1507 = tpu.memref_slice %arg4[%dma_wait3A_1495, %dma_wait3A_1496, %dma_wait3A_1497, %dma_wait3A_1505, %dma_wait3A_1506] : memref<200x8x128x8x128xf32, #tpu.memory_space<hbm>> -> memref<1x1x1x8x128xf32, #tpu.memory_space<hbm>>
        %dma_wait3A_1508 = tpu.memref_squeeze %dma_wait3A_1507 : memref<1x1x1x8x128xf32, #tpu.memory_space<hbm>> -> memref<8x128xf32, #tpu.memory_space<hbm>>
        %dma_wait3A_1509 = arith.constant 0 : i32
        %dma_wait3A_1510 = arith.constant 0 : i32
        %dma_wait3A_1511 = tpu.memref_slice %arg7[%dma_wait3A_1509, %dma_wait3A_1510] : memref<256x131xf32, #tpu.memory_space<vmem>> -> memref<8x128xf32, #tpu.memory_space<vmem>>
        tpu.wait_dma2 semaphore(%arg12 : memref<!tpu.dma_semaphore, #tpu.memory_space<semaphore_mem>>) src(%dma_wait3A_1511 : memref<8x128xf32, #tpu.memory_space<vmem>>) dst(%dma_wait3A_1508 : memref<8x128xf32, #tpu.memory_space<hbm>>)
        %dma_wait3A_1512 = arith.constant 0 : i32
        %dma_wait3A_1513 = arith.constant 0 : i32
        %dma_wait3A_1514 = arith.constant 0 : i32
        %dma_wait3A_1515 = arith.constant 0 : i32
        %dma_wait3A_1516 = arith.constant 0 : i32
        %dma_wait3A_1517 = tpu.memref_slice %arg7[%dma_wait3A_1515, %dma_wait3A_1516] : memref<256x131xf32, #tpu.memory_space<vmem>> -> memref<8x128xf32, #tpu.memory_space<vmem>>
        %dma_wait3A_1518 = arith.constant 0 : i32
        %dma_wait3A_1519 = arith.constant 0 : i32
        %dma_wait3A_1520 = tpu.memref_slice %arg4[%dma_wait3A_1512, %dma_wait3A_1513, %dma_wait3A_1514, %dma_wait3A_1518, %dma_wait3A_1519] : memref<200x8x128x8x128xf32, #tpu.memory_space<hbm>> -> memref<1x1x1x8x128xf32, #tpu.memory_space<hbm>>
        %dma_wait3A_1521 = tpu.memref_squeeze %dma_wait3A_1520 : memref<1x1x1x8x128xf32, #tpu.memory_space<hbm>> -> memref<8x128xf32, #tpu.memory_space<hbm>>
        %dma_wait3A_1522 = arith.constant 0 : i32
        %dma_wait3A_1523 = arith.constant 0 : i32
        %dma_wait3A_1524 = tpu.memref_slice %arg4[%dma_wait3A_1512, %dma_wait3A_1513, %dma_wait3A_1514, %dma_wait3A_1522, %dma_wait3A_1523] : memref<200x8x128x8x128xf32, #tpu.memory_space<hbm>> -> memref<1x1x1x8x128xf32, #tpu.memory_space<hbm>>
        %dma_wait3A_1525 = tpu.memref_squeeze %dma_wait3A_1524 : memref<1x1x1x8x128xf32, #tpu.memory_space<hbm>> -> memref<8x128xf32, #tpu.memory_space<hbm>>
        %dma_wait3A_1526 = arith.constant 0 : i32
        %dma_wait3A_1527 = arith.constant 0 : i32
        %dma_wait3A_1528 = tpu.memref_slice %arg7[%dma_wait3A_1526, %dma_wait3A_1527] : memref<256x131xf32, #tpu.memory_space<vmem>> -> memref<8x128xf32, #tpu.memory_space<vmem>>
        tpu.wait_dma2 semaphore(%arg12 : memref<!tpu.dma_semaphore, #tpu.memory_space<semaphore_mem>>) src(%dma_wait3A_1528 : memref<8x128xf32, #tpu.memory_space<vmem>>) dst(%dma_wait3A_1525 : memref<8x128xf32, #tpu.memory_space<hbm>>)
        %dma_wait3A_1529 = arith.constant 0 : i32
        %dma_wait3A_1530 = arith.constant 0 : i32
        %dma_wait3A_1531 = arith.constant 0 : i32
        %dma_wait3A_1532 = arith.constant 0 : i32
        %dma_wait3A_1533 = arith.constant 0 : i32
        %dma_wait3A_1534 = tpu.memref_slice %arg7[%dma_wait3A_1532, %dma_wait3A_1533] : memref<256x131xf32, #tpu.memory_space<vmem>> -> memref<8x128xf32, #tpu.memory_space<vmem>>
        %dma_wait3A_1535 = arith.constant 0 : i32
        %dma_wait3A_1536 = arith.constant 0 : i32
        %dma_wait3A_1537 = tpu.memref_slice %arg4[%dma_wait3A_1529, %dma_wait3A_1530, %dma_wait3A_1531, %dma_wait3A_1535, %dma_wait3A_1536] : memref<200x8x128x8x128xf32, #tpu.memory_space<hbm>> -> memref<1x1x1x8x128xf32, #tpu.memory_space<hbm>>
        %dma_wait3A_1538 = tpu.memref_squeeze %dma_wait3A_1537 : memref<1x1x1x8x128xf32, #tpu.memory_space<hbm>> -> memref<8x128xf32, #tpu.memory_space<hbm>>
        %dma_wait3A_1539 = arith.constant 0 : i32
        %dma_wait3A_1540 = arith.constant 0 : i32
        %dma_wait3A_1541 = tpu.memref_slice %arg4[%dma_wait3A_1529, %dma_wait3A_1530, %dma_wait3A_1531, %dma_wait3A_1539, %dma_wait3A_1540] : memref<200x8x128x8x128xf32, #tpu.memory_space<hbm>> -> memref<1x1x1x8x128xf32, #tpu.memory_space<hbm>>
        %dma_wait3A_1542 = tpu.memref_squeeze %dma_wait3A_1541 : memref<1x1x1x8x128xf32, #tpu.memory_space<hbm>> -> memref<8x128xf32, #tpu.memory_space<hbm>>
        %dma_wait3A_1543 = arith.constant 0 : i32
        %dma_wait3A_1544 = arith.constant 0 : i32
        %dma_wait3A_1545 = tpu.memref_slice %arg7[%dma_wait3A_1543, %dma_wait3A_1544] : memref<256x131xf32, #tpu.memory_space<vmem>> -> memref<8x128xf32, #tpu.memory_space<vmem>>
        tpu.wait_dma2 semaphore(%arg12 : memref<!tpu.dma_semaphore, #tpu.memory_space<semaphore_mem>>) src(%dma_wait3A_1545 : memref<8x128xf32, #tpu.memory_space<vmem>>) dst(%dma_wait3A_1542 : memref<8x128xf32, #tpu.memory_space<hbm>>)
      } else {
      }
      %iota3A = tpu.iota {dimensions = array<i32: 0>} : vector<16xi32>
      %parallel_loop3A = arith.constant 0 : i32
      %parallel_loop3A_714 = arith.constant 128 : i32
      %parallel_loop3A_715 = arith.constant 1 : i32
      scf.for %parallel_loop3A_1274 = %parallel_loop3A to %parallel_loop3A_714 step %parallel_loop3A_715  : i32 {
        %parallel_loop3A_1275 = vector.broadcast %parallel_loop3A_1274 : i32 to vector<16xi32>
        %parallel_loop3A_1276 = arith.constant 0 : i32
        %parallel_loop3A_1277 = arith.addi %parallel_loop3A_1276, %parallel_loop3A_1274 : i32
        %parallel_loop3A_1278 = arith.index_cast %parallel_loop3A_1277 : i32 to index
        %parallel_loop3A_1279 = arith.constant 0 : index
        %parallel_loop3A_1280 = tpu.vector_load %arg6[%parallel_loop3A_1278, %parallel_loop3A_1279] {strides = array<i32>} : memref<512x64xf32, #tpu.memory_space<vmem>>, vector<16xf32>,
        %parallel_loop3A_1281 = arith.constant 0 : i32
        %parallel_loop3A_1282 = vector.broadcast %parallel_loop3A_1281 : i32 to vector<16xi32>
        %parallel_loop3A_1283 = arith.addi %parallel_loop3A_1282, %iota3A : vector<16xi32>
        %parallel_loop3A_1284 = arith.constant 8.000000e+00 : f32
        %parallel_loop3A_1285 = vector.broadcast %parallel_loop3A_1284 : f32 to vector<16xf32>
        %parallel_loop3A_1286 = arith.mulf %parallel_loop3A_1280, %parallel_loop3A_1285 : vector<16xf32>
        tpu.vector_store_idx %arg7[%parallel_loop3A_1283, %parallel_loop3A_1275], %parallel_loop3A_1286 : memref<256x131xf32, #tpu.memory_space<vmem>>[vector<16xi32>, vector<16xi32>], vector<16xf32>,
        %parallel_loop3A_1287 = arith.constant 0 : i32
        %parallel_loop3A_1288 = arith.addi %parallel_loop3A_1287, %parallel_loop3A_1274 : i32
        %parallel_loop3A_1289 = arith.index_cast %parallel_loop3A_1288 : i32 to index
        %parallel_loop3A_1290 = arith.constant 16 : index
        %parallel_loop3A_1291 = tpu.vector_load %arg6[%parallel_loop3A_1289, %parallel_loop3A_1290] {strides = array<i32>} : memref<512x64xf32, #tpu.memory_space<vmem>>, vector<16xf32>,
        %parallel_loop3A_1292 = arith.constant 16 : i32
        %parallel_loop3A_1293 = vector.broadcast %parallel_loop3A_1292 : i32 to vector<16xi32>
        %parallel_loop3A_1294 = arith.addi %parallel_loop3A_1293, %iota3A : vector<16xi32>
        %parallel_loop3A_1295 = arith.constant 8.000000e+00 : f32
        %parallel_loop3A_1296 = vector.broadcast %parallel_loop3A_1295 : f32 to vector<16xf32>
        %parallel_loop3A_1297 = arith.mulf %parallel_loop3A_1291, %parallel_loop3A_1296 : vector<16xf32>
        tpu.vector_store_idx %arg7[%parallel_loop3A_1294, %parallel_loop3A_1275], %parallel_loop3A_1297 : memref<256x131xf32, #tpu.memory_space<vmem>>[vector<16xi32>, vector<16xi32>], vector<16xf32>,
        %parallel_loop3A_1298 = arith.constant 0 : i32
        %parallel_loop3A_1299 = arith.addi %parallel_loop3A_1298, %parallel_loop3A_1274 : i32
        %parallel_loop3A_1300 = arith.index_cast %parallel_loop3A_1299 : i32 to index
        %parallel_loop3A_1301 = arith.constant 32 : index
        %parallel_loop3A_1302 = tpu.vector_load %arg6[%parallel_loop3A_1300, %parallel_loop3A_1301] {strides = array<i32>} : memref<512x64xf32, #tpu.memory_space<vmem>>, vector<16xf32>,
        %parallel_loop3A_1303 = arith.constant 32 : i32
        %parallel_loop3A_1304 = vector.broadcast %parallel_loop3A_1303 : i32 to vector<16xi32>
        %parallel_loop3A_1305 = arith.addi %parallel_loop3A_1304, %iota3A : vector<16xi32>
        %parallel_loop3A_1306 = arith.constant 8.000000e+00 : f32
        %parallel_loop3A_1307 = vector.broadcast %parallel_loop3A_1306 : f32 to vector<16xf32>
        %parallel_loop3A_1308 = arith.mulf %parallel_loop3A_1302, %parallel_loop3A_1307 : vector<16xf32>
        tpu.vector_store_idx %arg7[%parallel_loop3A_1305, %parallel_loop3A_1275], %parallel_loop3A_1308 : memref<256x131xf32, #tpu.memory_space<vmem>>[vector<16xi32>, vector<16xi32>], vector<16xf32>,
        %parallel_loop3A_1309 = arith.constant 0 : i32
        %parallel_loop3A_1310 = arith.addi %parallel_loop3A_1309, %parallel_loop3A_1274 : i32
        %parallel_loop3A_1311 = arith.index_cast %parallel_loop3A_1310 : i32 to index
        %parallel_loop3A_1312 = arith.constant 48 : index
        %parallel_loop3A_1313 = tpu.vector_load %arg6[%parallel_loop3A_1311, %parallel_loop3A_1312] {strides = array<i32>} : memref<512x64xf32, #tpu.memory_space<vmem>>, vector<16xf32>,
        %parallel_loop3A_1314 = arith.constant 48 : i32
        %parallel_loop3A_1315 = vector.broadcast %parallel_loop3A_1314 : i32 to vector<16xi32>
        %parallel_loop3A_1316 = arith.addi %parallel_loop3A_1315, %iota3A : vector<16xi32>
        %parallel_loop3A_1317 = arith.constant 8.000000e+00 : f32
        %parallel_loop3A_1318 = vector.broadcast %parallel_loop3A_1317 : f32 to vector<16xf32>
        %parallel_loop3A_1319 = arith.mulf %parallel_loop3A_1313, %parallel_loop3A_1318 : vector<16xf32>
        tpu.vector_store_idx %arg7[%parallel_loop3A_1316, %parallel_loop3A_1275], %parallel_loop3A_1319 : memref<256x131xf32, #tpu.memory_space<vmem>>[vector<16xi32>, vector<16xi32>], vector<16xf32>,
        %parallel_loop3A_1320 = arith.constant 128 : i32
        %parallel_loop3A_1321 = arith.addi %parallel_loop3A_1320, %parallel_loop3A_1274 : i32
        %parallel_loop3A_1322 = arith.index_cast %parallel_loop3A_1321 : i32 to index
        %parallel_loop3A_1323 = arith.constant 0 : index
        %parallel_loop3A_1324 = tpu.vector_load %arg6[%parallel_loop3A_1322, %parallel_loop3A_1323] {strides = array<i32>} : memref<512x64xf32, #tpu.memory_space<vmem>>, vector<16xf32>,
        %parallel_loop3A_1325 = arith.constant 64 : i32
        %parallel_loop3A_1326 = vector.broadcast %parallel_loop3A_1325 : i32 to vector<16xi32>
        %parallel_loop3A_1327 = arith.addi %parallel_loop3A_1326, %iota3A : vector<16xi32>
        %parallel_loop3A_1328 = arith.constant 8.000000e+00 : f32
        %parallel_loop3A_1329 = vector.broadcast %parallel_loop3A_1328 : f32 to vector<16xf32>
        %parallel_loop3A_1330 = arith.mulf %parallel_loop3A_1324, %parallel_loop3A_1329 : vector<16xf32>
        tpu.vector_store_idx %arg7[%parallel_loop3A_1327, %parallel_loop3A_1275], %parallel_loop3A_1330 : memref<256x131xf32, #tpu.memory_space<vmem>>[vector<16xi32>, vector<16xi32>], vector<16xf32>,
        %parallel_loop3A_1331 = arith.constant 128 : i32
        %parallel_loop3A_1332 = arith.addi %parallel_loop3A_1331, %parallel_loop3A_1274 : i32
        %parallel_loop3A_1333 = arith.index_cast %parallel_loop3A_1332 : i32 to index
        %parallel_loop3A_1334 = arith.constant 16 : index
        %parallel_loop3A_1335 = tpu.vector_load %arg6[%parallel_loop3A_1333, %parallel_loop3A_1334] {strides = array<i32>} : memref<512x64xf32, #tpu.memory_space<vmem>>, vector<16xf32>,
        %parallel_loop3A_1336 = arith.constant 80 : i32
        %parallel_loop3A_1337 = vector.broadcast %parallel_loop3A_1336 : i32 to vector<16xi32>
        %parallel_loop3A_1338 = arith.addi %parallel_loop3A_1337, %iota3A : vector<16xi32>
        %parallel_loop3A_1339 = arith.constant 8.000000e+00 : f32
        %parallel_loop3A_1340 = vector.broadcast %parallel_loop3A_1339 : f32 to vector<16xf32>
        %parallel_loop3A_1341 = arith.mulf %parallel_loop3A_1335, %parallel_loop3A_1340 : vector<16xf32>
        tpu.vector_store_idx %arg7[%parallel_loop3A_1338, %parallel_loop3A_1275], %parallel_loop3A_1341 : memref<256x131xf32, #tpu.memory_space<vmem>>[vector<16xi32>, vector<16xi32>], vector<16xf32>,
        %parallel_loop3A_1342 = arith.constant 128 : i32
        %parallel_loop3A_1343 = arith.addi %parallel_loop3A_1342, %parallel_loop3A_1274 : i32
        %parallel_loop3A_1344 = arith.index_cast %parallel_loop3A_1343 : i32 to index
        %parallel_loop3A_1345 = arith.constant 32 : index
        %parallel_loop3A_1346 = tpu.vector_load %arg6[%parallel_loop3A_1344, %parallel_loop3A_1345] {strides = array<i32>} : memref<512x64xf32, #tpu.memory_space<vmem>>, vector<16xf32>,
        %parallel_loop3A_1347 = arith.constant 96 : i32
        %parallel_loop3A_1348 = vector.broadcast %parallel_loop3A_1347 : i32 to vector<16xi32>
        %parallel_loop3A_1349 = arith.addi %parallel_loop3A_1348, %iota3A : vector<16xi32>
        %parallel_loop3A_1350 = arith.constant 8.000000e+00 : f32
        %parallel_loop3A_1351 = vector.broadcast %parallel_loop3A_1350 : f32 to vector<16xf32>
        %parallel_loop3A_1352 = arith.mulf %parallel_loop3A_1346, %parallel_loop3A_1351 : vector<16xf32>
        tpu.vector_store_idx %arg7[%parallel_loop3A_1349, %parallel_loop3A_1275], %parallel_loop3A_1352 : memref<256x131xf32, #tpu.memory_space<vmem>>[vector<16xi32>, vector<16xi32>], vector<16xf32>,
        %parallel_loop3A_1353 = arith.constant 128 : i32
        %parallel_loop3A_1354 = arith.addi %parallel_loop3A_1353, %parallel_loop3A_1274 : i32
        %parallel_loop3A_1355 = arith.index_cast %parallel_loop3A_1354 : i32 to index
        %parallel_loop3A_1356 = arith.constant 48 : index
        %parallel_loop3A_1357 = tpu.vector_load %arg6[%parallel_loop3A_1355, %parallel_loop3A_1356] {strides = array<i32>} : memref<512x64xf32, #tpu.memory_space<vmem>>, vector<16xf32>,
        %parallel_loop3A_1358 = arith.constant 112 : i32
        %parallel_loop3A_1359 = vector.broadcast %parallel_loop3A_1358 : i32 to vector<16xi32>
        %parallel_loop3A_1360 = arith.addi %parallel_loop3A_1359, %iota3A : vector<16xi32>
        %parallel_loop3A_1361 = arith.constant 8.000000e+00 : f32
        %parallel_loop3A_1362 = vector.broadcast %parallel_loop3A_1361 : f32 to vector<16xf32>
        %parallel_loop3A_1363 = arith.mulf %parallel_loop3A_1357, %parallel_loop3A_1362 : vector<16xf32>
        tpu.vector_store_idx %arg7[%parallel_loop3A_1360, %parallel_loop3A_1275], %parallel_loop3A_1363 : memref<256x131xf32, #tpu.memory_space<vmem>>[vector<16xi32>, vector<16xi32>], vector<16xf32>,
      } {sc.loop_unroll_factor = 1 : i64, sc.parallel_access}
      %shift_right_arithmetic3A_716 = arith.constant 9 : i32
      %shift_right_arithmetic3A_717 = arith.shrsi %add3A_644, %shift_right_arithmetic3A_716 : i32
      %shift_right_arithmetic3A_718 = arith.constant 2 : i32
      %shift_right_arithmetic3A_719 = arith.shrsi %add3A_644, %shift_right_arithmetic3A_718 : i32
      %and3A_720 = arith.constant 127 : i32
      %and3A_721 = arith.andi %shift_right_arithmetic3A_719, %and3A_720 : i32
      %and3A_722 = arith.constant 3 : i32
      %and3A_723 = arith.andi %add3A_644, %and3A_722 : i32
      %mul3A_724 = arith.constant 2 : i32
      %mul3A_725 = arith.muli %and3A_723, %mul3A_724 : i32
      %mul3A_726 = arith.constant 8 : i32
      %mul3A_727 = arith.muli %shift_right_arithmetic3A_717, %mul3A_726 : i32
      %add3A_728 = arith.addi %mul3A_727, %mul3A_725 : i32
      %add3A_729 = arith.constant 0 : i32
      %add3A_730 = arith.addi %add3A_728, %add3A_729 : i32
      %dma_start3A_731 = arith.constant 0 : i32
      %dma_start3A_732 = arith.constant 0 : i32
      %dma_start3A_733 = arith.constant 0 : i32
      %dma_start3A_734 = tpu.memref_slice %arg7[%dma_start3A_732, %dma_start3A_733] : memref<256x131xf32, #tpu.memory_space<vmem>> -> memref<8x128xf32, #tpu.memory_space<vmem>>
      %dma_start3A_735 = arith.constant 0 : i32
      %dma_start3A_736 = arith.constant 0 : i32
      %dma_start3A_737 = tpu.memref_slice %arg4[%add3A_730, %dma_start3A_731, %and3A_721, %dma_start3A_735, %dma_start3A_736] : memref<200x8x128x8x128xf32, #tpu.memory_space<hbm>> -> memref<1x1x1x8x128xf32, #tpu.memory_space<hbm>>
      %dma_start3A_738 = tpu.memref_squeeze %dma_start3A_737 : memref<1x1x1x8x128xf32, #tpu.memory_space<hbm>> -> memref<8x128xf32, #tpu.memory_space<hbm>>
      %dma_start3A_739 = arith.constant 0 : i32
      %dma_start3A_740 = arith.constant 0 : i32
      %dma_start3A_741 = tpu.memref_slice %arg4[%add3A_730, %dma_start3A_731, %and3A_721, %dma_start3A_739, %dma_start3A_740] : memref<200x8x128x8x128xf32, #tpu.memory_space<hbm>> -> memref<1x1x1x8x128xf32, #tpu.memory_space<hbm>>
      %dma_start3A_742 = tpu.memref_squeeze %dma_start3A_741 : memref<1x1x1x8x128xf32, #tpu.memory_space<hbm>> -> memref<8x128xf32, #tpu.memory_space<hbm>>
      %dma_start3A_743 = arith.constant 0 : i32
      %dma_start3A_744 = arith.constant 0 : i32
      %dma_start3A_745 = tpu.memref_slice %arg7[%dma_start3A_743, %dma_start3A_744] : memref<256x131xf32, #tpu.memory_space<vmem>> -> memref<8x128xf32, #tpu.memory_space<vmem>>
      tpu.enqueue_dma source(%dma_start3A_745 : memref<8x128xf32, #tpu.memory_space<vmem>>) target(%dma_start3A_742 : memref<8x128xf32, #tpu.memory_space<hbm>>) target_semaphore(%arg12 : memref<!tpu.dma_semaphore, #tpu.memory_space<semaphore_mem>>)
      %dma_start3A_746 = arith.constant 1 : i32
      %dma_start3A_747 = arith.constant 8 : i32
      %dma_start3A_748 = arith.constant 0 : i32
      %dma_start3A_749 = tpu.memref_slice %arg7[%dma_start3A_747, %dma_start3A_748] : memref<256x131xf32, #tpu.memory_space<vmem>> -> memref<8x128xf32, #tpu.memory_space<vmem>>
      %dma_start3A_750 = arith.constant 0 : i32
      %dma_start3A_751 = arith.constant 0 : i32
      %dma_start3A_752 = tpu.memref_slice %arg4[%add3A_730, %dma_start3A_746, %and3A_721, %dma_start3A_750, %dma_start3A_751] : memref<200x8x128x8x128xf32, #tpu.memory_space<hbm>> -> memref<1x1x1x8x128xf32, #tpu.memory_space<hbm>>
      %dma_start3A_753 = tpu.memref_squeeze %dma_start3A_752 : memref<1x1x1x8x128xf32, #tpu.memory_space<hbm>> -> memref<8x128xf32, #tpu.memory_space<hbm>>
      %dma_start3A_754 = arith.constant 0 : i32
      %dma_start3A_755 = arith.constant 0 : i32
      %dma_start3A_756 = tpu.memref_slice %arg4[%add3A_730, %dma_start3A_746, %and3A_721, %dma_start3A_754, %dma_start3A_755] : memref<200x8x128x8x128xf32, #tpu.memory_space<hbm>> -> memref<1x1x1x8x128xf32, #tpu.memory_space<hbm>>
      %dma_start3A_757 = tpu.memref_squeeze %dma_start3A_756 : memref<1x1x1x8x128xf32, #tpu.memory_space<hbm>> -> memref<8x128xf32, #tpu.memory_space<hbm>>
      %dma_start3A_758 = arith.constant 8 : i32
      %dma_start3A_759 = arith.constant 0 : i32
      %dma_start3A_760 = tpu.memref_slice %arg7[%dma_start3A_758, %dma_start3A_759] : memref<256x131xf32, #tpu.memory_space<vmem>> -> memref<8x128xf32, #tpu.memory_space<vmem>>
      tpu.enqueue_dma source(%dma_start3A_760 : memref<8x128xf32, #tpu.memory_space<vmem>>) target(%dma_start3A_757 : memref<8x128xf32, #tpu.memory_space<hbm>>) target_semaphore(%arg12 : memref<!tpu.dma_semaphore, #tpu.memory_space<semaphore_mem>>)
      %dma_start3A_761 = arith.constant 2 : i32
      %dma_start3A_762 = arith.constant 16 : i32
      %dma_start3A_763 = arith.constant 0 : i32
      %dma_start3A_764 = tpu.memref_slice %arg7[%dma_start3A_762, %dma_start3A_763] : memref<256x131xf32, #tpu.memory_space<vmem>> -> memref<8x128xf32, #tpu.memory_space<vmem>>
      %dma_start3A_765 = arith.constant 0 : i32
      %dma_start3A_766 = arith.constant 0 : i32
      %dma_start3A_767 = tpu.memref_slice %arg4[%add3A_730, %dma_start3A_761, %and3A_721, %dma_start3A_765, %dma_start3A_766] : memref<200x8x128x8x128xf32, #tpu.memory_space<hbm>> -> memref<1x1x1x8x128xf32, #tpu.memory_space<hbm>>
      %dma_start3A_768 = tpu.memref_squeeze %dma_start3A_767 : memref<1x1x1x8x128xf32, #tpu.memory_space<hbm>> -> memref<8x128xf32, #tpu.memory_space<hbm>>
      %dma_start3A_769 = arith.constant 0 : i32
      %dma_start3A_770 = arith.constant 0 : i32
      %dma_start3A_771 = tpu.memref_slice %arg4[%add3A_730, %dma_start3A_761, %and3A_721, %dma_start3A_769, %dma_start3A_770] : memref<200x8x128x8x128xf32, #tpu.memory_space<hbm>> -> memref<1x1x1x8x128xf32, #tpu.memory_space<hbm>>
      %dma_start3A_772 = tpu.memref_squeeze %dma_start3A_771 : memref<1x1x1x8x128xf32, #tpu.memory_space<hbm>> -> memref<8x128xf32, #tpu.memory_space<hbm>>
      %dma_start3A_773 = arith.constant 16 : i32
      %dma_start3A_774 = arith.constant 0 : i32
      %dma_start3A_775 = tpu.memref_slice %arg7[%dma_start3A_773, %dma_start3A_774] : memref<256x131xf32, #tpu.memory_space<vmem>> -> memref<8x128xf32, #tpu.memory_space<vmem>>
      tpu.enqueue_dma source(%dma_start3A_775 : memref<8x128xf32, #tpu.memory_space<vmem>>) target(%dma_start3A_772 : memref<8x128xf32, #tpu.memory_space<hbm>>) target_semaphore(%arg12 : memref<!tpu.dma_semaphore, #tpu.memory_space<semaphore_mem>>)
      %dma_start3A_776 = arith.constant 3 : i32
      %dma_start3A_777 = arith.constant 24 : i32
      %dma_start3A_778 = arith.constant 0 : i32
      %dma_start3A_779 = tpu.memref_slice %arg7[%dma_start3A_777, %dma_start3A_778] : memref<256x131xf32, #tpu.memory_space<vmem>> -> memref<8x128xf32, #tpu.memory_space<vmem>>
      %dma_start3A_780 = arith.constant 0 : i32
      %dma_start3A_781 = arith.constant 0 : i32
      %dma_start3A_782 = tpu.memref_slice %arg4[%add3A_730, %dma_start3A_776, %and3A_721, %dma_start3A_780, %dma_start3A_781] : memref<200x8x128x8x128xf32, #tpu.memory_space<hbm>> -> memref<1x1x1x8x128xf32, #tpu.memory_space<hbm>>
      %dma_start3A_783 = tpu.memref_squeeze %dma_start3A_782 : memref<1x1x1x8x128xf32, #tpu.memory_space<hbm>> -> memref<8x128xf32, #tpu.memory_space<hbm>>
      %dma_start3A_784 = arith.constant 0 : i32
      %dma_start3A_785 = arith.constant 0 : i32
      %dma_start3A_786 = tpu.memref_slice %arg4[%add3A_730, %dma_start3A_776, %and3A_721, %dma_start3A_784, %dma_start3A_785] : memref<200x8x128x8x128xf32, #tpu.memory_space<hbm>> -> memref<1x1x1x8x128xf32, #tpu.memory_space<hbm>>
      %dma_start3A_787 = tpu.memref_squeeze %dma_start3A_786 : memref<1x1x1x8x128xf32, #tpu.memory_space<hbm>> -> memref<8x128xf32, #tpu.memory_space<hbm>>
      %dma_start3A_788 = arith.constant 24 : i32
      %dma_start3A_789 = arith.constant 0 : i32
      %dma_start3A_790 = tpu.memref_slice %arg7[%dma_start3A_788, %dma_start3A_789] : memref<256x131xf32, #tpu.memory_space<vmem>> -> memref<8x128xf32, #tpu.memory_space<vmem>>
      tpu.enqueue_dma source(%dma_start3A_790 : memref<8x128xf32, #tpu.memory_space<vmem>>) target(%dma_start3A_787 : memref<8x128xf32, #tpu.memory_space<hbm>>) target_semaphore(%arg12 : memref<!tpu.dma_semaphore, #tpu.memory_space<semaphore_mem>>)
      %dma_start3A_791 = arith.constant 4 : i32
      %dma_start3A_792 = arith.constant 32 : i32
      %dma_start3A_793 = arith.constant 0 : i32
      %dma_start3A_794 = tpu.memref_slice %arg7[%dma_start3A_792, %dma_start3A_793] : memref<256x131xf32, #tpu.memory_space<vmem>> -> memref<8x128xf32, #tpu.memory_space<vmem>>
      %dma_start3A_795 = arith.constant 0 : i32
      %dma_start3A_796 = arith.constant 0 : i32
      %dma_start3A_797 = tpu.memref_slice %arg4[%add3A_730, %dma_start3A_791, %and3A_721, %dma_start3A_795, %dma_start3A_796] : memref<200x8x128x8x128xf32, #tpu.memory_space<hbm>> -> memref<1x1x1x8x128xf32, #tpu.memory_space<hbm>>
      %dma_start3A_798 = tpu.memref_squeeze %dma_start3A_797 : memref<1x1x1x8x128xf32, #tpu.memory_space<hbm>> -> memref<8x128xf32, #tpu.memory_space<hbm>>
      %dma_start3A_799 = arith.constant 0 : i32
      %dma_start3A_800 = arith.constant 0 : i32
      %dma_start3A_801 = tpu.memref_slice %arg4[%add3A_730, %dma_start3A_791, %and3A_721, %dma_start3A_799, %dma_start3A_800] : memref<200x8x128x8x128xf32, #tpu.memory_space<hbm>> -> memref<1x1x1x8x128xf32, #tpu.memory_space<hbm>>
      %dma_start3A_802 = tpu.memref_squeeze %dma_start3A_801 : memref<1x1x1x8x128xf32, #tpu.memory_space<hbm>> -> memref<8x128xf32, #tpu.memory_space<hbm>>
      %dma_start3A_803 = arith.constant 32 : i32
      %dma_start3A_804 = arith.constant 0 : i32
      %dma_start3A_805 = tpu.memref_slice %arg7[%dma_start3A_803, %dma_start3A_804] : memref<256x131xf32, #tpu.memory_space<vmem>> -> memref<8x128xf32, #tpu.memory_space<vmem>>
      tpu.enqueue_dma source(%dma_start3A_805 : memref<8x128xf32, #tpu.memory_space<vmem>>) target(%dma_start3A_802 : memref<8x128xf32, #tpu.memory_space<hbm>>) target_semaphore(%arg12 : memref<!tpu.dma_semaphore, #tpu.memory_space<semaphore_mem>>)
      %dma_start3A_806 = arith.constant 5 : i32
      %dma_start3A_807 = arith.constant 40 : i32
      %dma_start3A_808 = arith.constant 0 : i32
      %dma_start3A_809 = tpu.memref_slice %arg7[%dma_start3A_807, %dma_start3A_808] : memref<256x131xf32, #tpu.memory_space<vmem>> -> memref<8x128xf32, #tpu.memory_space<vmem>>
      %dma_start3A_810 = arith.constant 0 : i32
      %dma_start3A_811 = arith.constant 0 : i32
      %dma_start3A_812 = tpu.memref_slice %arg4[%add3A_730, %dma_start3A_806, %and3A_721, %dma_start3A_810, %dma_start3A_811] : memref<200x8x128x8x128xf32, #tpu.memory_space<hbm>> -> memref<1x1x1x8x128xf32, #tpu.memory_space<hbm>>
      %dma_start3A_813 = tpu.memref_squeeze %dma_start3A_812 : memref<1x1x1x8x128xf32, #tpu.memory_space<hbm>> -> memref<8x128xf32, #tpu.memory_space<hbm>>
      %dma_start3A_814 = arith.constant 0 : i32
      %dma_start3A_815 = arith.constant 0 : i32
      %dma_start3A_816 = tpu.memref_slice %arg4[%add3A_730, %dma_start3A_806, %and3A_721, %dma_start3A_814, %dma_start3A_815] : memref<200x8x128x8x128xf32, #tpu.memory_space<hbm>> -> memref<1x1x1x8x128xf32, #tpu.memory_space<hbm>>
      %dma_start3A_817 = tpu.memref_squeeze %dma_start3A_816 : memref<1x1x1x8x128xf32, #tpu.memory_space<hbm>> -> memref<8x128xf32, #tpu.memory_space<hbm>>
      %dma_start3A_818 = arith.constant 40 : i32
      %dma_start3A_819 = arith.constant 0 : i32
      %dma_start3A_820 = tpu.memref_slice %arg7[%dma_start3A_818, %dma_start3A_819] : memref<256x131xf32, #tpu.memory_space<vmem>> -> memref<8x128xf32, #tpu.memory_space<vmem>>
      tpu.enqueue_dma source(%dma_start3A_820 : memref<8x128xf32, #tpu.memory_space<vmem>>) target(%dma_start3A_817 : memref<8x128xf32, #tpu.memory_space<hbm>>) target_semaphore(%arg12 : memref<!tpu.dma_semaphore, #tpu.memory_space<semaphore_mem>>)
      %dma_start3A_821 = arith.constant 6 : i32
      %dma_start3A_822 = arith.constant 48 : i32
      %dma_start3A_823 = arith.constant 0 : i32
      %dma_start3A_824 = tpu.memref_slice %arg7[%dma_start3A_822, %dma_start3A_823] : memref<256x131xf32, #tpu.memory_space<vmem>> -> memref<8x128xf32, #tpu.memory_space<vmem>>
      %dma_start3A_825 = arith.constant 0 : i32
      %dma_start3A_826 = arith.constant 0 : i32
      %dma_start3A_827 = tpu.memref_slice %arg4[%add3A_730, %dma_start3A_821, %and3A_721, %dma_start3A_825, %dma_start3A_826] : memref<200x8x128x8x128xf32, #tpu.memory_space<hbm>> -> memref<1x1x1x8x128xf32, #tpu.memory_space<hbm>>
      %dma_start3A_828 = tpu.memref_squeeze %dma_start3A_827 : memref<1x1x1x8x128xf32, #tpu.memory_space<hbm>> -> memref<8x128xf32, #tpu.memory_space<hbm>>
      %dma_start3A_829 = arith.constant 0 : i32
      %dma_start3A_830 = arith.constant 0 : i32
      %dma_start3A_831 = tpu.memref_slice %arg4[%add3A_730, %dma_start3A_821, %and3A_721, %dma_start3A_829, %dma_start3A_830] : memref<200x8x128x8x128xf32, #tpu.memory_space<hbm>> -> memref<1x1x1x8x128xf32, #tpu.memory_space<hbm>>
      %dma_start3A_832 = tpu.memref_squeeze %dma_start3A_831 : memref<1x1x1x8x128xf32, #tpu.memory_space<hbm>> -> memref<8x128xf32, #tpu.memory_space<hbm>>
      %dma_start3A_833 = arith.constant 48 : i32
      %dma_start3A_834 = arith.constant 0 : i32
      %dma_start3A_835 = tpu.memref_slice %arg7[%dma_start3A_833, %dma_start3A_834] : memref<256x131xf32, #tpu.memory_space<vmem>> -> memref<8x128xf32, #tpu.memory_space<vmem>>
      tpu.enqueue_dma source(%dma_start3A_835 : memref<8x128xf32, #tpu.memory_space<vmem>>) target(%dma_start3A_832 : memref<8x128xf32, #tpu.memory_space<hbm>>) target_semaphore(%arg12 : memref<!tpu.dma_semaphore, #tpu.memory_space<semaphore_mem>>)
      %dma_start3A_836 = arith.constant 7 : i32
      %dma_start3A_837 = arith.constant 56 : i32
      %dma_start3A_838 = arith.constant 0 : i32
      %dma_start3A_839 = tpu.memref_slice %arg7[%dma_start3A_837, %dma_start3A_838] : memref<256x131xf32, #tpu.memory_space<vmem>> -> memref<8x128xf32, #tpu.memory_space<vmem>>
      %dma_start3A_840 = arith.constant 0 : i32
      %dma_start3A_841 = arith.constant 0 : i32
      %dma_start3A_842 = tpu.memref_slice %arg4[%add3A_730, %dma_start3A_836, %and3A_721, %dma_start3A_840, %dma_start3A_841] : memref<200x8x128x8x128xf32, #tpu.memory_space<hbm>> -> memref<1x1x1x8x128xf32, #tpu.memory_space<hbm>>
      %dma_start3A_843 = tpu.memref_squeeze %dma_start3A_842 : memref<1x1x1x8x128xf32, #tpu.memory_space<hbm>> -> memref<8x128xf32, #tpu.memory_space<hbm>>
      %dma_start3A_844 = arith.constant 0 : i32
      %dma_start3A_845 = arith.constant 0 : i32
      %dma_start3A_846 = tpu.memref_slice %arg4[%add3A_730, %dma_start3A_836, %and3A_721, %dma_start3A_844, %dma_start3A_845] : memref<200x8x128x8x128xf32, #tpu.memory_space<hbm>> -> memref<1x1x1x8x128xf32, #tpu.memory_space<hbm>>
      %dma_start3A_847 = tpu.memref_squeeze %dma_start3A_846 : memref<1x1x1x8x128xf32, #tpu.memory_space<hbm>> -> memref<8x128xf32, #tpu.memory_space<hbm>>
      %dma_start3A_848 = arith.constant 56 : i32
      %dma_start3A_849 = arith.constant 0 : i32
      %dma_start3A_850 = tpu.memref_slice %arg7[%dma_start3A_848, %dma_start3A_849] : memref<256x131xf32, #tpu.memory_space<vmem>> -> memref<8x128xf32, #tpu.memory_space<vmem>>
      tpu.enqueue_dma source(%dma_start3A_850 : memref<8x128xf32, #tpu.memory_space<vmem>>) target(%dma_start3A_847 : memref<8x128xf32, #tpu.memory_space<hbm>>) target_semaphore(%arg12 : memref<!tpu.dma_semaphore, #tpu.memory_space<semaphore_mem>>)
      %mul3A_851 = arith.constant 8 : i32
      %mul3A_852 = arith.muli %shift_right_arithmetic3A_717, %mul3A_851 : i32
      %add3A_853 = arith.addi %mul3A_852, %mul3A_725 : i32
      %add3A_854 = arith.constant 1 : i32
      %add3A_855 = arith.addi %add3A_853, %add3A_854 : i32
      %dma_start3A_856 = arith.constant 0 : i32
      %dma_start3A_857 = arith.constant 64 : i32
      %dma_start3A_858 = arith.constant 0 : i32
      %dma_start3A_859 = tpu.memref_slice %arg7[%dma_start3A_857, %dma_start3A_858] : memref<256x131xf32, #tpu.memory_space<vmem>> -> memref<8x128xf32, #tpu.memory_space<vmem>>
      %dma_start3A_860 = arith.constant 0 : i32
      %dma_start3A_861 = arith.constant 0 : i32
      %dma_start3A_862 = tpu.memref_slice %arg4[%add3A_855, %dma_start3A_856, %and3A_721, %dma_start3A_860, %dma_start3A_861] : memref<200x8x128x8x128xf32, #tpu.memory_space<hbm>> -> memref<1x1x1x8x128xf32, #tpu.memory_space<hbm>>
      %dma_start3A_863 = tpu.memref_squeeze %dma_start3A_862 : memref<1x1x1x8x128xf32, #tpu.memory_space<hbm>> -> memref<8x128xf32, #tpu.memory_space<hbm>>
      %dma_start3A_864 = arith.constant 0 : i32
      %dma_start3A_865 = arith.constant 0 : i32
      %dma_start3A_866 = tpu.memref_slice %arg4[%add3A_855, %dma_start3A_856, %and3A_721, %dma_start3A_864, %dma_start3A_865] : memref<200x8x128x8x128xf32, #tpu.memory_space<hbm>> -> memref<1x1x1x8x128xf32, #tpu.memory_space<hbm>>
      %dma_start3A_867 = tpu.memref_squeeze %dma_start3A_866 : memref<1x1x1x8x128xf32, #tpu.memory_space<hbm>> -> memref<8x128xf32, #tpu.memory_space<hbm>>
      %dma_start3A_868 = arith.constant 64 : i32
      %dma_start3A_869 = arith.constant 0 : i32
      %dma_start3A_870 = tpu.memref_slice %arg7[%dma_start3A_868, %dma_start3A_869] : memref<256x131xf32, #tpu.memory_space<vmem>> -> memref<8x128xf32, #tpu.memory_space<vmem>>
      tpu.enqueue_dma source(%dma_start3A_870 : memref<8x128xf32, #tpu.memory_space<vmem>>) target(%dma_start3A_867 : memref<8x128xf32, #tpu.memory_space<hbm>>) target_semaphore(%arg12 : memref<!tpu.dma_semaphore, #tpu.memory_space<semaphore_mem>>)
      %dma_start3A_871 = arith.constant 1 : i32
      %dma_start3A_872 = arith.constant 72 : i32
      %dma_start3A_873 = arith.constant 0 : i32
      %dma_start3A_874 = tpu.memref_slice %arg7[%dma_start3A_872, %dma_start3A_873] : memref<256x131xf32, #tpu.memory_space<vmem>> -> memref<8x128xf32, #tpu.memory_space<vmem>>
      %dma_start3A_875 = arith.constant 0 : i32
      %dma_start3A_876 = arith.constant 0 : i32
      %dma_start3A_877 = tpu.memref_slice %arg4[%add3A_855, %dma_start3A_871, %and3A_721, %dma_start3A_875, %dma_start3A_876] : memref<200x8x128x8x128xf32, #tpu.memory_space<hbm>> -> memref<1x1x1x8x128xf32, #tpu.memory_space<hbm>>
      %dma_start3A_878 = tpu.memref_squeeze %dma_start3A_877 : memref<1x1x1x8x128xf32, #tpu.memory_space<hbm>> -> memref<8x128xf32, #tpu.memory_space<hbm>>
      %dma_start3A_879 = arith.constant 0 : i32
      %dma_start3A_880 = arith.constant 0 : i32
      %dma_start3A_881 = tpu.memref_slice %arg4[%add3A_855, %dma_start3A_871, %and3A_721, %dma_start3A_879, %dma_start3A_880] : memref<200x8x128x8x128xf32, #tpu.memory_space<hbm>> -> memref<1x1x1x8x128xf32, #tpu.memory_space<hbm>>
      %dma_start3A_882 = tpu.memref_squeeze %dma_start3A_881 : memref<1x1x1x8x128xf32, #tpu.memory_space<hbm>> -> memref<8x128xf32, #tpu.memory_space<hbm>>
      %dma_start3A_883 = arith.constant 72 : i32
      %dma_start3A_884 = arith.constant 0 : i32
      %dma_start3A_885 = tpu.memref_slice %arg7[%dma_start3A_883, %dma_start3A_884] : memref<256x131xf32, #tpu.memory_space<vmem>> -> memref<8x128xf32, #tpu.memory_space<vmem>>
      tpu.enqueue_dma source(%dma_start3A_885 : memref<8x128xf32, #tpu.memory_space<vmem>>) target(%dma_start3A_882 : memref<8x128xf32, #tpu.memory_space<hbm>>) target_semaphore(%arg12 : memref<!tpu.dma_semaphore, #tpu.memory_space<semaphore_mem>>)
      %dma_start3A_886 = arith.constant 2 : i32
      %dma_start3A_887 = arith.constant 80 : i32
      %dma_start3A_888 = arith.constant 0 : i32
      %dma_start3A_889 = tpu.memref_slice %arg7[%dma_start3A_887, %dma_start3A_888] : memref<256x131xf32, #tpu.memory_space<vmem>> -> memref<8x128xf32, #tpu.memory_space<vmem>>
      %dma_start3A_890 = arith.constant 0 : i32
      %dma_start3A_891 = arith.constant 0 : i32
      %dma_start3A_892 = tpu.memref_slice %arg4[%add3A_855, %dma_start3A_886, %and3A_721, %dma_start3A_890, %dma_start3A_891] : memref<200x8x128x8x128xf32, #tpu.memory_space<hbm>> -> memref<1x1x1x8x128xf32, #tpu.memory_space<hbm>>
      %dma_start3A_893 = tpu.memref_squeeze %dma_start3A_892 : memref<1x1x1x8x128xf32, #tpu.memory_space<hbm>> -> memref<8x128xf32, #tpu.memory_space<hbm>>
      %dma_start3A_894 = arith.constant 0 : i32
      %dma_start3A_895 = arith.constant 0 : i32
      %dma_start3A_896 = tpu.memref_slice %arg4[%add3A_855, %dma_start3A_886, %and3A_721, %dma_start3A_894, %dma_start3A_895] : memref<200x8x128x8x128xf32, #tpu.memory_space<hbm>> -> memref<1x1x1x8x128xf32, #tpu.memory_space<hbm>>
      %dma_start3A_897 = tpu.memref_squeeze %dma_start3A_896 : memref<1x1x1x8x128xf32, #tpu.memory_space<hbm>> -> memref<8x128xf32, #tpu.memory_space<hbm>>
      %dma_start3A_898 = arith.constant 80 : i32
      %dma_start3A_899 = arith.constant 0 : i32
      %dma_start3A_900 = tpu.memref_slice %arg7[%dma_start3A_898, %dma_start3A_899] : memref<256x131xf32, #tpu.memory_space<vmem>> -> memref<8x128xf32, #tpu.memory_space<vmem>>
      tpu.enqueue_dma source(%dma_start3A_900 : memref<8x128xf32, #tpu.memory_space<vmem>>) target(%dma_start3A_897 : memref<8x128xf32, #tpu.memory_space<hbm>>) target_semaphore(%arg12 : memref<!tpu.dma_semaphore, #tpu.memory_space<semaphore_mem>>)
      %dma_start3A_901 = arith.constant 3 : i32
      %dma_start3A_902 = arith.constant 88 : i32
      %dma_start3A_903 = arith.constant 0 : i32
      %dma_start3A_904 = tpu.memref_slice %arg7[%dma_start3A_902, %dma_start3A_903] : memref<256x131xf32, #tpu.memory_space<vmem>> -> memref<8x128xf32, #tpu.memory_space<vmem>>
      %dma_start3A_905 = arith.constant 0 : i32
      %dma_start3A_906 = arith.constant 0 : i32
      %dma_start3A_907 = tpu.memref_slice %arg4[%add3A_855, %dma_start3A_901, %and3A_721, %dma_start3A_905, %dma_start3A_906] : memref<200x8x128x8x128xf32, #tpu.memory_space<hbm>> -> memref<1x1x1x8x128xf32, #tpu.memory_space<hbm>>
      %dma_start3A_908 = tpu.memref_squeeze %dma_start3A_907 : memref<1x1x1x8x128xf32, #tpu.memory_space<hbm>> -> memref<8x128xf32, #tpu.memory_space<hbm>>
      %dma_start3A_909 = arith.constant 0 : i32
      %dma_start3A_910 = arith.constant 0 : i32
      %dma_start3A_911 = tpu.memref_slice %arg4[%add3A_855, %dma_start3A_901, %and3A_721, %dma_start3A_909, %dma_start3A_910] : memref<200x8x128x8x128xf32, #tpu.memory_space<hbm>> -> memref<1x1x1x8x128xf32, #tpu.memory_space<hbm>>
      %dma_start3A_912 = tpu.memref_squeeze %dma_start3A_911 : memref<1x1x1x8x128xf32, #tpu.memory_space<hbm>> -> memref<8x128xf32, #tpu.memory_space<hbm>>
      %dma_start3A_913 = arith.constant 88 : i32
      %dma_start3A_914 = arith.constant 0 : i32
      %dma_start3A_915 = tpu.memref_slice %arg7[%dma_start3A_913, %dma_start3A_914] : memref<256x131xf32, #tpu.memory_space<vmem>> -> memref<8x128xf32, #tpu.memory_space<vmem>>
      tpu.enqueue_dma source(%dma_start3A_915 : memref<8x128xf32, #tpu.memory_space<vmem>>) target(%dma_start3A_912 : memref<8x128xf32, #tpu.memory_space<hbm>>) target_semaphore(%arg12 : memref<!tpu.dma_semaphore, #tpu.memory_space<semaphore_mem>>)
      %dma_start3A_916 = arith.constant 4 : i32
      %dma_start3A_917 = arith.constant 96 : i32
      %dma_start3A_918 = arith.constant 0 : i32
      %dma_start3A_919 = tpu.memref_slice %arg7[%dma_start3A_917, %dma_start3A_918] : memref<256x131xf32, #tpu.memory_space<vmem>> -> memref<8x128xf32, #tpu.memory_space<vmem>>
      %dma_start3A_920 = arith.constant 0 : i32
      %dma_start3A_921 = arith.constant 0 : i32
      %dma_start3A_922 = tpu.memref_slice %arg4[%add3A_855, %dma_start3A_916, %and3A_721, %dma_start3A_920, %dma_start3A_921] : memref<200x8x128x8x128xf32, #tpu.memory_space<hbm>> -> memref<1x1x1x8x128xf32, #tpu.memory_space<hbm>>
      %dma_start3A_923 = tpu.memref_squeeze %dma_start3A_922 : memref<1x1x1x8x128xf32, #tpu.memory_space<hbm>> -> memref<8x128xf32, #tpu.memory_space<hbm>>
      %dma_start3A_924 = arith.constant 0 : i32
      %dma_start3A_925 = arith.constant 0 : i32
      %dma_start3A_926 = tpu.memref_slice %arg4[%add3A_855, %dma_start3A_916, %and3A_721, %dma_start3A_924, %dma_start3A_925] : memref<200x8x128x8x128xf32, #tpu.memory_space<hbm>> -> memref<1x1x1x8x128xf32, #tpu.memory_space<hbm>>
      %dma_start3A_927 = tpu.memref_squeeze %dma_start3A_926 : memref<1x1x1x8x128xf32, #tpu.memory_space<hbm>> -> memref<8x128xf32, #tpu.memory_space<hbm>>
      %dma_start3A_928 = arith.constant 96 : i32
      %dma_start3A_929 = arith.constant 0 : i32
      %dma_start3A_930 = tpu.memref_slice %arg7[%dma_start3A_928, %dma_start3A_929] : memref<256x131xf32, #tpu.memory_space<vmem>> -> memref<8x128xf32, #tpu.memory_space<vmem>>
      tpu.enqueue_dma source(%dma_start3A_930 : memref<8x128xf32, #tpu.memory_space<vmem>>) target(%dma_start3A_927 : memref<8x128xf32, #tpu.memory_space<hbm>>) target_semaphore(%arg12 : memref<!tpu.dma_semaphore, #tpu.memory_space<semaphore_mem>>)
      %dma_start3A_931 = arith.constant 5 : i32
      %dma_start3A_932 = arith.constant 104 : i32
      %dma_start3A_933 = arith.constant 0 : i32
      %dma_start3A_934 = tpu.memref_slice %arg7[%dma_start3A_932, %dma_start3A_933] : memref<256x131xf32, #tpu.memory_space<vmem>> -> memref<8x128xf32, #tpu.memory_space<vmem>>
      %dma_start3A_935 = arith.constant 0 : i32
      %dma_start3A_936 = arith.constant 0 : i32
      %dma_start3A_937 = tpu.memref_slice %arg4[%add3A_855, %dma_start3A_931, %and3A_721, %dma_start3A_935, %dma_start3A_936] : memref<200x8x128x8x128xf32, #tpu.memory_space<hbm>> -> memref<1x1x1x8x128xf32, #tpu.memory_space<hbm>>
      %dma_start3A_938 = tpu.memref_squeeze %dma_start3A_937 : memref<1x1x1x8x128xf32, #tpu.memory_space<hbm>> -> memref<8x128xf32, #tpu.memory_space<hbm>>
      %dma_start3A_939 = arith.constant 0 : i32
      %dma_start3A_940 = arith.constant 0 : i32
      %dma_start3A_941 = tpu.memref_slice %arg4[%add3A_855, %dma_start3A_931, %and3A_721, %dma_start3A_939, %dma_start3A_940] : memref<200x8x128x8x128xf32, #tpu.memory_space<hbm>> -> memref<1x1x1x8x128xf32, #tpu.memory_space<hbm>>
      %dma_start3A_942 = tpu.memref_squeeze %dma_start3A_941 : memref<1x1x1x8x128xf32, #tpu.memory_space<hbm>> -> memref<8x128xf32, #tpu.memory_space<hbm>>
      %dma_start3A_943 = arith.constant 104 : i32
      %dma_start3A_944 = arith.constant 0 : i32
      %dma_start3A_945 = tpu.memref_slice %arg7[%dma_start3A_943, %dma_start3A_944] : memref<256x131xf32, #tpu.memory_space<vmem>> -> memref<8x128xf32, #tpu.memory_space<vmem>>
      tpu.enqueue_dma source(%dma_start3A_945 : memref<8x128xf32, #tpu.memory_space<vmem>>) target(%dma_start3A_942 : memref<8x128xf32, #tpu.memory_space<hbm>>) target_semaphore(%arg12 : memref<!tpu.dma_semaphore, #tpu.memory_space<semaphore_mem>>)
      %dma_start3A_946 = arith.constant 6 : i32
      %dma_start3A_947 = arith.constant 112 : i32
      %dma_start3A_948 = arith.constant 0 : i32
      %dma_start3A_949 = tpu.memref_slice %arg7[%dma_start3A_947, %dma_start3A_948] : memref<256x131xf32, #tpu.memory_space<vmem>> -> memref<8x128xf32, #tpu.memory_space<vmem>>
      %dma_start3A_950 = arith.constant 0 : i32
      %dma_start3A_951 = arith.constant 0 : i32
      %dma_start3A_952 = tpu.memref_slice %arg4[%add3A_855, %dma_start3A_946, %and3A_721, %dma_start3A_950, %dma_start3A_951] : memref<200x8x128x8x128xf32, #tpu.memory_space<hbm>> -> memref<1x1x1x8x128xf32, #tpu.memory_space<hbm>>
      %dma_start3A_953 = tpu.memref_squeeze %dma_start3A_952 : memref<1x1x1x8x128xf32, #tpu.memory_space<hbm>> -> memref<8x128xf32, #tpu.memory_space<hbm>>
      %dma_start3A_954 = arith.constant 0 : i32
      %dma_start3A_955 = arith.constant 0 : i32
      %dma_start3A_956 = tpu.memref_slice %arg4[%add3A_855, %dma_start3A_946, %and3A_721, %dma_start3A_954, %dma_start3A_955] : memref<200x8x128x8x128xf32, #tpu.memory_space<hbm>> -> memref<1x1x1x8x128xf32, #tpu.memory_space<hbm>>
      %dma_start3A_957 = tpu.memref_squeeze %dma_start3A_956 : memref<1x1x1x8x128xf32, #tpu.memory_space<hbm>> -> memref<8x128xf32, #tpu.memory_space<hbm>>
      %dma_start3A_958 = arith.constant 112 : i32
      %dma_start3A_959 = arith.constant 0 : i32
      %dma_start3A_960 = tpu.memref_slice %arg7[%dma_start3A_958, %dma_start3A_959] : memref<256x131xf32, #tpu.memory_space<vmem>> -> memref<8x128xf32, #tpu.memory_space<vmem>>
      tpu.enqueue_dma source(%dma_start3A_960 : memref<8x128xf32, #tpu.memory_space<vmem>>) target(%dma_start3A_957 : memref<8x128xf32, #tpu.memory_space<hbm>>) target_semaphore(%arg12 : memref<!tpu.dma_semaphore, #tpu.memory_space<semaphore_mem>>)
      %dma_start3A_961 = arith.constant 7 : i32
      %dma_start3A_962 = arith.constant 120 : i32
      %dma_start3A_963 = arith.constant 0 : i32
      %dma_start3A_964 = tpu.memref_slice %arg7[%dma_start3A_962, %dma_start3A_963] : memref<256x131xf32, #tpu.memory_space<vmem>> -> memref<8x128xf32, #tpu.memory_space<vmem>>
      %dma_start3A_965 = arith.constant 0 : i32
      %dma_start3A_966 = arith.constant 0 : i32
      %dma_start3A_967 = tpu.memref_slice %arg4[%add3A_855, %dma_start3A_961, %and3A_721, %dma_start3A_965, %dma_start3A_966] : memref<200x8x128x8x128xf32, #tpu.memory_space<hbm>> -> memref<1x1x1x8x128xf32, #tpu.memory_space<hbm>>
      %dma_start3A_968 = tpu.memref_squeeze %dma_start3A_967 : memref<1x1x1x8x128xf32, #tpu.memory_space<hbm>> -> memref<8x128xf32, #tpu.memory_space<hbm>>
      %dma_start3A_969 = arith.constant 0 : i32
      %dma_start3A_970 = arith.constant 0 : i32
      %dma_start3A_971 = tpu.memref_slice %arg4[%add3A_855, %dma_start3A_961, %and3A_721, %dma_start3A_969, %dma_start3A_970] : memref<200x8x128x8x128xf32, #tpu.memory_space<hbm>> -> memref<1x1x1x8x128xf32, #tpu.memory_space<hbm>>
      %dma_start3A_972 = tpu.memref_squeeze %dma_start3A_971 : memref<1x1x1x8x128xf32, #tpu.memory_space<hbm>> -> memref<8x128xf32, #tpu.memory_space<hbm>>
      %dma_start3A_973 = arith.constant 120 : i32
      %dma_start3A_974 = arith.constant 0 : i32
      %dma_start3A_975 = tpu.memref_slice %arg7[%dma_start3A_973, %dma_start3A_974] : memref<256x131xf32, #tpu.memory_space<vmem>> -> memref<8x128xf32, #tpu.memory_space<vmem>>
      tpu.enqueue_dma source(%dma_start3A_975 : memref<8x128xf32, #tpu.memory_space<vmem>>) target(%dma_start3A_972 : memref<8x128xf32, #tpu.memory_space<hbm>>) target_semaphore(%arg12 : memref<!tpu.dma_semaphore, #tpu.memory_space<semaphore_mem>>)
      %dma_wait3A_976 = arith.constant 1 : i32
      %dma_wait3A_977 = arith.constant 0 : i32
      %dma_wait3A_978 = arith.constant 256 : i32
      %dma_wait3A_979 = arith.constant 0 : i32
      %dma_wait3A_980 = tpu.memref_slice %arg6[%dma_wait3A_978, %dma_wait3A_979] : memref<512x64xf32, #tpu.memory_space<vmem>> -> memref<128x64xf32, #tpu.memory_space<vmem>>
      %dma_wait3A_981 = arith.constant 0 : i32
      %dma_wait3A_982 = tpu.memref_slice %arg5[%dma_wait3A_976, %dma_wait3A_977, %dma_wait3A_981] : memref<2x2x128xi32, #tpu.memory_space<vmem>> -> memref<1x1x128xi32, #tpu.memory_space<vmem>>
      %dma_wait3A_983 = tpu.memref_squeeze %dma_wait3A_982 : memref<1x1x128xi32, #tpu.memory_space<vmem>> -> memref<128xi32, #tpu.memory_space<vmem>>
      %dma_wait3A_984 = arith.constant 0 : i32
      %dma_wait3A_985 = arith.constant 0 : i32
      %dma_wait3A_986 = tpu.memref_slice %arg3[%dma_wait3A_984, %dma_wait3A_985] : memref<1000000x64xf32, #tpu.memory_space<hbm>> -> memref<1000000x64xf32, #tpu.memory_space<hbm>>
      tpu.wait_indirect_dma semaphore(%arg11 : memref<!tpu.dma_semaphore, #tpu.memory_space<semaphore_mem>>) src(%dma_wait3A_986 : memref<1000000x64xf32, #tpu.memory_space<hbm>>) dst(%dma_wait3A_980 : memref<128x64xf32, #tpu.memory_space<vmem>>)
      %dma_wait3A_987 = arith.constant 1 : i32
      %dma_wait3A_988 = arith.constant 1 : i32
      %dma_wait3A_989 = arith.constant 384 : i32
      %dma_wait3A_990 = arith.constant 0 : i32
      %dma_wait3A_991 = tpu.memref_slice %arg6[%dma_wait3A_989, %dma_wait3A_990] : memref<512x64xf32, #tpu.memory_space<vmem>> -> memref<128x64xf32, #tpu.memory_space<vmem>>
      %dma_wait3A_992 = arith.constant 0 : i32
      %dma_wait3A_993 = tpu.memref_slice %arg5[%dma_wait3A_987, %dma_wait3A_988, %dma_wait3A_992] : memref<2x2x128xi32, #tpu.memory_space<vmem>> -> memref<1x1x128xi32, #tpu.memory_space<vmem>>
      %dma_wait3A_994 = tpu.memref_squeeze %dma_wait3A_993 : memref<1x1x128xi32, #tpu.memory_space<vmem>> -> memref<128xi32, #tpu.memory_space<vmem>>
      %dma_wait3A_995 = arith.constant 0 : i32
      %dma_wait3A_996 = arith.constant 0 : i32
      %dma_wait3A_997 = tpu.memref_slice %arg3[%dma_wait3A_995, %dma_wait3A_996] : memref<1000000x64xf32, #tpu.memory_space<hbm>> -> memref<1000000x64xf32, #tpu.memory_space<hbm>>
      tpu.wait_indirect_dma semaphore(%arg11 : memref<!tpu.dma_semaphore, #tpu.memory_space<semaphore_mem>>) src(%dma_wait3A_997 : memref<1000000x64xf32, #tpu.memory_space<hbm>>) dst(%dma_wait3A_991 : memref<128x64xf32, #tpu.memory_space<vmem>>)
      %lt3A_998 = arith.constant 199 : i32
      %lt3A_999 = arith.cmpi slt, %scan3A_641, %lt3A_998 : i32
      %convert_element_type3A_1000 = arith.extui %lt3A_999 : i1 to i32
      %cond3A_1001 = arith.constant 0 : i32
      %cond3A_1002 = arith.cmpi ne, %convert_element_type3A_1000, %cond3A_1001 : i32
      scf.if %cond3A_1002 {
        %add3A_1274 = arith.constant 3 : i32
        %add3A_1275 = arith.addi %add3A_644, %add3A_1274 : i32
        %shift_right_arithmetic3A_1276 = arith.constant 9 : i32
        %shift_right_arithmetic3A_1277 = arith.shrsi %add3A_1275, %shift_right_arithmetic3A_1276 : i32
        %shift_right_arithmetic3A_1278 = arith.constant 2 : i32
        %shift_right_arithmetic3A_1279 = arith.shrsi %add3A_1275, %shift_right_arithmetic3A_1278 : i32
        %and3A_1280 = arith.constant 127 : i32
        %and3A_1281 = arith.andi %shift_right_arithmetic3A_1279, %and3A_1280 : i32
        %and3A_1282 = arith.constant 3 : i32
        %and3A_1283 = arith.andi %add3A_1275, %and3A_1282 : i32
        %mul3A_1284 = arith.constant 2 : i32
        %mul3A_1285 = arith.muli %and3A_1283, %mul3A_1284 : i32
        %dma_start3A_1286 = arith.constant 1 : i32
        %dma_start3A_1287 = arith.constant 0 : i32
        %dma_start3A_1288 = arith.constant 0 : i32
        %dma_start3A_1289 = tpu.memref_slice %arg5[%dma_start3A_1286, %dma_start3A_1287, %dma_start3A_1288] : memref<2x2x128xi32, #tpu.memory_space<vmem>> -> memref<1x2x128xi32, #tpu.memory_space<vmem>>
        %dma_start3A_1290 = tpu.memref_squeeze %dma_start3A_1289 : memref<1x2x128xi32, #tpu.memory_space<vmem>> -> memref<2x128xi32, #tpu.memory_space<vmem>>
        %dma_start3A_1291 = arith.constant 0 : i32
        %dma_start3A_1292 = tpu.memref_slice %arg2[%shift_right_arithmetic3A_1277, %and3A_1281, %mul3A_1285, %dma_start3A_1291] : memref<25x128x8x128xi32, #tpu.memory_space<hbm>> -> memref<1x1x2x128xi32, #tpu.memory_space<hbm>>
        %dma_start3A_1293 = tpu.memref_squeeze %dma_start3A_1292 : memref<1x1x2x128xi32, #tpu.memory_space<hbm>> -> memref<2x128xi32, #tpu.memory_space<hbm>>
        %dma_start3A_1294 = arith.constant 0 : i32
        %dma_start3A_1295 = arith.constant 0 : i32
        %dma_start3A_1296 = tpu.memref_slice %arg5[%dma_start3A_1286, %dma_start3A_1294, %dma_start3A_1295] : memref<2x2x128xi32, #tpu.memory_space<vmem>> -> memref<1x2x128xi32, #tpu.memory_space<vmem>>
        %dma_start3A_1297 = tpu.memref_squeeze %dma_start3A_1296 : memref<1x2x128xi32, #tpu.memory_space<vmem>> -> memref<2x128xi32, #tpu.memory_space<vmem>>
        %dma_start3A_1298 = arith.constant 0 : i32
        %dma_start3A_1299 = tpu.memref_slice %arg2[%shift_right_arithmetic3A_1277, %and3A_1281, %mul3A_1285, %dma_start3A_1298] : memref<25x128x8x128xi32, #tpu.memory_space<hbm>> -> memref<1x1x2x128xi32, #tpu.memory_space<hbm>>
        %dma_start3A_1300 = tpu.memref_squeeze %dma_start3A_1299 : memref<1x1x2x128xi32, #tpu.memory_space<hbm>> -> memref<2x128xi32, #tpu.memory_space<hbm>>
        tpu.enqueue_dma source(%dma_start3A_1300 : memref<2x128xi32, #tpu.memory_space<hbm>>) target(%dma_start3A_1297 : memref<2x128xi32, #tpu.memory_space<vmem>>) target_semaphore(%arg9 : memref<!tpu.dma_semaphore, #tpu.memory_space<semaphore_mem>>)
        %dma_wait3A_1301 = arith.constant 0 : i32
        %dma_wait3A_1302 = arith.constant 0 : i32
        %dma_wait3A_1303 = arith.constant 0 : i32
        %dma_wait3A_1304 = arith.constant 0 : i32
        %dma_wait3A_1305 = arith.constant 0 : i32
        %dma_wait3A_1306 = tpu.memref_slice %arg5[%dma_wait3A_1303, %dma_wait3A_1304, %dma_wait3A_1305] : memref<2x2x128xi32, #tpu.memory_space<vmem>> -> memref<1x2x128xi32, #tpu.memory_space<vmem>>
        %dma_wait3A_1307 = tpu.memref_squeeze %dma_wait3A_1306 : memref<1x2x128xi32, #tpu.memory_space<vmem>> -> memref<2x128xi32, #tpu.memory_space<vmem>>
        %dma_wait3A_1308 = arith.constant 0 : i32
        %dma_wait3A_1309 = arith.constant 0 : i32
        %dma_wait3A_1310 = tpu.memref_slice %arg2[%dma_wait3A_1301, %dma_wait3A_1302, %dma_wait3A_1308, %dma_wait3A_1309] : memref<25x128x8x128xi32, #tpu.memory_space<hbm>> -> memref<1x1x2x128xi32, #tpu.memory_space<hbm>>
        %dma_wait3A_1311 = tpu.memref_squeeze %dma_wait3A_1310 : memref<1x1x2x128xi32, #tpu.memory_space<hbm>> -> memref<2x128xi32, #tpu.memory_space<hbm>>
        %dma_wait3A_1312 = arith.constant 0 : i32
        %dma_wait3A_1313 = arith.constant 0 : i32
        %dma_wait3A_1314 = tpu.memref_slice %arg5[%dma_wait3A_1303, %dma_wait3A_1312, %dma_wait3A_1313] : memref<2x2x128xi32, #tpu.memory_space<vmem>> -> memref<1x2x128xi32, #tpu.memory_space<vmem>>
        %dma_wait3A_1315 = tpu.memref_squeeze %dma_wait3A_1314 : memref<1x2x128xi32, #tpu.memory_space<vmem>> -> memref<2x128xi32, #tpu.memory_space<vmem>>
        %dma_wait3A_1316 = arith.constant 0 : i32
        %dma_wait3A_1317 = arith.constant 0 : i32
        %dma_wait3A_1318 = tpu.memref_slice %arg2[%dma_wait3A_1301, %dma_wait3A_1302, %dma_wait3A_1316, %dma_wait3A_1317] : memref<25x128x8x128xi32, #tpu.memory_space<hbm>> -> memref<1x1x2x128xi32, #tpu.memory_space<hbm>>
        %dma_wait3A_1319 = tpu.memref_squeeze %dma_wait3A_1318 : memref<1x1x2x128xi32, #tpu.memory_space<hbm>> -> memref<2x128xi32, #tpu.memory_space<hbm>>
        tpu.wait_dma2 semaphore(%arg8 : memref<!tpu.dma_semaphore, #tpu.memory_space<semaphore_mem>>) src(%dma_wait3A_1319 : memref<2x128xi32, #tpu.memory_space<hbm>>) dst(%dma_wait3A_1315 : memref<2x128xi32, #tpu.memory_space<vmem>>)
        %dma_start3A_1320 = arith.constant 0 : i32
        %dma_start3A_1321 = arith.constant 0 : i32
        %dma_start3A_1322 = arith.constant 0 : i32
        %dma_start3A_1323 = arith.constant 0 : i32
        %dma_start3A_1324 = tpu.memref_slice %arg6[%dma_start3A_1322, %dma_start3A_1323] : memref<512x64xf32, #tpu.memory_space<vmem>> -> memref<128x64xf32, #tpu.memory_space<vmem>>
        %dma_start3A_1325 = arith.constant 0 : i32
        %dma_start3A_1326 = tpu.memref_slice %arg5[%dma_start3A_1320, %dma_start3A_1321, %dma_start3A_1325] : memref<2x2x128xi32, #tpu.memory_space<vmem>> -> memref<1x1x128xi32, #tpu.memory_space<vmem>>
        %dma_start3A_1327 = tpu.memref_squeeze %dma_start3A_1326 : memref<1x1x128xi32, #tpu.memory_space<vmem>> -> memref<128xi32, #tpu.memory_space<vmem>>
        %dma_start3A_1328 = arith.constant 0 : i32
        %dma_start3A_1329 = arith.constant 0 : i32
        %dma_start3A_1330 = tpu.memref_slice %arg3[%dma_start3A_1328, %dma_start3A_1329] : memref<1000000x64xf32, #tpu.memory_space<hbm>> -> memref<1000000x64xf32, #tpu.memory_space<hbm>>
        tpu.enqueue_indirect_dma source(%dma_start3A_1330 : memref<1000000x64xf32, #tpu.memory_space<hbm>>) target(%dma_start3A_1324 : memref<128x64xf32, #tpu.memory_space<vmem>>) offsets(%dma_start3A_1327 : memref<128xi32, #tpu.memory_space<vmem>>) semaphore(%arg10 : memref<!tpu.dma_semaphore, #tpu.memory_space<semaphore_mem>>)
        %dma_start3A_1331 = arith.constant 0 : i32
        %dma_start3A_1332 = arith.constant 1 : i32
        %dma_start3A_1333 = arith.constant 128 : i32
        %dma_start3A_1334 = arith.constant 0 : i32
        %dma_start3A_1335 = tpu.memref_slice %arg6[%dma_start3A_1333, %dma_start3A_1334] : memref<512x64xf32, #tpu.memory_space<vmem>> -> memref<128x64xf32, #tpu.memory_space<vmem>>
        %dma_start3A_1336 = arith.constant 0 : i32
        %dma_start3A_1337 = tpu.memref_slice %arg5[%dma_start3A_1331, %dma_start3A_1332, %dma_start3A_1336] : memref<2x2x128xi32, #tpu.memory_space<vmem>> -> memref<1x1x128xi32, #tpu.memory_space<vmem>>
        %dma_start3A_1338 = tpu.memref_squeeze %dma_start3A_1337 : memref<1x1x128xi32, #tpu.memory_space<vmem>> -> memref<128xi32, #tpu.memory_space<vmem>>
        %dma_start3A_1339 = arith.constant 0 : i32
        %dma_start3A_1340 = arith.constant 0 : i32
        %dma_start3A_1341 = tpu.memref_slice %arg3[%dma_start3A_1339, %dma_start3A_1340] : memref<1000000x64xf32, #tpu.memory_space<hbm>> -> memref<1000000x64xf32, #tpu.memory_space<hbm>>
        tpu.enqueue_indirect_dma source(%dma_start3A_1341 : memref<1000000x64xf32, #tpu.memory_space<hbm>>) target(%dma_start3A_1335 : memref<128x64xf32, #tpu.memory_space<vmem>>) offsets(%dma_start3A_1338 : memref<128xi32, #tpu.memory_space<vmem>>) semaphore(%arg10 : memref<!tpu.dma_semaphore, #tpu.memory_space<semaphore_mem>>)
      } else {
      }
      %ge3A_1003 = arith.constant 1 : i32
      %ge3A_1004 = arith.cmpi sge, %scan3A_641, %ge3A_1003 : i32
      %convert_element_type3A_1005 = arith.extui %ge3A_1004 : i1 to i32
      %cond3A_1006 = arith.constant 0 : i32
      %cond3A_1007 = arith.cmpi ne, %convert_element_type3A_1005, %cond3A_1006 : i32
      scf.if %cond3A_1007 {
        %dma_wait3A_1274 = arith.constant 0 : i32
        %dma_wait3A_1275 = arith.constant 0 : i32
        %dma_wait3A_1276 = arith.constant 0 : i32
        %dma_wait3A_1277 = arith.constant 0 : i32
        %dma_wait3A_1278 = arith.constant 0 : i32
        %dma_wait3A_1279 = tpu.memref_slice %arg7[%dma_wait3A_1277, %dma_wait3A_1278] : memref<256x131xf32, #tpu.memory_space<vmem>> -> memref<8x128xf32, #tpu.memory_space<vmem>>
        %dma_wait3A_1280 = arith.constant 0 : i32
        %dma_wait3A_1281 = arith.constant 0 : i32
        %dma_wait3A_1282 = tpu.memref_slice %arg4[%dma_wait3A_1274, %dma_wait3A_1275, %dma_wait3A_1276, %dma_wait3A_1280, %dma_wait3A_1281] : memref<200x8x128x8x128xf32, #tpu.memory_space<hbm>> -> memref<1x1x1x8x128xf32, #tpu.memory_space<hbm>>
        %dma_wait3A_1283 = tpu.memref_squeeze %dma_wait3A_1282 : memref<1x1x1x8x128xf32, #tpu.memory_space<hbm>> -> memref<8x128xf32, #tpu.memory_space<hbm>>
        %dma_wait3A_1284 = arith.constant 0 : i32
        %dma_wait3A_1285 = arith.constant 0 : i32
        %dma_wait3A_1286 = tpu.memref_slice %arg4[%dma_wait3A_1274, %dma_wait3A_1275, %dma_wait3A_1276, %dma_wait3A_1284, %dma_wait3A_1285] : memref<200x8x128x8x128xf32, #tpu.memory_space<hbm>> -> memref<1x1x1x8x128xf32, #tpu.memory_space<hbm>>
        %dma_wait3A_1287 = tpu.memref_squeeze %dma_wait3A_1286 : memref<1x1x1x8x128xf32, #tpu.memory_space<hbm>> -> memref<8x128xf32, #tpu.memory_space<hbm>>
        %dma_wait3A_1288 = arith.constant 0 : i32
        %dma_wait3A_1289 = arith.constant 0 : i32
        %dma_wait3A_1290 = tpu.memref_slice %arg7[%dma_wait3A_1288, %dma_wait3A_1289] : memref<256x131xf32, #tpu.memory_space<vmem>> -> memref<8x128xf32, #tpu.memory_space<vmem>>
        tpu.wait_dma2 semaphore(%arg13 : memref<!tpu.dma_semaphore, #tpu.memory_space<semaphore_mem>>) src(%dma_wait3A_1290 : memref<8x128xf32, #tpu.memory_space<vmem>>) dst(%dma_wait3A_1287 : memref<8x128xf32, #tpu.memory_space<hbm>>)
        %dma_wait3A_1291 = arith.constant 0 : i32
        %dma_wait3A_1292 = arith.constant 0 : i32
        %dma_wait3A_1293 = arith.constant 0 : i32
        %dma_wait3A_1294 = arith.constant 0 : i32
        %dma_wait3A_1295 = arith.constant 0 : i32
        %dma_wait3A_1296 = tpu.memref_slice %arg7[%dma_wait3A_1294, %dma_wait3A_1295] : memref<256x131xf32, #tpu.memory_space<vmem>> -> memref<8x128xf32, #tpu.memory_space<vmem>>
        %dma_wait3A_1297 = arith.constant 0 : i32
        %dma_wait3A_1298 = arith.constant 0 : i32
        %dma_wait3A_1299 = tpu.memref_slice %arg4[%dma_wait3A_1291, %dma_wait3A_1292, %dma_wait3A_1293, %dma_wait3A_1297, %dma_wait3A_1298] : memref<200x8x128x8x128xf32, #tpu.memory_space<hbm>> -> memref<1x1x1x8x128xf32, #tpu.memory_space<hbm>>
        %dma_wait3A_1300 = tpu.memref_squeeze %dma_wait3A_1299 : memref<1x1x1x8x128xf32, #tpu.memory_space<hbm>> -> memref<8x128xf32, #tpu.memory_space<hbm>>
        %dma_wait3A_1301 = arith.constant 0 : i32
        %dma_wait3A_1302 = arith.constant 0 : i32
        %dma_wait3A_1303 = tpu.memref_slice %arg4[%dma_wait3A_1291, %dma_wait3A_1292, %dma_wait3A_1293, %dma_wait3A_1301, %dma_wait3A_1302] : memref<200x8x128x8x128xf32, #tpu.memory_space<hbm>> -> memref<1x1x1x8x128xf32, #tpu.memory_space<hbm>>
        %dma_wait3A_1304 = tpu.memref_squeeze %dma_wait3A_1303 : memref<1x1x1x8x128xf32, #tpu.memory_space<hbm>> -> memref<8x128xf32, #tpu.memory_space<hbm>>
        %dma_wait3A_1305 = arith.constant 0 : i32
        %dma_wait3A_1306 = arith.constant 0 : i32
        %dma_wait3A_1307 = tpu.memref_slice %arg7[%dma_wait3A_1305, %dma_wait3A_1306] : memref<256x131xf32, #tpu.memory_space<vmem>> -> memref<8x128xf32, #tpu.memory_space<vmem>>
        tpu.wait_dma2 semaphore(%arg13 : memref<!tpu.dma_semaphore, #tpu.memory_space<semaphore_mem>>) src(%dma_wait3A_1307 : memref<8x128xf32, #tpu.memory_space<vmem>>) dst(%dma_wait3A_1304 : memref<8x128xf32, #tpu.memory_space<hbm>>)
        %dma_wait3A_1308 = arith.constant 0 : i32
        %dma_wait3A_1309 = arith.constant 0 : i32
        %dma_wait3A_1310 = arith.constant 0 : i32
        %dma_wait3A_1311 = arith.constant 0 : i32
        %dma_wait3A_1312 = arith.constant 0 : i32
        %dma_wait3A_1313 = tpu.memref_slice %arg7[%dma_wait3A_1311, %dma_wait3A_1312] : memref<256x131xf32, #tpu.memory_space<vmem>> -> memref<8x128xf32, #tpu.memory_space<vmem>>
        %dma_wait3A_1314 = arith.constant 0 : i32
        %dma_wait3A_1315 = arith.constant 0 : i32
        %dma_wait3A_1316 = tpu.memref_slice %arg4[%dma_wait3A_1308, %dma_wait3A_1309, %dma_wait3A_1310, %dma_wait3A_1314, %dma_wait3A_1315] : memref<200x8x128x8x128xf32, #tpu.memory_space<hbm>> -> memref<1x1x1x8x128xf32, #tpu.memory_space<hbm>>
        %dma_wait3A_1317 = tpu.memref_squeeze %dma_wait3A_1316 : memref<1x1x1x8x128xf32, #tpu.memory_space<hbm>> -> memref<8x128xf32, #tpu.memory_space<hbm>>
        %dma_wait3A_1318 = arith.constant 0 : i32
        %dma_wait3A_1319 = arith.constant 0 : i32
        %dma_wait3A_1320 = tpu.memref_slice %arg4[%dma_wait3A_1308, %dma_wait3A_1309, %dma_wait3A_1310, %dma_wait3A_1318, %dma_wait3A_1319] : memref<200x8x128x8x128xf32, #tpu.memory_space<hbm>> -> memref<1x1x1x8x128xf32, #tpu.memory_space<hbm>>
        %dma_wait3A_1321 = tpu.memref_squeeze %dma_wait3A_1320 : memref<1x1x1x8x128xf32, #tpu.memory_space<hbm>> -> memref<8x128xf32, #tpu.memory_space<hbm>>
        %dma_wait3A_1322 = arith.constant 0 : i32
        %dma_wait3A_1323 = arith.constant 0 : i32
        %dma_wait3A_1324 = tpu.memref_slice %arg7[%dma_wait3A_1322, %dma_wait3A_1323] : memref<256x131xf32, #tpu.memory_space<vmem>> -> memref<8x128xf32, #tpu.memory_space<vmem>>
        tpu.wait_dma2 semaphore(%arg13 : memref<!tpu.dma_semaphore, #tpu.memory_space<semaphore_mem>>) src(%dma_wait3A_1324 : memref<8x128xf32, #tpu.memory_space<vmem>>) dst(%dma_wait3A_1321 : memref<8x128xf32, #tpu.memory_space<hbm>>)
        %dma_wait3A_1325 = arith.constant 0 : i32
        %dma_wait3A_1326 = arith.constant 0 : i32
        %dma_wait3A_1327 = arith.constant 0 : i32
        %dma_wait3A_1328 = arith.constant 0 : i32
        %dma_wait3A_1329 = arith.constant 0 : i32
        %dma_wait3A_1330 = tpu.memref_slice %arg7[%dma_wait3A_1328, %dma_wait3A_1329] : memref<256x131xf32, #tpu.memory_space<vmem>> -> memref<8x128xf32, #tpu.memory_space<vmem>>
        %dma_wait3A_1331 = arith.constant 0 : i32
        %dma_wait3A_1332 = arith.constant 0 : i32
        %dma_wait3A_1333 = tpu.memref_slice %arg4[%dma_wait3A_1325, %dma_wait3A_1326, %dma_wait3A_1327, %dma_wait3A_1331, %dma_wait3A_1332] : memref<200x8x128x8x128xf32, #tpu.memory_space<hbm>> -> memref<1x1x1x8x128xf32, #tpu.memory_space<hbm>>
        %dma_wait3A_1334 = tpu.memref_squeeze %dma_wait3A_1333 : memref<1x1x1x8x128xf32, #tpu.memory_space<hbm>> -> memref<8x128xf32, #tpu.memory_space<hbm>>
        %dma_wait3A_1335 = arith.constant 0 : i32
        %dma_wait3A_1336 = arith.constant 0 : i32
        %dma_wait3A_1337 = tpu.memref_slice %arg4[%dma_wait3A_1325, %dma_wait3A_1326, %dma_wait3A_1327, %dma_wait3A_1335, %dma_wait3A_1336] : memref<200x8x128x8x128xf32, #tpu.memory_space<hbm>> -> memref<1x1x1x8x128xf32, #tpu.memory_space<hbm>>
        %dma_wait3A_1338 = tpu.memref_squeeze %dma_wait3A_1337 : memref<1x1x1x8x128xf32, #tpu.memory_space<hbm>> -> memref<8x128xf32, #tpu.memory_space<hbm>>
        %dma_wait3A_1339 = arith.constant 0 : i32
        %dma_wait3A_1340 = arith.constant 0 : i32
        %dma_wait3A_1341 = tpu.memref_slice %arg7[%dma_wait3A_1339, %dma_wait3A_1340] : memref<256x131xf32, #tpu.memory_space<vmem>> -> memref<8x128xf32, #tpu.memory_space<vmem>>
        tpu.wait_dma2 semaphore(%arg13 : memref<!tpu.dma_semaphore, #tpu.memory_space<semaphore_mem>>) src(%dma_wait3A_1341 : memref<8x128xf32, #tpu.memory_space<vmem>>) dst(%dma_wait3A_1338 : memref<8x128xf32, #tpu.memory_space<hbm>>)
        %dma_wait3A_1342 = arith.constant 0 : i32
        %dma_wait3A_1343 = arith.constant 0 : i32
        %dma_wait3A_1344 = arith.constant 0 : i32
        %dma_wait3A_1345 = arith.constant 0 : i32
        %dma_wait3A_1346 = arith.constant 0 : i32
        %dma_wait3A_1347 = tpu.memref_slice %arg7[%dma_wait3A_1345, %dma_wait3A_1346] : memref<256x131xf32, #tpu.memory_space<vmem>> -> memref<8x128xf32, #tpu.memory_space<vmem>>
        %dma_wait3A_1348 = arith.constant 0 : i32
        %dma_wait3A_1349 = arith.constant 0 : i32
        %dma_wait3A_1350 = tpu.memref_slice %arg4[%dma_wait3A_1342, %dma_wait3A_1343, %dma_wait3A_1344, %dma_wait3A_1348, %dma_wait3A_1349] : memref<200x8x128x8x128xf32, #tpu.memory_space<hbm>> -> memref<1x1x1x8x128xf32, #tpu.memory_space<hbm>>
        %dma_wait3A_1351 = tpu.memref_squeeze %dma_wait3A_1350 : memref<1x1x1x8x128xf32, #tpu.memory_space<hbm>> -> memref<8x128xf32, #tpu.memory_space<hbm>>
        %dma_wait3A_1352 = arith.constant 0 : i32
        %dma_wait3A_1353 = arith.constant 0 : i32
        %dma_wait3A_1354 = tpu.memref_slice %arg4[%dma_wait3A_1342, %dma_wait3A_1343, %dma_wait3A_1344, %dma_wait3A_1352, %dma_wait3A_1353] : memref<200x8x128x8x128xf32, #tpu.memory_space<hbm>> -> memref<1x1x1x8x128xf32, #tpu.memory_space<hbm>>
        %dma_wait3A_1355 = tpu.memref_squeeze %dma_wait3A_1354 : memref<1x1x1x8x128xf32, #tpu.memory_space<hbm>> -> memref<8x128xf32, #tpu.memory_space<hbm>>
        %dma_wait3A_1356 = arith.constant 0 : i32
        %dma_wait3A_1357 = arith.constant 0 : i32
        %dma_wait3A_1358 = tpu.memref_slice %arg7[%dma_wait3A_1356, %dma_wait3A_1357] : memref<256x131xf32, #tpu.memory_space<vmem>> -> memref<8x128xf32, #tpu.memory_space<vmem>>
        tpu.wait_dma2 semaphore(%arg13 : memref<!tpu.dma_semaphore, #tpu.memory_space<semaphore_mem>>) src(%dma_wait3A_1358 : memref<8x128xf32, #tpu.memory_space<vmem>>) dst(%dma_wait3A_1355 : memref<8x128xf32, #tpu.memory_space<hbm>>)
        %dma_wait3A_1359 = arith.constant 0 : i32
        %dma_wait3A_1360 = arith.constant 0 : i32
        %dma_wait3A_1361 = arith.constant 0 : i32
        %dma_wait3A_1362 = arith.constant 0 : i32
        %dma_wait3A_1363 = arith.constant 0 : i32
        %dma_wait3A_1364 = tpu.memref_slice %arg7[%dma_wait3A_1362, %dma_wait3A_1363] : memref<256x131xf32, #tpu.memory_space<vmem>> -> memref<8x128xf32, #tpu.memory_space<vmem>>
        %dma_wait3A_1365 = arith.constant 0 : i32
        %dma_wait3A_1366 = arith.constant 0 : i32
        %dma_wait3A_1367 = tpu.memref_slice %arg4[%dma_wait3A_1359, %dma_wait3A_1360, %dma_wait3A_1361, %dma_wait3A_1365, %dma_wait3A_1366] : memref<200x8x128x8x128xf32, #tpu.memory_space<hbm>> -> memref<1x1x1x8x128xf32, #tpu.memory_space<hbm>>
        %dma_wait3A_1368 = tpu.memref_squeeze %dma_wait3A_1367 : memref<1x1x1x8x128xf32, #tpu.memory_space<hbm>> -> memref<8x128xf32, #tpu.memory_space<hbm>>
        %dma_wait3A_1369 = arith.constant 0 : i32
        %dma_wait3A_1370 = arith.constant 0 : i32
        %dma_wait3A_1371 = tpu.memref_slice %arg4[%dma_wait3A_1359, %dma_wait3A_1360, %dma_wait3A_1361, %dma_wait3A_1369, %dma_wait3A_1370] : memref<200x8x128x8x128xf32, #tpu.memory_space<hbm>> -> memref<1x1x1x8x128xf32, #tpu.memory_space<hbm>>
        %dma_wait3A_1372 = tpu.memref_squeeze %dma_wait3A_1371 : memref<1x1x1x8x128xf32, #tpu.memory_space<hbm>> -> memref<8x128xf32, #tpu.memory_space<hbm>>
        %dma_wait3A_1373 = arith.constant 0 : i32
        %dma_wait3A_1374 = arith.constant 0 : i32
        %dma_wait3A_1375 = tpu.memref_slice %arg7[%dma_wait3A_1373, %dma_wait3A_1374] : memref<256x131xf32, #tpu.memory_space<vmem>> -> memref<8x128xf32, #tpu.memory_space<vmem>>
        tpu.wait_dma2 semaphore(%arg13 : memref<!tpu.dma_semaphore, #tpu.memory_space<semaphore_mem>>) src(%dma_wait3A_1375 : memref<8x128xf32, #tpu.memory_space<vmem>>) dst(%dma_wait3A_1372 : memref<8x128xf32, #tpu.memory_space<hbm>>)
        %dma_wait3A_1376 = arith.constant 0 : i32
        %dma_wait3A_1377 = arith.constant 0 : i32
        %dma_wait3A_1378 = arith.constant 0 : i32
        %dma_wait3A_1379 = arith.constant 0 : i32
        %dma_wait3A_1380 = arith.constant 0 : i32
        %dma_wait3A_1381 = tpu.memref_slice %arg7[%dma_wait3A_1379, %dma_wait3A_1380] : memref<256x131xf32, #tpu.memory_space<vmem>> -> memref<8x128xf32, #tpu.memory_space<vmem>>
        %dma_wait3A_1382 = arith.constant 0 : i32
        %dma_wait3A_1383 = arith.constant 0 : i32
        %dma_wait3A_1384 = tpu.memref_slice %arg4[%dma_wait3A_1376, %dma_wait3A_1377, %dma_wait3A_1378, %dma_wait3A_1382, %dma_wait3A_1383] : memref<200x8x128x8x128xf32, #tpu.memory_space<hbm>> -> memref<1x1x1x8x128xf32, #tpu.memory_space<hbm>>
        %dma_wait3A_1385 = tpu.memref_squeeze %dma_wait3A_1384 : memref<1x1x1x8x128xf32, #tpu.memory_space<hbm>> -> memref<8x128xf32, #tpu.memory_space<hbm>>
        %dma_wait3A_1386 = arith.constant 0 : i32
        %dma_wait3A_1387 = arith.constant 0 : i32
        %dma_wait3A_1388 = tpu.memref_slice %arg4[%dma_wait3A_1376, %dma_wait3A_1377, %dma_wait3A_1378, %dma_wait3A_1386, %dma_wait3A_1387] : memref<200x8x128x8x128xf32, #tpu.memory_space<hbm>> -> memref<1x1x1x8x128xf32, #tpu.memory_space<hbm>>
        %dma_wait3A_1389 = tpu.memref_squeeze %dma_wait3A_1388 : memref<1x1x1x8x128xf32, #tpu.memory_space<hbm>> -> memref<8x128xf32, #tpu.memory_space<hbm>>
        %dma_wait3A_1390 = arith.constant 0 : i32
        %dma_wait3A_1391 = arith.constant 0 : i32
        %dma_wait3A_1392 = tpu.memref_slice %arg7[%dma_wait3A_1390, %dma_wait3A_1391] : memref<256x131xf32, #tpu.memory_space<vmem>> -> memref<8x128xf32, #tpu.memory_space<vmem>>
        tpu.wait_dma2 semaphore(%arg13 : memref<!tpu.dma_semaphore, #tpu.memory_space<semaphore_mem>>) src(%dma_wait3A_1392 : memref<8x128xf32, #tpu.memory_space<vmem>>) dst(%dma_wait3A_1389 : memref<8x128xf32, #tpu.memory_space<hbm>>)
        %dma_wait3A_1393 = arith.constant 0 : i32
        %dma_wait3A_1394 = arith.constant 0 : i32
        %dma_wait3A_1395 = arith.constant 0 : i32
        %dma_wait3A_1396 = arith.constant 0 : i32
        %dma_wait3A_1397 = arith.constant 0 : i32
        %dma_wait3A_1398 = tpu.memref_slice %arg7[%dma_wait3A_1396, %dma_wait3A_1397] : memref<256x131xf32, #tpu.memory_space<vmem>> -> memref<8x128xf32, #tpu.memory_space<vmem>>
        %dma_wait3A_1399 = arith.constant 0 : i32
        %dma_wait3A_1400 = arith.constant 0 : i32
        %dma_wait3A_1401 = tpu.memref_slice %arg4[%dma_wait3A_1393, %dma_wait3A_1394, %dma_wait3A_1395, %dma_wait3A_1399, %dma_wait3A_1400] : memref<200x8x128x8x128xf32, #tpu.memory_space<hbm>> -> memref<1x1x1x8x128xf32, #tpu.memory_space<hbm>>
        %dma_wait3A_1402 = tpu.memref_squeeze %dma_wait3A_1401 : memref<1x1x1x8x128xf32, #tpu.memory_space<hbm>> -> memref<8x128xf32, #tpu.memory_space<hbm>>
        %dma_wait3A_1403 = arith.constant 0 : i32
        %dma_wait3A_1404 = arith.constant 0 : i32
        %dma_wait3A_1405 = tpu.memref_slice %arg4[%dma_wait3A_1393, %dma_wait3A_1394, %dma_wait3A_1395, %dma_wait3A_1403, %dma_wait3A_1404] : memref<200x8x128x8x128xf32, #tpu.memory_space<hbm>> -> memref<1x1x1x8x128xf32, #tpu.memory_space<hbm>>
        %dma_wait3A_1406 = tpu.memref_squeeze %dma_wait3A_1405 : memref<1x1x1x8x128xf32, #tpu.memory_space<hbm>> -> memref<8x128xf32, #tpu.memory_space<hbm>>
        %dma_wait3A_1407 = arith.constant 0 : i32
        %dma_wait3A_1408 = arith.constant 0 : i32
        %dma_wait3A_1409 = tpu.memref_slice %arg7[%dma_wait3A_1407, %dma_wait3A_1408] : memref<256x131xf32, #tpu.memory_space<vmem>> -> memref<8x128xf32, #tpu.memory_space<vmem>>
        tpu.wait_dma2 semaphore(%arg13 : memref<!tpu.dma_semaphore, #tpu.memory_space<semaphore_mem>>) src(%dma_wait3A_1409 : memref<8x128xf32, #tpu.memory_space<vmem>>) dst(%dma_wait3A_1406 : memref<8x128xf32, #tpu.memory_space<hbm>>)
        %dma_wait3A_1410 = arith.constant 0 : i32
        %dma_wait3A_1411 = arith.constant 0 : i32
        %dma_wait3A_1412 = arith.constant 0 : i32
        %dma_wait3A_1413 = arith.constant 0 : i32
        %dma_wait3A_1414 = arith.constant 0 : i32
        %dma_wait3A_1415 = tpu.memref_slice %arg7[%dma_wait3A_1413, %dma_wait3A_1414] : memref<256x131xf32, #tpu.memory_space<vmem>> -> memref<8x128xf32, #tpu.memory_space<vmem>>
        %dma_wait3A_1416 = arith.constant 0 : i32
        %dma_wait3A_1417 = arith.constant 0 : i32
        %dma_wait3A_1418 = tpu.memref_slice %arg4[%dma_wait3A_1410, %dma_wait3A_1411, %dma_wait3A_1412, %dma_wait3A_1416, %dma_wait3A_1417] : memref<200x8x128x8x128xf32, #tpu.memory_space<hbm>> -> memref<1x1x1x8x128xf32, #tpu.memory_space<hbm>>
        %dma_wait3A_1419 = tpu.memref_squeeze %dma_wait3A_1418 : memref<1x1x1x8x128xf32, #tpu.memory_space<hbm>> -> memref<8x128xf32, #tpu.memory_space<hbm>>
        %dma_wait3A_1420 = arith.constant 0 : i32
        %dma_wait3A_1421 = arith.constant 0 : i32
        %dma_wait3A_1422 = tpu.memref_slice %arg4[%dma_wait3A_1410, %dma_wait3A_1411, %dma_wait3A_1412, %dma_wait3A_1420, %dma_wait3A_1421] : memref<200x8x128x8x128xf32, #tpu.memory_space<hbm>> -> memref<1x1x1x8x128xf32, #tpu.memory_space<hbm>>
        %dma_wait3A_1423 = tpu.memref_squeeze %dma_wait3A_1422 : memref<1x1x1x8x128xf32, #tpu.memory_space<hbm>> -> memref<8x128xf32, #tpu.memory_space<hbm>>
        %dma_wait3A_1424 = arith.constant 0 : i32
        %dma_wait3A_1425 = arith.constant 0 : i32
        %dma_wait3A_1426 = tpu.memref_slice %arg7[%dma_wait3A_1424, %dma_wait3A_1425] : memref<256x131xf32, #tpu.memory_space<vmem>> -> memref<8x128xf32, #tpu.memory_space<vmem>>
        tpu.wait_dma2 semaphore(%arg13 : memref<!tpu.dma_semaphore, #tpu.memory_space<semaphore_mem>>) src(%dma_wait3A_1426 : memref<8x128xf32, #tpu.memory_space<vmem>>) dst(%dma_wait3A_1423 : memref<8x128xf32, #tpu.memory_space<hbm>>)
        %dma_wait3A_1427 = arith.constant 0 : i32
        %dma_wait3A_1428 = arith.constant 0 : i32
        %dma_wait3A_1429 = arith.constant 0 : i32
        %dma_wait3A_1430 = arith.constant 0 : i32
        %dma_wait3A_1431 = arith.constant 0 : i32
        %dma_wait3A_1432 = tpu.memref_slice %arg7[%dma_wait3A_1430, %dma_wait3A_1431] : memref<256x131xf32, #tpu.memory_space<vmem>> -> memref<8x128xf32, #tpu.memory_space<vmem>>
        %dma_wait3A_1433 = arith.constant 0 : i32
        %dma_wait3A_1434 = arith.constant 0 : i32
        %dma_wait3A_1435 = tpu.memref_slice %arg4[%dma_wait3A_1427, %dma_wait3A_1428, %dma_wait3A_1429, %dma_wait3A_1433, %dma_wait3A_1434] : memref<200x8x128x8x128xf32, #tpu.memory_space<hbm>> -> memref<1x1x1x8x128xf32, #tpu.memory_space<hbm>>
        %dma_wait3A_1436 = tpu.memref_squeeze %dma_wait3A_1435 : memref<1x1x1x8x128xf32, #tpu.memory_space<hbm>> -> memref<8x128xf32, #tpu.memory_space<hbm>>
        %dma_wait3A_1437 = arith.constant 0 : i32
        %dma_wait3A_1438 = arith.constant 0 : i32
        %dma_wait3A_1439 = tpu.memref_slice %arg4[%dma_wait3A_1427, %dma_wait3A_1428, %dma_wait3A_1429, %dma_wait3A_1437, %dma_wait3A_1438] : memref<200x8x128x8x128xf32, #tpu.memory_space<hbm>> -> memref<1x1x1x8x128xf32, #tpu.memory_space<hbm>>
        %dma_wait3A_1440 = tpu.memref_squeeze %dma_wait3A_1439 : memref<1x1x1x8x128xf32, #tpu.memory_space<hbm>> -> memref<8x128xf32, #tpu.memory_space<hbm>>
        %dma_wait3A_1441 = arith.constant 0 : i32
        %dma_wait3A_1442 = arith.constant 0 : i32
        %dma_wait3A_1443 = tpu.memref_slice %arg7[%dma_wait3A_1441, %dma_wait3A_1442] : memref<256x131xf32, #tpu.memory_space<vmem>> -> memref<8x128xf32, #tpu.memory_space<vmem>>
        tpu.wait_dma2 semaphore(%arg13 : memref<!tpu.dma_semaphore, #tpu.memory_space<semaphore_mem>>) src(%dma_wait3A_1443 : memref<8x128xf32, #tpu.memory_space<vmem>>) dst(%dma_wait3A_1440 : memref<8x128xf32, #tpu.memory_space<hbm>>)
        %dma_wait3A_1444 = arith.constant 0 : i32
        %dma_wait3A_1445 = arith.constant 0 : i32
        %dma_wait3A_1446 = arith.constant 0 : i32
        %dma_wait3A_1447 = arith.constant 0 : i32
        %dma_wait3A_1448 = arith.constant 0 : i32
        %dma_wait3A_1449 = tpu.memref_slice %arg7[%dma_wait3A_1447, %dma_wait3A_1448] : memref<256x131xf32, #tpu.memory_space<vmem>> -> memref<8x128xf32, #tpu.memory_space<vmem>>
        %dma_wait3A_1450 = arith.constant 0 : i32
        %dma_wait3A_1451 = arith.constant 0 : i32
        %dma_wait3A_1452 = tpu.memref_slice %arg4[%dma_wait3A_1444, %dma_wait3A_1445, %dma_wait3A_1446, %dma_wait3A_1450, %dma_wait3A_1451] : memref<200x8x128x8x128xf32, #tpu.memory_space<hbm>> -> memref<1x1x1x8x128xf32, #tpu.memory_space<hbm>>
        %dma_wait3A_1453 = tpu.memref_squeeze %dma_wait3A_1452 : memref<1x1x1x8x128xf32, #tpu.memory_space<hbm>> -> memref<8x128xf32, #tpu.memory_space<hbm>>
        %dma_wait3A_1454 = arith.constant 0 : i32
        %dma_wait3A_1455 = arith.constant 0 : i32
        %dma_wait3A_1456 = tpu.memref_slice %arg4[%dma_wait3A_1444, %dma_wait3A_1445, %dma_wait3A_1446, %dma_wait3A_1454, %dma_wait3A_1455] : memref<200x8x128x8x128xf32, #tpu.memory_space<hbm>> -> memref<1x1x1x8x128xf32, #tpu.memory_space<hbm>>
        %dma_wait3A_1457 = tpu.memref_squeeze %dma_wait3A_1456 : memref<1x1x1x8x128xf32, #tpu.memory_space<hbm>> -> memref<8x128xf32, #tpu.memory_space<hbm>>
        %dma_wait3A_1458 = arith.constant 0 : i32
        %dma_wait3A_1459 = arith.constant 0 : i32
        %dma_wait3A_1460 = tpu.memref_slice %arg7[%dma_wait3A_1458, %dma_wait3A_1459] : memref<256x131xf32, #tpu.memory_space<vmem>> -> memref<8x128xf32, #tpu.memory_space<vmem>>
        tpu.wait_dma2 semaphore(%arg13 : memref<!tpu.dma_semaphore, #tpu.memory_space<semaphore_mem>>) src(%dma_wait3A_1460 : memref<8x128xf32, #tpu.memory_space<vmem>>) dst(%dma_wait3A_1457 : memref<8x128xf32, #tpu.memory_space<hbm>>)
        %dma_wait3A_1461 = arith.constant 0 : i32
        %dma_wait3A_1462 = arith.constant 0 : i32
        %dma_wait3A_1463 = arith.constant 0 : i32
        %dma_wait3A_1464 = arith.constant 0 : i32
        %dma_wait3A_1465 = arith.constant 0 : i32
        %dma_wait3A_1466 = tpu.memref_slice %arg7[%dma_wait3A_1464, %dma_wait3A_1465] : memref<256x131xf32, #tpu.memory_space<vmem>> -> memref<8x128xf32, #tpu.memory_space<vmem>>
        %dma_wait3A_1467 = arith.constant 0 : i32
        %dma_wait3A_1468 = arith.constant 0 : i32
        %dma_wait3A_1469 = tpu.memref_slice %arg4[%dma_wait3A_1461, %dma_wait3A_1462, %dma_wait3A_1463, %dma_wait3A_1467, %dma_wait3A_1468] : memref<200x8x128x8x128xf32, #tpu.memory_space<hbm>> -> memref<1x1x1x8x128xf32, #tpu.memory_space<hbm>>
        %dma_wait3A_1470 = tpu.memref_squeeze %dma_wait3A_1469 : memref<1x1x1x8x128xf32, #tpu.memory_space<hbm>> -> memref<8x128xf32, #tpu.memory_space<hbm>>
        %dma_wait3A_1471 = arith.constant 0 : i32
        %dma_wait3A_1472 = arith.constant 0 : i32
        %dma_wait3A_1473 = tpu.memref_slice %arg4[%dma_wait3A_1461, %dma_wait3A_1462, %dma_wait3A_1463, %dma_wait3A_1471, %dma_wait3A_1472] : memref<200x8x128x8x128xf32, #tpu.memory_space<hbm>> -> memref<1x1x1x8x128xf32, #tpu.memory_space<hbm>>
        %dma_wait3A_1474 = tpu.memref_squeeze %dma_wait3A_1473 : memref<1x1x1x8x128xf32, #tpu.memory_space<hbm>> -> memref<8x128xf32, #tpu.memory_space<hbm>>
        %dma_wait3A_1475 = arith.constant 0 : i32
        %dma_wait3A_1476 = arith.constant 0 : i32
        %dma_wait3A_1477 = tpu.memref_slice %arg7[%dma_wait3A_1475, %dma_wait3A_1476] : memref<256x131xf32, #tpu.memory_space<vmem>> -> memref<8x128xf32, #tpu.memory_space<vmem>>
        tpu.wait_dma2 semaphore(%arg13 : memref<!tpu.dma_semaphore, #tpu.memory_space<semaphore_mem>>) src(%dma_wait3A_1477 : memref<8x128xf32, #tpu.memory_space<vmem>>) dst(%dma_wait3A_1474 : memref<8x128xf32, #tpu.memory_space<hbm>>)
        %dma_wait3A_1478 = arith.constant 0 : i32
        %dma_wait3A_1479 = arith.constant 0 : i32
        %dma_wait3A_1480 = arith.constant 0 : i32
        %dma_wait3A_1481 = arith.constant 0 : i32
        %dma_wait3A_1482 = arith.constant 0 : i32
        %dma_wait3A_1483 = tpu.memref_slice %arg7[%dma_wait3A_1481, %dma_wait3A_1482] : memref<256x131xf32, #tpu.memory_space<vmem>> -> memref<8x128xf32, #tpu.memory_space<vmem>>
        %dma_wait3A_1484 = arith.constant 0 : i32
        %dma_wait3A_1485 = arith.constant 0 : i32
        %dma_wait3A_1486 = tpu.memref_slice %arg4[%dma_wait3A_1478, %dma_wait3A_1479, %dma_wait3A_1480, %dma_wait3A_1484, %dma_wait3A_1485] : memref<200x8x128x8x128xf32, #tpu.memory_space<hbm>> -> memref<1x1x1x8x128xf32, #tpu.memory_space<hbm>>
        %dma_wait3A_1487 = tpu.memref_squeeze %dma_wait3A_1486 : memref<1x1x1x8x128xf32, #tpu.memory_space<hbm>> -> memref<8x128xf32, #tpu.memory_space<hbm>>
        %dma_wait3A_1488 = arith.constant 0 : i32
        %dma_wait3A_1489 = arith.constant 0 : i32
        %dma_wait3A_1490 = tpu.memref_slice %arg4[%dma_wait3A_1478, %dma_wait3A_1479, %dma_wait3A_1480, %dma_wait3A_1488, %dma_wait3A_1489] : memref<200x8x128x8x128xf32, #tpu.memory_space<hbm>> -> memref<1x1x1x8x128xf32, #tpu.memory_space<hbm>>
        %dma_wait3A_1491 = tpu.memref_squeeze %dma_wait3A_1490 : memref<1x1x1x8x128xf32, #tpu.memory_space<hbm>> -> memref<8x128xf32, #tpu.memory_space<hbm>>
        %dma_wait3A_1492 = arith.constant 0 : i32
        %dma_wait3A_1493 = arith.constant 0 : i32
        %dma_wait3A_1494 = tpu.memref_slice %arg7[%dma_wait3A_1492, %dma_wait3A_1493] : memref<256x131xf32, #tpu.memory_space<vmem>> -> memref<8x128xf32, #tpu.memory_space<vmem>>
        tpu.wait_dma2 semaphore(%arg13 : memref<!tpu.dma_semaphore, #tpu.memory_space<semaphore_mem>>) src(%dma_wait3A_1494 : memref<8x128xf32, #tpu.memory_space<vmem>>) dst(%dma_wait3A_1491 : memref<8x128xf32, #tpu.memory_space<hbm>>)
        %dma_wait3A_1495 = arith.constant 0 : i32
        %dma_wait3A_1496 = arith.constant 0 : i32
        %dma_wait3A_1497 = arith.constant 0 : i32
        %dma_wait3A_1498 = arith.constant 0 : i32
        %dma_wait3A_1499 = arith.constant 0 : i32
        %dma_wait3A_1500 = tpu.memref_slice %arg7[%dma_wait3A_1498, %dma_wait3A_1499] : memref<256x131xf32, #tpu.memory_space<vmem>> -> memref<8x128xf32, #tpu.memory_space<vmem>>
        %dma_wait3A_1501 = arith.constant 0 : i32
        %dma_wait3A_1502 = arith.constant 0 : i32
        %dma_wait3A_1503 = tpu.memref_slice %arg4[%dma_wait3A_1495, %dma_wait3A_1496, %dma_wait3A_1497, %dma_wait3A_1501, %dma_wait3A_1502] : memref<200x8x128x8x128xf32, #tpu.memory_space<hbm>> -> memref<1x1x1x8x128xf32, #tpu.memory_space<hbm>>
        %dma_wait3A_1504 = tpu.memref_squeeze %dma_wait3A_1503 : memref<1x1x1x8x128xf32, #tpu.memory_space<hbm>> -> memref<8x128xf32, #tpu.memory_space<hbm>>
        %dma_wait3A_1505 = arith.constant 0 : i32
        %dma_wait3A_1506 = arith.constant 0 : i32
        %dma_wait3A_1507 = tpu.memref_slice %arg4[%dma_wait3A_1495, %dma_wait3A_1496, %dma_wait3A_1497, %dma_wait3A_1505, %dma_wait3A_1506] : memref<200x8x128x8x128xf32, #tpu.memory_space<hbm>> -> memref<1x1x1x8x128xf32, #tpu.memory_space<hbm>>
        %dma_wait3A_1508 = tpu.memref_squeeze %dma_wait3A_1507 : memref<1x1x1x8x128xf32, #tpu.memory_space<hbm>> -> memref<8x128xf32, #tpu.memory_space<hbm>>
        %dma_wait3A_1509 = arith.constant 0 : i32
        %dma_wait3A_1510 = arith.constant 0 : i32
        %dma_wait3A_1511 = tpu.memref_slice %arg7[%dma_wait3A_1509, %dma_wait3A_1510] : memref<256x131xf32, #tpu.memory_space<vmem>> -> memref<8x128xf32, #tpu.memory_space<vmem>>
        tpu.wait_dma2 semaphore(%arg13 : memref<!tpu.dma_semaphore, #tpu.memory_space<semaphore_mem>>) src(%dma_wait3A_1511 : memref<8x128xf32, #tpu.memory_space<vmem>>) dst(%dma_wait3A_1508 : memref<8x128xf32, #tpu.memory_space<hbm>>)
        %dma_wait3A_1512 = arith.constant 0 : i32
        %dma_wait3A_1513 = arith.constant 0 : i32
        %dma_wait3A_1514 = arith.constant 0 : i32
        %dma_wait3A_1515 = arith.constant 0 : i32
        %dma_wait3A_1516 = arith.constant 0 : i32
        %dma_wait3A_1517 = tpu.memref_slice %arg7[%dma_wait3A_1515, %dma_wait3A_1516] : memref<256x131xf32, #tpu.memory_space<vmem>> -> memref<8x128xf32, #tpu.memory_space<vmem>>
        %dma_wait3A_1518 = arith.constant 0 : i32
        %dma_wait3A_1519 = arith.constant 0 : i32
        %dma_wait3A_1520 = tpu.memref_slice %arg4[%dma_wait3A_1512, %dma_wait3A_1513, %dma_wait3A_1514, %dma_wait3A_1518, %dma_wait3A_1519] : memref<200x8x128x8x128xf32, #tpu.memory_space<hbm>> -> memref<1x1x1x8x128xf32, #tpu.memory_space<hbm>>
        %dma_wait3A_1521 = tpu.memref_squeeze %dma_wait3A_1520 : memref<1x1x1x8x128xf32, #tpu.memory_space<hbm>> -> memref<8x128xf32, #tpu.memory_space<hbm>>
        %dma_wait3A_1522 = arith.constant 0 : i32
        %dma_wait3A_1523 = arith.constant 0 : i32
        %dma_wait3A_1524 = tpu.memref_slice %arg4[%dma_wait3A_1512, %dma_wait3A_1513, %dma_wait3A_1514, %dma_wait3A_1522, %dma_wait3A_1523] : memref<200x8x128x8x128xf32, #tpu.memory_space<hbm>> -> memref<1x1x1x8x128xf32, #tpu.memory_space<hbm>>
        %dma_wait3A_1525 = tpu.memref_squeeze %dma_wait3A_1524 : memref<1x1x1x8x128xf32, #tpu.memory_space<hbm>> -> memref<8x128xf32, #tpu.memory_space<hbm>>
        %dma_wait3A_1526 = arith.constant 0 : i32
        %dma_wait3A_1527 = arith.constant 0 : i32
        %dma_wait3A_1528 = tpu.memref_slice %arg7[%dma_wait3A_1526, %dma_wait3A_1527] : memref<256x131xf32, #tpu.memory_space<vmem>> -> memref<8x128xf32, #tpu.memory_space<vmem>>
        tpu.wait_dma2 semaphore(%arg13 : memref<!tpu.dma_semaphore, #tpu.memory_space<semaphore_mem>>) src(%dma_wait3A_1528 : memref<8x128xf32, #tpu.memory_space<vmem>>) dst(%dma_wait3A_1525 : memref<8x128xf32, #tpu.memory_space<hbm>>)
        %dma_wait3A_1529 = arith.constant 0 : i32
        %dma_wait3A_1530 = arith.constant 0 : i32
        %dma_wait3A_1531 = arith.constant 0 : i32
        %dma_wait3A_1532 = arith.constant 0 : i32
        %dma_wait3A_1533 = arith.constant 0 : i32
        %dma_wait3A_1534 = tpu.memref_slice %arg7[%dma_wait3A_1532, %dma_wait3A_1533] : memref<256x131xf32, #tpu.memory_space<vmem>> -> memref<8x128xf32, #tpu.memory_space<vmem>>
        %dma_wait3A_1535 = arith.constant 0 : i32
        %dma_wait3A_1536 = arith.constant 0 : i32
        %dma_wait3A_1537 = tpu.memref_slice %arg4[%dma_wait3A_1529, %dma_wait3A_1530, %dma_wait3A_1531, %dma_wait3A_1535, %dma_wait3A_1536] : memref<200x8x128x8x128xf32, #tpu.memory_space<hbm>> -> memref<1x1x1x8x128xf32, #tpu.memory_space<hbm>>
        %dma_wait3A_1538 = tpu.memref_squeeze %dma_wait3A_1537 : memref<1x1x1x8x128xf32, #tpu.memory_space<hbm>> -> memref<8x128xf32, #tpu.memory_space<hbm>>
        %dma_wait3A_1539 = arith.constant 0 : i32
        %dma_wait3A_1540 = arith.constant 0 : i32
        %dma_wait3A_1541 = tpu.memref_slice %arg4[%dma_wait3A_1529, %dma_wait3A_1530, %dma_wait3A_1531, %dma_wait3A_1539, %dma_wait3A_1540] : memref<200x8x128x8x128xf32, #tpu.memory_space<hbm>> -> memref<1x1x1x8x128xf32, #tpu.memory_space<hbm>>
        %dma_wait3A_1542 = tpu.memref_squeeze %dma_wait3A_1541 : memref<1x1x1x8x128xf32, #tpu.memory_space<hbm>> -> memref<8x128xf32, #tpu.memory_space<hbm>>
        %dma_wait3A_1543 = arith.constant 0 : i32
        %dma_wait3A_1544 = arith.constant 0 : i32
        %dma_wait3A_1545 = tpu.memref_slice %arg7[%dma_wait3A_1543, %dma_wait3A_1544] : memref<256x131xf32, #tpu.memory_space<vmem>> -> memref<8x128xf32, #tpu.memory_space<vmem>>
        tpu.wait_dma2 semaphore(%arg13 : memref<!tpu.dma_semaphore, #tpu.memory_space<semaphore_mem>>) src(%dma_wait3A_1545 : memref<8x128xf32, #tpu.memory_space<vmem>>) dst(%dma_wait3A_1542 : memref<8x128xf32, #tpu.memory_space<hbm>>)
      } else {
      }
      %iota3A_1008 = tpu.iota {dimensions = array<i32: 0>} : vector<16xi32>
      %parallel_loop3A_1009 = arith.constant 0 : i32
      %parallel_loop3A_1010 = arith.constant 128 : i32
      %parallel_loop3A_1011 = arith.constant 1 : i32
      scf.for %parallel_loop3A_1274 = %parallel_loop3A_1009 to %parallel_loop3A_1010 step %parallel_loop3A_1011  : i32 {
        %parallel_loop3A_1275 = vector.broadcast %parallel_loop3A_1274 : i32 to vector<16xi32>
        %parallel_loop3A_1276 = arith.constant 256 : i32
        %parallel_loop3A_1277 = arith.addi %parallel_loop3A_1276, %parallel_loop3A_1274 : i32
        %parallel_loop3A_1278 = arith.index_cast %parallel_loop3A_1277 : i32 to index
        %parallel_loop3A_1279 = arith.constant 0 : index
        %parallel_loop3A_1280 = tpu.vector_load %arg6[%parallel_loop3A_1278, %parallel_loop3A_1279] {strides = array<i32>} : memref<512x64xf32, #tpu.memory_space<vmem>>, vector<16xf32>,
        %parallel_loop3A_1281 = arith.constant 128 : i32
        %parallel_loop3A_1282 = vector.broadcast %parallel_loop3A_1281 : i32 to vector<16xi32>
        %parallel_loop3A_1283 = arith.addi %parallel_loop3A_1282, %iota3A_1008 : vector<16xi32>
        %parallel_loop3A_1284 = arith.constant 8.000000e+00 : f32
        %parallel_loop3A_1285 = vector.broadcast %parallel_loop3A_1284 : f32 to vector<16xf32>
        %parallel_loop3A_1286 = arith.mulf %parallel_loop3A_1280, %parallel_loop3A_1285 : vector<16xf32>
        tpu.vector_store_idx %arg7[%parallel_loop3A_1283, %parallel_loop3A_1275], %parallel_loop3A_1286 : memref<256x131xf32, #tpu.memory_space<vmem>>[vector<16xi32>, vector<16xi32>], vector<16xf32>,
        %parallel_loop3A_1287 = arith.constant 256 : i32
        %parallel_loop3A_1288 = arith.addi %parallel_loop3A_1287, %parallel_loop3A_1274 : i32
        %parallel_loop3A_1289 = arith.index_cast %parallel_loop3A_1288 : i32 to index
        %parallel_loop3A_1290 = arith.constant 16 : index
        %parallel_loop3A_1291 = tpu.vector_load %arg6[%parallel_loop3A_1289, %parallel_loop3A_1290] {strides = array<i32>} : memref<512x64xf32, #tpu.memory_space<vmem>>, vector<16xf32>,
        %parallel_loop3A_1292 = arith.constant 144 : i32
        %parallel_loop3A_1293 = vector.broadcast %parallel_loop3A_1292 : i32 to vector<16xi32>
        %parallel_loop3A_1294 = arith.addi %parallel_loop3A_1293, %iota3A_1008 : vector<16xi32>
        %parallel_loop3A_1295 = arith.constant 8.000000e+00 : f32
        %parallel_loop3A_1296 = vector.broadcast %parallel_loop3A_1295 : f32 to vector<16xf32>
        %parallel_loop3A_1297 = arith.mulf %parallel_loop3A_1291, %parallel_loop3A_1296 : vector<16xf32>
        tpu.vector_store_idx %arg7[%parallel_loop3A_1294, %parallel_loop3A_1275], %parallel_loop3A_1297 : memref<256x131xf32, #tpu.memory_space<vmem>>[vector<16xi32>, vector<16xi32>], vector<16xf32>,
        %parallel_loop3A_1298 = arith.constant 256 : i32
        %parallel_loop3A_1299 = arith.addi %parallel_loop3A_1298, %parallel_loop3A_1274 : i32
        %parallel_loop3A_1300 = arith.index_cast %parallel_loop3A_1299 : i32 to index
        %parallel_loop3A_1301 = arith.constant 32 : index
        %parallel_loop3A_1302 = tpu.vector_load %arg6[%parallel_loop3A_1300, %parallel_loop3A_1301] {strides = array<i32>} : memref<512x64xf32, #tpu.memory_space<vmem>>, vector<16xf32>,
        %parallel_loop3A_1303 = arith.constant 160 : i32
        %parallel_loop3A_1304 = vector.broadcast %parallel_loop3A_1303 : i32 to vector<16xi32>
        %parallel_loop3A_1305 = arith.addi %parallel_loop3A_1304, %iota3A_1008 : vector<16xi32>
        %parallel_loop3A_1306 = arith.constant 8.000000e+00 : f32
        %parallel_loop3A_1307 = vector.broadcast %parallel_loop3A_1306 : f32 to vector<16xf32>
        %parallel_loop3A_1308 = arith.mulf %parallel_loop3A_1302, %parallel_loop3A_1307 : vector<16xf32>
        tpu.vector_store_idx %arg7[%parallel_loop3A_1305, %parallel_loop3A_1275], %parallel_loop3A_1308 : memref<256x131xf32, #tpu.memory_space<vmem>>[vector<16xi32>, vector<16xi32>], vector<16xf32>,
        %parallel_loop3A_1309 = arith.constant 256 : i32
        %parallel_loop3A_1310 = arith.addi %parallel_loop3A_1309, %parallel_loop3A_1274 : i32
        %parallel_loop3A_1311 = arith.index_cast %parallel_loop3A_1310 : i32 to index
        %parallel_loop3A_1312 = arith.constant 48 : index
        %parallel_loop3A_1313 = tpu.vector_load %arg6[%parallel_loop3A_1311, %parallel_loop3A_1312] {strides = array<i32>} : memref<512x64xf32, #tpu.memory_space<vmem>>, vector<16xf32>,
        %parallel_loop3A_1314 = arith.constant 176 : i32
        %parallel_loop3A_1315 = vector.broadcast %parallel_loop3A_1314 : i32 to vector<16xi32>
        %parallel_loop3A_1316 = arith.addi %parallel_loop3A_1315, %iota3A_1008 : vector<16xi32>
        %parallel_loop3A_1317 = arith.constant 8.000000e+00 : f32
        %parallel_loop3A_1318 = vector.broadcast %parallel_loop3A_1317 : f32 to vector<16xf32>
        %parallel_loop3A_1319 = arith.mulf %parallel_loop3A_1313, %parallel_loop3A_1318 : vector<16xf32>
        tpu.vector_store_idx %arg7[%parallel_loop3A_1316, %parallel_loop3A_1275], %parallel_loop3A_1319 : memref<256x131xf32, #tpu.memory_space<vmem>>[vector<16xi32>, vector<16xi32>], vector<16xf32>,
        %parallel_loop3A_1320 = arith.constant 384 : i32
        %parallel_loop3A_1321 = arith.addi %parallel_loop3A_1320, %parallel_loop3A_1274 : i32
        %parallel_loop3A_1322 = arith.index_cast %parallel_loop3A_1321 : i32 to index
        %parallel_loop3A_1323 = arith.constant 0 : index
        %parallel_loop3A_1324 = tpu.vector_load %arg6[%parallel_loop3A_1322, %parallel_loop3A_1323] {strides = array<i32>} : memref<512x64xf32, #tpu.memory_space<vmem>>, vector<16xf32>,
        %parallel_loop3A_1325 = arith.constant 192 : i32
        %parallel_loop3A_1326 = vector.broadcast %parallel_loop3A_1325 : i32 to vector<16xi32>
        %parallel_loop3A_1327 = arith.addi %parallel_loop3A_1326, %iota3A_1008 : vector<16xi32>
        %parallel_loop3A_1328 = arith.constant 8.000000e+00 : f32
        %parallel_loop3A_1329 = vector.broadcast %parallel_loop3A_1328 : f32 to vector<16xf32>
        %parallel_loop3A_1330 = arith.mulf %parallel_loop3A_1324, %parallel_loop3A_1329 : vector<16xf32>
        tpu.vector_store_idx %arg7[%parallel_loop3A_1327, %parallel_loop3A_1275], %parallel_loop3A_1330 : memref<256x131xf32, #tpu.memory_space<vmem>>[vector<16xi32>, vector<16xi32>], vector<16xf32>,
        %parallel_loop3A_1331 = arith.constant 384 : i32
        %parallel_loop3A_1332 = arith.addi %parallel_loop3A_1331, %parallel_loop3A_1274 : i32
        %parallel_loop3A_1333 = arith.index_cast %parallel_loop3A_1332 : i32 to index
        %parallel_loop3A_1334 = arith.constant 16 : index
        %parallel_loop3A_1335 = tpu.vector_load %arg6[%parallel_loop3A_1333, %parallel_loop3A_1334] {strides = array<i32>} : memref<512x64xf32, #tpu.memory_space<vmem>>, vector<16xf32>,
        %parallel_loop3A_1336 = arith.constant 208 : i32
        %parallel_loop3A_1337 = vector.broadcast %parallel_loop3A_1336 : i32 to vector<16xi32>
        %parallel_loop3A_1338 = arith.addi %parallel_loop3A_1337, %iota3A_1008 : vector<16xi32>
        %parallel_loop3A_1339 = arith.constant 8.000000e+00 : f32
        %parallel_loop3A_1340 = vector.broadcast %parallel_loop3A_1339 : f32 to vector<16xf32>
        %parallel_loop3A_1341 = arith.mulf %parallel_loop3A_1335, %parallel_loop3A_1340 : vector<16xf32>
        tpu.vector_store_idx %arg7[%parallel_loop3A_1338, %parallel_loop3A_1275], %parallel_loop3A_1341 : memref<256x131xf32, #tpu.memory_space<vmem>>[vector<16xi32>, vector<16xi32>], vector<16xf32>,
        %parallel_loop3A_1342 = arith.constant 384 : i32
        %parallel_loop3A_1343 = arith.addi %parallel_loop3A_1342, %parallel_loop3A_1274 : i32
        %parallel_loop3A_1344 = arith.index_cast %parallel_loop3A_1343 : i32 to index
        %parallel_loop3A_1345 = arith.constant 32 : index
        %parallel_loop3A_1346 = tpu.vector_load %arg6[%parallel_loop3A_1344, %parallel_loop3A_1345] {strides = array<i32>} : memref<512x64xf32, #tpu.memory_space<vmem>>, vector<16xf32>,
        %parallel_loop3A_1347 = arith.constant 224 : i32
        %parallel_loop3A_1348 = vector.broadcast %parallel_loop3A_1347 : i32 to vector<16xi32>
        %parallel_loop3A_1349 = arith.addi %parallel_loop3A_1348, %iota3A_1008 : vector<16xi32>
        %parallel_loop3A_1350 = arith.constant 8.000000e+00 : f32
        %parallel_loop3A_1351 = vector.broadcast %parallel_loop3A_1350 : f32 to vector<16xf32>
        %parallel_loop3A_1352 = arith.mulf %parallel_loop3A_1346, %parallel_loop3A_1351 : vector<16xf32>
        tpu.vector_store_idx %arg7[%parallel_loop3A_1349, %parallel_loop3A_1275], %parallel_loop3A_1352 : memref<256x131xf32, #tpu.memory_space<vmem>>[vector<16xi32>, vector<16xi32>], vector<16xf32>,
        %parallel_loop3A_1353 = arith.constant 384 : i32
        %parallel_loop3A_1354 = arith.addi %parallel_loop3A_1353, %parallel_loop3A_1274 : i32
        %parallel_loop3A_1355 = arith.index_cast %parallel_loop3A_1354 : i32 to index
        %parallel_loop3A_1356 = arith.constant 48 : index
        %parallel_loop3A_1357 = tpu.vector_load %arg6[%parallel_loop3A_1355, %parallel_loop3A_1356] {strides = array<i32>} : memref<512x64xf32, #tpu.memory_space<vmem>>, vector<16xf32>,
        %parallel_loop3A_1358 = arith.constant 240 : i32
        %parallel_loop3A_1359 = vector.broadcast %parallel_loop3A_1358 : i32 to vector<16xi32>
        %parallel_loop3A_1360 = arith.addi %parallel_loop3A_1359, %iota3A_1008 : vector<16xi32>
        %parallel_loop3A_1361 = arith.constant 8.000000e+00 : f32
        %parallel_loop3A_1362 = vector.broadcast %parallel_loop3A_1361 : f32 to vector<16xf32>
        %parallel_loop3A_1363 = arith.mulf %parallel_loop3A_1357, %parallel_loop3A_1362 : vector<16xf32>
        tpu.vector_store_idx %arg7[%parallel_loop3A_1360, %parallel_loop3A_1275], %parallel_loop3A_1363 : memref<256x131xf32, #tpu.memory_space<vmem>>[vector<16xi32>, vector<16xi32>], vector<16xf32>,
      } {sc.loop_unroll_factor = 1 : i64, sc.parallel_access}
      %add3A_1012 = arith.constant 1 : i32
      %add3A_1013 = arith.addi %add3A_644, %add3A_1012 : i32
      %shift_right_arithmetic3A_1014 = arith.constant 9 : i32
      %shift_right_arithmetic3A_1015 = arith.shrsi %add3A_1013, %shift_right_arithmetic3A_1014 : i32
      %shift_right_arithmetic3A_1016 = arith.constant 2 : i32
      %shift_right_arithmetic3A_1017 = arith.shrsi %add3A_1013, %shift_right_arithmetic3A_1016 : i32
      %and3A_1018 = arith.constant 127 : i32
      %and3A_1019 = arith.andi %shift_right_arithmetic3A_1017, %and3A_1018 : i32
      %and3A_1020 = arith.constant 3 : i32
      %and3A_1021 = arith.andi %add3A_1013, %and3A_1020 : i32
      %mul3A_1022 = arith.constant 2 : i32
      %mul3A_1023 = arith.muli %and3A_1021, %mul3A_1022 : i32
      %mul3A_1024 = arith.constant 8 : i32
      %mul3A_1025 = arith.muli %shift_right_arithmetic3A_1015, %mul3A_1024 : i32
      %add3A_1026 = arith.addi %mul3A_1025, %mul3A_1023 : i32
      %add3A_1027 = arith.constant 0 : i32
      %add3A_1028 = arith.addi %add3A_1026, %add3A_1027 : i32
      %dma_start3A_1029 = arith.constant 0 : i32
      %dma_start3A_1030 = arith.constant 128 : i32
      %dma_start3A_1031 = arith.constant 0 : i32
      %dma_start3A_1032 = tpu.memref_slice %arg7[%dma_start3A_1030, %dma_start3A_1031] : memref<256x131xf32, #tpu.memory_space<vmem>> -> memref<8x128xf32, #tpu.memory_space<vmem>>
      %dma_start3A_1033 = arith.constant 0 : i32
      %dma_start3A_1034 = arith.constant 0 : i32
      %dma_start3A_1035 = tpu.memref_slice %arg4[%add3A_1028, %dma_start3A_1029, %and3A_1019, %dma_start3A_1033, %dma_start3A_1034] : memref<200x8x128x8x128xf32, #tpu.memory_space<hbm>> -> memref<1x1x1x8x128xf32, #tpu.memory_space<hbm>>
      %dma_start3A_1036 = tpu.memref_squeeze %dma_start3A_1035 : memref<1x1x1x8x128xf32, #tpu.memory_space<hbm>> -> memref<8x128xf32, #tpu.memory_space<hbm>>
      %dma_start3A_1037 = arith.constant 0 : i32
      %dma_start3A_1038 = arith.constant 0 : i32
      %dma_start3A_1039 = tpu.memref_slice %arg4[%add3A_1028, %dma_start3A_1029, %and3A_1019, %dma_start3A_1037, %dma_start3A_1038] : memref<200x8x128x8x128xf32, #tpu.memory_space<hbm>> -> memref<1x1x1x8x128xf32, #tpu.memory_space<hbm>>
      %dma_start3A_1040 = tpu.memref_squeeze %dma_start3A_1039 : memref<1x1x1x8x128xf32, #tpu.memory_space<hbm>> -> memref<8x128xf32, #tpu.memory_space<hbm>>
      %dma_start3A_1041 = arith.constant 128 : i32
      %dma_start3A_1042 = arith.constant 0 : i32
      %dma_start3A_1043 = tpu.memref_slice %arg7[%dma_start3A_1041, %dma_start3A_1042] : memref<256x131xf32, #tpu.memory_space<vmem>> -> memref<8x128xf32, #tpu.memory_space<vmem>>
      tpu.enqueue_dma source(%dma_start3A_1043 : memref<8x128xf32, #tpu.memory_space<vmem>>) target(%dma_start3A_1040 : memref<8x128xf32, #tpu.memory_space<hbm>>) target_semaphore(%arg13 : memref<!tpu.dma_semaphore, #tpu.memory_space<semaphore_mem>>)
      %dma_start3A_1044 = arith.constant 1 : i32
      %dma_start3A_1045 = arith.constant 136 : i32
      %dma_start3A_1046 = arith.constant 0 : i32
      %dma_start3A_1047 = tpu.memref_slice %arg7[%dma_start3A_1045, %dma_start3A_1046] : memref<256x131xf32, #tpu.memory_space<vmem>> -> memref<8x128xf32, #tpu.memory_space<vmem>>
      %dma_start3A_1048 = arith.constant 0 : i32
      %dma_start3A_1049 = arith.constant 0 : i32
      %dma_start3A_1050 = tpu.memref_slice %arg4[%add3A_1028, %dma_start3A_1044, %and3A_1019, %dma_start3A_1048, %dma_start3A_1049] : memref<200x8x128x8x128xf32, #tpu.memory_space<hbm>> -> memref<1x1x1x8x128xf32, #tpu.memory_space<hbm>>
      %dma_start3A_1051 = tpu.memref_squeeze %dma_start3A_1050 : memref<1x1x1x8x128xf32, #tpu.memory_space<hbm>> -> memref<8x128xf32, #tpu.memory_space<hbm>>
      %dma_start3A_1052 = arith.constant 0 : i32
      %dma_start3A_1053 = arith.constant 0 : i32
      %dma_start3A_1054 = tpu.memref_slice %arg4[%add3A_1028, %dma_start3A_1044, %and3A_1019, %dma_start3A_1052, %dma_start3A_1053] : memref<200x8x128x8x128xf32, #tpu.memory_space<hbm>> -> memref<1x1x1x8x128xf32, #tpu.memory_space<hbm>>
      %dma_start3A_1055 = tpu.memref_squeeze %dma_start3A_1054 : memref<1x1x1x8x128xf32, #tpu.memory_space<hbm>> -> memref<8x128xf32, #tpu.memory_space<hbm>>
      %dma_start3A_1056 = arith.constant 136 : i32
      %dma_start3A_1057 = arith.constant 0 : i32
      %dma_start3A_1058 = tpu.memref_slice %arg7[%dma_start3A_1056, %dma_start3A_1057] : memref<256x131xf32, #tpu.memory_space<vmem>> -> memref<8x128xf32, #tpu.memory_space<vmem>>
      tpu.enqueue_dma source(%dma_start3A_1058 : memref<8x128xf32, #tpu.memory_space<vmem>>) target(%dma_start3A_1055 : memref<8x128xf32, #tpu.memory_space<hbm>>) target_semaphore(%arg13 : memref<!tpu.dma_semaphore, #tpu.memory_space<semaphore_mem>>)
      %dma_start3A_1059 = arith.constant 2 : i32
      %dma_start3A_1060 = arith.constant 144 : i32
      %dma_start3A_1061 = arith.constant 0 : i32
      %dma_start3A_1062 = tpu.memref_slice %arg7[%dma_start3A_1060, %dma_start3A_1061] : memref<256x131xf32, #tpu.memory_space<vmem>> -> memref<8x128xf32, #tpu.memory_space<vmem>>
      %dma_start3A_1063 = arith.constant 0 : i32
      %dma_start3A_1064 = arith.constant 0 : i32
      %dma_start3A_1065 = tpu.memref_slice %arg4[%add3A_1028, %dma_start3A_1059, %and3A_1019, %dma_start3A_1063, %dma_start3A_1064] : memref<200x8x128x8x128xf32, #tpu.memory_space<hbm>> -> memref<1x1x1x8x128xf32, #tpu.memory_space<hbm>>
      %dma_start3A_1066 = tpu.memref_squeeze %dma_start3A_1065 : memref<1x1x1x8x128xf32, #tpu.memory_space<hbm>> -> memref<8x128xf32, #tpu.memory_space<hbm>>
      %dma_start3A_1067 = arith.constant 0 : i32
      %dma_start3A_1068 = arith.constant 0 : i32
      %dma_start3A_1069 = tpu.memref_slice %arg4[%add3A_1028, %dma_start3A_1059, %and3A_1019, %dma_start3A_1067, %dma_start3A_1068] : memref<200x8x128x8x128xf32, #tpu.memory_space<hbm>> -> memref<1x1x1x8x128xf32, #tpu.memory_space<hbm>>
      %dma_start3A_1070 = tpu.memref_squeeze %dma_start3A_1069 : memref<1x1x1x8x128xf32, #tpu.memory_space<hbm>> -> memref<8x128xf32, #tpu.memory_space<hbm>>
      %dma_start3A_1071 = arith.constant 144 : i32
      %dma_start3A_1072 = arith.constant 0 : i32
      %dma_start3A_1073 = tpu.memref_slice %arg7[%dma_start3A_1071, %dma_start3A_1072] : memref<256x131xf32, #tpu.memory_space<vmem>> -> memref<8x128xf32, #tpu.memory_space<vmem>>
      tpu.enqueue_dma source(%dma_start3A_1073 : memref<8x128xf32, #tpu.memory_space<vmem>>) target(%dma_start3A_1070 : memref<8x128xf32, #tpu.memory_space<hbm>>) target_semaphore(%arg13 : memref<!tpu.dma_semaphore, #tpu.memory_space<semaphore_mem>>)
      %dma_start3A_1074 = arith.constant 3 : i32
      %dma_start3A_1075 = arith.constant 152 : i32
      %dma_start3A_1076 = arith.constant 0 : i32
      %dma_start3A_1077 = tpu.memref_slice %arg7[%dma_start3A_1075, %dma_start3A_1076] : memref<256x131xf32, #tpu.memory_space<vmem>> -> memref<8x128xf32, #tpu.memory_space<vmem>>
      %dma_start3A_1078 = arith.constant 0 : i32
      %dma_start3A_1079 = arith.constant 0 : i32
      %dma_start3A_1080 = tpu.memref_slice %arg4[%add3A_1028, %dma_start3A_1074, %and3A_1019, %dma_start3A_1078, %dma_start3A_1079] : memref<200x8x128x8x128xf32, #tpu.memory_space<hbm>> -> memref<1x1x1x8x128xf32, #tpu.memory_space<hbm>>
      %dma_start3A_1081 = tpu.memref_squeeze %dma_start3A_1080 : memref<1x1x1x8x128xf32, #tpu.memory_space<hbm>> -> memref<8x128xf32, #tpu.memory_space<hbm>>
      %dma_start3A_1082 = arith.constant 0 : i32
      %dma_start3A_1083 = arith.constant 0 : i32
      %dma_start3A_1084 = tpu.memref_slice %arg4[%add3A_1028, %dma_start3A_1074, %and3A_1019, %dma_start3A_1082, %dma_start3A_1083] : memref<200x8x128x8x128xf32, #tpu.memory_space<hbm>> -> memref<1x1x1x8x128xf32, #tpu.memory_space<hbm>>
      %dma_start3A_1085 = tpu.memref_squeeze %dma_start3A_1084 : memref<1x1x1x8x128xf32, #tpu.memory_space<hbm>> -> memref<8x128xf32, #tpu.memory_space<hbm>>
      %dma_start3A_1086 = arith.constant 152 : i32
      %dma_start3A_1087 = arith.constant 0 : i32
      %dma_start3A_1088 = tpu.memref_slice %arg7[%dma_start3A_1086, %dma_start3A_1087] : memref<256x131xf32, #tpu.memory_space<vmem>> -> memref<8x128xf32, #tpu.memory_space<vmem>>
      tpu.enqueue_dma source(%dma_start3A_1088 : memref<8x128xf32, #tpu.memory_space<vmem>>) target(%dma_start3A_1085 : memref<8x128xf32, #tpu.memory_space<hbm>>) target_semaphore(%arg13 : memref<!tpu.dma_semaphore, #tpu.memory_space<semaphore_mem>>)
      %dma_start3A_1089 = arith.constant 4 : i32
      %dma_start3A_1090 = arith.constant 160 : i32
      %dma_start3A_1091 = arith.constant 0 : i32
      %dma_start3A_1092 = tpu.memref_slice %arg7[%dma_start3A_1090, %dma_start3A_1091] : memref<256x131xf32, #tpu.memory_space<vmem>> -> memref<8x128xf32, #tpu.memory_space<vmem>>
      %dma_start3A_1093 = arith.constant 0 : i32
      %dma_start3A_1094 = arith.constant 0 : i32
      %dma_start3A_1095 = tpu.memref_slice %arg4[%add3A_1028, %dma_start3A_1089, %and3A_1019, %dma_start3A_1093, %dma_start3A_1094] : memref<200x8x128x8x128xf32, #tpu.memory_space<hbm>> -> memref<1x1x1x8x128xf32, #tpu.memory_space<hbm>>
      %dma_start3A_1096 = tpu.memref_squeeze %dma_start3A_1095 : memref<1x1x1x8x128xf32, #tpu.memory_space<hbm>> -> memref<8x128xf32, #tpu.memory_space<hbm>>
      %dma_start3A_1097 = arith.constant 0 : i32
      %dma_start3A_1098 = arith.constant 0 : i32
      %dma_start3A_1099 = tpu.memref_slice %arg4[%add3A_1028, %dma_start3A_1089, %and3A_1019, %dma_start3A_1097, %dma_start3A_1098] : memref<200x8x128x8x128xf32, #tpu.memory_space<hbm>> -> memref<1x1x1x8x128xf32, #tpu.memory_space<hbm>>
      %dma_start3A_1100 = tpu.memref_squeeze %dma_start3A_1099 : memref<1x1x1x8x128xf32, #tpu.memory_space<hbm>> -> memref<8x128xf32, #tpu.memory_space<hbm>>
      %dma_start3A_1101 = arith.constant 160 : i32
      %dma_start3A_1102 = arith.constant 0 : i32
      %dma_start3A_1103 = tpu.memref_slice %arg7[%dma_start3A_1101, %dma_start3A_1102] : memref<256x131xf32, #tpu.memory_space<vmem>> -> memref<8x128xf32, #tpu.memory_space<vmem>>
      tpu.enqueue_dma source(%dma_start3A_1103 : memref<8x128xf32, #tpu.memory_space<vmem>>) target(%dma_start3A_1100 : memref<8x128xf32, #tpu.memory_space<hbm>>) target_semaphore(%arg13 : memref<!tpu.dma_semaphore, #tpu.memory_space<semaphore_mem>>)
      %dma_start3A_1104 = arith.constant 5 : i32
      %dma_start3A_1105 = arith.constant 168 : i32
      %dma_start3A_1106 = arith.constant 0 : i32
      %dma_start3A_1107 = tpu.memref_slice %arg7[%dma_start3A_1105, %dma_start3A_1106] : memref<256x131xf32, #tpu.memory_space<vmem>> -> memref<8x128xf32, #tpu.memory_space<vmem>>
      %dma_start3A_1108 = arith.constant 0 : i32
      %dma_start3A_1109 = arith.constant 0 : i32
      %dma_start3A_1110 = tpu.memref_slice %arg4[%add3A_1028, %dma_start3A_1104, %and3A_1019, %dma_start3A_1108, %dma_start3A_1109] : memref<200x8x128x8x128xf32, #tpu.memory_space<hbm>> -> memref<1x1x1x8x128xf32, #tpu.memory_space<hbm>>
      %dma_start3A_1111 = tpu.memref_squeeze %dma_start3A_1110 : memref<1x1x1x8x128xf32, #tpu.memory_space<hbm>> -> memref<8x128xf32, #tpu.memory_space<hbm>>
      %dma_start3A_1112 = arith.constant 0 : i32
      %dma_start3A_1113 = arith.constant 0 : i32
      %dma_start3A_1114 = tpu.memref_slice %arg4[%add3A_1028, %dma_start3A_1104, %and3A_1019, %dma_start3A_1112, %dma_start3A_1113] : memref<200x8x128x8x128xf32, #tpu.memory_space<hbm>> -> memref<1x1x1x8x128xf32, #tpu.memory_space<hbm>>
      %dma_start3A_1115 = tpu.memref_squeeze %dma_start3A_1114 : memref<1x1x1x8x128xf32, #tpu.memory_space<hbm>> -> memref<8x128xf32, #tpu.memory_space<hbm>>
      %dma_start3A_1116 = arith.constant 168 : i32
      %dma_start3A_1117 = arith.constant 0 : i32
      %dma_start3A_1118 = tpu.memref_slice %arg7[%dma_start3A_1116, %dma_start3A_1117] : memref<256x131xf32, #tpu.memory_space<vmem>> -> memref<8x128xf32, #tpu.memory_space<vmem>>
      tpu.enqueue_dma source(%dma_start3A_1118 : memref<8x128xf32, #tpu.memory_space<vmem>>) target(%dma_start3A_1115 : memref<8x128xf32, #tpu.memory_space<hbm>>) target_semaphore(%arg13 : memref<!tpu.dma_semaphore, #tpu.memory_space<semaphore_mem>>)
      %dma_start3A_1119 = arith.constant 6 : i32
      %dma_start3A_1120 = arith.constant 176 : i32
      %dma_start3A_1121 = arith.constant 0 : i32
      %dma_start3A_1122 = tpu.memref_slice %arg7[%dma_start3A_1120, %dma_start3A_1121] : memref<256x131xf32, #tpu.memory_space<vmem>> -> memref<8x128xf32, #tpu.memory_space<vmem>>
      %dma_start3A_1123 = arith.constant 0 : i32
      %dma_start3A_1124 = arith.constant 0 : i32
      %dma_start3A_1125 = tpu.memref_slice %arg4[%add3A_1028, %dma_start3A_1119, %and3A_1019, %dma_start3A_1123, %dma_start3A_1124] : memref<200x8x128x8x128xf32, #tpu.memory_space<hbm>> -> memref<1x1x1x8x128xf32, #tpu.memory_space<hbm>>
      %dma_start3A_1126 = tpu.memref_squeeze %dma_start3A_1125 : memref<1x1x1x8x128xf32, #tpu.memory_space<hbm>> -> memref<8x128xf32, #tpu.memory_space<hbm>>
      %dma_start3A_1127 = arith.constant 0 : i32
      %dma_start3A_1128 = arith.constant 0 : i32
      %dma_start3A_1129 = tpu.memref_slice %arg4[%add3A_1028, %dma_start3A_1119, %and3A_1019, %dma_start3A_1127, %dma_start3A_1128] : memref<200x8x128x8x128xf32, #tpu.memory_space<hbm>> -> memref<1x1x1x8x128xf32, #tpu.memory_space<hbm>>
      %dma_start3A_1130 = tpu.memref_squeeze %dma_start3A_1129 : memref<1x1x1x8x128xf32, #tpu.memory_space<hbm>> -> memref<8x128xf32, #tpu.memory_space<hbm>>
      %dma_start3A_1131 = arith.constant 176 : i32
      %dma_start3A_1132 = arith.constant 0 : i32
      %dma_start3A_1133 = tpu.memref_slice %arg7[%dma_start3A_1131, %dma_start3A_1132] : memref<256x131xf32, #tpu.memory_space<vmem>> -> memref<8x128xf32, #tpu.memory_space<vmem>>
      tpu.enqueue_dma source(%dma_start3A_1133 : memref<8x128xf32, #tpu.memory_space<vmem>>) target(%dma_start3A_1130 : memref<8x128xf32, #tpu.memory_space<hbm>>) target_semaphore(%arg13 : memref<!tpu.dma_semaphore, #tpu.memory_space<semaphore_mem>>)
      %dma_start3A_1134 = arith.constant 7 : i32
      %dma_start3A_1135 = arith.constant 184 : i32
      %dma_start3A_1136 = arith.constant 0 : i32
      %dma_start3A_1137 = tpu.memref_slice %arg7[%dma_start3A_1135, %dma_start3A_1136] : memref<256x131xf32, #tpu.memory_space<vmem>> -> memref<8x128xf32, #tpu.memory_space<vmem>>
      %dma_start3A_1138 = arith.constant 0 : i32
      %dma_start3A_1139 = arith.constant 0 : i32
      %dma_start3A_1140 = tpu.memref_slice %arg4[%add3A_1028, %dma_start3A_1134, %and3A_1019, %dma_start3A_1138, %dma_start3A_1139] : memref<200x8x128x8x128xf32, #tpu.memory_space<hbm>> -> memref<1x1x1x8x128xf32, #tpu.memory_space<hbm>>
      %dma_start3A_1141 = tpu.memref_squeeze %dma_start3A_1140 : memref<1x1x1x8x128xf32, #tpu.memory_space<hbm>> -> memref<8x128xf32, #tpu.memory_space<hbm>>
      %dma_start3A_1142 = arith.constant 0 : i32
      %dma_start3A_1143 = arith.constant 0 : i32
      %dma_start3A_1144 = tpu.memref_slice %arg4[%add3A_1028, %dma_start3A_1134, %and3A_1019, %dma_start3A_1142, %dma_start3A_1143] : memref<200x8x128x8x128xf32, #tpu.memory_space<hbm>> -> memref<1x1x1x8x128xf32, #tpu.memory_space<hbm>>
      %dma_start3A_1145 = tpu.memref_squeeze %dma_start3A_1144 : memref<1x1x1x8x128xf32, #tpu.memory_space<hbm>> -> memref<8x128xf32, #tpu.memory_space<hbm>>
      %dma_start3A_1146 = arith.constant 184 : i32
      %dma_start3A_1147 = arith.constant 0 : i32
      %dma_start3A_1148 = tpu.memref_slice %arg7[%dma_start3A_1146, %dma_start3A_1147] : memref<256x131xf32, #tpu.memory_space<vmem>> -> memref<8x128xf32, #tpu.memory_space<vmem>>
      tpu.enqueue_dma source(%dma_start3A_1148 : memref<8x128xf32, #tpu.memory_space<vmem>>) target(%dma_start3A_1145 : memref<8x128xf32, #tpu.memory_space<hbm>>) target_semaphore(%arg13 : memref<!tpu.dma_semaphore, #tpu.memory_space<semaphore_mem>>)
      %mul3A_1149 = arith.constant 8 : i32
      %mul3A_1150 = arith.muli %shift_right_arithmetic3A_1015, %mul3A_1149 : i32
      %add3A_1151 = arith.addi %mul3A_1150, %mul3A_1023 : i32
      %add3A_1152 = arith.constant 1 : i32
      %add3A_1153 = arith.addi %add3A_1151, %add3A_1152 : i32
      %dma_start3A_1154 = arith.constant 0 : i32
      %dma_start3A_1155 = arith.constant 192 : i32
      %dma_start3A_1156 = arith.constant 0 : i32
      %dma_start3A_1157 = tpu.memref_slice %arg7[%dma_start3A_1155, %dma_start3A_1156] : memref<256x131xf32, #tpu.memory_space<vmem>> -> memref<8x128xf32, #tpu.memory_space<vmem>>
      %dma_start3A_1158 = arith.constant 0 : i32
      %dma_start3A_1159 = arith.constant 0 : i32
      %dma_start3A_1160 = tpu.memref_slice %arg4[%add3A_1153, %dma_start3A_1154, %and3A_1019, %dma_start3A_1158, %dma_start3A_1159] : memref<200x8x128x8x128xf32, #tpu.memory_space<hbm>> -> memref<1x1x1x8x128xf32, #tpu.memory_space<hbm>>
      %dma_start3A_1161 = tpu.memref_squeeze %dma_start3A_1160 : memref<1x1x1x8x128xf32, #tpu.memory_space<hbm>> -> memref<8x128xf32, #tpu.memory_space<hbm>>
      %dma_start3A_1162 = arith.constant 0 : i32
      %dma_start3A_1163 = arith.constant 0 : i32
      %dma_start3A_1164 = tpu.memref_slice %arg4[%add3A_1153, %dma_start3A_1154, %and3A_1019, %dma_start3A_1162, %dma_start3A_1163] : memref<200x8x128x8x128xf32, #tpu.memory_space<hbm>> -> memref<1x1x1x8x128xf32, #tpu.memory_space<hbm>>
      %dma_start3A_1165 = tpu.memref_squeeze %dma_start3A_1164 : memref<1x1x1x8x128xf32, #tpu.memory_space<hbm>> -> memref<8x128xf32, #tpu.memory_space<hbm>>
      %dma_start3A_1166 = arith.constant 192 : i32
      %dma_start3A_1167 = arith.constant 0 : i32
      %dma_start3A_1168 = tpu.memref_slice %arg7[%dma_start3A_1166, %dma_start3A_1167] : memref<256x131xf32, #tpu.memory_space<vmem>> -> memref<8x128xf32, #tpu.memory_space<vmem>>
      tpu.enqueue_dma source(%dma_start3A_1168 : memref<8x128xf32, #tpu.memory_space<vmem>>) target(%dma_start3A_1165 : memref<8x128xf32, #tpu.memory_space<hbm>>) target_semaphore(%arg13 : memref<!tpu.dma_semaphore, #tpu.memory_space<semaphore_mem>>)
      %dma_start3A_1169 = arith.constant 1 : i32
      %dma_start3A_1170 = arith.constant 200 : i32
      %dma_start3A_1171 = arith.constant 0 : i32
      %dma_start3A_1172 = tpu.memref_slice %arg7[%dma_start3A_1170, %dma_start3A_1171] : memref<256x131xf32, #tpu.memory_space<vmem>> -> memref<8x128xf32, #tpu.memory_space<vmem>>
      %dma_start3A_1173 = arith.constant 0 : i32
      %dma_start3A_1174 = arith.constant 0 : i32
      %dma_start3A_1175 = tpu.memref_slice %arg4[%add3A_1153, %dma_start3A_1169, %and3A_1019, %dma_start3A_1173, %dma_start3A_1174] : memref<200x8x128x8x128xf32, #tpu.memory_space<hbm>> -> memref<1x1x1x8x128xf32, #tpu.memory_space<hbm>>
      %dma_start3A_1176 = tpu.memref_squeeze %dma_start3A_1175 : memref<1x1x1x8x128xf32, #tpu.memory_space<hbm>> -> memref<8x128xf32, #tpu.memory_space<hbm>>
      %dma_start3A_1177 = arith.constant 0 : i32
      %dma_start3A_1178 = arith.constant 0 : i32
      %dma_start3A_1179 = tpu.memref_slice %arg4[%add3A_1153, %dma_start3A_1169, %and3A_1019, %dma_start3A_1177, %dma_start3A_1178] : memref<200x8x128x8x128xf32, #tpu.memory_space<hbm>> -> memref<1x1x1x8x128xf32, #tpu.memory_space<hbm>>
      %dma_start3A_1180 = tpu.memref_squeeze %dma_start3A_1179 : memref<1x1x1x8x128xf32, #tpu.memory_space<hbm>> -> memref<8x128xf32, #tpu.memory_space<hbm>>
      %dma_start3A_1181 = arith.constant 200 : i32
      %dma_start3A_1182 = arith.constant 0 : i32
      %dma_start3A_1183 = tpu.memref_slice %arg7[%dma_start3A_1181, %dma_start3A_1182] : memref<256x131xf32, #tpu.memory_space<vmem>> -> memref<8x128xf32, #tpu.memory_space<vmem>>
      tpu.enqueue_dma source(%dma_start3A_1183 : memref<8x128xf32, #tpu.memory_space<vmem>>) target(%dma_start3A_1180 : memref<8x128xf32, #tpu.memory_space<hbm>>) target_semaphore(%arg13 : memref<!tpu.dma_semaphore, #tpu.memory_space<semaphore_mem>>)
      %dma_start3A_1184 = arith.constant 2 : i32
      %dma_start3A_1185 = arith.constant 208 : i32
      %dma_start3A_1186 = arith.constant 0 : i32
      %dma_start3A_1187 = tpu.memref_slice %arg7[%dma_start3A_1185, %dma_start3A_1186] : memref<256x131xf32, #tpu.memory_space<vmem>> -> memref<8x128xf32, #tpu.memory_space<vmem>>
      %dma_start3A_1188 = arith.constant 0 : i32
      %dma_start3A_1189 = arith.constant 0 : i32
      %dma_start3A_1190 = tpu.memref_slice %arg4[%add3A_1153, %dma_start3A_1184, %and3A_1019, %dma_start3A_1188, %dma_start3A_1189] : memref<200x8x128x8x128xf32, #tpu.memory_space<hbm>> -> memref<1x1x1x8x128xf32, #tpu.memory_space<hbm>>
      %dma_start3A_1191 = tpu.memref_squeeze %dma_start3A_1190 : memref<1x1x1x8x128xf32, #tpu.memory_space<hbm>> -> memref<8x128xf32, #tpu.memory_space<hbm>>
      %dma_start3A_1192 = arith.constant 0 : i32
      %dma_start3A_1193 = arith.constant 0 : i32
      %dma_start3A_1194 = tpu.memref_slice %arg4[%add3A_1153, %dma_start3A_1184, %and3A_1019, %dma_start3A_1192, %dma_start3A_1193] : memref<200x8x128x8x128xf32, #tpu.memory_space<hbm>> -> memref<1x1x1x8x128xf32, #tpu.memory_space<hbm>>
      %dma_start3A_1195 = tpu.memref_squeeze %dma_start3A_1194 : memref<1x1x1x8x128xf32, #tpu.memory_space<hbm>> -> memref<8x128xf32, #tpu.memory_space<hbm>>
      %dma_start3A_1196 = arith.constant 208 : i32
      %dma_start3A_1197 = arith.constant 0 : i32
      %dma_start3A_1198 = tpu.memref_slice %arg7[%dma_start3A_1196, %dma_start3A_1197] : memref<256x131xf32, #tpu.memory_space<vmem>> -> memref<8x128xf32, #tpu.memory_space<vmem>>
      tpu.enqueue_dma source(%dma_start3A_1198 : memref<8x128xf32, #tpu.memory_space<vmem>>) target(%dma_start3A_1195 : memref<8x128xf32, #tpu.memory_space<hbm>>) target_semaphore(%arg13 : memref<!tpu.dma_semaphore, #tpu.memory_space<semaphore_mem>>)
      %dma_start3A_1199 = arith.constant 3 : i32
      %dma_start3A_1200 = arith.constant 216 : i32
      %dma_start3A_1201 = arith.constant 0 : i32
      %dma_start3A_1202 = tpu.memref_slice %arg7[%dma_start3A_1200, %dma_start3A_1201] : memref<256x131xf32, #tpu.memory_space<vmem>> -> memref<8x128xf32, #tpu.memory_space<vmem>>
      %dma_start3A_1203 = arith.constant 0 : i32
      %dma_start3A_1204 = arith.constant 0 : i32
      %dma_start3A_1205 = tpu.memref_slice %arg4[%add3A_1153, %dma_start3A_1199, %and3A_1019, %dma_start3A_1203, %dma_start3A_1204] : memref<200x8x128x8x128xf32, #tpu.memory_space<hbm>> -> memref<1x1x1x8x128xf32, #tpu.memory_space<hbm>>
      %dma_start3A_1206 = tpu.memref_squeeze %dma_start3A_1205 : memref<1x1x1x8x128xf32, #tpu.memory_space<hbm>> -> memref<8x128xf32, #tpu.memory_space<hbm>>
      %dma_start3A_1207 = arith.constant 0 : i32
      %dma_start3A_1208 = arith.constant 0 : i32
      %dma_start3A_1209 = tpu.memref_slice %arg4[%add3A_1153, %dma_start3A_1199, %and3A_1019, %dma_start3A_1207, %dma_start3A_1208] : memref<200x8x128x8x128xf32, #tpu.memory_space<hbm>> -> memref<1x1x1x8x128xf32, #tpu.memory_space<hbm>>
      %dma_start3A_1210 = tpu.memref_squeeze %dma_start3A_1209 : memref<1x1x1x8x128xf32, #tpu.memory_space<hbm>> -> memref<8x128xf32, #tpu.memory_space<hbm>>
      %dma_start3A_1211 = arith.constant 216 : i32
      %dma_start3A_1212 = arith.constant 0 : i32
      %dma_start3A_1213 = tpu.memref_slice %arg7[%dma_start3A_1211, %dma_start3A_1212] : memref<256x131xf32, #tpu.memory_space<vmem>> -> memref<8x128xf32, #tpu.memory_space<vmem>>
      tpu.enqueue_dma source(%dma_start3A_1213 : memref<8x128xf32, #tpu.memory_space<vmem>>) target(%dma_start3A_1210 : memref<8x128xf32, #tpu.memory_space<hbm>>) target_semaphore(%arg13 : memref<!tpu.dma_semaphore, #tpu.memory_space<semaphore_mem>>)
      %dma_start3A_1214 = arith.constant 4 : i32
      %dma_start3A_1215 = arith.constant 224 : i32
      %dma_start3A_1216 = arith.constant 0 : i32
      %dma_start3A_1217 = tpu.memref_slice %arg7[%dma_start3A_1215, %dma_start3A_1216] : memref<256x131xf32, #tpu.memory_space<vmem>> -> memref<8x128xf32, #tpu.memory_space<vmem>>
      %dma_start3A_1218 = arith.constant 0 : i32
      %dma_start3A_1219 = arith.constant 0 : i32
      %dma_start3A_1220 = tpu.memref_slice %arg4[%add3A_1153, %dma_start3A_1214, %and3A_1019, %dma_start3A_1218, %dma_start3A_1219] : memref<200x8x128x8x128xf32, #tpu.memory_space<hbm>> -> memref<1x1x1x8x128xf32, #tpu.memory_space<hbm>>
      %dma_start3A_1221 = tpu.memref_squeeze %dma_start3A_1220 : memref<1x1x1x8x128xf32, #tpu.memory_space<hbm>> -> memref<8x128xf32, #tpu.memory_space<hbm>>
      %dma_start3A_1222 = arith.constant 0 : i32
      %dma_start3A_1223 = arith.constant 0 : i32
      %dma_start3A_1224 = tpu.memref_slice %arg4[%add3A_1153, %dma_start3A_1214, %and3A_1019, %dma_start3A_1222, %dma_start3A_1223] : memref<200x8x128x8x128xf32, #tpu.memory_space<hbm>> -> memref<1x1x1x8x128xf32, #tpu.memory_space<hbm>>
      %dma_start3A_1225 = tpu.memref_squeeze %dma_start3A_1224 : memref<1x1x1x8x128xf32, #tpu.memory_space<hbm>> -> memref<8x128xf32, #tpu.memory_space<hbm>>
      %dma_start3A_1226 = arith.constant 224 : i32
      %dma_start3A_1227 = arith.constant 0 : i32
      %dma_start3A_1228 = tpu.memref_slice %arg7[%dma_start3A_1226, %dma_start3A_1227] : memref<256x131xf32, #tpu.memory_space<vmem>> -> memref<8x128xf32, #tpu.memory_space<vmem>>
      tpu.enqueue_dma source(%dma_start3A_1228 : memref<8x128xf32, #tpu.memory_space<vmem>>) target(%dma_start3A_1225 : memref<8x128xf32, #tpu.memory_space<hbm>>) target_semaphore(%arg13 : memref<!tpu.dma_semaphore, #tpu.memory_space<semaphore_mem>>)
      %dma_start3A_1229 = arith.constant 5 : i32
      %dma_start3A_1230 = arith.constant 232 : i32
      %dma_start3A_1231 = arith.constant 0 : i32
      %dma_start3A_1232 = tpu.memref_slice %arg7[%dma_start3A_1230, %dma_start3A_1231] : memref<256x131xf32, #tpu.memory_space<vmem>> -> memref<8x128xf32, #tpu.memory_space<vmem>>
      %dma_start3A_1233 = arith.constant 0 : i32
      %dma_start3A_1234 = arith.constant 0 : i32
      %dma_start3A_1235 = tpu.memref_slice %arg4[%add3A_1153, %dma_start3A_1229, %and3A_1019, %dma_start3A_1233, %dma_start3A_1234] : memref<200x8x128x8x128xf32, #tpu.memory_space<hbm>> -> memref<1x1x1x8x128xf32, #tpu.memory_space<hbm>>
      %dma_start3A_1236 = tpu.memref_squeeze %dma_start3A_1235 : memref<1x1x1x8x128xf32, #tpu.memory_space<hbm>> -> memref<8x128xf32, #tpu.memory_space<hbm>>
      %dma_start3A_1237 = arith.constant 0 : i32
      %dma_start3A_1238 = arith.constant 0 : i32
      %dma_start3A_1239 = tpu.memref_slice %arg4[%add3A_1153, %dma_start3A_1229, %and3A_1019, %dma_start3A_1237, %dma_start3A_1238] : memref<200x8x128x8x128xf32, #tpu.memory_space<hbm>> -> memref<1x1x1x8x128xf32, #tpu.memory_space<hbm>>
      %dma_start3A_1240 = tpu.memref_squeeze %dma_start3A_1239 : memref<1x1x1x8x128xf32, #tpu.memory_space<hbm>> -> memref<8x128xf32, #tpu.memory_space<hbm>>
      %dma_start3A_1241 = arith.constant 232 : i32
      %dma_start3A_1242 = arith.constant 0 : i32
      %dma_start3A_1243 = tpu.memref_slice %arg7[%dma_start3A_1241, %dma_start3A_1242] : memref<256x131xf32, #tpu.memory_space<vmem>> -> memref<8x128xf32, #tpu.memory_space<vmem>>
      tpu.enqueue_dma source(%dma_start3A_1243 : memref<8x128xf32, #tpu.memory_space<vmem>>) target(%dma_start3A_1240 : memref<8x128xf32, #tpu.memory_space<hbm>>) target_semaphore(%arg13 : memref<!tpu.dma_semaphore, #tpu.memory_space<semaphore_mem>>)
      %dma_start3A_1244 = arith.constant 6 : i32
      %dma_start3A_1245 = arith.constant 240 : i32
      %dma_start3A_1246 = arith.constant 0 : i32
      %dma_start3A_1247 = tpu.memref_slice %arg7[%dma_start3A_1245, %dma_start3A_1246] : memref<256x131xf32, #tpu.memory_space<vmem>> -> memref<8x128xf32, #tpu.memory_space<vmem>>
      %dma_start3A_1248 = arith.constant 0 : i32
      %dma_start3A_1249 = arith.constant 0 : i32
      %dma_start3A_1250 = tpu.memref_slice %arg4[%add3A_1153, %dma_start3A_1244, %and3A_1019, %dma_start3A_1248, %dma_start3A_1249] : memref<200x8x128x8x128xf32, #tpu.memory_space<hbm>> -> memref<1x1x1x8x128xf32, #tpu.memory_space<hbm>>
      %dma_start3A_1251 = tpu.memref_squeeze %dma_start3A_1250 : memref<1x1x1x8x128xf32, #tpu.memory_space<hbm>> -> memref<8x128xf32, #tpu.memory_space<hbm>>
      %dma_start3A_1252 = arith.constant 0 : i32
      %dma_start3A_1253 = arith.constant 0 : i32
      %dma_start3A_1254 = tpu.memref_slice %arg4[%add3A_1153, %dma_start3A_1244, %and3A_1019, %dma_start3A_1252, %dma_start3A_1253] : memref<200x8x128x8x128xf32, #tpu.memory_space<hbm>> -> memref<1x1x1x8x128xf32, #tpu.memory_space<hbm>>
      %dma_start3A_1255 = tpu.memref_squeeze %dma_start3A_1254 : memref<1x1x1x8x128xf32, #tpu.memory_space<hbm>> -> memref<8x128xf32, #tpu.memory_space<hbm>>
      %dma_start3A_1256 = arith.constant 240 : i32
      %dma_start3A_1257 = arith.constant 0 : i32
      %dma_start3A_1258 = tpu.memref_slice %arg7[%dma_start3A_1256, %dma_start3A_1257] : memref<256x131xf32, #tpu.memory_space<vmem>> -> memref<8x128xf32, #tpu.memory_space<vmem>>
      tpu.enqueue_dma source(%dma_start3A_1258 : memref<8x128xf32, #tpu.memory_space<vmem>>) target(%dma_start3A_1255 : memref<8x128xf32, #tpu.memory_space<hbm>>) target_semaphore(%arg13 : memref<!tpu.dma_semaphore, #tpu.memory_space<semaphore_mem>>)
      %dma_start3A_1259 = arith.constant 7 : i32
      %dma_start3A_1260 = arith.constant 248 : i32
      %dma_start3A_1261 = arith.constant 0 : i32
      %dma_start3A_1262 = tpu.memref_slice %arg7[%dma_start3A_1260, %dma_start3A_1261] : memref<256x131xf32, #tpu.memory_space<vmem>> -> memref<8x128xf32, #tpu.memory_space<vmem>>
      %dma_start3A_1263 = arith.constant 0 : i32
      %dma_start3A_1264 = arith.constant 0 : i32
      %dma_start3A_1265 = tpu.memref_slice %arg4[%add3A_1153, %dma_start3A_1259, %and3A_1019, %dma_start3A_1263, %dma_start3A_1264] : memref<200x8x128x8x128xf32, #tpu.memory_space<hbm>> -> memref<1x1x1x8x128xf32, #tpu.memory_space<hbm>>
      %dma_start3A_1266 = tpu.memref_squeeze %dma_start3A_1265 : memref<1x1x1x8x128xf32, #tpu.memory_space<hbm>> -> memref<8x128xf32, #tpu.memory_space<hbm>>
      %dma_start3A_1267 = arith.constant 0 : i32
      %dma_start3A_1268 = arith.constant 0 : i32
      %dma_start3A_1269 = tpu.memref_slice %arg4[%add3A_1153, %dma_start3A_1259, %and3A_1019, %dma_start3A_1267, %dma_start3A_1268] : memref<200x8x128x8x128xf32, #tpu.memory_space<hbm>> -> memref<1x1x1x8x128xf32, #tpu.memory_space<hbm>>
      %dma_start3A_1270 = tpu.memref_squeeze %dma_start3A_1269 : memref<1x1x1x8x128xf32, #tpu.memory_space<hbm>> -> memref<8x128xf32, #tpu.memory_space<hbm>>
      %dma_start3A_1271 = arith.constant 248 : i32
      %dma_start3A_1272 = arith.constant 0 : i32
      %dma_start3A_1273 = tpu.memref_slice %arg7[%dma_start3A_1271, %dma_start3A_1272] : memref<256x131xf32, #tpu.memory_space<vmem>> -> memref<8x128xf32, #tpu.memory_space<vmem>>
      tpu.enqueue_dma source(%dma_start3A_1273 : memref<8x128xf32, #tpu.memory_space<vmem>>) target(%dma_start3A_1270 : memref<8x128xf32, #tpu.memory_space<hbm>>) target_semaphore(%arg13 : memref<!tpu.dma_semaphore, #tpu.memory_space<semaphore_mem>>)
    }
    %scan3A_96 = arith.constant 200 : i32
    %dma_wait3A_97 = arith.constant 0 : i32
    %dma_wait3A_98 = arith.constant 0 : i32
    %dma_wait3A_99 = arith.constant 0 : i32
    %dma_wait3A_100 = arith.constant 0 : i32
    %dma_wait3A_101 = arith.constant 0 : i32
    %dma_wait3A_102 = tpu.memref_slice %arg7[%dma_wait3A_100, %dma_wait3A_101] : memref<256x131xf32, #tpu.memory_space<vmem>> -> memref<8x128xf32, #tpu.memory_space<vmem>>
    %dma_wait3A_103 = arith.constant 0 : i32
    %dma_wait3A_104 = arith.constant 0 : i32
    %dma_wait3A_105 = tpu.memref_slice %arg4[%dma_wait3A_97, %dma_wait3A_98, %dma_wait3A_99, %dma_wait3A_103, %dma_wait3A_104] : memref<200x8x128x8x128xf32, #tpu.memory_space<hbm>> -> memref<1x1x1x8x128xf32, #tpu.memory_space<hbm>>
    %dma_wait3A_106 = tpu.memref_squeeze %dma_wait3A_105 : memref<1x1x1x8x128xf32, #tpu.memory_space<hbm>> -> memref<8x128xf32, #tpu.memory_space<hbm>>
    %dma_wait3A_107 = arith.constant 0 : i32
    %dma_wait3A_108 = arith.constant 0 : i32
    %dma_wait3A_109 = tpu.memref_slice %arg4[%dma_wait3A_97, %dma_wait3A_98, %dma_wait3A_99, %dma_wait3A_107, %dma_wait3A_108] : memref<200x8x128x8x128xf32, #tpu.memory_space<hbm>> -> memref<1x1x1x8x128xf32, #tpu.memory_space<hbm>>
    %dma_wait3A_110 = tpu.memref_squeeze %dma_wait3A_109 : memref<1x1x1x8x128xf32, #tpu.memory_space<hbm>> -> memref<8x128xf32, #tpu.memory_space<hbm>>
    %dma_wait3A_111 = arith.constant 0 : i32
    %dma_wait3A_112 = arith.constant 0 : i32
    %dma_wait3A_113 = tpu.memref_slice %arg7[%dma_wait3A_111, %dma_wait3A_112] : memref<256x131xf32, #tpu.memory_space<vmem>> -> memref<8x128xf32, #tpu.memory_space<vmem>>
    tpu.wait_dma2 semaphore(%arg12 : memref<!tpu.dma_semaphore, #tpu.memory_space<semaphore_mem>>) src(%dma_wait3A_113 : memref<8x128xf32, #tpu.memory_space<vmem>>) dst(%dma_wait3A_110 : memref<8x128xf32, #tpu.memory_space<hbm>>)
    %dma_wait3A_114 = arith.constant 0 : i32
    %dma_wait3A_115 = arith.constant 0 : i32
    %dma_wait3A_116 = arith.constant 0 : i32
    %dma_wait3A_117 = arith.constant 0 : i32
    %dma_wait3A_118 = arith.constant 0 : i32
    %dma_wait3A_119 = tpu.memref_slice %arg7[%dma_wait3A_117, %dma_wait3A_118] : memref<256x131xf32, #tpu.memory_space<vmem>> -> memref<8x128xf32, #tpu.memory_space<vmem>>
    %dma_wait3A_120 = arith.constant 0 : i32
    %dma_wait3A_121 = arith.constant 0 : i32
    %dma_wait3A_122 = tpu.memref_slice %arg4[%dma_wait3A_114, %dma_wait3A_115, %dma_wait3A_116, %dma_wait3A_120, %dma_wait3A_121] : memref<200x8x128x8x128xf32, #tpu.memory_space<hbm>> -> memref<1x1x1x8x128xf32, #tpu.memory_space<hbm>>
    %dma_wait3A_123 = tpu.memref_squeeze %dma_wait3A_122 : memref<1x1x1x8x128xf32, #tpu.memory_space<hbm>> -> memref<8x128xf32, #tpu.memory_space<hbm>>
    %dma_wait3A_124 = arith.constant 0 : i32
    %dma_wait3A_125 = arith.constant 0 : i32
    %dma_wait3A_126 = tpu.memref_slice %arg4[%dma_wait3A_114, %dma_wait3A_115, %dma_wait3A_116, %dma_wait3A_124, %dma_wait3A_125] : memref<200x8x128x8x128xf32, #tpu.memory_space<hbm>> -> memref<1x1x1x8x128xf32, #tpu.memory_space<hbm>>
    %dma_wait3A_127 = tpu.memref_squeeze %dma_wait3A_126 : memref<1x1x1x8x128xf32, #tpu.memory_space<hbm>> -> memref<8x128xf32, #tpu.memory_space<hbm>>
    %dma_wait3A_128 = arith.constant 0 : i32
    %dma_wait3A_129 = arith.constant 0 : i32
    %dma_wait3A_130 = tpu.memref_slice %arg7[%dma_wait3A_128, %dma_wait3A_129] : memref<256x131xf32, #tpu.memory_space<vmem>> -> memref<8x128xf32, #tpu.memory_space<vmem>>
    tpu.wait_dma2 semaphore(%arg12 : memref<!tpu.dma_semaphore, #tpu.memory_space<semaphore_mem>>) src(%dma_wait3A_130 : memref<8x128xf32, #tpu.memory_space<vmem>>) dst(%dma_wait3A_127 : memref<8x128xf32, #tpu.memory_space<hbm>>)
    %dma_wait3A_131 = arith.constant 0 : i32
    %dma_wait3A_132 = arith.constant 0 : i32
    %dma_wait3A_133 = arith.constant 0 : i32
    %dma_wait3A_134 = arith.constant 0 : i32
    %dma_wait3A_135 = arith.constant 0 : i32
    %dma_wait3A_136 = tpu.memref_slice %arg7[%dma_wait3A_134, %dma_wait3A_135] : memref<256x131xf32, #tpu.memory_space<vmem>> -> memref<8x128xf32, #tpu.memory_space<vmem>>
    %dma_wait3A_137 = arith.constant 0 : i32
    %dma_wait3A_138 = arith.constant 0 : i32
    %dma_wait3A_139 = tpu.memref_slice %arg4[%dma_wait3A_131, %dma_wait3A_132, %dma_wait3A_133, %dma_wait3A_137, %dma_wait3A_138] : memref<200x8x128x8x128xf32, #tpu.memory_space<hbm>> -> memref<1x1x1x8x128xf32, #tpu.memory_space<hbm>>
    %dma_wait3A_140 = tpu.memref_squeeze %dma_wait3A_139 : memref<1x1x1x8x128xf32, #tpu.memory_space<hbm>> -> memref<8x128xf32, #tpu.memory_space<hbm>>
    %dma_wait3A_141 = arith.constant 0 : i32
    %dma_wait3A_142 = arith.constant 0 : i32
    %dma_wait3A_143 = tpu.memref_slice %arg4[%dma_wait3A_131, %dma_wait3A_132, %dma_wait3A_133, %dma_wait3A_141, %dma_wait3A_142] : memref<200x8x128x8x128xf32, #tpu.memory_space<hbm>> -> memref<1x1x1x8x128xf32, #tpu.memory_space<hbm>>
    %dma_wait3A_144 = tpu.memref_squeeze %dma_wait3A_143 : memref<1x1x1x8x128xf32, #tpu.memory_space<hbm>> -> memref<8x128xf32, #tpu.memory_space<hbm>>
    %dma_wait3A_145 = arith.constant 0 : i32
    %dma_wait3A_146 = arith.constant 0 : i32
    %dma_wait3A_147 = tpu.memref_slice %arg7[%dma_wait3A_145, %dma_wait3A_146] : memref<256x131xf32, #tpu.memory_space<vmem>> -> memref<8x128xf32, #tpu.memory_space<vmem>>
    tpu.wait_dma2 semaphore(%arg12 : memref<!tpu.dma_semaphore, #tpu.memory_space<semaphore_mem>>) src(%dma_wait3A_147 : memref<8x128xf32, #tpu.memory_space<vmem>>) dst(%dma_wait3A_144 : memref<8x128xf32, #tpu.memory_space<hbm>>)
    %dma_wait3A_148 = arith.constant 0 : i32
    %dma_wait3A_149 = arith.constant 0 : i32
    %dma_wait3A_150 = arith.constant 0 : i32
    %dma_wait3A_151 = arith.constant 0 : i32
    %dma_wait3A_152 = arith.constant 0 : i32
    %dma_wait3A_153 = tpu.memref_slice %arg7[%dma_wait3A_151, %dma_wait3A_152] : memref<256x131xf32, #tpu.memory_space<vmem>> -> memref<8x128xf32, #tpu.memory_space<vmem>>
    %dma_wait3A_154 = arith.constant 0 : i32
    %dma_wait3A_155 = arith.constant 0 : i32
    %dma_wait3A_156 = tpu.memref_slice %arg4[%dma_wait3A_148, %dma_wait3A_149, %dma_wait3A_150, %dma_wait3A_154, %dma_wait3A_155] : memref<200x8x128x8x128xf32, #tpu.memory_space<hbm>> -> memref<1x1x1x8x128xf32, #tpu.memory_space<hbm>>
    %dma_wait3A_157 = tpu.memref_squeeze %dma_wait3A_156 : memref<1x1x1x8x128xf32, #tpu.memory_space<hbm>> -> memref<8x128xf32, #tpu.memory_space<hbm>>
    %dma_wait3A_158 = arith.constant 0 : i32
    %dma_wait3A_159 = arith.constant 0 : i32
    %dma_wait3A_160 = tpu.memref_slice %arg4[%dma_wait3A_148, %dma_wait3A_149, %dma_wait3A_150, %dma_wait3A_158, %dma_wait3A_159] : memref<200x8x128x8x128xf32, #tpu.memory_space<hbm>> -> memref<1x1x1x8x128xf32, #tpu.memory_space<hbm>>
    %dma_wait3A_161 = tpu.memref_squeeze %dma_wait3A_160 : memref<1x1x1x8x128xf32, #tpu.memory_space<hbm>> -> memref<8x128xf32, #tpu.memory_space<hbm>>
    %dma_wait3A_162 = arith.constant 0 : i32
    %dma_wait3A_163 = arith.constant 0 : i32
    %dma_wait3A_164 = tpu.memref_slice %arg7[%dma_wait3A_162, %dma_wait3A_163] : memref<256x131xf32, #tpu.memory_space<vmem>> -> memref<8x128xf32, #tpu.memory_space<vmem>>
    tpu.wait_dma2 semaphore(%arg12 : memref<!tpu.dma_semaphore, #tpu.memory_space<semaphore_mem>>) src(%dma_wait3A_164 : memref<8x128xf32, #tpu.memory_space<vmem>>) dst(%dma_wait3A_161 : memref<8x128xf32, #tpu.memory_space<hbm>>)
    %dma_wait3A_165 = arith.constant 0 : i32
    %dma_wait3A_166 = arith.constant 0 : i32
    %dma_wait3A_167 = arith.constant 0 : i32
    %dma_wait3A_168 = arith.constant 0 : i32
    %dma_wait3A_169 = arith.constant 0 : i32
    %dma_wait3A_170 = tpu.memref_slice %arg7[%dma_wait3A_168, %dma_wait3A_169] : memref<256x131xf32, #tpu.memory_space<vmem>> -> memref<8x128xf32, #tpu.memory_space<vmem>>
    %dma_wait3A_171 = arith.constant 0 : i32
    %dma_wait3A_172 = arith.constant 0 : i32
    %dma_wait3A_173 = tpu.memref_slice %arg4[%dma_wait3A_165, %dma_wait3A_166, %dma_wait3A_167, %dma_wait3A_171, %dma_wait3A_172] : memref<200x8x128x8x128xf32, #tpu.memory_space<hbm>> -> memref<1x1x1x8x128xf32, #tpu.memory_space<hbm>>
    %dma_wait3A_174 = tpu.memref_squeeze %dma_wait3A_173 : memref<1x1x1x8x128xf32, #tpu.memory_space<hbm>> -> memref<8x128xf32, #tpu.memory_space<hbm>>
    %dma_wait3A_175 = arith.constant 0 : i32
    %dma_wait3A_176 = arith.constant 0 : i32
    %dma_wait3A_177 = tpu.memref_slice %arg4[%dma_wait3A_165, %dma_wait3A_166, %dma_wait3A_167, %dma_wait3A_175, %dma_wait3A_176] : memref<200x8x128x8x128xf32, #tpu.memory_space<hbm>> -> memref<1x1x1x8x128xf32, #tpu.memory_space<hbm>>
    %dma_wait3A_178 = tpu.memref_squeeze %dma_wait3A_177 : memref<1x1x1x8x128xf32, #tpu.memory_space<hbm>> -> memref<8x128xf32, #tpu.memory_space<hbm>>
    %dma_wait3A_179 = arith.constant 0 : i32
    %dma_wait3A_180 = arith.constant 0 : i32
    %dma_wait3A_181 = tpu.memref_slice %arg7[%dma_wait3A_179, %dma_wait3A_180] : memref<256x131xf32, #tpu.memory_space<vmem>> -> memref<8x128xf32, #tpu.memory_space<vmem>>
    tpu.wait_dma2 semaphore(%arg12 : memref<!tpu.dma_semaphore, #tpu.memory_space<semaphore_mem>>) src(%dma_wait3A_181 : memref<8x128xf32, #tpu.memory_space<vmem>>) dst(%dma_wait3A_178 : memref<8x128xf32, #tpu.memory_space<hbm>>)
    %dma_wait3A_182 = arith.constant 0 : i32
    %dma_wait3A_183 = arith.constant 0 : i32
    %dma_wait3A_184 = arith.constant 0 : i32
    %dma_wait3A_185 = arith.constant 0 : i32
    %dma_wait3A_186 = arith.constant 0 : i32
    %dma_wait3A_187 = tpu.memref_slice %arg7[%dma_wait3A_185, %dma_wait3A_186] : memref<256x131xf32, #tpu.memory_space<vmem>> -> memref<8x128xf32, #tpu.memory_space<vmem>>
    %dma_wait3A_188 = arith.constant 0 : i32
    %dma_wait3A_189 = arith.constant 0 : i32
    %dma_wait3A_190 = tpu.memref_slice %arg4[%dma_wait3A_182, %dma_wait3A_183, %dma_wait3A_184, %dma_wait3A_188, %dma_wait3A_189] : memref<200x8x128x8x128xf32, #tpu.memory_space<hbm>> -> memref<1x1x1x8x128xf32, #tpu.memory_space<hbm>>
    %dma_wait3A_191 = tpu.memref_squeeze %dma_wait3A_190 : memref<1x1x1x8x128xf32, #tpu.memory_space<hbm>> -> memref<8x128xf32, #tpu.memory_space<hbm>>
    %dma_wait3A_192 = arith.constant 0 : i32
    %dma_wait3A_193 = arith.constant 0 : i32
    %dma_wait3A_194 = tpu.memref_slice %arg4[%dma_wait3A_182, %dma_wait3A_183, %dma_wait3A_184, %dma_wait3A_192, %dma_wait3A_193] : memref<200x8x128x8x128xf32, #tpu.memory_space<hbm>> -> memref<1x1x1x8x128xf32, #tpu.memory_space<hbm>>
    %dma_wait3A_195 = tpu.memref_squeeze %dma_wait3A_194 : memref<1x1x1x8x128xf32, #tpu.memory_space<hbm>> -> memref<8x128xf32, #tpu.memory_space<hbm>>
    %dma_wait3A_196 = arith.constant 0 : i32
    %dma_wait3A_197 = arith.constant 0 : i32
    %dma_wait3A_198 = tpu.memref_slice %arg7[%dma_wait3A_196, %dma_wait3A_197] : memref<256x131xf32, #tpu.memory_space<vmem>> -> memref<8x128xf32, #tpu.memory_space<vmem>>
    tpu.wait_dma2 semaphore(%arg12 : memref<!tpu.dma_semaphore, #tpu.memory_space<semaphore_mem>>) src(%dma_wait3A_198 : memref<8x128xf32, #tpu.memory_space<vmem>>) dst(%dma_wait3A_195 : memref<8x128xf32, #tpu.memory_space<hbm>>)
    %dma_wait3A_199 = arith.constant 0 : i32
    %dma_wait3A_200 = arith.constant 0 : i32
    %dma_wait3A_201 = arith.constant 0 : i32
    %dma_wait3A_202 = arith.constant 0 : i32
    %dma_wait3A_203 = arith.constant 0 : i32
    %dma_wait3A_204 = tpu.memref_slice %arg7[%dma_wait3A_202, %dma_wait3A_203] : memref<256x131xf32, #tpu.memory_space<vmem>> -> memref<8x128xf32, #tpu.memory_space<vmem>>
    %dma_wait3A_205 = arith.constant 0 : i32
    %dma_wait3A_206 = arith.constant 0 : i32
    %dma_wait3A_207 = tpu.memref_slice %arg4[%dma_wait3A_199, %dma_wait3A_200, %dma_wait3A_201, %dma_wait3A_205, %dma_wait3A_206] : memref<200x8x128x8x128xf32, #tpu.memory_space<hbm>> -> memref<1x1x1x8x128xf32, #tpu.memory_space<hbm>>
    %dma_wait3A_208 = tpu.memref_squeeze %dma_wait3A_207 : memref<1x1x1x8x128xf32, #tpu.memory_space<hbm>> -> memref<8x128xf32, #tpu.memory_space<hbm>>
    %dma_wait3A_209 = arith.constant 0 : i32
    %dma_wait3A_210 = arith.constant 0 : i32
    %dma_wait3A_211 = tpu.memref_slice %arg4[%dma_wait3A_199, %dma_wait3A_200, %dma_wait3A_201, %dma_wait3A_209, %dma_wait3A_210] : memref<200x8x128x8x128xf32, #tpu.memory_space<hbm>> -> memref<1x1x1x8x128xf32, #tpu.memory_space<hbm>>
    %dma_wait3A_212 = tpu.memref_squeeze %dma_wait3A_211 : memref<1x1x1x8x128xf32, #tpu.memory_space<hbm>> -> memref<8x128xf32, #tpu.memory_space<hbm>>
    %dma_wait3A_213 = arith.constant 0 : i32
    %dma_wait3A_214 = arith.constant 0 : i32
    %dma_wait3A_215 = tpu.memref_slice %arg7[%dma_wait3A_213, %dma_wait3A_214] : memref<256x131xf32, #tpu.memory_space<vmem>> -> memref<8x128xf32, #tpu.memory_space<vmem>>
    tpu.wait_dma2 semaphore(%arg12 : memref<!tpu.dma_semaphore, #tpu.memory_space<semaphore_mem>>) src(%dma_wait3A_215 : memref<8x128xf32, #tpu.memory_space<vmem>>) dst(%dma_wait3A_212 : memref<8x128xf32, #tpu.memory_space<hbm>>)
    %dma_wait3A_216 = arith.constant 0 : i32
    %dma_wait3A_217 = arith.constant 0 : i32
    %dma_wait3A_218 = arith.constant 0 : i32
    %dma_wait3A_219 = arith.constant 0 : i32
    %dma_wait3A_220 = arith.constant 0 : i32
    %dma_wait3A_221 = tpu.memref_slice %arg7[%dma_wait3A_219, %dma_wait3A_220] : memref<256x131xf32, #tpu.memory_space<vmem>> -> memref<8x128xf32, #tpu.memory_space<vmem>>
    %dma_wait3A_222 = arith.constant 0 : i32
    %dma_wait3A_223 = arith.constant 0 : i32
    %dma_wait3A_224 = tpu.memref_slice %arg4[%dma_wait3A_216, %dma_wait3A_217, %dma_wait3A_218, %dma_wait3A_222, %dma_wait3A_223] : memref<200x8x128x8x128xf32, #tpu.memory_space<hbm>> -> memref<1x1x1x8x128xf32, #tpu.memory_space<hbm>>
    %dma_wait3A_225 = tpu.memref_squeeze %dma_wait3A_224 : memref<1x1x1x8x128xf32, #tpu.memory_space<hbm>> -> memref<8x128xf32, #tpu.memory_space<hbm>>
    %dma_wait3A_226 = arith.constant 0 : i32
    %dma_wait3A_227 = arith.constant 0 : i32
    %dma_wait3A_228 = tpu.memref_slice %arg4[%dma_wait3A_216, %dma_wait3A_217, %dma_wait3A_218, %dma_wait3A_226, %dma_wait3A_227] : memref<200x8x128x8x128xf32, #tpu.memory_space<hbm>> -> memref<1x1x1x8x128xf32, #tpu.memory_space<hbm>>
    %dma_wait3A_229 = tpu.memref_squeeze %dma_wait3A_228 : memref<1x1x1x8x128xf32, #tpu.memory_space<hbm>> -> memref<8x128xf32, #tpu.memory_space<hbm>>
    %dma_wait3A_230 = arith.constant 0 : i32
    %dma_wait3A_231 = arith.constant 0 : i32
    %dma_wait3A_232 = tpu.memref_slice %arg7[%dma_wait3A_230, %dma_wait3A_231] : memref<256x131xf32, #tpu.memory_space<vmem>> -> memref<8x128xf32, #tpu.memory_space<vmem>>
    tpu.wait_dma2 semaphore(%arg12 : memref<!tpu.dma_semaphore, #tpu.memory_space<semaphore_mem>>) src(%dma_wait3A_232 : memref<8x128xf32, #tpu.memory_space<vmem>>) dst(%dma_wait3A_229 : memref<8x128xf32, #tpu.memory_space<hbm>>)
    %dma_wait3A_233 = arith.constant 0 : i32
    %dma_wait3A_234 = arith.constant 0 : i32
    %dma_wait3A_235 = arith.constant 0 : i32
    %dma_wait3A_236 = arith.constant 0 : i32
    %dma_wait3A_237 = arith.constant 0 : i32
    %dma_wait3A_238 = tpu.memref_slice %arg7[%dma_wait3A_236, %dma_wait3A_237] : memref<256x131xf32, #tpu.memory_space<vmem>> -> memref<8x128xf32, #tpu.memory_space<vmem>>
    %dma_wait3A_239 = arith.constant 0 : i32
    %dma_wait3A_240 = arith.constant 0 : i32
    %dma_wait3A_241 = tpu.memref_slice %arg4[%dma_wait3A_233, %dma_wait3A_234, %dma_wait3A_235, %dma_wait3A_239, %dma_wait3A_240] : memref<200x8x128x8x128xf32, #tpu.memory_space<hbm>> -> memref<1x1x1x8x128xf32, #tpu.memory_space<hbm>>
    %dma_wait3A_242 = tpu.memref_squeeze %dma_wait3A_241 : memref<1x1x1x8x128xf32, #tpu.memory_space<hbm>> -> memref<8x128xf32, #tpu.memory_space<hbm>>
    %dma_wait3A_243 = arith.constant 0 : i32
    %dma_wait3A_244 = arith.constant 0 : i32
    %dma_wait3A_245 = tpu.memref_slice %arg4[%dma_wait3A_233, %dma_wait3A_234, %dma_wait3A_235, %dma_wait3A_243, %dma_wait3A_244] : memref<200x8x128x8x128xf32, #tpu.memory_space<hbm>> -> memref<1x1x1x8x128xf32, #tpu.memory_space<hbm>>
    %dma_wait3A_246 = tpu.memref_squeeze %dma_wait3A_245 : memref<1x1x1x8x128xf32, #tpu.memory_space<hbm>> -> memref<8x128xf32, #tpu.memory_space<hbm>>
    %dma_wait3A_247 = arith.constant 0 : i32
    %dma_wait3A_248 = arith.constant 0 : i32
    %dma_wait3A_249 = tpu.memref_slice %arg7[%dma_wait3A_247, %dma_wait3A_248] : memref<256x131xf32, #tpu.memory_space<vmem>> -> memref<8x128xf32, #tpu.memory_space<vmem>>
    tpu.wait_dma2 semaphore(%arg12 : memref<!tpu.dma_semaphore, #tpu.memory_space<semaphore_mem>>) src(%dma_wait3A_249 : memref<8x128xf32, #tpu.memory_space<vmem>>) dst(%dma_wait3A_246 : memref<8x128xf32, #tpu.memory_space<hbm>>)
    %dma_wait3A_250 = arith.constant 0 : i32
    %dma_wait3A_251 = arith.constant 0 : i32
    %dma_wait3A_252 = arith.constant 0 : i32
    %dma_wait3A_253 = arith.constant 0 : i32
    %dma_wait3A_254 = arith.constant 0 : i32
    %dma_wait3A_255 = tpu.memref_slice %arg7[%dma_wait3A_253, %dma_wait3A_254] : memref<256x131xf32, #tpu.memory_space<vmem>> -> memref<8x128xf32, #tpu.memory_space<vmem>>
    %dma_wait3A_256 = arith.constant 0 : i32
    %dma_wait3A_257 = arith.constant 0 : i32
    %dma_wait3A_258 = tpu.memref_slice %arg4[%dma_wait3A_250, %dma_wait3A_251, %dma_wait3A_252, %dma_wait3A_256, %dma_wait3A_257] : memref<200x8x128x8x128xf32, #tpu.memory_space<hbm>> -> memref<1x1x1x8x128xf32, #tpu.memory_space<hbm>>
    %dma_wait3A_259 = tpu.memref_squeeze %dma_wait3A_258 : memref<1x1x1x8x128xf32, #tpu.memory_space<hbm>> -> memref<8x128xf32, #tpu.memory_space<hbm>>
    %dma_wait3A_260 = arith.constant 0 : i32
    %dma_wait3A_261 = arith.constant 0 : i32
    %dma_wait3A_262 = tpu.memref_slice %arg4[%dma_wait3A_250, %dma_wait3A_251, %dma_wait3A_252, %dma_wait3A_260, %dma_wait3A_261] : memref<200x8x128x8x128xf32, #tpu.memory_space<hbm>> -> memref<1x1x1x8x128xf32, #tpu.memory_space<hbm>>
    %dma_wait3A_263 = tpu.memref_squeeze %dma_wait3A_262 : memref<1x1x1x8x128xf32, #tpu.memory_space<hbm>> -> memref<8x128xf32, #tpu.memory_space<hbm>>
    %dma_wait3A_264 = arith.constant 0 : i32
    %dma_wait3A_265 = arith.constant 0 : i32
    %dma_wait3A_266 = tpu.memref_slice %arg7[%dma_wait3A_264, %dma_wait3A_265] : memref<256x131xf32, #tpu.memory_space<vmem>> -> memref<8x128xf32, #tpu.memory_space<vmem>>
    tpu.wait_dma2 semaphore(%arg12 : memref<!tpu.dma_semaphore, #tpu.memory_space<semaphore_mem>>) src(%dma_wait3A_266 : memref<8x128xf32, #tpu.memory_space<vmem>>) dst(%dma_wait3A_263 : memref<8x128xf32, #tpu.memory_space<hbm>>)
    %dma_wait3A_267 = arith.constant 0 : i32
    %dma_wait3A_268 = arith.constant 0 : i32
    %dma_wait3A_269 = arith.constant 0 : i32
    %dma_wait3A_270 = arith.constant 0 : i32
    %dma_wait3A_271 = arith.constant 0 : i32
    %dma_wait3A_272 = tpu.memref_slice %arg7[%dma_wait3A_270, %dma_wait3A_271] : memref<256x131xf32, #tpu.memory_space<vmem>> -> memref<8x128xf32, #tpu.memory_space<vmem>>
    %dma_wait3A_273 = arith.constant 0 : i32
    %dma_wait3A_274 = arith.constant 0 : i32
    %dma_wait3A_275 = tpu.memref_slice %arg4[%dma_wait3A_267, %dma_wait3A_268, %dma_wait3A_269, %dma_wait3A_273, %dma_wait3A_274] : memref<200x8x128x8x128xf32, #tpu.memory_space<hbm>> -> memref<1x1x1x8x128xf32, #tpu.memory_space<hbm>>
    %dma_wait3A_276 = tpu.memref_squeeze %dma_wait3A_275 : memref<1x1x1x8x128xf32, #tpu.memory_space<hbm>> -> memref<8x128xf32, #tpu.memory_space<hbm>>
    %dma_wait3A_277 = arith.constant 0 : i32
    %dma_wait3A_278 = arith.constant 0 : i32
    %dma_wait3A_279 = tpu.memref_slice %arg4[%dma_wait3A_267, %dma_wait3A_268, %dma_wait3A_269, %dma_wait3A_277, %dma_wait3A_278] : memref<200x8x128x8x128xf32, #tpu.memory_space<hbm>> -> memref<1x1x1x8x128xf32, #tpu.memory_space<hbm>>
    %dma_wait3A_280 = tpu.memref_squeeze %dma_wait3A_279 : memref<1x1x1x8x128xf32, #tpu.memory_space<hbm>> -> memref<8x128xf32, #tpu.memory_space<hbm>>
    %dma_wait3A_281 = arith.constant 0 : i32
    %dma_wait3A_282 = arith.constant 0 : i32
    %dma_wait3A_283 = tpu.memref_slice %arg7[%dma_wait3A_281, %dma_wait3A_282] : memref<256x131xf32, #tpu.memory_space<vmem>> -> memref<8x128xf32, #tpu.memory_space<vmem>>
    tpu.wait_dma2 semaphore(%arg12 : memref<!tpu.dma_semaphore, #tpu.memory_space<semaphore_mem>>) src(%dma_wait3A_283 : memref<8x128xf32, #tpu.memory_space<vmem>>) dst(%dma_wait3A_280 : memref<8x128xf32, #tpu.memory_space<hbm>>)
    %dma_wait3A_284 = arith.constant 0 : i32
    %dma_wait3A_285 = arith.constant 0 : i32
    %dma_wait3A_286 = arith.constant 0 : i32
    %dma_wait3A_287 = arith.constant 0 : i32
    %dma_wait3A_288 = arith.constant 0 : i32
    %dma_wait3A_289 = tpu.memref_slice %arg7[%dma_wait3A_287, %dma_wait3A_288] : memref<256x131xf32, #tpu.memory_space<vmem>> -> memref<8x128xf32, #tpu.memory_space<vmem>>
    %dma_wait3A_290 = arith.constant 0 : i32
    %dma_wait3A_291 = arith.constant 0 : i32
    %dma_wait3A_292 = tpu.memref_slice %arg4[%dma_wait3A_284, %dma_wait3A_285, %dma_wait3A_286, %dma_wait3A_290, %dma_wait3A_291] : memref<200x8x128x8x128xf32, #tpu.memory_space<hbm>> -> memref<1x1x1x8x128xf32, #tpu.memory_space<hbm>>
    %dma_wait3A_293 = tpu.memref_squeeze %dma_wait3A_292 : memref<1x1x1x8x128xf32, #tpu.memory_space<hbm>> -> memref<8x128xf32, #tpu.memory_space<hbm>>
    %dma_wait3A_294 = arith.constant 0 : i32
    %dma_wait3A_295 = arith.constant 0 : i32
    %dma_wait3A_296 = tpu.memref_slice %arg4[%dma_wait3A_284, %dma_wait3A_285, %dma_wait3A_286, %dma_wait3A_294, %dma_wait3A_295] : memref<200x8x128x8x128xf32, #tpu.memory_space<hbm>> -> memref<1x1x1x8x128xf32, #tpu.memory_space<hbm>>
    %dma_wait3A_297 = tpu.memref_squeeze %dma_wait3A_296 : memref<1x1x1x8x128xf32, #tpu.memory_space<hbm>> -> memref<8x128xf32, #tpu.memory_space<hbm>>
    %dma_wait3A_298 = arith.constant 0 : i32
    %dma_wait3A_299 = arith.constant 0 : i32
    %dma_wait3A_300 = tpu.memref_slice %arg7[%dma_wait3A_298, %dma_wait3A_299] : memref<256x131xf32, #tpu.memory_space<vmem>> -> memref<8x128xf32, #tpu.memory_space<vmem>>
    tpu.wait_dma2 semaphore(%arg12 : memref<!tpu.dma_semaphore, #tpu.memory_space<semaphore_mem>>) src(%dma_wait3A_300 : memref<8x128xf32, #tpu.memory_space<vmem>>) dst(%dma_wait3A_297 : memref<8x128xf32, #tpu.memory_space<hbm>>)
    %dma_wait3A_301 = arith.constant 0 : i32
    %dma_wait3A_302 = arith.constant 0 : i32
    %dma_wait3A_303 = arith.constant 0 : i32
    %dma_wait3A_304 = arith.constant 0 : i32
    %dma_wait3A_305 = arith.constant 0 : i32
    %dma_wait3A_306 = tpu.memref_slice %arg7[%dma_wait3A_304, %dma_wait3A_305] : memref<256x131xf32, #tpu.memory_space<vmem>> -> memref<8x128xf32, #tpu.memory_space<vmem>>
    %dma_wait3A_307 = arith.constant 0 : i32
    %dma_wait3A_308 = arith.constant 0 : i32
    %dma_wait3A_309 = tpu.memref_slice %arg4[%dma_wait3A_301, %dma_wait3A_302, %dma_wait3A_303, %dma_wait3A_307, %dma_wait3A_308] : memref<200x8x128x8x128xf32, #tpu.memory_space<hbm>> -> memref<1x1x1x8x128xf32, #tpu.memory_space<hbm>>
    %dma_wait3A_310 = tpu.memref_squeeze %dma_wait3A_309 : memref<1x1x1x8x128xf32, #tpu.memory_space<hbm>> -> memref<8x128xf32, #tpu.memory_space<hbm>>
    %dma_wait3A_311 = arith.constant 0 : i32
    %dma_wait3A_312 = arith.constant 0 : i32
    %dma_wait3A_313 = tpu.memref_slice %arg4[%dma_wait3A_301, %dma_wait3A_302, %dma_wait3A_303, %dma_wait3A_311, %dma_wait3A_312] : memref<200x8x128x8x128xf32, #tpu.memory_space<hbm>> -> memref<1x1x1x8x128xf32, #tpu.memory_space<hbm>>
    %dma_wait3A_314 = tpu.memref_squeeze %dma_wait3A_313 : memref<1x1x1x8x128xf32, #tpu.memory_space<hbm>> -> memref<8x128xf32, #tpu.memory_space<hbm>>
    %dma_wait3A_315 = arith.constant 0 : i32
    %dma_wait3A_316 = arith.constant 0 : i32
    %dma_wait3A_317 = tpu.memref_slice %arg7[%dma_wait3A_315, %dma_wait3A_316] : memref<256x131xf32, #tpu.memory_space<vmem>> -> memref<8x128xf32, #tpu.memory_space<vmem>>
    tpu.wait_dma2 semaphore(%arg12 : memref<!tpu.dma_semaphore, #tpu.memory_space<semaphore_mem>>) src(%dma_wait3A_317 : memref<8x128xf32, #tpu.memory_space<vmem>>) dst(%dma_wait3A_314 : memref<8x128xf32, #tpu.memory_space<hbm>>)
    %dma_wait3A_318 = arith.constant 0 : i32
    %dma_wait3A_319 = arith.constant 0 : i32
    %dma_wait3A_320 = arith.constant 0 : i32
    %dma_wait3A_321 = arith.constant 0 : i32
    %dma_wait3A_322 = arith.constant 0 : i32
    %dma_wait3A_323 = tpu.memref_slice %arg7[%dma_wait3A_321, %dma_wait3A_322] : memref<256x131xf32, #tpu.memory_space<vmem>> -> memref<8x128xf32, #tpu.memory_space<vmem>>
    %dma_wait3A_324 = arith.constant 0 : i32
    %dma_wait3A_325 = arith.constant 0 : i32
    %dma_wait3A_326 = tpu.memref_slice %arg4[%dma_wait3A_318, %dma_wait3A_319, %dma_wait3A_320, %dma_wait3A_324, %dma_wait3A_325] : memref<200x8x128x8x128xf32, #tpu.memory_space<hbm>> -> memref<1x1x1x8x128xf32, #tpu.memory_space<hbm>>
    %dma_wait3A_327 = tpu.memref_squeeze %dma_wait3A_326 : memref<1x1x1x8x128xf32, #tpu.memory_space<hbm>> -> memref<8x128xf32, #tpu.memory_space<hbm>>
    %dma_wait3A_328 = arith.constant 0 : i32
    %dma_wait3A_329 = arith.constant 0 : i32
    %dma_wait3A_330 = tpu.memref_slice %arg4[%dma_wait3A_318, %dma_wait3A_319, %dma_wait3A_320, %dma_wait3A_328, %dma_wait3A_329] : memref<200x8x128x8x128xf32, #tpu.memory_space<hbm>> -> memref<1x1x1x8x128xf32, #tpu.memory_space<hbm>>
    %dma_wait3A_331 = tpu.memref_squeeze %dma_wait3A_330 : memref<1x1x1x8x128xf32, #tpu.memory_space<hbm>> -> memref<8x128xf32, #tpu.memory_space<hbm>>
    %dma_wait3A_332 = arith.constant 0 : i32
    %dma_wait3A_333 = arith.constant 0 : i32
    %dma_wait3A_334 = tpu.memref_slice %arg7[%dma_wait3A_332, %dma_wait3A_333] : memref<256x131xf32, #tpu.memory_space<vmem>> -> memref<8x128xf32, #tpu.memory_space<vmem>>
    tpu.wait_dma2 semaphore(%arg12 : memref<!tpu.dma_semaphore, #tpu.memory_space<semaphore_mem>>) src(%dma_wait3A_334 : memref<8x128xf32, #tpu.memory_space<vmem>>) dst(%dma_wait3A_331 : memref<8x128xf32, #tpu.memory_space<hbm>>)
    %dma_wait3A_335 = arith.constant 0 : i32
    %dma_wait3A_336 = arith.constant 0 : i32
    %dma_wait3A_337 = arith.constant 0 : i32
    %dma_wait3A_338 = arith.constant 0 : i32
    %dma_wait3A_339 = arith.constant 0 : i32
    %dma_wait3A_340 = tpu.memref_slice %arg7[%dma_wait3A_338, %dma_wait3A_339] : memref<256x131xf32, #tpu.memory_space<vmem>> -> memref<8x128xf32, #tpu.memory_space<vmem>>
    %dma_wait3A_341 = arith.constant 0 : i32
    %dma_wait3A_342 = arith.constant 0 : i32
    %dma_wait3A_343 = tpu.memref_slice %arg4[%dma_wait3A_335, %dma_wait3A_336, %dma_wait3A_337, %dma_wait3A_341, %dma_wait3A_342] : memref<200x8x128x8x128xf32, #tpu.memory_space<hbm>> -> memref<1x1x1x8x128xf32, #tpu.memory_space<hbm>>
    %dma_wait3A_344 = tpu.memref_squeeze %dma_wait3A_343 : memref<1x1x1x8x128xf32, #tpu.memory_space<hbm>> -> memref<8x128xf32, #tpu.memory_space<hbm>>
    %dma_wait3A_345 = arith.constant 0 : i32
    %dma_wait3A_346 = arith.constant 0 : i32
    %dma_wait3A_347 = tpu.memref_slice %arg4[%dma_wait3A_335, %dma_wait3A_336, %dma_wait3A_337, %dma_wait3A_345, %dma_wait3A_346] : memref<200x8x128x8x128xf32, #tpu.memory_space<hbm>> -> memref<1x1x1x8x128xf32, #tpu.memory_space<hbm>>
    %dma_wait3A_348 = tpu.memref_squeeze %dma_wait3A_347 : memref<1x1x1x8x128xf32, #tpu.memory_space<hbm>> -> memref<8x128xf32, #tpu.memory_space<hbm>>
    %dma_wait3A_349 = arith.constant 0 : i32
    %dma_wait3A_350 = arith.constant 0 : i32
    %dma_wait3A_351 = tpu.memref_slice %arg7[%dma_wait3A_349, %dma_wait3A_350] : memref<256x131xf32, #tpu.memory_space<vmem>> -> memref<8x128xf32, #tpu.memory_space<vmem>>
    tpu.wait_dma2 semaphore(%arg12 : memref<!tpu.dma_semaphore, #tpu.memory_space<semaphore_mem>>) src(%dma_wait3A_351 : memref<8x128xf32, #tpu.memory_space<vmem>>) dst(%dma_wait3A_348 : memref<8x128xf32, #tpu.memory_space<hbm>>)
    %dma_wait3A_352 = arith.constant 0 : i32
    %dma_wait3A_353 = arith.constant 0 : i32
    %dma_wait3A_354 = arith.constant 0 : i32
    %dma_wait3A_355 = arith.constant 0 : i32
    %dma_wait3A_356 = arith.constant 0 : i32
    %dma_wait3A_357 = tpu.memref_slice %arg7[%dma_wait3A_355, %dma_wait3A_356] : memref<256x131xf32, #tpu.memory_space<vmem>> -> memref<8x128xf32, #tpu.memory_space<vmem>>
    %dma_wait3A_358 = arith.constant 0 : i32
    %dma_wait3A_359 = arith.constant 0 : i32
    %dma_wait3A_360 = tpu.memref_slice %arg4[%dma_wait3A_352, %dma_wait3A_353, %dma_wait3A_354, %dma_wait3A_358, %dma_wait3A_359] : memref<200x8x128x8x128xf32, #tpu.memory_space<hbm>> -> memref<1x1x1x8x128xf32, #tpu.memory_space<hbm>>
    %dma_wait3A_361 = tpu.memref_squeeze %dma_wait3A_360 : memref<1x1x1x8x128xf32, #tpu.memory_space<hbm>> -> memref<8x128xf32, #tpu.memory_space<hbm>>
    %dma_wait3A_362 = arith.constant 0 : i32
    %dma_wait3A_363 = arith.constant 0 : i32
    %dma_wait3A_364 = tpu.memref_slice %arg4[%dma_wait3A_352, %dma_wait3A_353, %dma_wait3A_354, %dma_wait3A_362, %dma_wait3A_363] : memref<200x8x128x8x128xf32, #tpu.memory_space<hbm>> -> memref<1x1x1x8x128xf32, #tpu.memory_space<hbm>>
    %dma_wait3A_365 = tpu.memref_squeeze %dma_wait3A_364 : memref<1x1x1x8x128xf32, #tpu.memory_space<hbm>> -> memref<8x128xf32, #tpu.memory_space<hbm>>
    %dma_wait3A_366 = arith.constant 0 : i32
    %dma_wait3A_367 = arith.constant 0 : i32
    %dma_wait3A_368 = tpu.memref_slice %arg7[%dma_wait3A_366, %dma_wait3A_367] : memref<256x131xf32, #tpu.memory_space<vmem>> -> memref<8x128xf32, #tpu.memory_space<vmem>>
    tpu.wait_dma2 semaphore(%arg12 : memref<!tpu.dma_semaphore, #tpu.memory_space<semaphore_mem>>) src(%dma_wait3A_368 : memref<8x128xf32, #tpu.memory_space<vmem>>) dst(%dma_wait3A_365 : memref<8x128xf32, #tpu.memory_space<hbm>>)
    %dma_wait3A_369 = arith.constant 0 : i32
    %dma_wait3A_370 = arith.constant 0 : i32
    %dma_wait3A_371 = arith.constant 0 : i32
    %dma_wait3A_372 = arith.constant 0 : i32
    %dma_wait3A_373 = arith.constant 0 : i32
    %dma_wait3A_374 = tpu.memref_slice %arg7[%dma_wait3A_372, %dma_wait3A_373] : memref<256x131xf32, #tpu.memory_space<vmem>> -> memref<8x128xf32, #tpu.memory_space<vmem>>
    %dma_wait3A_375 = arith.constant 0 : i32
    %dma_wait3A_376 = arith.constant 0 : i32
    %dma_wait3A_377 = tpu.memref_slice %arg4[%dma_wait3A_369, %dma_wait3A_370, %dma_wait3A_371, %dma_wait3A_375, %dma_wait3A_376] : memref<200x8x128x8x128xf32, #tpu.memory_space<hbm>> -> memref<1x1x1x8x128xf32, #tpu.memory_space<hbm>>
    %dma_wait3A_378 = tpu.memref_squeeze %dma_wait3A_377 : memref<1x1x1x8x128xf32, #tpu.memory_space<hbm>> -> memref<8x128xf32, #tpu.memory_space<hbm>>
    %dma_wait3A_379 = arith.constant 0 : i32
    %dma_wait3A_380 = arith.constant 0 : i32
    %dma_wait3A_381 = tpu.memref_slice %arg4[%dma_wait3A_369, %dma_wait3A_370, %dma_wait3A_371, %dma_wait3A_379, %dma_wait3A_380] : memref<200x8x128x8x128xf32, #tpu.memory_space<hbm>> -> memref<1x1x1x8x128xf32, #tpu.memory_space<hbm>>
    %dma_wait3A_382 = tpu.memref_squeeze %dma_wait3A_381 : memref<1x1x1x8x128xf32, #tpu.memory_space<hbm>> -> memref<8x128xf32, #tpu.memory_space<hbm>>
    %dma_wait3A_383 = arith.constant 0 : i32
    %dma_wait3A_384 = arith.constant 0 : i32
    %dma_wait3A_385 = tpu.memref_slice %arg7[%dma_wait3A_383, %dma_wait3A_384] : memref<256x131xf32, #tpu.memory_space<vmem>> -> memref<8x128xf32, #tpu.memory_space<vmem>>
    tpu.wait_dma2 semaphore(%arg13 : memref<!tpu.dma_semaphore, #tpu.memory_space<semaphore_mem>>) src(%dma_wait3A_385 : memref<8x128xf32, #tpu.memory_space<vmem>>) dst(%dma_wait3A_382 : memref<8x128xf32, #tpu.memory_space<hbm>>)
    %dma_wait3A_386 = arith.constant 0 : i32
    %dma_wait3A_387 = arith.constant 0 : i32
    %dma_wait3A_388 = arith.constant 0 : i32
    %dma_wait3A_389 = arith.constant 0 : i32
    %dma_wait3A_390 = arith.constant 0 : i32
    %dma_wait3A_391 = tpu.memref_slice %arg7[%dma_wait3A_389, %dma_wait3A_390] : memref<256x131xf32, #tpu.memory_space<vmem>> -> memref<8x128xf32, #tpu.memory_space<vmem>>
    %dma_wait3A_392 = arith.constant 0 : i32
    %dma_wait3A_393 = arith.constant 0 : i32
    %dma_wait3A_394 = tpu.memref_slice %arg4[%dma_wait3A_386, %dma_wait3A_387, %dma_wait3A_388, %dma_wait3A_392, %dma_wait3A_393] : memref<200x8x128x8x128xf32, #tpu.memory_space<hbm>> -> memref<1x1x1x8x128xf32, #tpu.memory_space<hbm>>
    %dma_wait3A_395 = tpu.memref_squeeze %dma_wait3A_394 : memref<1x1x1x8x128xf32, #tpu.memory_space<hbm>> -> memref<8x128xf32, #tpu.memory_space<hbm>>
    %dma_wait3A_396 = arith.constant 0 : i32
    %dma_wait3A_397 = arith.constant 0 : i32
    %dma_wait3A_398 = tpu.memref_slice %arg4[%dma_wait3A_386, %dma_wait3A_387, %dma_wait3A_388, %dma_wait3A_396, %dma_wait3A_397] : memref<200x8x128x8x128xf32, #tpu.memory_space<hbm>> -> memref<1x1x1x8x128xf32, #tpu.memory_space<hbm>>
    %dma_wait3A_399 = tpu.memref_squeeze %dma_wait3A_398 : memref<1x1x1x8x128xf32, #tpu.memory_space<hbm>> -> memref<8x128xf32, #tpu.memory_space<hbm>>
    %dma_wait3A_400 = arith.constant 0 : i32
    %dma_wait3A_401 = arith.constant 0 : i32
    %dma_wait3A_402 = tpu.memref_slice %arg7[%dma_wait3A_400, %dma_wait3A_401] : memref<256x131xf32, #tpu.memory_space<vmem>> -> memref<8x128xf32, #tpu.memory_space<vmem>>
    tpu.wait_dma2 semaphore(%arg13 : memref<!tpu.dma_semaphore, #tpu.memory_space<semaphore_mem>>) src(%dma_wait3A_402 : memref<8x128xf32, #tpu.memory_space<vmem>>) dst(%dma_wait3A_399 : memref<8x128xf32, #tpu.memory_space<hbm>>)
    %dma_wait3A_403 = arith.constant 0 : i32
    %dma_wait3A_404 = arith.constant 0 : i32
    %dma_wait3A_405 = arith.constant 0 : i32
    %dma_wait3A_406 = arith.constant 0 : i32
    %dma_wait3A_407 = arith.constant 0 : i32
    %dma_wait3A_408 = tpu.memref_slice %arg7[%dma_wait3A_406, %dma_wait3A_407] : memref<256x131xf32, #tpu.memory_space<vmem>> -> memref<8x128xf32, #tpu.memory_space<vmem>>
    %dma_wait3A_409 = arith.constant 0 : i32
    %dma_wait3A_410 = arith.constant 0 : i32
    %dma_wait3A_411 = tpu.memref_slice %arg4[%dma_wait3A_403, %dma_wait3A_404, %dma_wait3A_405, %dma_wait3A_409, %dma_wait3A_410] : memref<200x8x128x8x128xf32, #tpu.memory_space<hbm>> -> memref<1x1x1x8x128xf32, #tpu.memory_space<hbm>>
    %dma_wait3A_412 = tpu.memref_squeeze %dma_wait3A_411 : memref<1x1x1x8x128xf32, #tpu.memory_space<hbm>> -> memref<8x128xf32, #tpu.memory_space<hbm>>
    %dma_wait3A_413 = arith.constant 0 : i32
    %dma_wait3A_414 = arith.constant 0 : i32
    %dma_wait3A_415 = tpu.memref_slice %arg4[%dma_wait3A_403, %dma_wait3A_404, %dma_wait3A_405, %dma_wait3A_413, %dma_wait3A_414] : memref<200x8x128x8x128xf32, #tpu.memory_space<hbm>> -> memref<1x1x1x8x128xf32, #tpu.memory_space<hbm>>
    %dma_wait3A_416 = tpu.memref_squeeze %dma_wait3A_415 : memref<1x1x1x8x128xf32, #tpu.memory_space<hbm>> -> memref<8x128xf32, #tpu.memory_space<hbm>>
    %dma_wait3A_417 = arith.constant 0 : i32
    %dma_wait3A_418 = arith.constant 0 : i32
    %dma_wait3A_419 = tpu.memref_slice %arg7[%dma_wait3A_417, %dma_wait3A_418] : memref<256x131xf32, #tpu.memory_space<vmem>> -> memref<8x128xf32, #tpu.memory_space<vmem>>
    tpu.wait_dma2 semaphore(%arg13 : memref<!tpu.dma_semaphore, #tpu.memory_space<semaphore_mem>>) src(%dma_wait3A_419 : memref<8x128xf32, #tpu.memory_space<vmem>>) dst(%dma_wait3A_416 : memref<8x128xf32, #tpu.memory_space<hbm>>)
    %dma_wait3A_420 = arith.constant 0 : i32
    %dma_wait3A_421 = arith.constant 0 : i32
    %dma_wait3A_422 = arith.constant 0 : i32
    %dma_wait3A_423 = arith.constant 0 : i32
    %dma_wait3A_424 = arith.constant 0 : i32
    %dma_wait3A_425 = tpu.memref_slice %arg7[%dma_wait3A_423, %dma_wait3A_424] : memref<256x131xf32, #tpu.memory_space<vmem>> -> memref<8x128xf32, #tpu.memory_space<vmem>>
    %dma_wait3A_426 = arith.constant 0 : i32
    %dma_wait3A_427 = arith.constant 0 : i32
    %dma_wait3A_428 = tpu.memref_slice %arg4[%dma_wait3A_420, %dma_wait3A_421, %dma_wait3A_422, %dma_wait3A_426, %dma_wait3A_427] : memref<200x8x128x8x128xf32, #tpu.memory_space<hbm>> -> memref<1x1x1x8x128xf32, #tpu.memory_space<hbm>>
    %dma_wait3A_429 = tpu.memref_squeeze %dma_wait3A_428 : memref<1x1x1x8x128xf32, #tpu.memory_space<hbm>> -> memref<8x128xf32, #tpu.memory_space<hbm>>
    %dma_wait3A_430 = arith.constant 0 : i32
    %dma_wait3A_431 = arith.constant 0 : i32
    %dma_wait3A_432 = tpu.memref_slice %arg4[%dma_wait3A_420, %dma_wait3A_421, %dma_wait3A_422, %dma_wait3A_430, %dma_wait3A_431] : memref<200x8x128x8x128xf32, #tpu.memory_space<hbm>> -> memref<1x1x1x8x128xf32, #tpu.memory_space<hbm>>
    %dma_wait3A_433 = tpu.memref_squeeze %dma_wait3A_432 : memref<1x1x1x8x128xf32, #tpu.memory_space<hbm>> -> memref<8x128xf32, #tpu.memory_space<hbm>>
    %dma_wait3A_434 = arith.constant 0 : i32
    %dma_wait3A_435 = arith.constant 0 : i32
    %dma_wait3A_436 = tpu.memref_slice %arg7[%dma_wait3A_434, %dma_wait3A_435] : memref<256x131xf32, #tpu.memory_space<vmem>> -> memref<8x128xf32, #tpu.memory_space<vmem>>
    tpu.wait_dma2 semaphore(%arg13 : memref<!tpu.dma_semaphore, #tpu.memory_space<semaphore_mem>>) src(%dma_wait3A_436 : memref<8x128xf32, #tpu.memory_space<vmem>>) dst(%dma_wait3A_433 : memref<8x128xf32, #tpu.memory_space<hbm>>)
    %dma_wait3A_437 = arith.constant 0 : i32
    %dma_wait3A_438 = arith.constant 0 : i32
    %dma_wait3A_439 = arith.constant 0 : i32
    %dma_wait3A_440 = arith.constant 0 : i32
    %dma_wait3A_441 = arith.constant 0 : i32
    %dma_wait3A_442 = tpu.memref_slice %arg7[%dma_wait3A_440, %dma_wait3A_441] : memref<256x131xf32, #tpu.memory_space<vmem>> -> memref<8x128xf32, #tpu.memory_space<vmem>>
    %dma_wait3A_443 = arith.constant 0 : i32
    %dma_wait3A_444 = arith.constant 0 : i32
    %dma_wait3A_445 = tpu.memref_slice %arg4[%dma_wait3A_437, %dma_wait3A_438, %dma_wait3A_439, %dma_wait3A_443, %dma_wait3A_444] : memref<200x8x128x8x128xf32, #tpu.memory_space<hbm>> -> memref<1x1x1x8x128xf32, #tpu.memory_space<hbm>>
    %dma_wait3A_446 = tpu.memref_squeeze %dma_wait3A_445 : memref<1x1x1x8x128xf32, #tpu.memory_space<hbm>> -> memref<8x128xf32, #tpu.memory_space<hbm>>
    %dma_wait3A_447 = arith.constant 0 : i32
    %dma_wait3A_448 = arith.constant 0 : i32
    %dma_wait3A_449 = tpu.memref_slice %arg4[%dma_wait3A_437, %dma_wait3A_438, %dma_wait3A_439, %dma_wait3A_447, %dma_wait3A_448] : memref<200x8x128x8x128xf32, #tpu.memory_space<hbm>> -> memref<1x1x1x8x128xf32, #tpu.memory_space<hbm>>
    %dma_wait3A_450 = tpu.memref_squeeze %dma_wait3A_449 : memref<1x1x1x8x128xf32, #tpu.memory_space<hbm>> -> memref<8x128xf32, #tpu.memory_space<hbm>>
    %dma_wait3A_451 = arith.constant 0 : i32
    %dma_wait3A_452 = arith.constant 0 : i32
    %dma_wait3A_453 = tpu.memref_slice %arg7[%dma_wait3A_451, %dma_wait3A_452] : memref<256x131xf32, #tpu.memory_space<vmem>> -> memref<8x128xf32, #tpu.memory_space<vmem>>
    tpu.wait_dma2 semaphore(%arg13 : memref<!tpu.dma_semaphore, #tpu.memory_space<semaphore_mem>>) src(%dma_wait3A_453 : memref<8x128xf32, #tpu.memory_space<vmem>>) dst(%dma_wait3A_450 : memref<8x128xf32, #tpu.memory_space<hbm>>)
    %dma_wait3A_454 = arith.constant 0 : i32
    %dma_wait3A_455 = arith.constant 0 : i32
    %dma_wait3A_456 = arith.constant 0 : i32
    %dma_wait3A_457 = arith.constant 0 : i32
    %dma_wait3A_458 = arith.constant 0 : i32
    %dma_wait3A_459 = tpu.memref_slice %arg7[%dma_wait3A_457, %dma_wait3A_458] : memref<256x131xf32, #tpu.memory_space<vmem>> -> memref<8x128xf32, #tpu.memory_space<vmem>>
    %dma_wait3A_460 = arith.constant 0 : i32
    %dma_wait3A_461 = arith.constant 0 : i32
    %dma_wait3A_462 = tpu.memref_slice %arg4[%dma_wait3A_454, %dma_wait3A_455, %dma_wait3A_456, %dma_wait3A_460, %dma_wait3A_461] : memref<200x8x128x8x128xf32, #tpu.memory_space<hbm>> -> memref<1x1x1x8x128xf32, #tpu.memory_space<hbm>>
    %dma_wait3A_463 = tpu.memref_squeeze %dma_wait3A_462 : memref<1x1x1x8x128xf32, #tpu.memory_space<hbm>> -> memref<8x128xf32, #tpu.memory_space<hbm>>
    %dma_wait3A_464 = arith.constant 0 : i32
    %dma_wait3A_465 = arith.constant 0 : i32
    %dma_wait3A_466 = tpu.memref_slice %arg4[%dma_wait3A_454, %dma_wait3A_455, %dma_wait3A_456, %dma_wait3A_464, %dma_wait3A_465] : memref<200x8x128x8x128xf32, #tpu.memory_space<hbm>> -> memref<1x1x1x8x128xf32, #tpu.memory_space<hbm>>
    %dma_wait3A_467 = tpu.memref_squeeze %dma_wait3A_466 : memref<1x1x1x8x128xf32, #tpu.memory_space<hbm>> -> memref<8x128xf32, #tpu.memory_space<hbm>>
    %dma_wait3A_468 = arith.constant 0 : i32
    %dma_wait3A_469 = arith.constant 0 : i32
    %dma_wait3A_470 = tpu.memref_slice %arg7[%dma_wait3A_468, %dma_wait3A_469] : memref<256x131xf32, #tpu.memory_space<vmem>> -> memref<8x128xf32, #tpu.memory_space<vmem>>
    tpu.wait_dma2 semaphore(%arg13 : memref<!tpu.dma_semaphore, #tpu.memory_space<semaphore_mem>>) src(%dma_wait3A_470 : memref<8x128xf32, #tpu.memory_space<vmem>>) dst(%dma_wait3A_467 : memref<8x128xf32, #tpu.memory_space<hbm>>)
    %dma_wait3A_471 = arith.constant 0 : i32
    %dma_wait3A_472 = arith.constant 0 : i32
    %dma_wait3A_473 = arith.constant 0 : i32
    %dma_wait3A_474 = arith.constant 0 : i32
    %dma_wait3A_475 = arith.constant 0 : i32
    %dma_wait3A_476 = tpu.memref_slice %arg7[%dma_wait3A_474, %dma_wait3A_475] : memref<256x131xf32, #tpu.memory_space<vmem>> -> memref<8x128xf32, #tpu.memory_space<vmem>>
    %dma_wait3A_477 = arith.constant 0 : i32
    %dma_wait3A_478 = arith.constant 0 : i32
    %dma_wait3A_479 = tpu.memref_slice %arg4[%dma_wait3A_471, %dma_wait3A_472, %dma_wait3A_473, %dma_wait3A_477, %dma_wait3A_478] : memref<200x8x128x8x128xf32, #tpu.memory_space<hbm>> -> memref<1x1x1x8x128xf32, #tpu.memory_space<hbm>>
    %dma_wait3A_480 = tpu.memref_squeeze %dma_wait3A_479 : memref<1x1x1x8x128xf32, #tpu.memory_space<hbm>> -> memref<8x128xf32, #tpu.memory_space<hbm>>
    %dma_wait3A_481 = arith.constant 0 : i32
    %dma_wait3A_482 = arith.constant 0 : i32
    %dma_wait3A_483 = tpu.memref_slice %arg4[%dma_wait3A_471, %dma_wait3A_472, %dma_wait3A_473, %dma_wait3A_481, %dma_wait3A_482] : memref<200x8x128x8x128xf32, #tpu.memory_space<hbm>> -> memref<1x1x1x8x128xf32, #tpu.memory_space<hbm>>
    %dma_wait3A_484 = tpu.memref_squeeze %dma_wait3A_483 : memref<1x1x1x8x128xf32, #tpu.memory_space<hbm>> -> memref<8x128xf32, #tpu.memory_space<hbm>>
    %dma_wait3A_485 = arith.constant 0 : i32
    %dma_wait3A_486 = arith.constant 0 : i32
    %dma_wait3A_487 = tpu.memref_slice %arg7[%dma_wait3A_485, %dma_wait3A_486] : memref<256x131xf32, #tpu.memory_space<vmem>> -> memref<8x128xf32, #tpu.memory_space<vmem>>
    tpu.wait_dma2 semaphore(%arg13 : memref<!tpu.dma_semaphore, #tpu.memory_space<semaphore_mem>>) src(%dma_wait3A_487 : memref<8x128xf32, #tpu.memory_space<vmem>>) dst(%dma_wait3A_484 : memref<8x128xf32, #tpu.memory_space<hbm>>)
    %dma_wait3A_488 = arith.constant 0 : i32
    %dma_wait3A_489 = arith.constant 0 : i32
    %dma_wait3A_490 = arith.constant 0 : i32
    %dma_wait3A_491 = arith.constant 0 : i32
    %dma_wait3A_492 = arith.constant 0 : i32
    %dma_wait3A_493 = tpu.memref_slice %arg7[%dma_wait3A_491, %dma_wait3A_492] : memref<256x131xf32, #tpu.memory_space<vmem>> -> memref<8x128xf32, #tpu.memory_space<vmem>>
    %dma_wait3A_494 = arith.constant 0 : i32
    %dma_wait3A_495 = arith.constant 0 : i32
    %dma_wait3A_496 = tpu.memref_slice %arg4[%dma_wait3A_488, %dma_wait3A_489, %dma_wait3A_490, %dma_wait3A_494, %dma_wait3A_495] : memref<200x8x128x8x128xf32, #tpu.memory_space<hbm>> -> memref<1x1x1x8x128xf32, #tpu.memory_space<hbm>>
    %dma_wait3A_497 = tpu.memref_squeeze %dma_wait3A_496 : memref<1x1x1x8x128xf32, #tpu.memory_space<hbm>> -> memref<8x128xf32, #tpu.memory_space<hbm>>
    %dma_wait3A_498 = arith.constant 0 : i32
    %dma_wait3A_499 = arith.constant 0 : i32
    %dma_wait3A_500 = tpu.memref_slice %arg4[%dma_wait3A_488, %dma_wait3A_489, %dma_wait3A_490, %dma_wait3A_498, %dma_wait3A_499] : memref<200x8x128x8x128xf32, #tpu.memory_space<hbm>> -> memref<1x1x1x8x128xf32, #tpu.memory_space<hbm>>
    %dma_wait3A_501 = tpu.memref_squeeze %dma_wait3A_500 : memref<1x1x1x8x128xf32, #tpu.memory_space<hbm>> -> memref<8x128xf32, #tpu.memory_space<hbm>>
    %dma_wait3A_502 = arith.constant 0 : i32
    %dma_wait3A_503 = arith.constant 0 : i32
    %dma_wait3A_504 = tpu.memref_slice %arg7[%dma_wait3A_502, %dma_wait3A_503] : memref<256x131xf32, #tpu.memory_space<vmem>> -> memref<8x128xf32, #tpu.memory_space<vmem>>
    tpu.wait_dma2 semaphore(%arg13 : memref<!tpu.dma_semaphore, #tpu.memory_space<semaphore_mem>>) src(%dma_wait3A_504 : memref<8x128xf32, #tpu.memory_space<vmem>>) dst(%dma_wait3A_501 : memref<8x128xf32, #tpu.memory_space<hbm>>)
    %dma_wait3A_505 = arith.constant 0 : i32
    %dma_wait3A_506 = arith.constant 0 : i32
    %dma_wait3A_507 = arith.constant 0 : i32
    %dma_wait3A_508 = arith.constant 0 : i32
    %dma_wait3A_509 = arith.constant 0 : i32
    %dma_wait3A_510 = tpu.memref_slice %arg7[%dma_wait3A_508, %dma_wait3A_509] : memref<256x131xf32, #tpu.memory_space<vmem>> -> memref<8x128xf32, #tpu.memory_space<vmem>>
    %dma_wait3A_511 = arith.constant 0 : i32
    %dma_wait3A_512 = arith.constant 0 : i32
    %dma_wait3A_513 = tpu.memref_slice %arg4[%dma_wait3A_505, %dma_wait3A_506, %dma_wait3A_507, %dma_wait3A_511, %dma_wait3A_512] : memref<200x8x128x8x128xf32, #tpu.memory_space<hbm>> -> memref<1x1x1x8x128xf32, #tpu.memory_space<hbm>>
    %dma_wait3A_514 = tpu.memref_squeeze %dma_wait3A_513 : memref<1x1x1x8x128xf32, #tpu.memory_space<hbm>> -> memref<8x128xf32, #tpu.memory_space<hbm>>
    %dma_wait3A_515 = arith.constant 0 : i32
    %dma_wait3A_516 = arith.constant 0 : i32
    %dma_wait3A_517 = tpu.memref_slice %arg4[%dma_wait3A_505, %dma_wait3A_506, %dma_wait3A_507, %dma_wait3A_515, %dma_wait3A_516] : memref<200x8x128x8x128xf32, #tpu.memory_space<hbm>> -> memref<1x1x1x8x128xf32, #tpu.memory_space<hbm>>
    %dma_wait3A_518 = tpu.memref_squeeze %dma_wait3A_517 : memref<1x1x1x8x128xf32, #tpu.memory_space<hbm>> -> memref<8x128xf32, #tpu.memory_space<hbm>>
    %dma_wait3A_519 = arith.constant 0 : i32
    %dma_wait3A_520 = arith.constant 0 : i32
    %dma_wait3A_521 = tpu.memref_slice %arg7[%dma_wait3A_519, %dma_wait3A_520] : memref<256x131xf32, #tpu.memory_space<vmem>> -> memref<8x128xf32, #tpu.memory_space<vmem>>
    tpu.wait_dma2 semaphore(%arg13 : memref<!tpu.dma_semaphore, #tpu.memory_space<semaphore_mem>>) src(%dma_wait3A_521 : memref<8x128xf32, #tpu.memory_space<vmem>>) dst(%dma_wait3A_518 : memref<8x128xf32, #tpu.memory_space<hbm>>)
    %dma_wait3A_522 = arith.constant 0 : i32
    %dma_wait3A_523 = arith.constant 0 : i32
    %dma_wait3A_524 = arith.constant 0 : i32
    %dma_wait3A_525 = arith.constant 0 : i32
    %dma_wait3A_526 = arith.constant 0 : i32
    %dma_wait3A_527 = tpu.memref_slice %arg7[%dma_wait3A_525, %dma_wait3A_526] : memref<256x131xf32, #tpu.memory_space<vmem>> -> memref<8x128xf32, #tpu.memory_space<vmem>>
    %dma_wait3A_528 = arith.constant 0 : i32
    %dma_wait3A_529 = arith.constant 0 : i32
    %dma_wait3A_530 = tpu.memref_slice %arg4[%dma_wait3A_522, %dma_wait3A_523, %dma_wait3A_524, %dma_wait3A_528, %dma_wait3A_529] : memref<200x8x128x8x128xf32, #tpu.memory_space<hbm>> -> memref<1x1x1x8x128xf32, #tpu.memory_space<hbm>>
    %dma_wait3A_531 = tpu.memref_squeeze %dma_wait3A_530 : memref<1x1x1x8x128xf32, #tpu.memory_space<hbm>> -> memref<8x128xf32, #tpu.memory_space<hbm>>
    %dma_wait3A_532 = arith.constant 0 : i32
    %dma_wait3A_533 = arith.constant 0 : i32
    %dma_wait3A_534 = tpu.memref_slice %arg4[%dma_wait3A_522, %dma_wait3A_523, %dma_wait3A_524, %dma_wait3A_532, %dma_wait3A_533] : memref<200x8x128x8x128xf32, #tpu.memory_space<hbm>> -> memref<1x1x1x8x128xf32, #tpu.memory_space<hbm>>
    %dma_wait3A_535 = tpu.memref_squeeze %dma_wait3A_534 : memref<1x1x1x8x128xf32, #tpu.memory_space<hbm>> -> memref<8x128xf32, #tpu.memory_space<hbm>>
    %dma_wait3A_536 = arith.constant 0 : i32
    %dma_wait3A_537 = arith.constant 0 : i32
    %dma_wait3A_538 = tpu.memref_slice %arg7[%dma_wait3A_536, %dma_wait3A_537] : memref<256x131xf32, #tpu.memory_space<vmem>> -> memref<8x128xf32, #tpu.memory_space<vmem>>
    tpu.wait_dma2 semaphore(%arg13 : memref<!tpu.dma_semaphore, #tpu.memory_space<semaphore_mem>>) src(%dma_wait3A_538 : memref<8x128xf32, #tpu.memory_space<vmem>>) dst(%dma_wait3A_535 : memref<8x128xf32, #tpu.memory_space<hbm>>)
    %dma_wait3A_539 = arith.constant 0 : i32
    %dma_wait3A_540 = arith.constant 0 : i32
    %dma_wait3A_541 = arith.constant 0 : i32
    %dma_wait3A_542 = arith.constant 0 : i32
    %dma_wait3A_543 = arith.constant 0 : i32
    %dma_wait3A_544 = tpu.memref_slice %arg7[%dma_wait3A_542, %dma_wait3A_543] : memref<256x131xf32, #tpu.memory_space<vmem>> -> memref<8x128xf32, #tpu.memory_space<vmem>>
    %dma_wait3A_545 = arith.constant 0 : i32
    %dma_wait3A_546 = arith.constant 0 : i32
    %dma_wait3A_547 = tpu.memref_slice %arg4[%dma_wait3A_539, %dma_wait3A_540, %dma_wait3A_541, %dma_wait3A_545, %dma_wait3A_546] : memref<200x8x128x8x128xf32, #tpu.memory_space<hbm>> -> memref<1x1x1x8x128xf32, #tpu.memory_space<hbm>>
    %dma_wait3A_548 = tpu.memref_squeeze %dma_wait3A_547 : memref<1x1x1x8x128xf32, #tpu.memory_space<hbm>> -> memref<8x128xf32, #tpu.memory_space<hbm>>
    %dma_wait3A_549 = arith.constant 0 : i32
    %dma_wait3A_550 = arith.constant 0 : i32
    %dma_wait3A_551 = tpu.memref_slice %arg4[%dma_wait3A_539, %dma_wait3A_540, %dma_wait3A_541, %dma_wait3A_549, %dma_wait3A_550] : memref<200x8x128x8x128xf32, #tpu.memory_space<hbm>> -> memref<1x1x1x8x128xf32, #tpu.memory_space<hbm>>
    %dma_wait3A_552 = tpu.memref_squeeze %dma_wait3A_551 : memref<1x1x1x8x128xf32, #tpu.memory_space<hbm>> -> memref<8x128xf32, #tpu.memory_space<hbm>>
    %dma_wait3A_553 = arith.constant 0 : i32
    %dma_wait3A_554 = arith.constant 0 : i32
    %dma_wait3A_555 = tpu.memref_slice %arg7[%dma_wait3A_553, %dma_wait3A_554] : memref<256x131xf32, #tpu.memory_space<vmem>> -> memref<8x128xf32, #tpu.memory_space<vmem>>
    tpu.wait_dma2 semaphore(%arg13 : memref<!tpu.dma_semaphore, #tpu.memory_space<semaphore_mem>>) src(%dma_wait3A_555 : memref<8x128xf32, #tpu.memory_space<vmem>>) dst(%dma_wait3A_552 : memref<8x128xf32, #tpu.memory_space<hbm>>)
    %dma_wait3A_556 = arith.constant 0 : i32
    %dma_wait3A_557 = arith.constant 0 : i32
    %dma_wait3A_558 = arith.constant 0 : i32
    %dma_wait3A_559 = arith.constant 0 : i32
    %dma_wait3A_560 = arith.constant 0 : i32
    %dma_wait3A_561 = tpu.memref_slice %arg7[%dma_wait3A_559, %dma_wait3A_560] : memref<256x131xf32, #tpu.memory_space<vmem>> -> memref<8x128xf32, #tpu.memory_space<vmem>>
    %dma_wait3A_562 = arith.constant 0 : i32
    %dma_wait3A_563 = arith.constant 0 : i32
    %dma_wait3A_564 = tpu.memref_slice %arg4[%dma_wait3A_556, %dma_wait3A_557, %dma_wait3A_558, %dma_wait3A_562, %dma_wait3A_563] : memref<200x8x128x8x128xf32, #tpu.memory_space<hbm>> -> memref<1x1x1x8x128xf32, #tpu.memory_space<hbm>>
    %dma_wait3A_565 = tpu.memref_squeeze %dma_wait3A_564 : memref<1x1x1x8x128xf32, #tpu.memory_space<hbm>> -> memref<8x128xf32, #tpu.memory_space<hbm>>
    %dma_wait3A_566 = arith.constant 0 : i32
    %dma_wait3A_567 = arith.constant 0 : i32
    %dma_wait3A_568 = tpu.memref_slice %arg4[%dma_wait3A_556, %dma_wait3A_557, %dma_wait3A_558, %dma_wait3A_566, %dma_wait3A_567] : memref<200x8x128x8x128xf32, #tpu.memory_space<hbm>> -> memref<1x1x1x8x128xf32, #tpu.memory_space<hbm>>
    %dma_wait3A_569 = tpu.memref_squeeze %dma_wait3A_568 : memref<1x1x1x8x128xf32, #tpu.memory_space<hbm>> -> memref<8x128xf32, #tpu.memory_space<hbm>>
    %dma_wait3A_570 = arith.constant 0 : i32
    %dma_wait3A_571 = arith.constant 0 : i32
    %dma_wait3A_572 = tpu.memref_slice %arg7[%dma_wait3A_570, %dma_wait3A_571] : memref<256x131xf32, #tpu.memory_space<vmem>> -> memref<8x128xf32, #tpu.memory_space<vmem>>
    tpu.wait_dma2 semaphore(%arg13 : memref<!tpu.dma_semaphore, #tpu.memory_space<semaphore_mem>>) src(%dma_wait3A_572 : memref<8x128xf32, #tpu.memory_space<vmem>>) dst(%dma_wait3A_569 : memref<8x128xf32, #tpu.memory_space<hbm>>)
    %dma_wait3A_573 = arith.constant 0 : i32
    %dma_wait3A_574 = arith.constant 0 : i32
    %dma_wait3A_575 = arith.constant 0 : i32
    %dma_wait3A_576 = arith.constant 0 : i32
    %dma_wait3A_577 = arith.constant 0 : i32
    %dma_wait3A_578 = tpu.memref_slice %arg7[%dma_wait3A_576, %dma_wait3A_577] : memref<256x131xf32, #tpu.memory_space<vmem>> -> memref<8x128xf32, #tpu.memory_space<vmem>>
    %dma_wait3A_579 = arith.constant 0 : i32
    %dma_wait3A_580 = arith.constant 0 : i32
    %dma_wait3A_581 = tpu.memref_slice %arg4[%dma_wait3A_573, %dma_wait3A_574, %dma_wait3A_575, %dma_wait3A_579, %dma_wait3A_580] : memref<200x8x128x8x128xf32, #tpu.memory_space<hbm>> -> memref<1x1x1x8x128xf32, #tpu.memory_space<hbm>>
    %dma_wait3A_582 = tpu.memref_squeeze %dma_wait3A_581 : memref<1x1x1x8x128xf32, #tpu.memory_space<hbm>> -> memref<8x128xf32, #tpu.memory_space<hbm>>
    %dma_wait3A_583 = arith.constant 0 : i32
    %dma_wait3A_584 = arith.constant 0 : i32
    %dma_wait3A_585 = tpu.memref_slice %arg4[%dma_wait3A_573, %dma_wait3A_574, %dma_wait3A_575, %dma_wait3A_583, %dma_wait3A_584] : memref<200x8x128x8x128xf32, #tpu.memory_space<hbm>> -> memref<1x1x1x8x128xf32, #tpu.memory_space<hbm>>
    %dma_wait3A_586 = tpu.memref_squeeze %dma_wait3A_585 : memref<1x1x1x8x128xf32, #tpu.memory_space<hbm>> -> memref<8x128xf32, #tpu.memory_space<hbm>>
    %dma_wait3A_587 = arith.constant 0 : i32
    %dma_wait3A_588 = arith.constant 0 : i32
    %dma_wait3A_589 = tpu.memref_slice %arg7[%dma_wait3A_587, %dma_wait3A_588] : memref<256x131xf32, #tpu.memory_space<vmem>> -> memref<8x128xf32, #tpu.memory_space<vmem>>
    tpu.wait_dma2 semaphore(%arg13 : memref<!tpu.dma_semaphore, #tpu.memory_space<semaphore_mem>>) src(%dma_wait3A_589 : memref<8x128xf32, #tpu.memory_space<vmem>>) dst(%dma_wait3A_586 : memref<8x128xf32, #tpu.memory_space<hbm>>)
    %dma_wait3A_590 = arith.constant 0 : i32
    %dma_wait3A_591 = arith.constant 0 : i32
    %dma_wait3A_592 = arith.constant 0 : i32
    %dma_wait3A_593 = arith.constant 0 : i32
    %dma_wait3A_594 = arith.constant 0 : i32
    %dma_wait3A_595 = tpu.memref_slice %arg7[%dma_wait3A_593, %dma_wait3A_594] : memref<256x131xf32, #tpu.memory_space<vmem>> -> memref<8x128xf32, #tpu.memory_space<vmem>>
    %dma_wait3A_596 = arith.constant 0 : i32
    %dma_wait3A_597 = arith.constant 0 : i32
    %dma_wait3A_598 = tpu.memref_slice %arg4[%dma_wait3A_590, %dma_wait3A_591, %dma_wait3A_592, %dma_wait3A_596, %dma_wait3A_597] : memref<200x8x128x8x128xf32, #tpu.memory_space<hbm>> -> memref<1x1x1x8x128xf32, #tpu.memory_space<hbm>>
    %dma_wait3A_599 = tpu.memref_squeeze %dma_wait3A_598 : memref<1x1x1x8x128xf32, #tpu.memory_space<hbm>> -> memref<8x128xf32, #tpu.memory_space<hbm>>
    %dma_wait3A_600 = arith.constant 0 : i32
    %dma_wait3A_601 = arith.constant 0 : i32
    %dma_wait3A_602 = tpu.memref_slice %arg4[%dma_wait3A_590, %dma_wait3A_591, %dma_wait3A_592, %dma_wait3A_600, %dma_wait3A_601] : memref<200x8x128x8x128xf32, #tpu.memory_space<hbm>> -> memref<1x1x1x8x128xf32, #tpu.memory_space<hbm>>
    %dma_wait3A_603 = tpu.memref_squeeze %dma_wait3A_602 : memref<1x1x1x8x128xf32, #tpu.memory_space<hbm>> -> memref<8x128xf32, #tpu.memory_space<hbm>>
    %dma_wait3A_604 = arith.constant 0 : i32
    %dma_wait3A_605 = arith.constant 0 : i32
    %dma_wait3A_606 = tpu.memref_slice %arg7[%dma_wait3A_604, %dma_wait3A_605] : memref<256x131xf32, #tpu.memory_space<vmem>> -> memref<8x128xf32, #tpu.memory_space<vmem>>
    tpu.wait_dma2 semaphore(%arg13 : memref<!tpu.dma_semaphore, #tpu.memory_space<semaphore_mem>>) src(%dma_wait3A_606 : memref<8x128xf32, #tpu.memory_space<vmem>>) dst(%dma_wait3A_603 : memref<8x128xf32, #tpu.memory_space<hbm>>)
    %dma_wait3A_607 = arith.constant 0 : i32
    %dma_wait3A_608 = arith.constant 0 : i32
    %dma_wait3A_609 = arith.constant 0 : i32
    %dma_wait3A_610 = arith.constant 0 : i32
    %dma_wait3A_611 = arith.constant 0 : i32
    %dma_wait3A_612 = tpu.memref_slice %arg7[%dma_wait3A_610, %dma_wait3A_611] : memref<256x131xf32, #tpu.memory_space<vmem>> -> memref<8x128xf32, #tpu.memory_space<vmem>>
    %dma_wait3A_613 = arith.constant 0 : i32
    %dma_wait3A_614 = arith.constant 0 : i32
    %dma_wait3A_615 = tpu.memref_slice %arg4[%dma_wait3A_607, %dma_wait3A_608, %dma_wait3A_609, %dma_wait3A_613, %dma_wait3A_614] : memref<200x8x128x8x128xf32, #tpu.memory_space<hbm>> -> memref<1x1x1x8x128xf32, #tpu.memory_space<hbm>>
    %dma_wait3A_616 = tpu.memref_squeeze %dma_wait3A_615 : memref<1x1x1x8x128xf32, #tpu.memory_space<hbm>> -> memref<8x128xf32, #tpu.memory_space<hbm>>
    %dma_wait3A_617 = arith.constant 0 : i32
    %dma_wait3A_618 = arith.constant 0 : i32
    %dma_wait3A_619 = tpu.memref_slice %arg4[%dma_wait3A_607, %dma_wait3A_608, %dma_wait3A_609, %dma_wait3A_617, %dma_wait3A_618] : memref<200x8x128x8x128xf32, #tpu.memory_space<hbm>> -> memref<1x1x1x8x128xf32, #tpu.memory_space<hbm>>
    %dma_wait3A_620 = tpu.memref_squeeze %dma_wait3A_619 : memref<1x1x1x8x128xf32, #tpu.memory_space<hbm>> -> memref<8x128xf32, #tpu.memory_space<hbm>>
    %dma_wait3A_621 = arith.constant 0 : i32
    %dma_wait3A_622 = arith.constant 0 : i32
    %dma_wait3A_623 = tpu.memref_slice %arg7[%dma_wait3A_621, %dma_wait3A_622] : memref<256x131xf32, #tpu.memory_space<vmem>> -> memref<8x128xf32, #tpu.memory_space<vmem>>
    tpu.wait_dma2 semaphore(%arg13 : memref<!tpu.dma_semaphore, #tpu.memory_space<semaphore_mem>>) src(%dma_wait3A_623 : memref<8x128xf32, #tpu.memory_space<vmem>>) dst(%dma_wait3A_620 : memref<8x128xf32, #tpu.memory_space<hbm>>)
    %dma_wait3A_624 = arith.constant 0 : i32
    %dma_wait3A_625 = arith.constant 0 : i32
    %dma_wait3A_626 = arith.constant 0 : i32
    %dma_wait3A_627 = arith.constant 0 : i32
    %dma_wait3A_628 = arith.constant 0 : i32
    %dma_wait3A_629 = tpu.memref_slice %arg7[%dma_wait3A_627, %dma_wait3A_628] : memref<256x131xf32, #tpu.memory_space<vmem>> -> memref<8x128xf32, #tpu.memory_space<vmem>>
    %dma_wait3A_630 = arith.constant 0 : i32
    %dma_wait3A_631 = arith.constant 0 : i32
    %dma_wait3A_632 = tpu.memref_slice %arg4[%dma_wait3A_624, %dma_wait3A_625, %dma_wait3A_626, %dma_wait3A_630, %dma_wait3A_631] : memref<200x8x128x8x128xf32, #tpu.memory_space<hbm>> -> memref<1x1x1x8x128xf32, #tpu.memory_space<hbm>>
    %dma_wait3A_633 = tpu.memref_squeeze %dma_wait3A_632 : memref<1x1x1x8x128xf32, #tpu.memory_space<hbm>> -> memref<8x128xf32, #tpu.memory_space<hbm>>
    %dma_wait3A_634 = arith.constant 0 : i32
    %dma_wait3A_635 = arith.constant 0 : i32
    %dma_wait3A_636 = tpu.memref_slice %arg4[%dma_wait3A_624, %dma_wait3A_625, %dma_wait3A_626, %dma_wait3A_634, %dma_wait3A_635] : memref<200x8x128x8x128xf32, #tpu.memory_space<hbm>> -> memref<1x1x1x8x128xf32, #tpu.memory_space<hbm>>
    %dma_wait3A_637 = tpu.memref_squeeze %dma_wait3A_636 : memref<1x1x1x8x128xf32, #tpu.memory_space<hbm>> -> memref<8x128xf32, #tpu.memory_space<hbm>>
    %dma_wait3A_638 = arith.constant 0 : i32
    %dma_wait3A_639 = arith.constant 0 : i32
    %dma_wait3A_640 = tpu.memref_slice %arg7[%dma_wait3A_638, %dma_wait3A_639] : memref<256x131xf32, #tpu.memory_space<vmem>> -> memref<8x128xf32, #tpu.memory_space<vmem>>
    tpu.wait_dma2 semaphore(%arg13 : memref<!tpu.dma_semaphore, #tpu.memory_space<semaphore_mem>>) src(%dma_wait3A_640 : memref<8x128xf32, #tpu.memory_space<vmem>>) dst(%dma_wait3A_637 : memref<8x128xf32, #tpu.memory_space<hbm>>)
    return
  }
}

</mosaic_0001>

<sc_bundles>
// kernel: kernel.3.cloned.1.call-start
scs
__scs_entry_jumppad:
0x0: {  	(pc) =	sbr.rel $0x88, $3  }
0x1: {  	(tag) =	ssettag $0x0;
	lr =	simm.s32 $0x1  }
0x2: {  	[smem:$0x3F9F] =	sst lr;
	_ =	strace $0xD0000000  }
0x3: {  	_ = 	snop  }
0x4: {  	_ = 	snop  }
0x5: {  	_ = 	snop  }
0x6: {  	_ = 	snop  }
0x7: {  	_ = 	snop  }
__scs_overlays_trampoline_lowered:
0x8: {  	[smem:$0x3FAE] =	sst s0  }
0x9: {  	[smem:$0x3FAF] =	sst s1  }
0xa: {  	[smem:$0x3FB0] =	sst s2  }
0xb: {  	[smem:$0x3FB1] =	sst s3  }
0xc: {  	[smem:$0x3FB2] =	sst s4  }
0xd: {  	[smem:$0x3FB3] =	sst s5  }
0xe: {  	[smem:$0x3FB4] =	sst s6  }
0xf: {  	[smem:$0x3FB5] =	sst s7  }
0x10: {  	[smem:$0x3FB6] =	sst s8  }
0x11: {  	[smem:$0x3FB7] =	sst s9;
	s0 =	simm.s32 @!p0 $0x0  }
0x12: {  	s1 =	sld [smem:$0x3F9D];
	s0 =	simm.s32 @p0 $0x1  }
0x13: {  	[smem:$0x3FB8] =	sst s0;
	s0 =	simm.s32 @!p1 $0x0  }
0x14: {  	s2 =	sld [smem:$0x3F9C];
	s0 =	simm.s32 @p1 $0x1  }
0x15: {  	[smem:$0x3FB9] =	sst s0;
	s0 =	simm.s32 @!p2 $0x0  }
0x16: {  	s3 =	sld [smem:$0x3FDB];
	s0 =	simm.s32 @p2 $0x1  }
0x17: {  	s4 =	simm.s32 $0x1BF5;
	[smem:$0x3FBB] =	sst s0  }
0x18: {  	s0 =	sld [smem:$0x3F9E];
	_ =	swait.ge [sflag:s4], $0x0  }
0x19: {  	s7 =	sld [smem:$0x3F9F]  }
0x1a: {  	s8 =	sadd.s32 $0xFFFFE003, lr  }
0x1b: {  	s9 =	sadd.s32 $0xFFFFFEF7, lr;
	s5 =	simm.s32 $0xFFFFFFFF;
	p2 =	slt.u32 s8, $0xFFFFF086  }
0x1c: {  	p1 =	slt.u32 s9, $0xF7A;
	s5 =	simm.s32 @!p2 $0x0  }
0x1d: {  	s5 =	simm.s32 @p1 $0x1;
	p0 =	seq.s32 s7, s2  }
0x1e: {  	s7 =	smul.u32 @!p0 $0xF7A, s2;
	p2 =	seq.s32 @!p0 s5, $0x0  }
0x1f: {  	s9 =	smul.u32 $0xF7A, s1;
	s8 =	simm.s32 @!p0 $0x1BF5;
	p2 =	por !p2, p0  }
0x20: {  	[sflag:s8] =	ssyncset.s32 @!p0 $0xFFFFF086;
	s6 =	sadd.s32 @!p0 s3, s7;
	s7 =	simm.s32 @!p0 $0x108  }
0x21: {  	s3 =	sadd.s32 s3, s9;
	s6 =	sadd.s32 @!p0 $0x88, s6;
	s7 =	simm.s32 @p2 $0x1082  }
0x22: {  	[simem:s7], [sflag:s8] =	dma.local @!p0 [hbm:s6], $0xF7A  }
0x23: {  	s9 =	sor.u32 $0xD0000000, s2;
	s6 =	simm.s32 $0x108;
	_ =	swait.ge @!p0 [sflag:s8], $0x0  }
0x24: {  	s3 =	sadd.s32 $0x88, s3;
	s6 =	simm.s32 @!p1 $0x1082;
	[sflag:s4] =	ssyncset.s32 $0xFFFFF086  }
0x25: {  	[simem:s6], [sflag:s4] =	dma.local [hbm:s3], $0xF7A  }
0x26: {  	[smem:$0x3F9F] =	sst s1;
	(tag) =	ssettag s2;
	_ =	strace s9  }
0x27: {  	s1 =	sld [smem:$0x3FAF]  }
0x28: {  	s2 =	sld [smem:$0x3FB0]  }
0x29: {  	s4 =	sld [smem:$0x3FB2]  }
0x2a: {  	p0 =	seq.s32 s5, $0x0;
	s5 =	sld [smem:$0x3FB3]  }
0x2b: {  	s6 =	sld [smem:$0x3FB4]  }
0x2c: {  	s7 =	sld [smem:$0x3FB5]  }
0x2d: {  	s3 =	simm.s32 $0x108;
	s8 =	sld [smem:$0x3FB6]  }
0x2e: {  	s3 =	simm.s32 @!p0 $0x1082;
	s9 =	sld [smem:$0x3FB7]  }
0x2f: {  	lr =	sadd.s32 s0, s3;
	s0 =	sld [smem:$0x3FAE]  }
0x30: {  	s3 =	sld [smem:$0x3FB1]  }
0x31: {  	[smem:$0x3FBA] =	sst s10  }
0x32: {  	s10 =	sld [smem:$0x3FB8];
	_ =	sdelay $0x3  }
0x33: {  	p0 =	seq.s32 s10, $0x1;
	s10 =	sld [smem:$0x3FBA];
	_ =	sdelay $0x3  }
0x34: {  	[smem:$0x3FBA] =	sst s10  }
0x35: {  	s10 =	sld [smem:$0x3FB9];
	_ =	sdelay $0x3  }
0x36: {  	p1 =	seq.s32 s10, $0x1;
	s10 =	sld [smem:$0x3FBA];
	_ =	sdelay $0x3  }
0x37: {  	[smem:$0x3FBA] =	sst s10  }
0x38: {  	s10 =	sld [smem:$0x3FBB]  }
0x39: {  	_ = 	snop;
	(pc) =	sbr.ind lr, $3  }
0x3a: {  	_ = 	snop  }
0x3b: {  	_ = 	snop  }
0x3c: {  	p2 =	seq.s32 s10, $0x1;
	s10 =	sld [smem:$0x3FBA]  }
0x3d: {  	_ =	shalt  }
0x3e: {  	_ =	shalt  }
0x3f: {  	_ =	shalt  }
0x40: {  	_ =	shalt  }
0x41: {  	_ =	shalt  }
0x42: {  	_ =	shalt  }
0x43: {  	_ =	shalt  }
0x44: {  	_ =	shalt  }
0x45: {  	_ =	shalt  }
0x46: {  	_ =	shalt  }
0x47: {  	_ =	shalt  }
0x48: {  	_ =	shalt  }
0x49: {  	_ =	shalt  }
0x4a: {  	_ =	shalt  }
0x4b: {  	_ =	shalt  }
0x4c: {  	_ =	shalt  }
0x4d: {  	_ =	shalt  }
0x4e: {  	_ =	shalt  }
0x4f: {  	_ =	shalt  }
0x50: {  	_ =	shalt  }
0x51: {  	_ =	shalt  }
0x52: {  	_ =	shalt  }
0x53: {  	_ =	shalt  }
0x54: {  	_ =	shalt  }
0x55: {  	_ =	shalt  }
0x56: {  	_ =	shalt  }
0x57: {  	_ =	shalt  }
0x58: {  	_ =	shalt  }
0x59: {  	_ =	shalt  }
0x5a: {  	_ =	shalt  }
0x5b: {  	_ =	shalt  }
0x5c: {  	_ =	shalt  }
0x5d: {  	_ =	shalt  }
0x5e: {  	_ =	shalt  }
0x5f: {  	_ =	shalt  }
0x60: {  	_ =	shalt  }
0x61: {  	_ =	shalt  }
0x62: {  	_ =	shalt  }
0x63: {  	_ =	shalt  }
0x64: {  	_ =	shalt  }
0x65: {  	_ =	shalt  }
0x66: {  	_ =	shalt  }
0x67: {  	_ =	shalt  }
0x68: {  	_ =	shalt  }
0x69: {  	_ =	shalt  }
0x6a: {  	_ =	shalt  }
0x6b: {  	_ =	shalt  }
0x6c: {  	_ =	shalt  }
0x6d: {  	_ =	shalt  }
0x6e: {  	_ =	shalt  }
0x6f: {  	_ =	shalt  }
0x70: {  	_ =	shalt  }
0x71: {  	_ =	shalt  }
0x72: {  	_ =	shalt  }
0x73: {  	_ =	shalt  }
0x74: {  	_ =	shalt  }
0x75: {  	_ =	shalt  }
0x76: {  	_ =	shalt  }
0x77: {  	_ =	shalt  }
0x78: {  	_ =	shalt  }
0x79: {  	_ =	shalt  }
0x7a: {  	_ =	shalt  }
0x7b: {  	_ =	shalt  }
0x7c: {  	_ =	shalt  }
0x7d: {  	_ =	shalt  }
0x7e: {  	_ =	shalt  }
0x7f: {  	_ =	shalt  }
0x80: {  	_ =	shalt  }
0x81: {  	_ =	shalt  }
0x82: {  	_ =	shalt  }
0x83: {  	_ =	shalt  }
0x84: {  	_ =	shalt  }
0x85: {  	_ =	shalt  }
0x86: {  	_ =	shalt  }
0x87: {  	_ =	shalt  }
.Lfunc_end0:
.L_simem_size_0:
called_computation_lowered:
.L_overlay_start_0:
0x88: {  	s2 =	sld [smem:$0x3FD9]  }
0x89: {  	s3 =	sld [smem:$0x3FFE];
	_ =	sdelay $0x1  }
0x8a: {  	s1 =	srdreg.scid  }
0x8b: {  	s0 =	sand.u32 $0x1, s1  }
0x8c: {  	s17 =	sshll.u32 s0, $0xA;
	s2 =	sadd.s32 s3, s2  }
0x8d: {  	s2 =	sadd.s32 s2, s17  }
0x8e: {  	[smem:$0x3FC6] =	sst s2  }
0x8f: {  	_ = 	snop  }
0x90: {  	s2 =	sld [smem:$0x3FC9]  }
0x91: {  	s18 =	sld [smem:$0x3FD0];
	(tm) =	ssettm $0x1  }
0x92: {  	s4 =	sld [smem:$0x3FFB];
	_ =	sdelay $0x3  }
0x93: {  	_ =	strace s4  }
0x94: {  	s4 =	sld [smem:$0x3FFC];
	_ =	sdelay $0x3  }
0x95: {  	_ =	strace s4  }
0x96: {  	s4 =	sld [smem:$0x3FFD];
	_ =	sdelay $0x3  }
0x97: {  	_ =	strace s4  }
0x98: {  	_ =	strace $0x8FFFFFFF  }
0x99: {  	s19 =	sld [smem:$0x3FDB];
	_ =	sdelay $0x1  }
0x9a: {  	s5 =	simm.s32 $_scs_section_size  }
0x9b: {  	s6 =	simm.s32 $_size__tile_overlayer_lowered;
	s7 =	simm.s32 $_tile_overlayer_lowered  }
0x9c: {  	s22 =	simm.s32 $0x1BFF;
	s21 =	sshll.u32 s7, $0x1;
	s4 =	sadd.s32 s5, s19  }
0x9d: {  	s8 =	simm.s32 $0x0;
	s20 =	sshll.u32 s6, $0x1;
	s6 =	sadd.s32 s21, s4  }
0x9e: {  	[timem:s8], [sflag:s22] =	dma.local [hbm:s6], s20  }
0x9f: {  	_ =	swait.ge [sflag:s22], s20  }
0xa0: {  	s5 =	ssub.s32 $0x0, s20;
	[sflag:s22] =	ssyncset.done $0x0  }
0xa1: {  	[sflag:s22] =	ssyncadd.s32 s5;
	_ =	sdelay $0x1  }
0xa2: {  	s23 =	simm.s32 $0x1B8B  }
0xa3: {  	_ =	swait.ge [sflag:s23], $0x1  }
0xa4: {  	[sflag:s23] =	ssyncset.done $0x0  }
0xa5: {  	s25 =	simm.s32 $0x1B8E;
	s24 =	sld [smem:$0x3FFE];
	[sflag:s23] =	ssyncadd.s32 $0xFFFFFFFF  }
0xa6: {  	s26 =	simm.s32 $execute0_lowered;
	[smem:$0x3FD2] =	sst s25  }
0xa7: {  	s6 =	sshll.u32 s26, $0x1;
	_ =	strace $0x80000046;
	[dreg:$0x1] =	wrdreg $0xFFFFFFFF  }
0xa8: {  	s28 =	simm.s32 $_size_execute0_lowered;
	s4 =	sadd.s32 s4, s6;
	[dreg:$0x0] =	wrdreg $0x0  }
0xa9: {  	s6 =	sshll.u32 s28, $0x1;
	[dreg:$0x2] =	wrdreg s4  }
0xaa: {  	[dreg:$0x3] =	wrdreg s6  }
0xab: {  	[dreg:$0x4] =	wrdreg $0xC0  }
0xac: {  	_ =	task [dreg:s8], $0x5FFFF  }
0xad: {  	[dreg:$0x1] =	wrdreg $0xFFFFFFFF  }
0xae: {  	[dreg:$0x0] =	wrdreg $0x60  }
0xaf: {  	[dreg:$0x2] =	wrdreg s2  }
0xb0: {  	[dreg:$0x3] =	wrdreg s24  }
0xb1: {  	[dreg:$0x4] =	wrdreg s18  }
0xb2: {  	[dreg:$0x5] =	wrdreg $0x9  }
0xb3: {  	_ =	task.clear_ibuf [dreg:s8], $0x6FFFF;
	_ =	strace $0x90000046  }
0xb4: {  	s29 =	simm.s32 $0x9;
	_ =	strace $0x80000048  }
0xb5: {  	_ =	swait.ge [sflag:s29], $0x1  }
0xb6: {  	[sflag:s29] =	ssyncadd.s32 $0xFFFFFFFF  }
0xb7: {  	_ =	strace $0x90000048  }
0xb8: {  	_ =	sfence  }
0xb9: {  	s30 =	sld [smem:$0x0];
	_ =	sdelay $0x2  }
0xba: {  	s31 =	sshll.u32 s1, $0xD;
	s1 =	sshrl.u32 s1, $0x2  }
0xbb: {  	s3 =	sand.u32 $0x4000, s31;
	s1 =	sadd.s32 s1, s30  }
0xbc: {  	s0 =	sor.u32 s3, s0;
	s1 =	sshll.u32 s1, $0x11  }
0xbd: {  	s0 =	sor.u32 s1, s0  }
0xbe: {  	s0 =	sadd.s32 $0x8F2B, s0  }
0xbf: {  	[sflag:s0] =	ssyncadd.remote.s32 $0x1  }
0xc0: {  	_ =	sfence.sel $0xFFFF  }
0xc1: {  	[dreg:$0x0] =	wrdreg $0xFFFFFFFF;
	(pc) =	sbr.abs _section_cstart, $3  }
0xc2: {  	[dreg:$0x1] =	wrdreg $0xFFFFFFFF  }
0xc3: {  	_ =	task.clear_ibuf [dreg:s8], $0x2FFFF;
	_ =	strace $0x9FFFFFFF  }
0xc4: {  	(tm) =	ssettm $0x7FFFFFFF  }
0xc5: {  	_ =	shalt  }
tec
execute0_lowered:
.L_overlay_start_1:
0x0: {  	(tag) =	ssettag $0x1  }
0x1: {  	s0 =	rddreg [dreg:$0x0]  }
0x2: {  	s1 =	rddreg [dreg:$0x1];
	s2 =	srdreg.scid  }
0x3: {  	s3 =	stileid.u32;
	s12 =	rddreg [dreg:$0x2];
	s31 =	simm.s32 $0x6  }
0x4: {  	s2 =	sand.u32 $0x1, s2;
	s4 =	sshll.u32 s3, $0x1;
	s3 =	simm.s32 $0x0  }
0x5: {  	s29 =	sadd.s32 $0x4000, s12;
	s22 =	sadd.s32 $0x8000, s12;
	s23 =	sadd.s32 $0xC000, s12  }
0x6: {  	s24 =	sadd.s32 $0x10000, s12;
	s25 =	sadd.s32 $0x14000, s12;
	s26 =	sadd.s32 $0x18000, s12  }
0x7: {  	s28 =	sadd.s32 $0x1C000, s12;
	s15 =	sadd.s32 $0x20000, s12;
	[smem:$0x7FF] =	sst s3  }
0x8: {  	s16 =	sadd.s32 $0x24000, s12;
	_ =	strace $0x80000047;
	[dreg:$0x7] =	wrdreg s22  }
0x9: {  	s17 =	sadd.s32 $0x28000, s12;
	s18 =	sadd.s32 $0x2C000, s12;
	[dreg:$0x8] =	wrdreg s23  }
0xa: {  	s30 =	sadd.s32 $0x40, s0;
	s5 =	sor.u32 s2, s4;
	[dreg:$0x9] =	wrdreg s24  }
0xb: {  	s2 =	ssub.s32 $0x2, s2;
	s4 =	sadd.s32 $0x400, s1;
	[dreg:$0xa] =	wrdreg s25  }
0xc: {  	v0 =	vlaneseq.u32;
	s6 =	smul.u32 $0x3200, s5;
	s19 =	sshrl.u32 s2, $0x1;
	[dreg:$0xb] =	wrdreg s26  }
0xd: {  	v0 =	vmul.u32 $0x88, v0;
	s20 =	smul.u32 $0x190, s5;
	[dreg:$0xc] =	wrdreg s28;
	s22 =	sadd.s32 $0x3C000, s12  }
0xe: {  	[dreg:$0xe] =	wrdreg s30;
	s23 =	simm.s32 $0x8200;
	s26 =	simm.s32 $0x4  }
0xf: {  	v1 =	vadd.s32 $0x880, v0;
	v2 =	vadd.s32 $0x1100, v0;
	v3 =	vadd.s32 $0x1980, v0;
	s1 =	ssub.s32 s2, s19;
	s6 =	sadd.s32 s0, s6;
	[dreg:$0x5] =	wrdreg s20  }
0x10: {  	v4 =	vadd.s32 $0x2200, v0;
	v5 =	vadd.s32 $0x2A80, v0;
	v6 =	vadd.s32 $0x3300, v0;
	s19 =	sadd.s32 $0x30000, s12;
	s1 =	smax.u32 s1, $0x1;
	[dreg:$0x4] =	wrdreg s6  }
0x11: {  	v7 =	vadd.s32 $0x3B80, v0;
	v8 =	vadd.s32 $0x4400, v0;
	v9 =	vadd.s32 $0x4C80, v0;
	s2 =	simm.s32 $0x0;
	s0 =	sadd.s32 $0x60, s0;
	[dreg:$0xd] =	wrdreg s1  }
0x12: {  	v10 =	vadd.s32 $0x5500, v0;
	v11 =	vadd.s32 $0x5D80, v0;
	v12 =	vadd.s32 $0x6600, v0;
	s20 =	sadd.s32 $0x34000, s12;
	s21 =	sadd.s32 $0x20, s6;
	[dreg:$0xf] =	wrdreg s0  }
0x13: {  	v13 =	vadd.s32 $0x6E80, v0;
	v14 =	vadd.s32 $0x7700, v0;
	v15 =	vadd.s32 $0x7F80, v0;
	s1 =	simm.s32 $0x3;
	[dreg:$0x6] =	wrdreg s21;
	s21 =	sadd.s32 $0x38000, s12  }
.LBB2_1:
0x14: {  	[dreg:$0x10] =	wrdreg s2  }
0x15: {  	s0 =	rddreg [dreg:$0x4]  }
0x16: {  	[tilespmem:s3], [sflag:$0x1] =	stream.linear.gather [hbm4b:s0+s3], $0x100, $0x38;
	[tilespmem:$0x10A00] =	vst v63  }
0x17: {  	s13 =	rddreg [dreg:$0x6];
	s14 =	simm.s32 $0x100;
	s24 =	simm.s32 $0x1  }
0x18: {  	[tilespmem:s14], [sflag:$0x2] =	stream.linear.gather [hbm4b:s13+s3], $0x100, $0x38;
	[tilespmem:$0x10A00] =	vst v63  }
0x19: {  	_ =	swait.ge [sflag:s24], $0x100  }
0x1a: {  	[sflag:s24] =	ssyncset.done $0x0  }
0x1b: {  	s25 =	simm.s32 $0x80;
	s28 =	simm.s32 $0x200;
	[sflag:s24] =	ssyncadd.s32 $0xFFFFFF00  }
0x1c: {  	[tilespmem:s28], [sflag:$0x3] =	stream.indirect.gather [hbm4b:s4+s25], $0x40, s3, s25, $0xb8;
	[tilespmem:$0x10A00] =	vst v63  }
0x1d: {  	s30 =	simm.s32 $0x2200;
	s7 =	simm.s32 $0x0  }
0x1e: {  	[tilespmem:s30], [sflag:$0x3] =	stream.indirect.gather [hbm4b:s4+s25], $0x40, s25, s25, $0xb8;
	[tilespmem:$0x10A00] =	vst v63  }
.LBB2_2:
0x1f: {  	_ =	swait.ge [sflag:s1], $0x2000  }
0x20: {  	s0 =	sshll.u32 s7, $0x1;
	[sflag:s1] =	ssyncset.done $0x0  }
0x21: {  	p0 =	seq.s32 s7, $0xC7;
	s2 =	rddreg [dreg:$0x5];
	[sflag:s1] =	ssyncadd.s32 $0xFFFFE000  }
0x22: {  	s11 =	simm.s32 $0x2;
	s30 =	sadd.s32 s2, s0;
	_ =	swait.ge [sflag:s1], $0x2000  }
0x23: {  	s2 =	sshll.u32 @!p0 s30, $0x5;
	[sflag:s1] =	ssyncset.done $0x0;
	s0 =	rddreg [dreg:$0xe]  }
0x24: {  	s5 =	simm.s32 @!p0 $0x0;
	[sflag:s1] =	ssyncadd.s32 $0xFFFFE000;
	s0 =	sadd.s32 @!p0 s0, s2  }
0x25: {  	[tilespmem:s5], [sflag:$0x1] =	stream.linear.gather @!p0 [hbm4b:s0+s5], $0x100, $0x38;
	[tilespmem:$0x10A00] =	vst v63  }
0x26: {  	_ =	swait.ge [sflag:s11], $0x100  }
0x27: {  	s13 =	simm.s32 $0x100;
	s14 =	simm.s32 $0x80;
	[sflag:s11] =	ssyncset.done $0x0  }
0x28: {  	s6 =	simm.s32 $0x4200;
	p1 =	seq.s32 s7, $0x0;
	[sflag:s11] =	ssyncadd.s32 $0xFFFFFF00  }
0x29: {  	[tilespmem:s6], [sflag:$0x4] =	stream.indirect.gather [hbm4b:s4+s14], $0x40, s13, s14, $0xb8;
	[tilespmem:$0x10A00] =	vst v63  }
0x2a: {  	s24 =	simm.s32 $0x180;
	s25 =	simm.s32 $0x6200;
	s0 =	simm.s32 @!p1 $0x5  }
0x2b: {  	[tilespmem:s25], [sflag:$0x4] =	stream.indirect.gather [hbm4b:s4+s14], $0x40, s24, s14, $0xb8;
	[tilespmem:$0x10A00] =	vst v63  }
0x2c: {  	_ =	swait.ge @!p1 [sflag:s0], $0x400  }
0x2d: {  	[sflag:s0] =	ssyncset.done @!p1 $0x0  }
0x2e: {  	[sflag:s0] =	ssyncadd.s32 @!p1 $0xFFFFFC00  }
0x2f: {  	_ =	swait.ge @!p1 [sflag:s0], $0x400  }
0x30: {  	[sflag:s0] =	ssyncset.done @!p1 $0x0  }
0x31: {  	[sflag:s0] =	ssyncadd.s32 @!p1 $0xFFFFFC00  }
0x32: {  	_ =	swait.ge @!p1 [sflag:s0], $0x400  }
0x33: {  	[sflag:s0] =	ssyncset.done @!p1 $0x0  }
0x34: {  	[sflag:s0] =	ssyncadd.s32 @!p1 $0xFFFFFC00  }
0x35: {  	_ =	swait.ge @!p1 [sflag:s0], $0x400  }
0x36: {  	[sflag:s0] =	ssyncset.done @!p1 $0x0  }
0x37: {  	[sflag:s0] =	ssyncadd.s32 @!p1 $0xFFFFFC00  }
0x38: {  	_ =	swait.ge @!p1 [sflag:s0], $0x400  }
0x39: {  	[sflag:s0] =	ssyncset.done @!p1 $0x0  }
0x3a: {  	[sflag:s0] =	ssyncadd.s32 @!p1 $0xFFFFFC00  }
0x3b: {  	_ =	swait.ge @!p1 [sflag:s0], $0x400  }
0x3c: {  	[sflag:s0] =	ssyncset.done @!p1 $0x0  }
0x3d: {  	[sflag:s0] =	ssyncadd.s32 @!p1 $0xFFFFFC00  }
0x3e: {  	_ =	swait.ge @!p1 [sflag:s0], $0x400  }
0x3f: {  	[sflag:s0] =	ssyncset.done @!p1 $0x0  }
0x40: {  	[sflag:s0] =	ssyncadd.s32 @!p1 $0xFFFFFC00  }
0x41: {  	_ =	swait.ge @!p1 [sflag:s0], $0x400  }
0x42: {  	[sflag:s0] =	ssyncset.done @!p1 $0x0  }
0x43: {  	[sflag:s0] =	ssyncadd.s32 @!p1 $0xFFFFFC00  }
0x44: {  	_ =	swait.ge @!p1 [sflag:s0], $0x400  }
0x45: {  	[sflag:s0] =	ssyncset.done @!p1 $0x0  }
0x46: {  	[sflag:s0] =	ssyncadd.s32 @!p1 $0xFFFFFC00  }
0x47: {  	_ =	swait.ge @!p1 [sflag:s0], $0x400  }
0x48: {  	[sflag:s0] =	ssyncset.done @!p1 $0x0  }
0x49: {  	[sflag:s0] =	ssyncadd.s32 @!p1 $0xFFFFFC00  }
0x4a: {  	_ =	swait.ge @!p1 [sflag:s0], $0x400  }
0x4b: {  	[sflag:s0] =	ssyncset.done @!p1 $0x0  }
0x4c: {  	[sflag:s0] =	ssyncadd.s32 @!p1 $0xFFFFFC00  }
0x4d: {  	_ =	swait.ge @!p1 [sflag:s0], $0x400  }
0x4e: {  	[sflag:s0] =	ssyncset.done @!p1 $0x0  }
0x4f: {  	[sflag:s0] =	ssyncadd.s32 @!p1 $0xFFFFFC00  }
0x50: {  	_ =	swait.ge @!p1 [sflag:s0], $0x400  }
0x51: {  	[sflag:s0] =	ssyncset.done @!p1 $0x0  }
0x52: {  	[sflag:s0] =	ssyncadd.s32 @!p1 $0xFFFFFC00  }
0x53: {  	_ =	swait.ge @!p1 [sflag:s0], $0x400  }
0x54: {  	[sflag:s0] =	ssyncset.done @!p1 $0x0  }
0x55: {  	[sflag:s0] =	ssyncadd.s32 @!p1 $0xFFFFFC00  }
0x56: {  	_ =	swait.ge @!p1 [sflag:s0], $0x400  }
0x57: {  	[sflag:s0] =	ssyncset.done @!p1 $0x0  }
0x58: {  	[sflag:s0] =	ssyncadd.s32 @!p1 $0xFFFFFC00  }
0x59: {  	_ =	swait.ge @!p1 [sflag:s0], $0x400  }
0x5a: {  	[sflag:s0] =	ssyncset.done @!p1 $0x0  }
0x5b: {  	s9 =	simm.s32 $0x2200;
	s6 =	simm.s32 $0x0;
	[sflag:s0] =	ssyncadd.s32 @!p1 $0xFFFFFC00  }
0x5c: {  	v16 =	vmov s6;
	v17 =	vld [tilespmem:s9+$0xFFFFE000]  }
0x5d: {  	v16 =	vand.u32 $0x7F, v16  }
0x5e: {  	v18 =	vadd.s32 v0, v16;
	_ =	sdelay $0x2  }
0x5f: {  	v17 =	vmul.f32 $8.000000000e+00, v17  }
0x60: {  	s8 =	simm.s32 $0x1;
	s5 =	simm.s32 $0x2240  }
0x61: {  	[tilespmem:v18+s23+$0x0] =	vst.idx.msk $0xffff, v17;
	v17 =	vmov s8;
	v18 =	vld [tilespmem:s5+$0xFFFFE000]  }
0x62: {  	v17 =	vand.u32 $0x7F, v17;
	v19 =	vld [tilespmem:s9+$0xFFFFE010]  }
0x63: {  	v20 =	vadd.s32 v0, v17  }
0x64: {  	v21 =	vadd.s32 v1, v16;
	_ =	sdelay $0x1  }
0x65: {  	v18 =	vmul.f32 $8.000000000e+00, v18  }
0x66: {  	s10 =	simm.s32 $0x2;
	s6 =	simm.s32 $0x2280;
	v19 =	vmul.f32 $8.000000000e+00, v19  }
0x67: {  	[tilespmem:v20+s23+$0x0] =	vst.idx.msk $0xffff, v18;
	v18 =	vmov s10;
	v20 =	vld [tilespmem:s6+$0xFFFFE000]  }
0x68: {  	[tilespmem:v21+s23+$0x0] =	vst.idx.msk $0xffff, v19;
	v18 =	vand.u32 $0x7F, v18;
	v19 =	vld [tilespmem:s5+$0xFFFFE010]  }
0x69: {  	v21 =	vadd.s32 v0, v18;
	v22 =	vld [tilespmem:s9+$0xFFFFE020]  }
0x6a: {  	v23 =	vadd.s32 v1, v17  }
0x6b: {  	v24 =	vadd.s32 v2, v16  }
0x6c: {  	v20 =	vmul.f32 $8.000000000e+00, v20  }
0x6d: {  	s11 =	simm.s32 $0x3;
	s24 =	simm.s32 $0x22C0;
	v19 =	vmul.f32 $8.000000000e+00, v19  }
0x6e: {  	[tilespmem:v21+s23+$0x0] =	vst.idx.msk $0xffff, v20;
	v20 =	vmul.f32 $8.000000000e+00, v22;
	v21 =	vmov s11;
	v22 =	vld [tilespmem:s24+$0xFFFFE000]  }
0x6f: {  	[tilespmem:v23+s23+$0x0] =	vst.idx.msk $0xffff, v19;
	v19 =	vand.u32 $0x7F, v21;
	v21 =	vld [tilespmem:s6+$0xFFFFE010]  }
0x70: {  	[tilespmem:v24+s23+$0x0] =	vst.idx.msk $0xffff, v20;
	v20 =	vadd.s32 v0, v19;
	v23 =	vld [tilespmem:s5+$0xFFFFE020]  }
0x71: {  	v24 =	vadd.s32 v1, v18;
	v25 =	vld [tilespmem:s9+$0xFFFFE030]  }
0x72: {  	v26 =	vadd.s32 v2, v17  }
0x73: {  	v27 =	vadd.s32 v3, v16;
	v22 =	vmul.f32 $8.000000000e+00, v22  }
0x74: {  	s13 =	simm.s32 $0x4;
	s25 =	simm.s32 $0x2300;
	v21 =	vmul.f32 $8.000000000e+00, v21  }
0x75: {  	[tilespmem:v20+s23+$0x0] =	vst.idx.msk $0xffff, v22;
	v22 =	vmul.f32 $8.000000000e+00, v23;
	v20 =	vmov s13;
	v23 =	vld [tilespmem:s25+$0xFFFFE000]  }
0x76: {  	[tilespmem:v24+s23+$0x0] =	vst.idx.msk $0xffff, v21;
	v21 =	vmul.f32 $8.000000000e+00, v25;
	v20 =	vand.u32 $0x7F, v20;
	v24 =	vld [tilespmem:s24+$0xFFFFE010]  }
0x77: {  	[tilespmem:v26+s23+$0x0] =	vst.idx.msk $0xffff, v22;
	v22 =	vadd.s32 v0, v20;
	v25 =	vld [tilespmem:s6+$0xFFFFE020]  }
0x78: {  	[tilespmem:v27+s23+$0x0] =	vst.idx.msk $0xffff, v21;
	v21 =	vadd.s32 v1, v19;
	v26 =	vld [tilespmem:s5+$0xFFFFE030]  }
0x79: {  	v27 =	vadd.s32 v2, v18;
	v28 =	vld [tilespmem:s9+$0x0]  }
0x7a: {  	v29 =	vadd.s32 v3, v17;
	v23 =	vmul.f32 $8.000000000e+00, v23  }
0x7b: {  	s28 =	simm.s32 $0x2340;
	s14 =	simm.s32 $0x5;
	v30 =	vadd.s32 v4, v16;
	v24 =	vmul.f32 $8.000000000e+00, v24  }
0x7c: {  	[tilespmem:v22+s23+$0x0] =	vst.idx.msk $0xffff, v23;
	v22 =	vmul.f32 $8.000000000e+00, v25;
	v23 =	vmov s14;
	v25 =	vld [tilespmem:s28+$0xFFFFE000]  }
0x7d: {  	[tilespmem:v21+s23+$0x0] =	vst.idx.msk $0xffff, v24;
	v24 =	vmul.f32 $8.000000000e+00, v26;
	v21 =	vand.u32 $0x7F, v23;
	v23 =	vld [tilespmem:s25+$0xFFFFE010]  }
0x7e: {  	[tilespmem:v27+s23+$0x0] =	vst.idx.msk $0xffff, v22;
	v22 =	vmul.f32 $8.000000000e+00, v28;
	v26 =	vadd.s32 v0, v21;
	v27 =	vld [tilespmem:s24+$0xFFFFE020]  }
0x7f: {  	[tilespmem:v29+s23+$0x0] =	vst.idx.msk $0xffff, v24;
	v24 =	vadd.s32 v1, v20;
	v28 =	vld [tilespmem:s6+$0xFFFFE030]  }
0x80: {  	v29 =	vadd.s32 v2, v19;
	[tilespmem:v30+s23+$0x0] =	vst.idx.msk $0xffff, v22;
	v30 =	vld [tilespmem:s5+$0x0]  }
0x81: {  	v22 =	vmul.f32 $8.000000000e+00, v25;
	v25 =	vadd.s32 v3, v18;
	v31 =	vld [tilespmem:s9+$0x10]  }
0x82: {  	s0 =	simm.s32 $0x2380;
	s8 =	simm.s32 $0x6;
	v32 =	vadd.s32 v4, v17;
	v23 =	vmul.f32 $8.000000000e+00, v23  }
0x83: {  	v33 =	vld [tilespmem:s0+$0xFFFFE000];
	[tilespmem:v26+s23+$0x0] =	vst.idx.msk $0xffff, v22;
	v26 =	vmul.f32 $8.000000000e+00, v27;
	v27 =	vadd.s32 v5, v16;
	v22 =	vmov s8  }
0x84: {  	[tilespmem:v24+s23+$0x0] =	vst.idx.msk $0xffff, v23;
	v23 =	vmul.f32 $8.000000000e+00, v28;
	v22 =	vand.u32 $0x7F, v22;
	v24 =	vld [tilespmem:s28+$0xFFFFE010]  }
0x85: {  	[tilespmem:v29+s23+$0x0] =	vst.idx.msk $0xffff, v26;
	v26 =	vmul.f32 $8.000000000e+00, v30;
	v28 =	vadd.s32 v0, v22;
	v29 =	vld [tilespmem:s25+$0xFFFFE020]  }
0x86: {  	[tilespmem:v25+s23+$0x0] =	vst.idx.msk $0xffff, v23;
	v23 =	vmul.f32 $8.000000000e+00, v31;
	v25 =	vadd.s32 v1, v21;
	v30 =	vld [tilespmem:s24+$0xFFFFE030]  }
0x87: {  	[tilespmem:v32+s23+$0x0] =	vst.idx.msk $0xffff, v26;
	v26 =	vadd.s32 v2, v20;
	v31 =	vld [tilespmem:s6+$0x0]  }
0x88: {  	[tilespmem:v27+s23+$0x0] =	vst.idx.msk $0xffff, v23;
	v23 =	vmul.f32 $8.000000000e+00, v33;
	v27 =	vadd.s32 v3, v19;
	v32 =	vld [tilespmem:s5+$0x10]  }
0x89: {  	s10 =	simm.s32 $0x7;
	v63 =	vadd.s32 v4, v18;
	s8 =	simm.s32 $0x23C0;
	v24 =	vmul.f32 $8.000000000e+00, v24;
	v34 =	vld [tilespmem:s9+$0x20]  }
0x8a: {  	v35 =	vld [tilespmem:s8+$0xFFFFE000];
	[tilespmem:v28+s23+$0x0] =	vst.idx.msk $0xffff, v23;
	v28 =	vmul.f32 $8.000000000e+00, v29;
	v29 =	vadd.s32 v5, v17;
	v23 =	vmov s10  }
0x8b: {  	[tilespmem:v25+s23+$0x0] =	vst.idx.msk $0xffff, v24;
	v24 =	vmul.f32 $8.000000000e+00, v30;
	v25 =	vadd.s32 v6, v16;
	v23 =	vand.u32 $0x7F, v23;
	v36 =	vld [tilespmem:s0+$0xFFFFE010]  }
0x8c: {  	[tilespmem:v26+s23+$0x0] =	vst.idx.msk $0xffff, v28;
	v26 =	vmul.f32 $8.000000000e+00, v31;
	v37 =	vadd.s32 v0, v23;
	v38 =	vld [tilespmem:s28+$0xFFFFE020]  }
0x8d: {  	v33 =	vadd.s32 v1, v22;
	[tilespmem:v27+s23+$0x0] =	vst.idx.msk $0xffff, v24;
	v24 =	vmul.f32 $8.000000000e+00, v32;
	v30 =	vld [tilespmem:s25+$0xFFFFE030]  }
0x8e: {  	v32 =	vadd.s32 v2, v21;
	[tilespmem:v63+s23+$0x0] =	vst.idx.msk $0xffff, v26;
	v27 =	vmul.f32 $8.000000000e+00, v34;
	v28 =	vld [tilespmem:s24+$0x0]  }
0x8f: {  	v31 =	vadd.s32 v3, v20;
	[tilespmem:v29+s23+$0x0] =	vst.idx.msk $0xffff, v24;
	v24 =	vmul.f32 $8.000000000e+00, v35;
	v26 =	vld [tilespmem:s6+$0x10]  }
0x90: {  	v29 =	vadd.s32 v4, v19;
	[tilespmem:v25+s23+$0x0] =	vst.idx.msk $0xffff, v27;
	v35 =	vmul.f32 $8.000000000e+00, v36;
	v25 =	vld [tilespmem:s5+$0x20]  }
0x91: {  	s11 =	simm.s32 $0x8;
	s10 =	simm.s32 $0x2400;
	v27 =	vadd.s32 v5, v18;
	[tilespmem:v37+s23+$0x0] =	vst.idx.msk $0xffff, v24;
	v34 =	vmul.f32 $8.000000000e+00, v38;
	v24 =	vld [tilespmem:s9+$0x30]  }
.LBB2_3:
0x92: {  	v36 =	vmov s11;
	v37 =	vld [tilespmem:s10+$0xFFFFE000];
	p1 =	sne.s32 s11, $0x7F;
	[tilespmem:v33+s23+$0x0] =	vst.idx.msk $0xffff, v35;
	v30 =	vmul.f32 $8.000000000e+00, v30;
	v35 =	vadd.s32 v6, v17;
	s9 =	smov.u32 s6;
	s6 =	smov.u32 s24  }
0x93: {  	s24 =	smov.u32 s25;
	s25 =	smov.u32 s28;
	s28 =	smov.u32 s0;
	v36 =	vand.u32 $0x7F, v36;
	v38 =	vld [tilespmem:s8+$0xFFFFE010];
	[tilespmem:v32+s23+$0x0] =	vst.idx.msk $0xffff, v34;
	v28 =	vmul.f32 $8.000000000e+00, v28;
	v34 =	vadd.s32 v7, v16;
	v16 =	vmovc v17  }
0x94: {  	s0 =	smov.u32 s8;
	v17 =	vmovc v18;
	v18 =	vmov v19;
	s8 =	smov.u32 s10;
	v39 =	vadd.s32 v0, v36;
	v40 =	vld [tilespmem:s28+$0xFFFFE020];
	[tilespmem:v31+s23+$0x0] =	vst.idx.msk $0xffff, v30;
	v26 =	vmul.f32 $8.000000000e+00, v26  }
.Ltmp0:
0x95: {  	v33 =	vadd.s32 v1, v23;
	v19 =	vmovc v20;
	v20 =	vmov v21;
	v30 =	vld [tilespmem:s25+$0xFFFFE030];
	[tilespmem:v29+s23+$0x0] =	vst.idx.msk $0xffff, v28;
	v25 =	vmul.f32 $8.000000000e+00, v25;
	(pc) =	sbr.rel @p1 .LBB2_3-.Ltmp0, $4  }
0x96: {  	v32 =	vadd.s32 v2, v22;
	v21 =	vmovc v22;
	v22 =	vmov v23;
	v28 =	vld [tilespmem:s24+$0x0];
	[tilespmem:v27+s23+$0x0] =	vst.idx.msk $0xffff, v26;
	v24 =	vmul.f32 $8.000000000e+00, v24  }
0x97: {  	v31 =	vadd.s32 v3, v20;
	v23 =	vmov v36;
	v27 =	vmul.f32 $8.000000000e+00, v37;
	v26 =	vld [tilespmem:s6+$0x10];
	[tilespmem:v35+s23+$0x0] =	vst.idx.msk $0xffff, v25  }
0x98: {  	v29 =	vadd.s32 v4, v19;
	v35 =	vmul.f32 $8.000000000e+00, v38;
	v25 =	vld [tilespmem:s9+$0x20];
	[tilespmem:v34+s23+$0x0] =	vst.idx.msk $0xffff, v24  }
0x99: {  	s11 =	sadd.s32 $0x1, s11;
	s10 =	sadd.s32 $0x40, s10;
	[tilespmem:v39+s23+$0x0] =	vst.idx.msk $0xffff, v27;
	v34 =	vmul.f32 $8.000000000e+00, v40;
	v27 =	vadd.s32 v5, v18;
	v24 =	vld [tilespmem:s5+$0x30];
	s5 =	smov.u32 s9  }
0x9a: {  	v36 =	vld [tilespmem:s8+$0xFFFFE010];
	_ =	sdelay $0x1  }
0x9b: {  	v37 =	vadd.s32 v1, v23;
	_ =	sdelay $0x2  }
0x9c: {  	v36 =	vmul.f32 $8.000000000e+00, v36  }
0x9d: {  	[tilespmem:v33+s23+$0x0] =	vst.idx.msk $0xffff, v35  }
0x9e: {  	v33 =	vld [tilespmem:s0+$0xFFFFE020];
	[tilespmem:v37+s23+$0x0] =	vst.idx.msk $0xffff, v36  }
0x9f: {  	v54 =	vld [tilespmem:s8+$0xFFFFE020]  }
0xa0: {  	v55 =	vadd.s32 v2, v22  }
0xa1: {  	v56 =	vadd.s32 v2, v23;
	_ =	sdelay $0x1  }
0xa2: {  	v33 =	vmul.f32 $8.000000000e+00, v33  }
0xa3: {  	[tilespmem:v32+s23+$0x0] =	vst.idx.msk $0xffff, v34;
	v57 =	vmul.f32 $8.000000000e+00, v54  }
0xa4: {  	v34 =	vld [tilespmem:s28+$0xFFFFE030];
	[tilespmem:v55+s23+$0x0] =	vst.idx.msk $0xffff, v33  }
0xa5: {  	v33 =	vld [tilespmem:s0+$0xFFFFE030];
	[tilespmem:v56+s23+$0x0] =	vst.idx.msk $0xffff, v57  }
0xa6: {  	v58 =	vadd.s32 v3, v21;
	v59 =	vld [tilespmem:s8+$0xFFFFE030]  }
0xa7: {  	v60 =	vadd.s32 v3, v22  }
0xa8: {  	v30 =	vmul.f32 $8.000000000e+00, v30;
	v61 =	vadd.s32 v3, v23  }
0xa9: {  	v34 =	vmul.f32 $8.000000000e+00, v34  }
0xaa: {  	[tilespmem:v31+s23+$0x0] =	vst.idx.msk $0xffff, v30;
	v30 =	vmul.f32 $8.000000000e+00, v33  }
0xab: {  	v31 =	vld [tilespmem:s25+$0x0];
	[tilespmem:v58+s23+$0x0] =	vst.idx.msk $0xffff, v34;
	v62 =	vmul.f32 $8.000000000e+00, v59  }
0xac: {  	v63 =	vld [tilespmem:s28+$0x0];
	[tilespmem:v60+s23+$0x0] =	vst.idx.msk $0xffff, v30  }
0xad: {  	v30 =	vadd.s32 v4, v20;
	v40 =	vld [tilespmem:s0+$0x0];
	[tilespmem:v61+s23+$0x0] =	vst.idx.msk $0xffff, v62  }
0xae: {  	v41 =	vadd.s32 v4, v21;
	v42 =	vld [tilespmem:s8+$0x0]  }
0xaf: {  	v43 =	vadd.s32 v4, v22;
	v28 =	vmul.f32 $8.000000000e+00, v28  }
0xb0: {  	v44 =	vadd.s32 v4, v23;
	v31 =	vmul.f32 $8.000000000e+00, v31  }
0xb1: {  	[tilespmem:v29+s23+$0x0] =	vst.idx.msk $0xffff, v28;
	v28 =	vmul.f32 $8.000000000e+00, v63  }
0xb2: {  	v29 =	vld [tilespmem:s24+$0x10];
	[tilespmem:v30+s23+$0x0] =	vst.idx.msk $0xffff, v31;
	v30 =	vmul.f32 $8.000000000e+00, v40  }
0xb3: {  	[tilespmem:v41+s23+$0x0] =	vst.idx.msk $0xffff, v28;
	v31 =	vld [tilespmem:s25+$0x10];
	v28 =	vmul.f32 $8.000000000e+00, v42  }
0xb4: {  	v45 =	vadd.s32 v5, v19;
	v46 =	vld [tilespmem:s28+$0x10];
	[tilespmem:v43+s23+$0x0] =	vst.idx.msk $0xffff, v30  }
0xb5: {  	v30 =	vadd.s32 v5, v20;
	v47 =	vld [tilespmem:s0+$0x10];
	[tilespmem:v44+s23+$0x0] =	vst.idx.msk $0xffff, v28  }
0xb6: {  	v26 =	vmul.f32 $8.000000000e+00, v26;
	v28 =	vadd.s32 v5, v21;
	v48 =	vld [tilespmem:s8+$0x10]  }
0xb7: {  	v49 =	vadd.s32 v5, v22;
	v29 =	vmul.f32 $8.000000000e+00, v29  }
0xb8: {  	[tilespmem:v27+s23+$0x0] =	vst.idx.msk $0xffff, v26;
	v27 =	vadd.s32 v5, v23;
	v26 =	vmul.f32 $8.000000000e+00, v31  }
0xb9: {  	[tilespmem:v45+s23+$0x0] =	vst.idx.msk $0xffff, v29;
	v29 =	vmul.f32 $8.000000000e+00, v46;
	v31 =	vld [tilespmem:s6+$0x20]  }
0xba: {  	v50 =	vadd.s32 v6, v17;
	v51 =	vld [tilespmem:s24+$0x20];
	[tilespmem:v30+s23+$0x0] =	vst.idx.msk $0xffff, v26;
	v26 =	vmul.f32 $8.000000000e+00, v47  }
0xbb: {  	v30 =	vadd.s32 v6, v18;
	v52 =	vld [tilespmem:s25+$0x20];
	[tilespmem:v28+s23+$0x0] =	vst.idx.msk $0xffff, v29;
	v28 =	vmul.f32 $8.000000000e+00, v48  }
0xbc: {  	[tilespmem:v49+s23+$0x0] =	vst.idx.msk $0xffff, v26;
	v29 =	vadd.s32 v6, v19;
	v53 =	vld [tilespmem:s28+$0x20]  }
0xbd: {  	v25 =	vmul.f32 $8.000000000e+00, v25;
	v26 =	vadd.s32 v6, v20;
	v36 =	vld [tilespmem:s0+$0x20];
	[tilespmem:v27+s23+$0x0] =	vst.idx.msk $0xffff, v28  }
0xbe: {  	v27 =	vmul.f32 $8.000000000e+00, v31;
	v28 =	vadd.s32 v6, v21;
	v31 =	vld [tilespmem:s8+$0x20]  }
0xbf: {  	[tilespmem:v50+s23+$0x0] =	vst.idx.msk $0xffff, v25;
	v54 =	vadd.s32 v6, v22;
	v25 =	vmul.f32 $8.000000000e+00, v51  }
0xc0: {  	v55 =	vld [tilespmem:s5+$0x30];
	[tilespmem:v30+s23+$0x0] =	vst.idx.msk $0xffff, v27;
	v27 =	vmul.f32 $8.000000000e+00, v52;
	v30 =	vadd.s32 v6, v23  }
0xc1: {  	v16 =	vadd.s32 v7, v16;
	[tilespmem:v29+s23+$0x0] =	vst.idx.msk $0xffff, v25;
	v56 =	vld [tilespmem:s6+$0x30];
	v25 =	vmul.f32 $8.000000000e+00, v53  }
0xc2: {  	v17 =	vadd.s32 v7, v17;
	v29 =	vld [tilespmem:s24+$0x30];
	[tilespmem:v26+s23+$0x0] =	vst.idx.msk $0xffff, v27;
	v26 =	vmul.f32 $8.000000000e+00, v36  }
0xc3: {  	v18 =	vadd.s32 v7, v18;
	v27 =	vld [tilespmem:s25+$0x30];
	[tilespmem:v28+s23+$0x0] =	vst.idx.msk $0xffff, v25;
	v25 =	vmul.f32 $8.000000000e+00, v31  }
0xc4: {  	v24 =	vmul.f32 $8.000000000e+00, v24;
	v19 =	vadd.s32 v7, v19;
	v28 =	vld [tilespmem:s28+$0x30];
	[tilespmem:v54+s23+$0x0] =	vst.idx.msk $0xffff, v26  }
0xc5: {  	v20 =	vadd.s32 v7, v20;
	v26 =	vmul.f32 $8.000000000e+00, v55;
	v31 =	vld [tilespmem:s0+$0x30];
	[tilespmem:v30+s23+$0x0] =	vst.idx.msk $0xffff, v25  }
0xc6: {  	[tilespmem:v16+s23+$0x0] =	vst.idx.msk $0xffff, v24;
	v21 =	vadd.s32 v7, v21;
	v16 =	vmul.f32 $8.000000000e+00, v56;
	v24 =	vld [tilespmem:s8+$0x30]  }
0xc7: {  	s13 =	sshll.u32 s7, $0x2;
	s14 =	sshrl.u32 s30, $0x6;
	v22 =	vadd.s32 v7, v22;
	[tilespmem:v17+s23+$0x0] =	vst.idx.msk $0xffff, v26;
	v17 =	vmul.f32 $8.000000000e+00, v29  }
0xc8: {  	s5 =	sand.u32 $0x4, s13;
	s28 =	sand.u32 $0x1FFFFF8, s14;
	[tilespmem:v18+s23+$0x0] =	vst.idx.msk $0xffff, v16;
	v16 =	vmul.f32 $8.000000000e+00, v27;
	v18 =	vadd.s32 v7, v23  }
0xc9: {  	s24 =	sshll.u32 s30, $0x8;
	s0 =	sor.u32 s5, s28;
	[tilespmem:v19+s23+$0x0] =	vst.idx.msk $0xffff, v17;
	v17 =	vmul.f32 $8.000000000e+00, v28  }
0xca: {  	s30 =	sand.u32 $0x1FC00, s24;
	s0 =	sshll.u32 s0, $0x14;
	[tilespmem:v20+s23+$0x0] =	vst.idx.msk $0xffff, v16;
	v16 =	vmul.f32 $8.000000000e+00, v31  }
0xcb: {  	s0 =	sor.u32 s30, s0;
	[tilespmem:v21+s23+$0x0] =	vst.idx.msk $0xffff, v17;
	v17 =	vmul.f32 $8.000000000e+00, v24  }
0xcc: {  	s0 =	sshrl.u32 s0, $0x3;
	[tilespmem:v22+s23+$0x0] =	vst.idx.msk $0xffff, v16  }
0xcd: {  	s6 =	sadd.s32 s12, s0;
	[tilespmem:v18+s23+$0x0] =	vst.idx.msk $0xffff, v17  }
0xce: {  	[hbm4b:s6+s3] =	stream.linear.scatter [tilespmem:s23], [sflag:$0x5], $0x80, $0x38;
	[tilespmem:$0x10A00] =	vst v63  }
0xcf: {  	s9 =	simm.s32 $0x8288;
	s25 =	sadd.s32 $0x10, s6  }
0xd0: {  	[hbm4b:s25+s3] =	stream.linear.scatter [tilespmem:s9], [sflag:$0x5], $0x80, $0x38;
	[tilespmem:$0x10A00] =	vst v63  }
0xd1: {  	s11 =	simm.s32 $0x8310;
	s10 =	sadd.s32 $0x20, s6  }
0xd2: {  	[hbm4b:s10+s3] =	stream.linear.scatter [tilespmem:s11], [sflag:$0x5], $0x80, $0x38;
	[tilespmem:$0x10A00] =	vst v63  }
0xd3: {  	s13 =	smov.u32 s12;
	s14 =	simm.s32 $0x8398;
	s12 =	sadd.s32 $0x30, s6  }
0xd4: {  	[hbm4b:s12+s3] =	stream.linear.scatter [tilespmem:s14], [sflag:$0x5], $0x80, $0x38;
	[tilespmem:$0x10A00] =	vst v63  }
0xd5: {  	s24 =	sadd.s32 $0x40, s6;
	s25 =	simm.s32 $0x8420  }
0xd6: {  	[hbm4b:s24+s3] =	stream.linear.scatter [tilespmem:s25], [sflag:$0x5], $0x80, $0x38;
	[tilespmem:$0x10A00] =	vst v63  }
0xd7: {  	s10 =	sadd.s32 $0x50, s6;
	s11 =	simm.s32 $0x84A8  }
0xd8: {  	[hbm4b:s10+s3] =	stream.linear.scatter [tilespmem:s11], [sflag:$0x5], $0x80, $0x38;
	[tilespmem:$0x10A00] =	vst v63  }
0xd9: {  	s12 =	sadd.s32 $0x60, s6;
	s14 =	simm.s32 $0x8530  }
0xda: {  	[hbm4b:s12+s3] =	stream.linear.scatter [tilespmem:s14], [sflag:$0x5], $0x80, $0x38;
	[tilespmem:$0x10A00] =	vst v63  }
0xdb: {  	s6 =	sadd.s32 $0x70, s6;
	s24 =	simm.s32 $0x85B8  }
0xdc: {  	[hbm4b:s6+s3] =	stream.linear.scatter [tilespmem:s24], [sflag:$0x5], $0x80, $0x38;
	[tilespmem:$0x10A00] =	vst v63  }
0xdd: {  	s25 =	simm.s32 $0x8640;
	s6 =	sadd.s32 s0, s29  }
0xde: {  	[hbm4b:s6+s3] =	stream.linear.scatter [tilespmem:s25], [sflag:$0x5], $0x80, $0x38;
	[tilespmem:$0x10A00] =	vst v63  }
0xdf: {  	s10 =	simm.s32 $0x86C8;
	s9 =	sadd.s32 $0x10, s6  }
0xe0: {  	[hbm4b:s9+s3] =	stream.linear.scatter [tilespmem:s10], [sflag:$0x5], $0x80, $0x38;
	[tilespmem:$0x10A00] =	vst v63  }
0xe1: {  	s12 =	simm.s32 $0x8750;
	s11 =	sadd.s32 $0x20, s6  }
0xe2: {  	[hbm4b:s11+s3] =	stream.linear.scatter [tilespmem:s12], [sflag:$0x5], $0x80, $0x38;
	[tilespmem:$0x10A00] =	vst v63  }
0xe3: {  	s24 =	sadd.s32 $0x30, s6;
	s25 =	simm.s32 $0x87D8  }
0xe4: {  	[hbm4b:s24+s3] =	stream.linear.scatter [tilespmem:s25], [sflag:$0x5], $0x80, $0x38;
	[tilespmem:$0x10A00] =	vst v63  }
0xe5: {  	s9 =	sadd.s32 $0x40, s6;
	s10 =	simm.s32 $0x8860  }
0xe6: {  	[hbm4b:s9+s3] =	stream.linear.scatter [tilespmem:s10], [sflag:$0x5], $0x80, $0x38;
	[tilespmem:$0x10A00] =	vst v63  }
0xe7: {  	s11 =	sadd.s32 $0x50, s6;
	s12 =	simm.s32 $0x88E8  }
0xe8: {  	[hbm4b:s11+s3] =	stream.linear.scatter [tilespmem:s12], [sflag:$0x5], $0x80, $0x38;
	[tilespmem:$0x10A00] =	vst v63  }
0xe9: {  	s24 =	sadd.s32 $0x60, s6;
	s25 =	simm.s32 $0x8970  }
0xea: {  	[hbm4b:s24+s3] =	stream.linear.scatter [tilespmem:s25], [sflag:$0x5], $0x80, $0x38;
	[tilespmem:$0x10A00] =	vst v63  }
0xeb: {  	s6 =	sadd.s32 $0x70, s6;
	s10 =	simm.s32 $0x89F8;
	s11 =	rddreg [dreg:$0x7]  }
0xec: {  	[hbm4b:s6+s3] =	stream.linear.scatter [tilespmem:s10], [sflag:$0x5], $0x80, $0x38;
	[tilespmem:$0x10A00] =	vst v63  }
0xed: {  	s12 =	simm.s32 $0x8A80;
	s6 =	sadd.s32 s0, s11  }
0xee: {  	[hbm4b:s6+s3] =	stream.linear.scatter [tilespmem:s12], [sflag:$0x5], $0x80, $0x38;
	[tilespmem:$0x10A00] =	vst v63  }
0xef: {  	s25 =	simm.s32 $0x8B08;
	s24 =	sadd.s32 $0x10, s6  }
0xf0: {  	[hbm4b:s24+s3] =	stream.linear.scatter [tilespmem:s25], [sflag:$0x5], $0x80, $0x38;
	[tilespmem:$0x10A00] =	vst v63  }
0xf1: {  	s10 =	simm.s32 $0x8B90;
	s9 =	sadd.s32 $0x20, s6  }
0xf2: {  	[hbm4b:s9+s3] =	stream.linear.scatter [tilespmem:s10], [sflag:$0x5], $0x80, $0x38;
	[tilespmem:$0x10A00] =	vst v63  }
0xf3: {  	s11 =	sadd.s32 $0x30, s6;
	s12 =	simm.s32 $0x8C18  }
0xf4: {  	[hbm4b:s11+s3] =	stream.linear.scatter [tilespmem:s12], [sflag:$0x5], $0x80, $0x38;
	[tilespmem:$0x10A00] =	vst v63  }
0xf5: {  	s24 =	sadd.s32 $0x40, s6;
	s25 =	simm.s32 $0x8CA0  }
0xf6: {  	[hbm4b:s24+s3] =	stream.linear.scatter [tilespmem:s25], [sflag:$0x5], $0x80, $0x38;
	[tilespmem:$0x10A00] =	vst v63  }
0xf7: {  	s10 =	sadd.s32 $0x50, s6;
	s11 =	simm.s32 $0x8D28  }
0xf8: {  	[hbm4b:s10+s3] =	stream.linear.scatter [tilespmem:s11], [sflag:$0x5], $0x80, $0x38;
	[tilespmem:$0x10A00] =	vst v63  }
0xf9: {  	s12 =	sadd.s32 $0x60, s6;
	s24 =	simm.s32 $0x8DB0  }
0xfa: {  	[hbm4b:s12+s3] =	stream.linear.scatter [tilespmem:s24], [sflag:$0x5], $0x80, $0x38;
	[tilespmem:$0x10A00] =	vst v63  }
0xfb: {  	s9 =	rddreg [dreg:$0x8];
	s6 =	sadd.s32 $0x70, s6;
	s25 =	simm.s32 $0x8E38  }
0xfc: {  	[hbm4b:s6+s3] =	stream.linear.scatter [tilespmem:s25], [sflag:$0x5], $0x80, $0x38;
	[tilespmem:$0x10A00] =	vst v63  }
0xfd: {  	s10 =	simm.s32 $0x8EC0;
	s6 =	sadd.s32 s0, s9  }
0xfe: {  	[hbm4b:s6+s3] =	stream.linear.scatter [tilespmem:s10], [sflag:$0x5], $0x80, $0x38;
	[tilespmem:$0x10A00] =	vst v63  }
0xff: {  	s12 =	simm.s32 $0x8F48;
	s11 =	sadd.s32 $0x10, s6  }
0x100: {  	[hbm4b:s11+s3] =	stream.linear.scatter [tilespmem:s12], [sflag:$0x5], $0x80, $0x38;
	[tilespmem:$0x10A00] =	vst v63  }
0x101: {  	s25 =	simm.s32 $0x8FD0;
	s24 =	sadd.s32 $0x20, s6  }
0x102: {  	[hbm4b:s24+s3] =	stream.linear.scatter [tilespmem:s25], [sflag:$0x5], $0x80, $0x38;
	[tilespmem:$0x10A00] =	vst v63  }
0x103: {  	s9 =	sadd.s32 $0x30, s6;
	s10 =	simm.s32 $0x9058  }
0x104: {  	[hbm4b:s9+s3] =	stream.linear.scatter [tilespmem:s10], [sflag:$0x5], $0x80, $0x38;
	[tilespmem:$0x10A00] =	vst v63  }
0x105: {  	s11 =	sadd.s32 $0x40, s6;
	s12 =	simm.s32 $0x90E0  }
0x106: {  	[hbm4b:s11+s3] =	stream.linear.scatter [tilespmem:s12], [sflag:$0x5], $0x80, $0x38;
	[tilespmem:$0x10A00] =	vst v63  }
0x107: {  	s24 =	sadd.s32 $0x50, s6;
	s25 =	simm.s32 $0x9168  }
0x108: {  	[hbm4b:s24+s3] =	stream.linear.scatter [tilespmem:s25], [sflag:$0x5], $0x80, $0x38;
	[tilespmem:$0x10A00] =	vst v63  }
0x109: {  	s10 =	sadd.s32 $0x60, s6;
	s11 =	simm.s32 $0x91F0  }
0x10a: {  	[hbm4b:s10+s3] =	stream.linear.scatter [tilespmem:s11], [sflag:$0x5], $0x80, $0x38;
	[tilespmem:$0x10A00] =	vst v63  }
0x10b: {  	s6 =	sadd.s32 $0x70, s6;
	s12 =	simm.s32 $0x9278;
	s24 =	rddreg [dreg:$0x9]  }
0x10c: {  	[hbm4b:s6+s3] =	stream.linear.scatter [tilespmem:s12], [sflag:$0x5], $0x80, $0x38;
	[tilespmem:$0x10A00] =	vst v63  }
0x10d: {  	s25 =	simm.s32 $0x9300;
	s6 =	sadd.s32 s0, s24  }
0x10e: {  	[hbm4b:s6+s3] =	stream.linear.scatter [tilespmem:s25], [sflag:$0x5], $0x80, $0x38;
	[tilespmem:$0x10A00] =	vst v63  }
0x10f: {  	s10 =	simm.s32 $0x9388;
	s9 =	sadd.s32 $0x10, s6  }
0x110: {  	[hbm4b:s9+s3] =	stream.linear.scatter [tilespmem:s10], [sflag:$0x5], $0x80, $0x38;
	[tilespmem:$0x10A00] =	vst v63  }
0x111: {  	s12 =	simm.s32 $0x9410;
	s11 =	sadd.s32 $0x20, s6  }
0x112: {  	[hbm4b:s11+s3] =	stream.linear.scatter [tilespmem:s12], [sflag:$0x5], $0x80, $0x38;
	[tilespmem:$0x10A00] =	vst v63  }
0x113: {  	s24 =	sadd.s32 $0x30, s6;
	s25 =	simm.s32 $0x9498  }
0x114: {  	[hbm4b:s24+s3] =	stream.linear.scatter [tilespmem:s25], [sflag:$0x5], $0x80, $0x38;
	[tilespmem:$0x10A00] =	vst v63  }
0x115: {  	s9 =	sadd.s32 $0x40, s6;
	s10 =	simm.s32 $0x9520  }
0x116: {  	[hbm4b:s9+s3] =	stream.linear.scatter [tilespmem:s10], [sflag:$0x5], $0x80, $0x38;
	[tilespmem:$0x10A00] =	vst v63  }
0x117: {  	s11 =	sadd.s32 $0x50, s6;
	s12 =	simm.s32 $0x95A8  }
0x118: {  	[hbm4b:s11+s3] =	stream.linear.scatter [tilespmem:s12], [sflag:$0x5], $0x80, $0x38;
	[tilespmem:$0x10A00] =	vst v63  }
0x119: {  	s24 =	sadd.s32 $0x60, s6;
	s25 =	simm.s32 $0x9630  }
0x11a: {  	[hbm4b:s24+s3] =	stream.linear.scatter [tilespmem:s25], [sflag:$0x5], $0x80, $0x38;
	[tilespmem:$0x10A00] =	vst v63  }
0x11b: {  	s6 =	sadd.s32 $0x70, s6;
	s10 =	simm.s32 $0x96B8;
	s11 =	rddreg [dreg:$0xa]  }
0x11c: {  	[hbm4b:s6+s3] =	stream.linear.scatter [tilespmem:s10], [sflag:$0x5], $0x80, $0x38;
	[tilespmem:$0x10A00] =	vst v63  }
0x11d: {  	s12 =	simm.s32 $0x9740;
	s6 =	sadd.s32 s0, s11  }
0x11e: {  	[hbm4b:s6+s3] =	stream.linear.scatter [tilespmem:s12], [sflag:$0x5], $0x80, $0x38;
	[tilespmem:$0x10A00] =	vst v63  }
0x11f: {  	s25 =	simm.s32 $0x97C8;
	s24 =	sadd.s32 $0x10, s6  }
0x120: {  	[hbm4b:s24+s3] =	stream.linear.scatter [tilespmem:s25], [sflag:$0x5], $0x80, $0x38;
	[tilespmem:$0x10A00] =	vst v63  }
0x121: {  	s10 =	simm.s32 $0x9850;
	s9 =	sadd.s32 $0x20, s6  }
0x122: {  	[hbm4b:s9+s3] =	stream.linear.scatter [tilespmem:s10], [sflag:$0x5], $0x80, $0x38;
	[tilespmem:$0x10A00] =	vst v63  }
0x123: {  	s11 =	sadd.s32 $0x30, s6;
	s12 =	simm.s32 $0x98D8  }
0x124: {  	[hbm4b:s11+s3] =	stream.linear.scatter [tilespmem:s12], [sflag:$0x5], $0x80, $0x38;
	[tilespmem:$0x10A00] =	vst v63  }
0x125: {  	s24 =	sadd.s32 $0x40, s6;
	s25 =	simm.s32 $0x9960  }
0x126: {  	[hbm4b:s24+s3] =	stream.linear.scatter [tilespmem:s25], [sflag:$0x5], $0x80, $0x38;
	[tilespmem:$0x10A00] =	vst v63  }
0x127: {  	s10 =	sadd.s32 $0x50, s6;
	s11 =	simm.s32 $0x99E8  }
0x128: {  	[hbm4b:s10+s3] =	stream.linear.scatter [tilespmem:s11], [sflag:$0x5], $0x80, $0x38;
	[tilespmem:$0x10A00] =	vst v63  }
0x129: {  	s12 =	sadd.s32 $0x60, s6;
	s24 =	simm.s32 $0x9A70  }
0x12a: {  	[hbm4b:s12+s3] =	stream.linear.scatter [tilespmem:s24], [sflag:$0x5], $0x80, $0x38;
	[tilespmem:$0x10A00] =	vst v63  }
0x12b: {  	s9 =	rddreg [dreg:$0xb];
	s6 =	sadd.s32 $0x70, s6;
	s25 =	simm.s32 $0x9AF8  }
0x12c: {  	[hbm4b:s6+s3] =	stream.linear.scatter [tilespmem:s25], [sflag:$0x5], $0x80, $0x38;
	[tilespmem:$0x10A00] =	vst v63  }
0x12d: {  	s10 =	simm.s32 $0x9B80;
	s6 =	sadd.s32 s0, s9  }
0x12e: {  	[hbm4b:s6+s3] =	stream.linear.scatter [tilespmem:s10], [sflag:$0x5], $0x80, $0x38;
	[tilespmem:$0x10A00] =	vst v63  }
0x12f: {  	s12 =	simm.s32 $0x9C08;
	s11 =	sadd.s32 $0x10, s6  }
0x130: {  	[hbm4b:s11+s3] =	stream.linear.scatter [tilespmem:s12], [sflag:$0x5], $0x80, $0x38;
	[tilespmem:$0x10A00] =	vst v63  }
0x131: {  	s25 =	simm.s32 $0x9C90;
	s24 =	sadd.s32 $0x20, s6  }
0x132: {  	[hbm4b:s24+s3] =	stream.linear.scatter [tilespmem:s25], [sflag:$0x5], $0x80, $0x38;
	[tilespmem:$0x10A00] =	vst v63  }
0x133: {  	s9 =	sadd.s32 $0x30, s6;
	s10 =	simm.s32 $0x9D18  }
0x134: {  	[hbm4b:s9+s3] =	stream.linear.scatter [tilespmem:s10], [sflag:$0x5], $0x80, $0x38;
	[tilespmem:$0x10A00] =	vst v63  }
0x135: {  	s11 =	sadd.s32 $0x40, s6;
	s12 =	simm.s32 $0x9DA0  }
0x136: {  	[hbm4b:s11+s3] =	stream.linear.scatter [tilespmem:s12], [sflag:$0x5], $0x80, $0x38;
	[tilespmem:$0x10A00] =	vst v63  }
0x137: {  	s24 =	sadd.s32 $0x50, s6;
	s25 =	simm.s32 $0x9E28  }
0x138: {  	[hbm4b:s24+s3] =	stream.linear.scatter [tilespmem:s25], [sflag:$0x5], $0x80, $0x38;
	[tilespmem:$0x10A00] =	vst v63  }
0x139: {  	s10 =	sadd.s32 $0x60, s6;
	s11 =	simm.s32 $0x9EB0  }
0x13a: {  	[hbm4b:s10+s3] =	stream.linear.scatter [tilespmem:s11], [sflag:$0x5], $0x80, $0x38;
	[tilespmem:$0x10A00] =	vst v63  }
0x13b: {  	s6 =	sadd.s32 $0x70, s6;
	s12 =	simm.s32 $0x9F38;
	s24 =	rddreg [dreg:$0xc]  }
0x13c: {  	[hbm4b:s6+s3] =	stream.linear.scatter [tilespmem:s12], [sflag:$0x5], $0x80, $0x38;
	[tilespmem:$0x10A00] =	vst v63  }
0x13d: {  	s25 =	simm.s32 $0x9FC0;
	s6 =	sadd.s32 s0, s24  }
0x13e: {  	[hbm4b:s6+s3] =	stream.linear.scatter [tilespmem:s25], [sflag:$0x5], $0x80, $0x38;
	[tilespmem:$0x10A00] =	vst v63  }
0x13f: {  	s10 =	simm.s32 $0xA048;
	s9 =	sadd.s32 $0x10, s6  }
0x140: {  	[hbm4b:s9+s3] =	stream.linear.scatter [tilespmem:s10], [sflag:$0x5], $0x80, $0x38;
	[tilespmem:$0x10A00] =	vst v63  }
0x141: {  	s12 =	simm.s32 $0xA0D0;
	s11 =	sadd.s32 $0x20, s6  }
0x142: {  	[hbm4b:s11+s3] =	stream.linear.scatter [tilespmem:s12], [sflag:$0x5], $0x80, $0x38;
	[tilespmem:$0x10A00] =	vst v63  }
0x143: {  	s24 =	sadd.s32 $0x30, s6;
	s25 =	simm.s32 $0xA158  }
0x144: {  	[hbm4b:s24+s3] =	stream.linear.scatter [tilespmem:s25], [sflag:$0x5], $0x80, $0x38;
	[tilespmem:$0x10A00] =	vst v63  }
0x145: {  	s9 =	sadd.s32 $0x40, s6;
	s10 =	simm.s32 $0xA1E0  }
0x146: {  	[hbm4b:s9+s3] =	stream.linear.scatter [tilespmem:s10], [sflag:$0x5], $0x80, $0x38;
	[tilespmem:$0x10A00] =	vst v63  }
0x147: {  	s11 =	sadd.s32 $0x50, s6;
	s12 =	simm.s32 $0xA268  }
0x148: {  	[hbm4b:s11+s3] =	stream.linear.scatter [tilespmem:s12], [sflag:$0x5], $0x80, $0x38;
	[tilespmem:$0x10A00] =	vst v63  }
0x149: {  	s24 =	sadd.s32 $0x60, s6;
	s25 =	simm.s32 $0xA2F0  }
0x14a: {  	[hbm4b:s24+s3] =	stream.linear.scatter [tilespmem:s25], [sflag:$0x5], $0x80, $0x38;
	[tilespmem:$0x10A00] =	vst v63  }
0x14b: {  	s6 =	sadd.s32 $0x70, s6;
	s9 =	simm.s32 $0xA378  }
0x14c: {  	[hbm4b:s6+s3] =	stream.linear.scatter [tilespmem:s9], [sflag:$0x5], $0x80, $0x38;
	[tilespmem:$0x10A00] =	vst v63  }
0x14d: {  	s10 =	simm.s32 $0xA400;
	s6 =	sadd.s32 s0, s15  }
0x14e: {  	[hbm4b:s6+s3] =	stream.linear.scatter [tilespmem:s10], [sflag:$0x5], $0x80, $0x38;
	[tilespmem:$0x10A00] =	vst v63  }
0x14f: {  	s12 =	simm.s32 $0xA488;
	s11 =	sadd.s32 $0x10, s6  }
0x150: {  	[hbm4b:s11+s3] =	stream.linear.scatter [tilespmem:s12], [sflag:$0x5], $0x80, $0x38;
	[tilespmem:$0x10A00] =	vst v63  }
0x151: {  	s25 =	simm.s32 $0xA510;
	s24 =	sadd.s32 $0x20, s6  }
0x152: {  	[hbm4b:s24+s3] =	stream.linear.scatter [tilespmem:s25], [sflag:$0x5], $0x80, $0x38;
	[tilespmem:$0x10A00] =	vst v63  }
0x153: {  	s9 =	sadd.s32 $0x30, s6;
	s10 =	simm.s32 $0xA598  }
0x154: {  	[hbm4b:s9+s3] =	stream.linear.scatter [tilespmem:s10], [sflag:$0x5], $0x80, $0x38;
	[tilespmem:$0x10A00] =	vst v63  }
0x155: {  	s11 =	sadd.s32 $0x40, s6;
	s12 =	simm.s32 $0xA620  }
0x156: {  	[hbm4b:s11+s3] =	stream.linear.scatter [tilespmem:s12], [sflag:$0x5], $0x80, $0x38;
	[tilespmem:$0x10A00] =	vst v63  }
0x157: {  	s24 =	sadd.s32 $0x50, s6;
	s25 =	simm.s32 $0xA6A8  }
0x158: {  	[hbm4b:s24+s3] =	stream.linear.scatter [tilespmem:s25], [sflag:$0x5], $0x80, $0x38;
	[tilespmem:$0x10A00] =	vst v63  }
0x159: {  	s9 =	sadd.s32 $0x60, s6;
	s10 =	simm.s32 $0xA730  }
0x15a: {  	[hbm4b:s9+s3] =	stream.linear.scatter [tilespmem:s10], [sflag:$0x5], $0x80, $0x38;
	[tilespmem:$0x10A00] =	vst v63  }
0x15b: {  	s6 =	sadd.s32 $0x70, s6;
	s11 =	simm.s32 $0xA7B8  }
0x15c: {  	[hbm4b:s6+s3] =	stream.linear.scatter [tilespmem:s11], [sflag:$0x5], $0x80, $0x38;
	[tilespmem:$0x10A00] =	vst v63  }
0x15d: {  	s12 =	simm.s32 $0xA840;
	s6 =	sadd.s32 s0, s16  }
0x15e: {  	[hbm4b:s6+s3] =	stream.linear.scatter [tilespmem:s12], [sflag:$0x5], $0x80, $0x38;
	[tilespmem:$0x10A00] =	vst v63  }
0x15f: {  	s25 =	simm.s32 $0xA8C8;
	s24 =	sadd.s32 $0x10, s6  }
0x160: {  	[hbm4b:s24+s3] =	stream.linear.scatter [tilespmem:s25], [sflag:$0x5], $0x80, $0x38;
	[tilespmem:$0x10A00] =	vst v63  }
0x161: {  	s10 =	simm.s32 $0xA950;
	s9 =	sadd.s32 $0x20, s6  }
0x162: {  	[hbm4b:s9+s3] =	stream.linear.scatter [tilespmem:s10], [sflag:$0x5], $0x80, $0x38;
	[tilespmem:$0x10A00] =	vst v63  }
0x163: {  	s11 =	sadd.s32 $0x30, s6;
	s12 =	simm.s32 $0xA9D8  }
0x164: {  	[hbm4b:s11+s3] =	stream.linear.scatter [tilespmem:s12], [sflag:$0x5], $0x80, $0x38;
	[tilespmem:$0x10A00] =	vst v63  }
0x165: {  	s24 =	sadd.s32 $0x40, s6;
	s25 =	simm.s32 $0xAA60  }
0x166: {  	[hbm4b:s24+s3] =	stream.linear.scatter [tilespmem:s25], [sflag:$0x5], $0x80, $0x38;
	[tilespmem:$0x10A00] =	vst v63  }
0x167: {  	s9 =	sadd.s32 $0x50, s6;
	s10 =	simm.s32 $0xAAE8  }
0x168: {  	[hbm4b:s9+s3] =	stream.linear.scatter [tilespmem:s10], [sflag:$0x5], $0x80, $0x38;
	[tilespmem:$0x10A00] =	vst v63  }
0x169: {  	s11 =	sadd.s32 $0x60, s6;
	s12 =	simm.s32 $0xAB70  }
0x16a: {  	[hbm4b:s11+s3] =	stream.linear.scatter [tilespmem:s12], [sflag:$0x5], $0x80, $0x38;
	[tilespmem:$0x10A00] =	vst v63  }
0x16b: {  	s6 =	sadd.s32 $0x70, s6;
	s24 =	simm.s32 $0xABF8  }
0x16c: {  	[hbm4b:s6+s3] =	stream.linear.scatter [tilespmem:s24], [sflag:$0x5], $0x80, $0x38;
	[tilespmem:$0x10A00] =	vst v63  }
0x16d: {  	s25 =	simm.s32 $0xAC80;
	s6 =	sadd.s32 s0, s17  }
0x16e: {  	[hbm4b:s6+s3] =	stream.linear.scatter [tilespmem:s25], [sflag:$0x5], $0x80, $0x38;
	[tilespmem:$0x10A00] =	vst v63  }
0x16f: {  	s10 =	simm.s32 $0xAD08;
	s9 =	sadd.s32 $0x10, s6  }
0x170: {  	[hbm4b:s9+s3] =	stream.linear.scatter [tilespmem:s10], [sflag:$0x5], $0x80, $0x38;
	[tilespmem:$0x10A00] =	vst v63  }
0x171: {  	s12 =	simm.s32 $0xAD90;
	s11 =	sadd.s32 $0x20, s6  }
0x172: {  	[hbm4b:s11+s3] =	stream.linear.scatter [tilespmem:s12], [sflag:$0x5], $0x80, $0x38;
	[tilespmem:$0x10A00] =	vst v63  }
0x173: {  	s24 =	sadd.s32 $0x30, s6;
	s25 =	simm.s32 $0xAE18  }
0x174: {  	[hbm4b:s24+s3] =	stream.linear.scatter [tilespmem:s25], [sflag:$0x5], $0x80, $0x38;
	[tilespmem:$0x10A00] =	vst v63  }
0x175: {  	s9 =	sadd.s32 $0x40, s6;
	s10 =	simm.s32 $0xAEA0  }
0x176: {  	[hbm4b:s9+s3] =	stream.linear.scatter [tilespmem:s10], [sflag:$0x5], $0x80, $0x38;
	[tilespmem:$0x10A00] =	vst v63  }
0x177: {  	s11 =	sadd.s32 $0x50, s6;
	s12 =	simm.s32 $0xAF28  }
0x178: {  	[hbm4b:s11+s3] =	stream.linear.scatter [tilespmem:s12], [sflag:$0x5], $0x80, $0x38;
	[tilespmem:$0x10A00] =	vst v63  }
0x179: {  	s24 =	sadd.s32 $0x60, s6;
	s25 =	simm.s32 $0xAFB0  }
0x17a: {  	[hbm4b:s24+s3] =	stream.linear.scatter [tilespmem:s25], [sflag:$0x5], $0x80, $0x38;
	[tilespmem:$0x10A00] =	vst v63  }
0x17b: {  	s6 =	sadd.s32 $0x70, s6;
	s9 =	simm.s32 $0xB038  }
0x17c: {  	[hbm4b:s6+s3] =	stream.linear.scatter [tilespmem:s9], [sflag:$0x5], $0x80, $0x38;
	[tilespmem:$0x10A00] =	vst v63  }
0x17d: {  	s10 =	simm.s32 $0xB0C0;
	s6 =	sadd.s32 s0, s18  }
0x17e: {  	[hbm4b:s6+s3] =	stream.linear.scatter [tilespmem:s10], [sflag:$0x5], $0x80, $0x38;
	[tilespmem:$0x10A00] =	vst v63  }
0x17f: {  	s12 =	simm.s32 $0xB148;
	s11 =	sadd.s32 $0x10, s6  }
0x180: {  	[hbm4b:s11+s3] =	stream.linear.scatter [tilespmem:s12], [sflag:$0x5], $0x80, $0x38;
	[tilespmem:$0x10A00] =	vst v63  }
0x181: {  	s25 =	simm.s32 $0xB1D0;
	s24 =	sadd.s32 $0x20, s6  }
0x182: {  	[hbm4b:s24+s3] =	stream.linear.scatter [tilespmem:s25], [sflag:$0x5], $0x80, $0x38;
	[tilespmem:$0x10A00] =	vst v63  }
0x183: {  	s9 =	sadd.s32 $0x30, s6;
	s10 =	simm.s32 $0xB258  }
0x184: {  	[hbm4b:s9+s3] =	stream.linear.scatter [tilespmem:s10], [sflag:$0x5], $0x80, $0x38;
	[tilespmem:$0x10A00] =	vst v63  }
0x185: {  	s11 =	sadd.s32 $0x40, s6;
	s12 =	simm.s32 $0xB2E0  }
0x186: {  	[hbm4b:s11+s3] =	stream.linear.scatter [tilespmem:s12], [sflag:$0x5], $0x80, $0x38;
	[tilespmem:$0x10A00] =	vst v63  }
0x187: {  	s24 =	sadd.s32 $0x50, s6;
	s25 =	simm.s32 $0xB368  }
0x188: {  	[hbm4b:s24+s3] =	stream.linear.scatter [tilespmem:s25], [sflag:$0x5], $0x80, $0x38;
	[tilespmem:$0x10A00] =	vst v63  }
0x189: {  	s9 =	sadd.s32 $0x60, s6;
	s10 =	simm.s32 $0xB3F0  }
0x18a: {  	[hbm4b:s9+s3] =	stream.linear.scatter [tilespmem:s10], [sflag:$0x5], $0x80, $0x38;
	[tilespmem:$0x10A00] =	vst v63  }
0x18b: {  	s6 =	sadd.s32 $0x70, s6;
	s11 =	simm.s32 $0xB478  }
0x18c: {  	[hbm4b:s6+s3] =	stream.linear.scatter [tilespmem:s11], [sflag:$0x5], $0x80, $0x38;
	[tilespmem:$0x10A00] =	vst v63  }
0x18d: {  	s12 =	simm.s32 $0xB500;
	s6 =	sadd.s32 s0, s19  }
0x18e: {  	[hbm4b:s6+s3] =	stream.linear.scatter [tilespmem:s12], [sflag:$0x5], $0x80, $0x38;
	[tilespmem:$0x10A00] =	vst v63  }
0x18f: {  	s25 =	simm.s32 $0xB588;
	s24 =	sadd.s32 $0x10, s6  }
0x190: {  	[hbm4b:s24+s3] =	stream.linear.scatter [tilespmem:s25], [sflag:$0x5], $0x80, $0x38;
	[tilespmem:$0x10A00] =	vst v63  }
0x191: {  	s10 =	simm.s32 $0xB610;
	s9 =	sadd.s32 $0x20, s6  }
0x192: {  	[hbm4b:s9+s3] =	stream.linear.scatter [tilespmem:s10], [sflag:$0x5], $0x80, $0x38;
	[tilespmem:$0x10A00] =	vst v63  }
0x193: {  	s11 =	sadd.s32 $0x30, s6;
	s12 =	simm.s32 $0xB698  }
0x194: {  	[hbm4b:s11+s3] =	stream.linear.scatter [tilespmem:s12], [sflag:$0x5], $0x80, $0x38;
	[tilespmem:$0x10A00] =	vst v63  }
0x195: {  	s24 =	sadd.s32 $0x40, s6;
	s25 =	simm.s32 $0xB720  }
0x196: {  	[hbm4b:s24+s3] =	stream.linear.scatter [tilespmem:s25], [sflag:$0x5], $0x80, $0x38;
	[tilespmem:$0x10A00] =	vst v63  }
0x197: {  	s9 =	sadd.s32 $0x50, s6;
	s10 =	simm.s32 $0xB7A8  }
0x198: {  	[hbm4b:s9+s3] =	stream.linear.scatter [tilespmem:s10], [sflag:$0x5], $0x80, $0x38;
	[tilespmem:$0x10A00] =	vst v63  }
0x199: {  	s11 =	sadd.s32 $0x60, s6;
	s12 =	simm.s32 $0xB830  }
0x19a: {  	[hbm4b:s11+s3] =	stream.linear.scatter [tilespmem:s12], [sflag:$0x5], $0x80, $0x38;
	[tilespmem:$0x10A00] =	vst v63  }
0x19b: {  	s6 =	sadd.s32 $0x70, s6;
	s24 =	simm.s32 $0xB8B8  }
0x19c: {  	[hbm4b:s6+s3] =	stream.linear.scatter [tilespmem:s24], [sflag:$0x5], $0x80, $0x38;
	[tilespmem:$0x10A00] =	vst v63  }
0x19d: {  	s25 =	simm.s32 $0xB940;
	s6 =	sadd.s32 s0, s20  }
0x19e: {  	[hbm4b:s6+s3] =	stream.linear.scatter [tilespmem:s25], [sflag:$0x5], $0x80, $0x38;
	[tilespmem:$0x10A00] =	vst v63  }
0x19f: {  	s10 =	simm.s32 $0xB9C8;
	s9 =	sadd.s32 $0x10, s6  }
0x1a0: {  	[hbm4b:s9+s3] =	stream.linear.scatter [tilespmem:s10], [sflag:$0x5], $0x80, $0x38;
	[tilespmem:$0x10A00] =	vst v63  }
0x1a1: {  	s12 =	simm.s32 $0xBA50;
	s11 =	sadd.s32 $0x20, s6  }
0x1a2: {  	[hbm4b:s11+s3] =	stream.linear.scatter [tilespmem:s12], [sflag:$0x5], $0x80, $0x38;
	[tilespmem:$0x10A00] =	vst v63  }
0x1a3: {  	s24 =	sadd.s32 $0x30, s6;
	s25 =	simm.s32 $0xBAD8  }
0x1a4: {  	[hbm4b:s24+s3] =	stream.linear.scatter [tilespmem:s25], [sflag:$0x5], $0x80, $0x38;
	[tilespmem:$0x10A00] =	vst v63  }
0x1a5: {  	s9 =	sadd.s32 $0x40, s6;
	s10 =	simm.s32 $0xBB60  }
0x1a6: {  	[hbm4b:s9+s3] =	stream.linear.scatter [tilespmem:s10], [sflag:$0x5], $0x80, $0x38;
	[tilespmem:$0x10A00] =	vst v63  }
0x1a7: {  	s11 =	sadd.s32 $0x50, s6;
	s12 =	simm.s32 $0xBBE8  }
0x1a8: {  	[hbm4b:s11+s3] =	stream.linear.scatter [tilespmem:s12], [sflag:$0x5], $0x80, $0x38;
	[tilespmem:$0x10A00] =	vst v63  }
0x1a9: {  	s24 =	sadd.s32 $0x60, s6;
	s25 =	simm.s32 $0xBC70  }
0x1aa: {  	[hbm4b:s24+s3] =	stream.linear.scatter [tilespmem:s25], [sflag:$0x5], $0x80, $0x38;
	[tilespmem:$0x10A00] =	vst v63  }
0x1ab: {  	s6 =	sadd.s32 $0x70, s6;
	s9 =	simm.s32 $0xBCF8  }
0x1ac: {  	[hbm4b:s6+s3] =	stream.linear.scatter [tilespmem:s9], [sflag:$0x5], $0x80, $0x38;
	[tilespmem:$0x10A00] =	vst v63  }
0x1ad: {  	s10 =	simm.s32 $0xBD80;
	s6 =	sadd.s32 s0, s21  }
0x1ae: {  	[hbm4b:s6+s3] =	stream.linear.scatter [tilespmem:s10], [sflag:$0x5], $0x80, $0x38;
	[tilespmem:$0x10A00] =	vst v63  }
0x1af: {  	s12 =	simm.s32 $0xBE08;
	s11 =	sadd.s32 $0x10, s6  }
0x1b0: {  	[hbm4b:s11+s3] =	stream.linear.scatter [tilespmem:s12], [sflag:$0x5], $0x80, $0x38;
	[tilespmem:$0x10A00] =	vst v63  }
0x1b1: {  	s25 =	simm.s32 $0xBE90;
	s24 =	sadd.s32 $0x20, s6  }
0x1b2: {  	[hbm4b:s24+s3] =	stream.linear.scatter [tilespmem:s25], [sflag:$0x5], $0x80, $0x38;
	[tilespmem:$0x10A00] =	vst v63  }
0x1b3: {  	s9 =	sadd.s32 $0x30, s6;
	s10 =	simm.s32 $0xBF18  }
0x1b4: {  	[hbm4b:s9+s3] =	stream.linear.scatter [tilespmem:s10], [sflag:$0x5], $0x80, $0x38;
	[tilespmem:$0x10A00] =	vst v63  }
0x1b5: {  	s11 =	sadd.s32 $0x40, s6;
	s12 =	simm.s32 $0xBFA0  }
0x1b6: {  	[hbm4b:s11+s3] =	stream.linear.scatter [tilespmem:s12], [sflag:$0x5], $0x80, $0x38;
	[tilespmem:$0x10A00] =	vst v63  }
0x1b7: {  	s24 =	sadd.s32 $0x50, s6;
	s25 =	simm.s32 $0xC028  }
0x1b8: {  	[hbm4b:s24+s3] =	stream.linear.scatter [tilespmem:s25], [sflag:$0x5], $0x80, $0x38;
	[tilespmem:$0x10A00] =	vst v63  }
0x1b9: {  	s9 =	sadd.s32 $0x60, s6;
	s10 =	simm.s32 $0xC0B0  }
0x1ba: {  	[hbm4b:s9+s3] =	stream.linear.scatter [tilespmem:s10], [sflag:$0x5], $0x80, $0x38;
	[tilespmem:$0x10A00] =	vst v63  }
0x1bb: {  	s6 =	sadd.s32 $0x70, s6;
	s11 =	simm.s32 $0xC138  }
0x1bc: {  	[hbm4b:s6+s3] =	stream.linear.scatter [tilespmem:s11], [sflag:$0x5], $0x80, $0x38;
	[tilespmem:$0x10A00] =	vst v63  }
0x1bd: {  	s0 =	sadd.s32 s0, s22;
	s12 =	simm.s32 $0xC1C0  }
0x1be: {  	[hbm4b:s0+s3] =	stream.linear.scatter [tilespmem:s12], [sflag:$0x5], $0x80, $0x38;
	[tilespmem:$0x10A00] =	vst v63  }
0x1bf: {  	s24 =	sadd.s32 $0x10, s0;
	s25 =	simm.s32 $0xC248  }
0x1c0: {  	[hbm4b:s24+s3] =	stream.linear.scatter [tilespmem:s25], [sflag:$0x5], $0x80, $0x38;
	[tilespmem:$0x10A00] =	vst v63  }
0x1c1: {  	s9 =	sadd.s32 $0x20, s0;
	s10 =	simm.s32 $0xC2D0  }
0x1c2: {  	[hbm4b:s9+s3] =	stream.linear.scatter [tilespmem:s10], [sflag:$0x5], $0x80, $0x38;
	[tilespmem:$0x10A00] =	vst v63  }
0x1c3: {  	s11 =	sadd.s32 $0x30, s0;
	s12 =	simm.s32 $0xC358  }
0x1c4: {  	[hbm4b:s11+s3] =	stream.linear.scatter [tilespmem:s12], [sflag:$0x5], $0x80, $0x38;
	[tilespmem:$0x10A00] =	vst v63  }
0x1c5: {  	s24 =	sadd.s32 $0x40, s0;
	s25 =	simm.s32 $0xC3E0  }
0x1c6: {  	[hbm4b:s24+s3] =	stream.linear.scatter [tilespmem:s25], [sflag:$0x5], $0x80, $0x38;
	[tilespmem:$0x10A00] =	vst v63  }
0x1c7: {  	s8 =	sadd.s32 $0x50, s0;
	s9 =	simm.s32 $0xC468  }
0x1c8: {  	[hbm4b:s8+s3] =	stream.linear.scatter [tilespmem:s9], [sflag:$0x5], $0x80, $0x38;
	[tilespmem:$0x10A00] =	vst v63  }
0x1c9: {  	s10 =	sadd.s32 $0x60, s0;
	s11 =	simm.s32 $0xC4F0  }
0x1ca: {  	[hbm4b:s10+s3] =	stream.linear.scatter [tilespmem:s11], [sflag:$0x5], $0x80, $0x38;
	[tilespmem:$0x10A00] =	vst v63  }
0x1cb: {  	s0 =	sadd.s32 $0x70, s0;
	s12 =	simm.s32 $0xC578  }
0x1cc: {  	[hbm4b:s0+s3] =	stream.linear.scatter [tilespmem:s12], [sflag:$0x5], $0x80, $0x38;
	[tilespmem:$0x10A00] =	vst v63  }
0x1cd: {  	_ =	swait.ge [sflag:s26], $0x2000  }
0x1ce: {  	[sflag:s26] =	ssyncset.done $0x0  }
0x1cf: {  	[sflag:s26] =	ssyncadd.s32 $0xFFFFE000  }
0x1d0: {  	_ =	swait.ge [sflag:s26], $0x2000  }
0x1d1: {  	s6 =	simm.s32 @!p0 $0x100;
	[sflag:s26] =	ssyncset.done $0x0;
	s0 =	rddreg [dreg:$0xf]  }
0x1d2: {  	[sflag:s26] =	ssyncadd.s32 $0xFFFFE000;
	s0 =	sadd.s32 @!p0 s0, s2;
	s2 =	simm.s32 @!p0 $0x0  }
0x1d3: {  	[tilespmem:s6], [sflag:$0x2] =	stream.linear.gather @!p0 [hbm4b:s0+s2], $0x100, $0x38;
	[tilespmem:$0x10A00] =	vst v63  }
0x1d4: {  	s0 =	simm.s32 @!p0 $0x1  }
0x1d5: {  	_ =	swait.ge @!p0 [sflag:s0], $0x100  }
0x1d6: {  	[sflag:s0] =	ssyncset.done @!p0 $0x0  }
0x1d7: {  	s6 =	simm.s32 @!p0 $0x200;
	[sflag:s0] =	ssyncadd.s32 @!p0 $0xFFFFFF00;
	s0 =	simm.s32 @!p0 $0x80  }
0x1d8: {  	[tilespmem:s6], [sflag:$0x3] =	stream.indirect.gather @!p0 [hbm4b:s4+s0], $0x40, s2, s0, $0xb8;
	[tilespmem:$0x10A00] =	vst v63  }
0x1d9: {  	p1 =	seq.s32 @!p0 s7, $0x0;
	s2 =	simm.s32 @!p0 $0x2200  }
0x1da: {  	[tilespmem:s2], [sflag:$0x3] =	stream.indirect.gather @!p0 [hbm4b:s4+s0], $0x40, s0, s0, $0xb8;
	[tilespmem:$0x10A00] =	vst v63  }
0x1db: {  	p0 =	por p0, !p1  }
0x1dc: {  	_ =	swait.ge @p0 [sflag:s31], $0x400  }
0x1dd: {  	[sflag:s31] =	ssyncset.done @p0 $0x0  }
0x1de: {  	[sflag:s31] =	ssyncadd.s32 @p0 $0xFFFFFC00  }
0x1df: {  	_ =	swait.ge @p0 [sflag:s31], $0x400  }
0x1e0: {  	[sflag:s31] =	ssyncset.done @p0 $0x0  }
0x1e1: {  	[sflag:s31] =	ssyncadd.s32 @p0 $0xFFFFFC00  }
0x1e2: {  	_ =	swait.ge @p0 [sflag:s31], $0x400  }
0x1e3: {  	[sflag:s31] =	ssyncset.done @p0 $0x0  }
0x1e4: {  	[sflag:s31] =	ssyncadd.s32 @p0 $0xFFFFFC00  }
0x1e5: {  	_ =	swait.ge @p0 [sflag:s31], $0x400  }
0x1e6: {  	[sflag:s31] =	ssyncset.done @p0 $0x0  }
0x1e7: {  	[sflag:s31] =	ssyncadd.s32 @p0 $0xFFFFFC00  }
0x1e8: {  	_ =	swait.ge @p0 [sflag:s31], $0x400  }
0x1e9: {  	[sflag:s31] =	ssyncset.done @p0 $0x0  }
0x1ea: {  	[sflag:s31] =	ssyncadd.s32 @p0 $0xFFFFFC00  }
0x1eb: {  	_ =	swait.ge @p0 [sflag:s31], $0x400  }
0x1ec: {  	[sflag:s31] =	ssyncset.done @p0 $0x0  }
0x1ed: {  	[sflag:s31] =	ssyncadd.s32 @p0 $0xFFFFFC00  }
0x1ee: {  	_ =	swait.ge @p0 [sflag:s31], $0x400  }
0x1ef: {  	[sflag:s31] =	ssyncset.done @p0 $0x0  }
0x1f0: {  	[sflag:s31] =	ssyncadd.s32 @p0 $0xFFFFFC00  }
0x1f1: {  	_ =	swait.ge @p0 [sflag:s31], $0x400  }
0x1f2: {  	[sflag:s31] =	ssyncset.done @p0 $0x0  }
0x1f3: {  	[sflag:s31] =	ssyncadd.s32 @p0 $0xFFFFFC00  }
0x1f4: {  	_ =	swait.ge @p0 [sflag:s31], $0x400  }
0x1f5: {  	[sflag:s31] =	ssyncset.done @p0 $0x0  }
0x1f6: {  	[sflag:s31] =	ssyncadd.s32 @p0 $0xFFFFFC00  }
0x1f7: {  	_ =	swait.ge @p0 [sflag:s31], $0x400  }
0x1f8: {  	[sflag:s31] =	ssyncset.done @p0 $0x0  }
0x1f9: {  	[sflag:s31] =	ssyncadd.s32 @p0 $0xFFFFFC00  }
0x1fa: {  	_ =	swait.ge @p0 [sflag:s31], $0x400  }
0x1fb: {  	[sflag:s31] =	ssyncset.done @p0 $0x0  }
0x1fc: {  	[sflag:s31] =	ssyncadd.s32 @p0 $0xFFFFFC00  }
0x1fd: {  	_ =	swait.ge @p0 [sflag:s31], $0x400  }
0x1fe: {  	[sflag:s31] =	ssyncset.done @p0 $0x0  }
0x1ff: {  	[sflag:s31] =	ssyncadd.s32 @p0 $0xFFFFFC00  }
0x200: {  	_ =	swait.ge @p0 [sflag:s31], $0x400  }
0x201: {  	[sflag:s31] =	ssyncset.done @p0 $0x0  }
0x202: {  	[sflag:s31] =	ssyncadd.s32 @p0 $0xFFFFFC00  }
0x203: {  	_ =	swait.ge @p0 [sflag:s31], $0x400  }
0x204: {  	[sflag:s31] =	ssyncset.done @p0 $0x0  }
0x205: {  	[sflag:s31] =	ssyncadd.s32 @p0 $0xFFFFFC00  }
0x206: {  	_ =	swait.ge @p0 [sflag:s31], $0x400  }
0x207: {  	[sflag:s31] =	ssyncset.done @p0 $0x0  }
0x208: {  	[sflag:s31] =	ssyncadd.s32 @p0 $0xFFFFFC00  }
0x209: {  	_ =	swait.ge @p0 [sflag:s31], $0x400  }
0x20a: {  	[sflag:s31] =	ssyncset.done @p0 $0x0  }
0x20b: {  	s24 =	simm.s32 $0x0;
	s6 =	simm.s32 $0x0;
	[sflag:s31] =	ssyncadd.s32 @p0 $0xFFFFFC00  }
0x20c: {  	v16 =	vmov s24;
	v17 =	vld [tilespmem:s6+$0x4200]  }
0x20d: {  	v16 =	vand.u32 $0x7F, v16  }
0x20e: {  	v18 =	vadd.s32 v8, v16;
	_ =	sdelay $0x2  }
0x20f: {  	v17 =	vmul.f32 $8.000000000e+00, v17  }
0x210: {  	s25 =	simm.s32 $0x1;
	s2 =	simm.s32 $0x40  }
0x211: {  	v19 =	vld [tilespmem:s2+$0x4200];
	[tilespmem:v18+s23+$0x0] =	vst.idx.msk $0xffff, v17;
	v17 =	vmov s25  }
0x212: {  	v18 =	vand.u32 $0x7F, v17;
	v17 =	vld [tilespmem:s6+$0x4210]  }
0x213: {  	v20 =	vadd.s32 v8, v18  }
0x214: {  	v21 =	vadd.s32 v9, v16;
	_ =	sdelay $0x1  }
0x215: {  	v19 =	vmul.f32 $8.000000000e+00, v19  }
0x216: {  	s24 =	simm.s32 $0x80;
	s8 =	simm.s32 $0x2;
	v17 =	vmul.f32 $8.000000000e+00, v17  }
0x217: {  	[tilespmem:v20+s23+$0x0] =	vst.idx.msk $0xffff, v19;
	v19 =	vmov s8;
	v20 =	vld [tilespmem:s24+$0x4200]  }
0x218: {  	[tilespmem:v21+s23+$0x0] =	vst.idx.msk $0xffff, v17;
	v17 =	vand.u32 $0x7F, v19;
	v19 =	vld [tilespmem:s2+$0x4210]  }
0x219: {  	v21 =	vadd.s32 v8, v17;
	v22 =	vld [tilespmem:s6+$0x4220]  }
0x21a: {  	v23 =	vadd.s32 v9, v18  }
0x21b: {  	v24 =	vadd.s32 v10, v16  }
0x21c: {  	v20 =	vmul.f32 $8.000000000e+00, v20  }
0x21d: {  	s9 =	simm.s32 $0x3;
	s25 =	simm.s32 $0xC0;
	v19 =	vmul.f32 $8.000000000e+00, v19  }
0x21e: {  	[tilespmem:v21+s23+$0x0] =	vst.idx.msk $0xffff, v20;
	v20 =	vmul.f32 $8.000000000e+00, v22;
	v21 =	vmov s9;
	v22 =	vld [tilespmem:s25+$0x4200]  }
0x21f: {  	[tilespmem:v23+s23+$0x0] =	vst.idx.msk $0xffff, v19;
	v19 =	vand.u32 $0x7F, v21;
	v21 =	vld [tilespmem:s24+$0x4210]  }
0x220: {  	[tilespmem:v24+s23+$0x0] =	vst.idx.msk $0xffff, v20;
	v20 =	vadd.s32 v8, v19;
	v23 =	vld [tilespmem:s2+$0x4220]  }
0x221: {  	v24 =	vadd.s32 v9, v17;
	v25 =	vld [tilespmem:s6+$0x4230]  }
0x222: {  	v26 =	vadd.s32 v10, v18  }
0x223: {  	v27 =	vadd.s32 v11, v16;
	v22 =	vmul.f32 $8.000000000e+00, v22  }
0x224: {  	s14 =	smov.u32 s29;
	s29 =	simm.s32 $0x100;
	s10 =	simm.s32 $0x4;
	v21 =	vmul.f32 $8.000000000e+00, v21  }
0x225: {  	[tilespmem:v20+s23+$0x0] =	vst.idx.msk $0xffff, v22;
	v22 =	vmul.f32 $8.000000000e+00, v23;
	v20 =	vmov s10;
	v23 =	vld [tilespmem:s29+$0x4200]  }
0x226: {  	[tilespmem:v24+s23+$0x0] =	vst.idx.msk $0xffff, v21;
	v21 =	vmul.f32 $8.000000000e+00, v25;
	v20 =	vand.u32 $0x7F, v20;
	v24 =	vld [tilespmem:s25+$0x4210]  }
0x227: {  	[tilespmem:v26+s23+$0x0] =	vst.idx.msk $0xffff, v22;
	v22 =	vadd.s32 v8, v20;
	v25 =	vld [tilespmem:s24+$0x4220]  }
0x228: {  	[tilespmem:v27+s23+$0x0] =	vst.idx.msk $0xffff, v21;
	v21 =	vadd.s32 v9, v19;
	v26 =	vld [tilespmem:s2+$0x4230]  }
0x229: {  	v27 =	vadd.s32 v10, v17;
	v28 =	vld [tilespmem:s6+$0x6200]  }
0x22a: {  	v29 =	vadd.s32 v11, v18;
	v23 =	vmul.f32 $8.000000000e+00, v23  }
0x22b: {  	v30 =	vadd.s32 v12, v16;
	s11 =	simm.s32 $0x5;
	s0 =	simm.s32 $0x140;
	v24 =	vmul.f32 $8.000000000e+00, v24  }
0x22c: {  	[tilespmem:v22+s23+$0x0] =	vst.idx.msk $0xffff, v23;
	v22 =	vmul.f32 $8.000000000e+00, v25;
	v23 =	vmov s11;
	v25 =	vld [tilespmem:s0+$0x4200]  }
0x22d: {  	[tilespmem:v21+s23+$0x0] =	vst.idx.msk $0xffff, v24;
	v24 =	vmul.f32 $8.000000000e+00, v26;
	v21 =	vand.u32 $0x7F, v23;
	v23 =	vld [tilespmem:s29+$0x4210]  }
0x22e: {  	[tilespmem:v27+s23+$0x0] =	vst.idx.msk $0xffff, v22;
	v22 =	vmul.f32 $8.000000000e+00, v28;
	v26 =	vadd.s32 v8, v21;
	v27 =	vld [tilespmem:s25+$0x4220]  }
0x22f: {  	[tilespmem:v29+s23+$0x0] =	vst.idx.msk $0xffff, v24;
	v24 =	vadd.s32 v9, v20;
	v28 =	vld [tilespmem:s24+$0x4230]  }
0x230: {  	v29 =	vadd.s32 v10, v19;
	[tilespmem:v30+s23+$0x0] =	vst.idx.msk $0xffff, v22;
	v30 =	vld [tilespmem:s2+$0x6200]  }
0x231: {  	v22 =	vmul.f32 $8.000000000e+00, v25;
	v25 =	vadd.s32 v11, v17;
	v31 =	vld [tilespmem:s6+$0x6210]  }
0x232: {  	s12 =	simm.s32 $0x6;
	v57 =	vadd.s32 v12, v18;
	s8 =	simm.s32 $0x180;
	v23 =	vmul.f32 $8.000000000e+00, v23  }
0x233: {  	v58 =	vld [tilespmem:s8+$0x4200];
	[tilespmem:v26+s23+$0x0] =	vst.idx.msk $0xffff, v22;
	v26 =	vmul.f32 $8.000000000e+00, v27;
	v27 =	vadd.s32 v13, v16;
	v22 =	vmov s12  }
0x234: {  	[tilespmem:v24+s23+$0x0] =	vst.idx.msk $0xffff, v23;
	v23 =	vmul.f32 $8.000000000e+00, v28;
	v22 =	vand.u32 $0x7F, v22;
	v24 =	vld [tilespmem:s0+$0x4210]  }
0x235: {  	[tilespmem:v29+s23+$0x0] =	vst.idx.msk $0xffff, v26;
	v26 =	vmul.f32 $8.000000000e+00, v30;
	v28 =	vadd.s32 v8, v22;
	v29 =	vld [tilespmem:s29+$0x4220]  }
0x236: {  	[tilespmem:v25+s23+$0x0] =	vst.idx.msk $0xffff, v23;
	v23 =	vmul.f32 $8.000000000e+00, v31;
	v25 =	vadd.s32 v9, v21;
	v30 =	vld [tilespmem:s25+$0x4230]  }
0x237: {  	[tilespmem:v57+s23+$0x0] =	vst.idx.msk $0xffff, v26;
	v26 =	vadd.s32 v10, v20;
	v31 =	vld [tilespmem:s24+$0x6200]  }
0x238: {  	[tilespmem:v27+s23+$0x0] =	vst.idx.msk $0xffff, v23;
	v23 =	vmul.f32 $8.000000000e+00, v58;
	v27 =	vadd.s32 v11, v19;
	v32 =	vld [tilespmem:s2+$0x6210]  }
0x239: {  	v24 =	vmul.f32 $8.000000000e+00, v24  }
0x23a: {  	v59 =	vadd.s32 v12, v17;
	s9 =	simm.s32 $0x1C0;
	s10 =	simm.s32 $0x7;
	v60 =	vld [tilespmem:s6+$0x6220];
	[tilespmem:v28+s23+$0x0] =	vst.idx.msk $0xffff, v23;
	v23 =	vmul.f32 $8.000000000e+00, v29  }
0x23b: {  	v61 =	vld [tilespmem:s9+$0x4200];
	v29 =	vadd.s32 v13, v18;
	[tilespmem:v25+s23+$0x0] =	vst.idx.msk $0xffff, v24;
	v24 =	vmul.f32 $8.000000000e+00, v30;
	v25 =	vmov s10  }
0x23c: {  	v62 =	vadd.s32 v14, v16;
	v63 =	vld [tilespmem:s8+$0x4210];
	[tilespmem:v26+s23+$0x0] =	vst.idx.msk $0xffff, v23;
	v23 =	vand.u32 $0x7F, v25  }
0x23d: {  	v26 =	vmul.f32 $8.000000000e+00, v31;
	v30 =	vld [tilespmem:s0+$0x4220];
	[tilespmem:v27+s23+$0x0] =	vst.idx.msk $0xffff, v24;
	v24 =	vmul.f32 $8.000000000e+00, v32;
	v32 =	vadd.s32 v8, v23  }
0x23e: {  	v33 =	vadd.s32 v9, v22;
	v28 =	vld [tilespmem:s29+$0x4230]  }
0x23f: {  	v31 =	vadd.s32 v10, v21;
	[tilespmem:v59+s23+$0x0] =	vst.idx.msk $0xffff, v26;
	v27 =	vmul.f32 $8.000000000e+00, v60;
	v26 =	vld [tilespmem:s25+$0x6200]  }
0x240: {  	v34 =	vmul.f32 $8.000000000e+00, v61;
	[tilespmem:v29+s23+$0x0] =	vst.idx.msk $0xffff, v24;
	v25 =	vld [tilespmem:s24+$0x6210];
	v29 =	vadd.s32 v11, v20  }
0x241: {  	s11 =	simm.s32 $0x800;
	[tilespmem:v62+s23+$0x0] =	vst.idx.msk $0xffff, v27;
	v35 =	vmul.f32 $8.000000000e+00, v63;
	v27 =	vadd.s32 v12, v19;
	v24 =	vld [tilespmem:s2+$0x6220]  }
.LBB2_5:
0x242: {  	s12 =	sshra.s32 s11, $0x2;
	p0 =	sne.s32 s11, $0x7F00;
	[tilespmem:v32+s23+$0x0] =	vst.idx.msk $0xffff, v34;
	s10 =	sadd.s32 $0x1, s10;
	v30 =	vmul.f32 $8.000000000e+00, v30;
	v34 =	vadd.s32 v13, v17;
	v36 =	vld [tilespmem:s6+$0x6230]  }
0x243: {  	s6 =	smov.u32 s2;
	s2 =	smov.u32 s24;
	s24 =	smov.u32 s25;
	v32 =	vmov s10;
	v37 =	vld [tilespmem:s12+$0x4200];
	[tilespmem:v33+s23+$0x0] =	vst.idx.msk $0xffff, v35;
	v28 =	vmul.f32 $8.000000000e+00, v28;
	v35 =	vadd.s32 v14, v18  }
0x244: {  	v40 =	vadd.s32 v15, v16;
	v16 =	vmovc v18;
	s25 =	smov.u32 s29;
	s29 =	smov.u32 s0;
	s0 =	smov.u32 s8;
	v38 =	vand.u32 $0x7F, v32;
	v39 =	vld [tilespmem:s9+$0x4210];
	[tilespmem:v31+s23+$0x0] =	vst.idx.msk $0xffff, v30;
	v26 =	vmul.f32 $8.000000000e+00, v26  }
.Ltmp1:
0x245: {  	s8 =	smov.u32 s9;
	v18 =	vmovc v17;
	v17 =	vmov v19;
	s9 =	smov.u32 s12;
	v32 =	vadd.s32 v8, v38;
	v30 =	vld [tilespmem:s0+$0x4220];
	[tilespmem:v29+s23+$0x0] =	vst.idx.msk $0xffff, v28;
	v25 =	vmul.f32 $8.000000000e+00, v25;
	(pc) =	sbr.rel @p0 .LBB2_5-.Ltmp1, $4  }
0x246: {  	v33 =	vadd.s32 v9, v23;
	v19 =	vmovc v20;
	v20 =	vmov v21;
	v28 =	vld [tilespmem:s29+$0x4230];
	[tilespmem:v27+s23+$0x0] =	vst.idx.msk $0xffff, v26;
	v24 =	vmul.f32 $8.000000000e+00, v24  }
0x247: {  	v21 =	vmovc v22;
	v31 =	vadd.s32 v10, v22;
	v22 =	vmov v23;
	v26 =	vld [tilespmem:s25+$0x6200];
	[tilespmem:v34+s23+$0x0] =	vst.idx.msk $0xffff, v25;
	v36 =	vmul.f32 $8.000000000e+00, v36  }
0x248: {  	v29 =	vadd.s32 v11, v20;
	v23 =	vmov v38;
	v34 =	vmul.f32 $8.000000000e+00, v37;
	v25 =	vld [tilespmem:s24+$0x6210];
	[tilespmem:v35+s23+$0x0] =	vst.idx.msk $0xffff, v24  }
0x249: {  	s11 =	sadd.s32 $0x100, s11;
	v27 =	vadd.s32 v12, v19;
	v35 =	vmul.f32 $8.000000000e+00, v39;
	v24 =	vld [tilespmem:s2+$0x6220];
	[tilespmem:v40+s23+$0x0] =	vst.idx.msk $0xffff, v36  }
0x24a: {  	_ =	sdelay $0x3  }
0x24b: {  	[tilespmem:v32+s23+$0x0] =	vst.idx.msk $0xffff, v34  }
0x24c: {  	v32 =	vld [tilespmem:s9+$0x4210];
	_ =	sdelay $0x1  }
0x24d: {  	v52 =	vadd.s32 v9, v23;
	_ =	sdelay $0x2  }
0x24e: {  	v32 =	vmul.f32 $8.000000000e+00, v32  }
0x24f: {  	[tilespmem:v33+s23+$0x0] =	vst.idx.msk $0xffff, v35  }
0x250: {  	v33 =	vld [tilespmem:s8+$0x4220];
	[tilespmem:v52+s23+$0x0] =	vst.idx.msk $0xffff, v32  }
0x251: {  	v32 =	vld [tilespmem:s9+$0x4220]  }
0x252: {  	v53 =	vadd.s32 v10, v22  }
0x253: {  	v54 =	vadd.s32 v10, v23  }
0x254: {  	v30 =	vmul.f32 $8.000000000e+00, v30  }
0x255: {  	v33 =	vmul.f32 $8.000000000e+00, v33  }
0x256: {  	[tilespmem:v31+s23+$0x0] =	vst.idx.msk $0xffff, v30;
	v55 =	vmul.f32 $8.000000000e+00, v32  }
0x257: {  	v31 =	vld [tilespmem:s0+$0x4230];
	[tilespmem:v53+s23+$0x0] =	vst.idx.msk $0xffff, v33  }
0x258: {  	v56 =	vld [tilespmem:s8+$0x4230];
	[tilespmem:v54+s23+$0x0] =	vst.idx.msk $0xffff, v55  }
0x259: {  	v57 =	vadd.s32 v11, v21;
	v28 =	vmul.f32 $8.000000000e+00, v28;
	v58 =	vld [tilespmem:s9+$0x4230]  }
0x25a: {  	v59 =	vadd.s32 v11, v22  }
0x25b: {  	v60 =	vadd.s32 v11, v23;
	[tilespmem:v29+s23+$0x0] =	vst.idx.msk $0xffff, v28  }
0x25c: {  	v29 =	vld [tilespmem:s29+$0x6200];
	v31 =	vmul.f32 $8.000000000e+00, v31  }
0x25d: {  	v61 =	vmul.f32 $8.000000000e+00, v56  }
0x25e: {  	v63 =	vadd.s32 v12, v20;
	[tilespmem:v57+s23+$0x0] =	vst.idx.msk $0xffff, v31;
	v62 =	vmul.f32 $8.000000000e+00, v58  }
0x25f: {  	v31 =	vld [tilespmem:s0+$0x6200];
	[tilespmem:v59+s23+$0x0] =	vst.idx.msk $0xffff, v61  }
0x260: {  	v36 =	vld [tilespmem:s8+$0x6200];
	[tilespmem:v60+s23+$0x0] =	vst.idx.msk $0xffff, v62  }
0x261: {  	v37 =	vadd.s32 v12, v21;
	v29 =	vmul.f32 $8.000000000e+00, v29;
	v38 =	vld [tilespmem:s9+$0x6200]  }
0x262: {  	v39 =	vadd.s32 v12, v22  }
0x263: {  	v40 =	vadd.s32 v12, v23;
	v26 =	vmul.f32 $8.000000000e+00, v26;
	[tilespmem:v63+s23+$0x0] =	vst.idx.msk $0xffff, v29  }
0x264: {  	v44 =	vld [tilespmem:s29+$0x6210];
	v41 =	vmul.f32 $8.000000000e+00, v31  }
0x265: {  	v43 =	vadd.s32 v13, v17;
	[tilespmem:v27+s23+$0x0] =	vst.idx.msk $0xffff, v26;
	v42 =	vmul.f32 $8.000000000e+00, v36  }
0x266: {  	v48 =	vadd.s32 v13, v20;
	v27 =	vld [tilespmem:s25+$0x6210];
	[tilespmem:v37+s23+$0x0] =	vst.idx.msk $0xffff, v41;
	v45 =	vmul.f32 $8.000000000e+00, v38  }
0x267: {  	v47 =	vld [tilespmem:s0+$0x6210];
	[tilespmem:v39+s23+$0x0] =	vst.idx.msk $0xffff, v42  }
0x268: {  	v46 =	vadd.s32 v13, v19;
	v25 =	vmul.f32 $8.000000000e+00, v25;
	v49 =	vld [tilespmem:s8+$0x6210];
	[tilespmem:v40+s23+$0x0] =	vst.idx.msk $0xffff, v45  }
0x269: {  	v50 =	vadd.s32 v13, v21;
	v53 =	vmul.f32 $8.000000000e+00, v44;
	v51 =	vld [tilespmem:s9+$0x6210]  }
0x26a: {  	[tilespmem:v43+s23+$0x0] =	vst.idx.msk $0xffff, v25;
	v52 =	vadd.s32 v13, v22  }
0x26b: {  	v27 =	vmul.f32 $8.000000000e+00, v27;
	v54 =	vadd.s32 v13, v23;
	v55 =	vld [tilespmem:s24+$0x6220];
	[tilespmem:v48+s23+$0x0] =	vst.idx.msk $0xffff, v53  }
0x26c: {  	v57 =	vadd.s32 v14, v18;
	v61 =	vld [tilespmem:s29+$0x6220];
	v56 =	vmul.f32 $8.000000000e+00, v47  }
0x26d: {  	[tilespmem:v46+s23+$0x0] =	vst.idx.msk $0xffff, v27;
	v36 =	vld [tilespmem:s6+$0x6230];
	v60 =	vadd.s32 v14, v17;
	v59 =	vmul.f32 $8.000000000e+00, v49  }
0x26e: {  	v41 =	vadd.s32 v14, v20;
	v58 =	vld [tilespmem:s25+$0x6220];
	[tilespmem:v50+s23+$0x0] =	vst.idx.msk $0xffff, v56;
	v62 =	vmul.f32 $8.000000000e+00, v51  }
0x26f: {  	v16 =	vadd.s32 v15, v16;
	v24 =	vmul.f32 $8.000000000e+00, v24;
	v40 =	vld [tilespmem:s0+$0x6220];
	[tilespmem:v52+s23+$0x0] =	vst.idx.msk $0xffff, v59  }
0x270: {  	v63 =	vadd.s32 v14, v19;
	v42 =	vmul.f32 $8.000000000e+00, v55;
	v35 =	vld [tilespmem:s8+$0x6220];
	[tilespmem:v54+s23+$0x0] =	vst.idx.msk $0xffff, v62  }
0x271: {  	v43 =	vadd.s32 v14, v21;
	[tilespmem:v57+s23+$0x0] =	vst.idx.msk $0xffff, v24;
	v48 =	vmul.f32 $8.000000000e+00, v61;
	v44 =	vld [tilespmem:s9+$0x6220]  }
0x272: {  	v46 =	vadd.s32 v14, v22;
	v55 =	vmul.f32 $8.000000000e+00, v36;
	[tilespmem:v60+s23+$0x0] =	vst.idx.msk $0xffff, v42  }
0x273: {  	[tilespmem:v41+s23+$0x0] =	vst.idx.msk $0xffff, v48;
	v50 =	vld [tilespmem:s24+$0x6230];
	v49 =	vadd.s32 v14, v23;
	v45 =	vmul.f32 $8.000000000e+00, v58  }
0x274: {  	v47 =	vld [tilespmem:s2+$0x6230];
	[tilespmem:v16+s23+$0x0] =	vst.idx.msk $0xffff, v55;
	v51 =	vmul.f32 $8.000000000e+00, v40  }
0x275: {  	v17 =	vadd.s32 v15, v17;
	v26 =	vld [tilespmem:s29+$0x6230];
	[tilespmem:v63+s23+$0x0] =	vst.idx.msk $0xffff, v45;
	v53 =	vmul.f32 $8.000000000e+00, v35  }
0x276: {  	v52 =	vadd.s32 v15, v18;
	v27 =	vld [tilespmem:s25+$0x6230];
	[tilespmem:v43+s23+$0x0] =	vst.idx.msk $0xffff, v51;
	v54 =	vmul.f32 $8.000000000e+00, v44  }
0x277: {  	v58 =	vadd.s32 v15, v20;
	v29 =	vld [tilespmem:s0+$0x6230];
	[tilespmem:v46+s23+$0x0] =	vst.idx.msk $0xffff, v53  }
0x278: {  	v56 =	vadd.s32 v15, v19;
	v16 =	vmul.f32 $8.000000000e+00, v50;
	v25 =	vld [tilespmem:s8+$0x6230];
	[tilespmem:v49+s23+$0x0] =	vst.idx.msk $0xffff, v54  }
0x279: {  	v57 =	vmul.f32 $8.000000000e+00, v47;
	v59 =	vadd.s32 v15, v21;
	v24 =	vld [tilespmem:s9+$0x6230]  }
0x27a: {  	v61 =	vadd.s32 v15, v22;
	[tilespmem:v17+s23+$0x0] =	vst.idx.msk $0xffff, v16;
	v16 =	vmul.f32 $8.000000000e+00, v26  }
0x27b: {  	s12 =	sor.u32 s28, s5;
	v17 =	vadd.s32 v15, v23;
	[tilespmem:v52+s23+$0x0] =	vst.idx.msk $0xffff, v57;
	v60 =	vmul.f32 $8.000000000e+00, v27  }
0x27c: {  	[tilespmem:v58+s23+$0x0] =	vst.idx.msk $0xffff, v16;
	s0 =	sshll.u32 s12, $0x14;
	v62 =	vmul.f32 $8.000000000e+00, v29  }
0x27d: {  	[tilespmem:v56+s23+$0x0] =	vst.idx.msk $0xffff, v60;
	s0 =	sor.u32 s30, s0;
	v16 =	vmul.f32 $8.000000000e+00, v25  }
0x27e: {  	s0 =	sor.u32 $0x200000, s0;
	[tilespmem:v59+s23+$0x0] =	vst.idx.msk $0xffff, v62;
	v63 =	vmul.f32 $8.000000000e+00, v24  }
0x27f: {  	s0 =	sshrl.u32 s0, $0x3;
	[tilespmem:v61+s23+$0x0] =	vst.idx.msk $0xffff, v16  }
0x280: {  	s12 =	smov.u32 s13;
	s2 =	sadd.s32 s13, s0;
	s13 =	simm.s32 $0xC600;
	[tilespmem:v17+s23+$0x0] =	vst.idx.msk $0xffff, v63  }
0x281: {  	[hbm4b:s2+s3] =	stream.linear.scatter [tilespmem:s13], [sflag:$0x6], $0x80, $0x38;
	[tilespmem:$0x10A00] =	vst v63  }
0x282: {  	s25 =	simm.s32 $0xC688;
	s24 =	sadd.s32 $0x10, s2  }
0x283: {  	[hbm4b:s24+s3] =	stream.linear.scatter [tilespmem:s25], [sflag:$0x6], $0x80, $0x38;
	[tilespmem:$0x10A00] =	vst v63  }
0x284: {  	s30 =	simm.s32 $0xC710;
	s28 =	sadd.s32 $0x20, s2  }
0x285: {  	[hbm4b:s28+s3] =	stream.linear.scatter [tilespmem:s30], [sflag:$0x6], $0x80, $0x38;
	[tilespmem:$0x10A00] =	vst v63  }
0x286: {  	s8 =	sadd.s32 $0x30, s2;
	s9 =	simm.s32 $0xC798  }
0x287: {  	[hbm4b:s8+s3] =	stream.linear.scatter [tilespmem:s9], [sflag:$0x6], $0x80, $0x38;
	[tilespmem:$0x10A00] =	vst v63  }
0x288: {  	s11 =	simm.s32 $0xC820;
	s10 =	sadd.s32 $0x40, s2  }
0x289: {  	[hbm4b:s10+s3] =	stream.linear.scatter [tilespmem:s11], [sflag:$0x6], $0x80, $0x38;
	[tilespmem:$0x10A00] =	vst v63  }
0x28a: {  	s13 =	sadd.s32 $0x50, s2;
	s24 =	simm.s32 $0xC8A8  }
0x28b: {  	[hbm4b:s13+s3] =	stream.linear.scatter [tilespmem:s24], [sflag:$0x6], $0x80, $0x38;
	[tilespmem:$0x10A00] =	vst v63  }
0x28c: {  	s25 =	sadd.s32 $0x60, s2;
	s28 =	simm.s32 $0xC930  }
0x28d: {  	[hbm4b:s25+s3] =	stream.linear.scatter [tilespmem:s28], [sflag:$0x6], $0x80, $0x38;
	[tilespmem:$0x10A00] =	vst v63  }
0x28e: {  	s2 =	sadd.s32 $0x70, s2;
	s30 =	simm.s32 $0xC9B8  }
0x28f: {  	[hbm4b:s2+s3] =	stream.linear.scatter [tilespmem:s30], [sflag:$0x6], $0x80, $0x38;
	[tilespmem:$0x10A00] =	vst v63  }
0x290: {  	s6 =	simm.s32 $0xCA40;
	s2 =	sadd.s32 s0, s14  }
0x291: {  	[hbm4b:s2+s3] =	stream.linear.scatter [tilespmem:s6], [sflag:$0x6], $0x80, $0x38;
	[tilespmem:$0x10A00] =	vst v63  }
0x292: {  	s9 =	simm.s32 $0xCAC8;
	s8 =	sadd.s32 $0x10, s2  }
0x293: {  	[hbm4b:s8+s3] =	stream.linear.scatter [tilespmem:s9], [sflag:$0x6], $0x80, $0x38;
	[tilespmem:$0x10A00] =	vst v63  }
0x294: {  	s11 =	simm.s32 $0xCB50;
	s10 =	sadd.s32 $0x20, s2  }
0x295: {  	[hbm4b:s10+s3] =	stream.linear.scatter [tilespmem:s11], [sflag:$0x6], $0x80, $0x38;
	[tilespmem:$0x10A00] =	vst v63  }
0x296: {  	s29 =	smov.u32 s14;
	s14 =	simm.s32 $0xCBD8;
	s13 =	sadd.s32 $0x30, s2  }
0x297: {  	[hbm4b:s13+s3] =	stream.linear.scatter [tilespmem:s14], [sflag:$0x6], $0x80, $0x38;
	[tilespmem:$0x10A00] =	vst v63  }
0x298: {  	s25 =	simm.s32 $0xCC60;
	s24 =	sadd.s32 $0x40, s2  }
0x299: {  	[hbm4b:s24+s3] =	stream.linear.scatter [tilespmem:s25], [sflag:$0x6], $0x80, $0x38;
	[tilespmem:$0x10A00] =	vst v63  }
0x29a: {  	s30 =	simm.s32 $0xCCE8;
	s28 =	sadd.s32 $0x50, s2  }
0x29b: {  	[hbm4b:s28+s3] =	stream.linear.scatter [tilespmem:s30], [sflag:$0x6], $0x80, $0x38;
	[tilespmem:$0x10A00] =	vst v63  }
0x29c: {  	s6 =	sadd.s32 $0x60, s2;
	s8 =	simm.s32 $0xCD70  }
0x29d: {  	[hbm4b:s6+s3] =	stream.linear.scatter [tilespmem:s8], [sflag:$0x6], $0x80, $0x38;
	[tilespmem:$0x10A00] =	vst v63  }
0x29e: {  	s2 =	sadd.s32 $0x70, s2;
	s9 =	simm.s32 $0xCDF8;
	s10 =	rddreg [dreg:$0x7]  }
0x29f: {  	[hbm4b:s2+s3] =	stream.linear.scatter [tilespmem:s9], [sflag:$0x6], $0x80, $0x38;
	[tilespmem:$0x10A00] =	vst v63  }
0x2a0: {  	s11 =	simm.s32 $0xCE80;
	s2 =	sadd.s32 s0, s10  }
0x2a1: {  	[hbm4b:s2+s3] =	stream.linear.scatter [tilespmem:s11], [sflag:$0x6], $0x80, $0x38;
	[tilespmem:$0x10A00] =	vst v63  }
0x2a2: {  	s14 =	simm.s32 $0xCF08;
	s13 =	sadd.s32 $0x10, s2  }
0x2a3: {  	[hbm4b:s13+s3] =	stream.linear.scatter [tilespmem:s14], [sflag:$0x6], $0x80, $0x38;
	[tilespmem:$0x10A00] =	vst v63  }
0x2a4: {  	s25 =	simm.s32 $0xCF90;
	s24 =	sadd.s32 $0x20, s2  }
0x2a5: {  	[hbm4b:s24+s3] =	stream.linear.scatter [tilespmem:s25], [sflag:$0x6], $0x80, $0x38;
	[tilespmem:$0x10A00] =	vst v63  }
0x2a6: {  	s30 =	simm.s32 $0xD018;
	s28 =	sadd.s32 $0x30, s2  }
0x2a7: {  	[hbm4b:s28+s3] =	stream.linear.scatter [tilespmem:s30], [sflag:$0x6], $0x80, $0x38;
	[tilespmem:$0x10A00] =	vst v63  }
0x2a8: {  	s8 =	simm.s32 $0xD0A0;
	s6 =	sadd.s32 $0x40, s2  }
0x2a9: {  	[hbm4b:s6+s3] =	stream.linear.scatter [tilespmem:s8], [sflag:$0x6], $0x80, $0x38;
	[tilespmem:$0x10A00] =	vst v63  }
0x2aa: {  	s10 =	simm.s32 $0xD128;
	s9 =	sadd.s32 $0x50, s2  }
0x2ab: {  	[hbm4b:s9+s3] =	stream.linear.scatter [tilespmem:s10], [sflag:$0x6], $0x80, $0x38;
	[tilespmem:$0x10A00] =	vst v63  }
0x2ac: {  	s11 =	sadd.s32 $0x60, s2;
	s13 =	simm.s32 $0xD1B0  }
0x2ad: {  	[hbm4b:s11+s3] =	stream.linear.scatter [tilespmem:s13], [sflag:$0x6], $0x80, $0x38;
	[tilespmem:$0x10A00] =	vst v63  }
0x2ae: {  	s2 =	sadd.s32 $0x70, s2;
	s14 =	simm.s32 $0xD238;
	s24 =	rddreg [dreg:$0x8]  }
0x2af: {  	[hbm4b:s2+s3] =	stream.linear.scatter [tilespmem:s14], [sflag:$0x6], $0x80, $0x38;
	[tilespmem:$0x10A00] =	vst v63  }
0x2b0: {  	s25 =	simm.s32 $0xD2C0;
	s2 =	sadd.s32 s0, s24  }
0x2b1: {  	[hbm4b:s2+s3] =	stream.linear.scatter [tilespmem:s25], [sflag:$0x6], $0x80, $0x38;
	[tilespmem:$0x10A00] =	vst v63  }
0x2b2: {  	s30 =	simm.s32 $0xD348;
	s28 =	sadd.s32 $0x10, s2  }
0x2b3: {  	[hbm4b:s28+s3] =	stream.linear.scatter [tilespmem:s30], [sflag:$0x6], $0x80, $0x38;
	[tilespmem:$0x10A00] =	vst v63  }
0x2b4: {  	s8 =	simm.s32 $0xD3D0;
	s6 =	sadd.s32 $0x20, s2  }
0x2b5: {  	[hbm4b:s6+s3] =	stream.linear.scatter [tilespmem:s8], [sflag:$0x6], $0x80, $0x38;
	[tilespmem:$0x10A00] =	vst v63  }
0x2b6: {  	s10 =	simm.s32 $0xD458;
	s9 =	sadd.s32 $0x30, s2  }
0x2b7: {  	[hbm4b:s9+s3] =	stream.linear.scatter [tilespmem:s10], [sflag:$0x6], $0x80, $0x38;
	[tilespmem:$0x10A00] =	vst v63  }
0x2b8: {  	s13 =	simm.s32 $0xD4E0;
	s11 =	sadd.s32 $0x40, s2  }
0x2b9: {  	[hbm4b:s11+s3] =	stream.linear.scatter [tilespmem:s13], [sflag:$0x6], $0x80, $0x38;
	[tilespmem:$0x10A00] =	vst v63  }
0x2ba: {  	s24 =	simm.s32 $0xD568;
	s14 =	sadd.s32 $0x50, s2  }
0x2bb: {  	[hbm4b:s14+s3] =	stream.linear.scatter [tilespmem:s24], [sflag:$0x6], $0x80, $0x38;
	[tilespmem:$0x10A00] =	vst v63  }
0x2bc: {  	s25 =	sadd.s32 $0x60, s2;
	s28 =	simm.s32 $0xD5F0  }
0x2bd: {  	[hbm4b:s25+s3] =	stream.linear.scatter [tilespmem:s28], [sflag:$0x6], $0x80, $0x38;
	[tilespmem:$0x10A00] =	vst v63  }
0x2be: {  	s5 =	rddreg [dreg:$0x9];
	s2 =	sadd.s32 $0x70, s2;
	s30 =	simm.s32 $0xD678  }
0x2bf: {  	[hbm4b:s2+s3] =	stream.linear.scatter [tilespmem:s30], [sflag:$0x6], $0x80, $0x38;
	[tilespmem:$0x10A00] =	vst v63  }
0x2c0: {  	s6 =	simm.s32 $0xD700;
	s2 =	sadd.s32 s0, s5  }
0x2c1: {  	[hbm4b:s2+s3] =	stream.linear.scatter [tilespmem:s6], [sflag:$0x6], $0x80, $0x38;
	[tilespmem:$0x10A00] =	vst v63  }
0x2c2: {  	s9 =	simm.s32 $0xD788;
	s8 =	sadd.s32 $0x10, s2  }
0x2c3: {  	[hbm4b:s8+s3] =	stream.linear.scatter [tilespmem:s9], [sflag:$0x6], $0x80, $0x38;
	[tilespmem:$0x10A00] =	vst v63  }
0x2c4: {  	s11 =	simm.s32 $0xD810;
	s10 =	sadd.s32 $0x20, s2  }
0x2c5: {  	[hbm4b:s10+s3] =	stream.linear.scatter [tilespmem:s11], [sflag:$0x6], $0x80, $0x38;
	[tilespmem:$0x10A00] =	vst v63  }
0x2c6: {  	s14 =	simm.s32 $0xD898;
	s13 =	sadd.s32 $0x30, s2  }
0x2c7: {  	[hbm4b:s13+s3] =	stream.linear.scatter [tilespmem:s14], [sflag:$0x6], $0x80, $0x38;
	[tilespmem:$0x10A00] =	vst v63  }
0x2c8: {  	s25 =	simm.s32 $0xD920;
	s24 =	sadd.s32 $0x40, s2  }
0x2c9: {  	[hbm4b:s24+s3] =	stream.linear.scatter [tilespmem:s25], [sflag:$0x6], $0x80, $0x38;
	[tilespmem:$0x10A00] =	vst v63  }
0x2ca: {  	s30 =	simm.s32 $0xD9A8;
	s28 =	sadd.s32 $0x50, s2  }
0x2cb: {  	[hbm4b:s28+s3] =	stream.linear.scatter [tilespmem:s30], [sflag:$0x6], $0x80, $0x38;
	[tilespmem:$0x10A00] =	vst v63  }
0x2cc: {  	s6 =	sadd.s32 $0x60, s2;
	s8 =	simm.s32 $0xDA30  }
0x2cd: {  	[hbm4b:s6+s3] =	stream.linear.scatter [tilespmem:s8], [sflag:$0x6], $0x80, $0x38;
	[tilespmem:$0x10A00] =	vst v63  }
0x2ce: {  	s2 =	sadd.s32 $0x70, s2;
	s9 =	simm.s32 $0xDAB8;
	s10 =	rddreg [dreg:$0xa]  }
0x2cf: {  	[hbm4b:s2+s3] =	stream.linear.scatter [tilespmem:s9], [sflag:$0x6], $0x80, $0x38;
	[tilespmem:$0x10A00] =	vst v63  }
0x2d0: {  	s11 =	simm.s32 $0xDB40;
	s2 =	sadd.s32 s0, s10  }
0x2d1: {  	[hbm4b:s2+s3] =	stream.linear.scatter [tilespmem:s11], [sflag:$0x6], $0x80, $0x38;
	[tilespmem:$0x10A00] =	vst v63  }
0x2d2: {  	s14 =	simm.s32 $0xDBC8;
	s13 =	sadd.s32 $0x10, s2  }
0x2d3: {  	[hbm4b:s13+s3] =	stream.linear.scatter [tilespmem:s14], [sflag:$0x6], $0x80, $0x38;
	[tilespmem:$0x10A00] =	vst v63  }
0x2d4: {  	s25 =	simm.s32 $0xDC50;
	s24 =	sadd.s32 $0x20, s2  }
0x2d5: {  	[hbm4b:s24+s3] =	stream.linear.scatter [tilespmem:s25], [sflag:$0x6], $0x80, $0x38;
	[tilespmem:$0x10A00] =	vst v63  }
0x2d6: {  	s30 =	simm.s32 $0xDCD8;
	s28 =	sadd.s32 $0x30, s2  }
0x2d7: {  	[hbm4b:s28+s3] =	stream.linear.scatter [tilespmem:s30], [sflag:$0x6], $0x80, $0x38;
	[tilespmem:$0x10A00] =	vst v63  }
0x2d8: {  	s8 =	simm.s32 $0xDD60;
	s6 =	sadd.s32 $0x40, s2  }
0x2d9: {  	[hbm4b:s6+s3] =	stream.linear.scatter [tilespmem:s8], [sflag:$0x6], $0x80, $0x38;
	[tilespmem:$0x10A00] =	vst v63  }
0x2da: {  	s10 =	simm.s32 $0xDDE8;
	s9 =	sadd.s32 $0x50, s2  }
0x2db: {  	[hbm4b:s9+s3] =	stream.linear.scatter [tilespmem:s10], [sflag:$0x6], $0x80, $0x38;
	[tilespmem:$0x10A00] =	vst v63  }
0x2dc: {  	s11 =	sadd.s32 $0x60, s2;
	s13 =	simm.s32 $0xDE70  }
0x2dd: {  	[hbm4b:s11+s3] =	stream.linear.scatter [tilespmem:s13], [sflag:$0x6], $0x80, $0x38;
	[tilespmem:$0x10A00] =	vst v63  }
0x2de: {  	s2 =	sadd.s32 $0x70, s2;
	s14 =	simm.s32 $0xDEF8;
	s24 =	rddreg [dreg:$0xb]  }
0x2df: {  	[hbm4b:s2+s3] =	stream.linear.scatter [tilespmem:s14], [sflag:$0x6], $0x80, $0x38;
	[tilespmem:$0x10A00] =	vst v63  }
0x2e0: {  	s25 =	simm.s32 $0xDF80;
	s2 =	sadd.s32 s0, s24  }
0x2e1: {  	[hbm4b:s2+s3] =	stream.linear.scatter [tilespmem:s25], [sflag:$0x6], $0x80, $0x38;
	[tilespmem:$0x10A00] =	vst v63  }
0x2e2: {  	s30 =	simm.s32 $0xE008;
	s28 =	sadd.s32 $0x10, s2  }
0x2e3: {  	[hbm4b:s28+s3] =	stream.linear.scatter [tilespmem:s30], [sflag:$0x6], $0x80, $0x38;
	[tilespmem:$0x10A00] =	vst v63  }
0x2e4: {  	s8 =	simm.s32 $0xE090;
	s6 =	sadd.s32 $0x20, s2  }
0x2e5: {  	[hbm4b:s6+s3] =	stream.linear.scatter [tilespmem:s8], [sflag:$0x6], $0x80, $0x38;
	[tilespmem:$0x10A00] =	vst v63  }
0x2e6: {  	s10 =	simm.s32 $0xE118;
	s9 =	sadd.s32 $0x30, s2  }
0x2e7: {  	[hbm4b:s9+s3] =	stream.linear.scatter [tilespmem:s10], [sflag:$0x6], $0x80, $0x38;
	[tilespmem:$0x10A00] =	vst v63  }
0x2e8: {  	s13 =	simm.s32 $0xE1A0;
	s11 =	sadd.s32 $0x40, s2  }
0x2e9: {  	[hbm4b:s11+s3] =	stream.linear.scatter [tilespmem:s13], [sflag:$0x6], $0x80, $0x38;
	[tilespmem:$0x10A00] =	vst v63  }
0x2ea: {  	s24 =	simm.s32 $0xE228;
	s14 =	sadd.s32 $0x50, s2  }
0x2eb: {  	[hbm4b:s14+s3] =	stream.linear.scatter [tilespmem:s24], [sflag:$0x6], $0x80, $0x38;
	[tilespmem:$0x10A00] =	vst v63  }
0x2ec: {  	s25 =	sadd.s32 $0x60, s2;
	s28 =	simm.s32 $0xE2B0  }
0x2ed: {  	[hbm4b:s25+s3] =	stream.linear.scatter [tilespmem:s28], [sflag:$0x6], $0x80, $0x38;
	[tilespmem:$0x10A00] =	vst v63  }
0x2ee: {  	s5 =	rddreg [dreg:$0xc];
	s2 =	sadd.s32 $0x70, s2;
	s30 =	simm.s32 $0xE338  }
0x2ef: {  	[hbm4b:s2+s3] =	stream.linear.scatter [tilespmem:s30], [sflag:$0x6], $0x80, $0x38;
	[tilespmem:$0x10A00] =	vst v63  }
0x2f0: {  	s6 =	simm.s32 $0xE3C0;
	s2 =	sadd.s32 s0, s5  }
0x2f1: {  	[hbm4b:s2+s3] =	stream.linear.scatter [tilespmem:s6], [sflag:$0x6], $0x80, $0x38;
	[tilespmem:$0x10A00] =	vst v63  }
0x2f2: {  	s9 =	simm.s32 $0xE448;
	s8 =	sadd.s32 $0x10, s2  }
0x2f3: {  	[hbm4b:s8+s3] =	stream.linear.scatter [tilespmem:s9], [sflag:$0x6], $0x80, $0x38;
	[tilespmem:$0x10A00] =	vst v63  }
0x2f4: {  	s11 =	simm.s32 $0xE4D0;
	s10 =	sadd.s32 $0x20, s2  }
0x2f5: {  	[hbm4b:s10+s3] =	stream.linear.scatter [tilespmem:s11], [sflag:$0x6], $0x80, $0x38;
	[tilespmem:$0x10A00] =	vst v63  }
0x2f6: {  	s14 =	simm.s32 $0xE558;
	s13 =	sadd.s32 $0x30, s2  }
0x2f7: {  	[hbm4b:s13+s3] =	stream.linear.scatter [tilespmem:s14], [sflag:$0x6], $0x80, $0x38;
	[tilespmem:$0x10A00] =	vst v63  }
0x2f8: {  	s25 =	simm.s32 $0xE5E0;
	s24 =	sadd.s32 $0x40, s2  }
0x2f9: {  	[hbm4b:s24+s3] =	stream.linear.scatter [tilespmem:s25], [sflag:$0x6], $0x80, $0x38;
	[tilespmem:$0x10A00] =	vst v63  }
0x2fa: {  	s30 =	simm.s32 $0xE668;
	s28 =	sadd.s32 $0x50, s2  }
0x2fb: {  	[hbm4b:s28+s3] =	stream.linear.scatter [tilespmem:s30], [sflag:$0x6], $0x80, $0x38;
	[tilespmem:$0x10A00] =	vst v63  }
0x2fc: {  	s8 =	sadd.s32 $0x60, s2;
	s9 =	simm.s32 $0xE6F0  }
0x2fd: {  	[hbm4b:s8+s3] =	stream.linear.scatter [tilespmem:s9], [sflag:$0x6], $0x80, $0x38;
	[tilespmem:$0x10A00] =	vst v63  }
0x2fe: {  	s2 =	sadd.s32 $0x70, s2;
	s10 =	simm.s32 $0xE778  }
0x2ff: {  	[hbm4b:s2+s3] =	stream.linear.scatter [tilespmem:s10], [sflag:$0x6], $0x80, $0x38;
	[tilespmem:$0x10A00] =	vst v63  }
0x300: {  	s11 =	simm.s32 $0xE800;
	s2 =	sadd.s32 s0, s15  }
0x301: {  	[hbm4b:s2+s3] =	stream.linear.scatter [tilespmem:s11], [sflag:$0x6], $0x80, $0x38;
	[tilespmem:$0x10A00] =	vst v63  }
0x302: {  	s14 =	simm.s32 $0xE888;
	s13 =	sadd.s32 $0x10, s2  }
0x303: {  	[hbm4b:s13+s3] =	stream.linear.scatter [tilespmem:s14], [sflag:$0x6], $0x80, $0x38;
	[tilespmem:$0x10A00] =	vst v63  }
0x304: {  	s25 =	simm.s32 $0xE910;
	s24 =	sadd.s32 $0x20, s2  }
0x305: {  	[hbm4b:s24+s3] =	stream.linear.scatter [tilespmem:s25], [sflag:$0x6], $0x80, $0x38;
	[tilespmem:$0x10A00] =	vst v63  }
0x306: {  	s30 =	simm.s32 $0xE998;
	s28 =	sadd.s32 $0x30, s2  }
0x307: {  	[hbm4b:s28+s3] =	stream.linear.scatter [tilespmem:s30], [sflag:$0x6], $0x80, $0x38;
	[tilespmem:$0x10A00] =	vst v63  }
0x308: {  	s9 =	simm.s32 $0xEA20;
	s8 =	sadd.s32 $0x40, s2  }
0x309: {  	[hbm4b:s8+s3] =	stream.linear.scatter [tilespmem:s9], [sflag:$0x6], $0x80, $0x38;
	[tilespmem:$0x10A00] =	vst v63  }
0x30a: {  	s10 =	sadd.s32 $0x50, s2;
	s11 =	simm.s32 $0xEAA8  }
0x30b: {  	[hbm4b:s10+s3] =	stream.linear.scatter [tilespmem:s11], [sflag:$0x6], $0x80, $0x38;
	[tilespmem:$0x10A00] =	vst v63  }
0x30c: {  	s13 =	sadd.s32 $0x60, s2;
	s14 =	simm.s32 $0xEB30  }
0x30d: {  	[hbm4b:s13+s3] =	stream.linear.scatter [tilespmem:s14], [sflag:$0x6], $0x80, $0x38;
	[tilespmem:$0x10A00] =	vst v63  }
0x30e: {  	s2 =	sadd.s32 $0x70, s2;
	s24 =	simm.s32 $0xEBB8  }
0x30f: {  	[hbm4b:s2+s3] =	stream.linear.scatter [tilespmem:s24], [sflag:$0x6], $0x80, $0x38;
	[tilespmem:$0x10A00] =	vst v63  }
0x310: {  	s25 =	simm.s32 $0xEC40;
	s2 =	sadd.s32 s0, s16  }
0x311: {  	[hbm4b:s2+s3] =	stream.linear.scatter [tilespmem:s25], [sflag:$0x6], $0x80, $0x38;
	[tilespmem:$0x10A00] =	vst v63  }
0x312: {  	s30 =	simm.s32 $0xECC8;
	s28 =	sadd.s32 $0x10, s2  }
0x313: {  	[hbm4b:s28+s3] =	stream.linear.scatter [tilespmem:s30], [sflag:$0x6], $0x80, $0x38;
	[tilespmem:$0x10A00] =	vst v63  }
0x314: {  	s8 =	simm.s32 $0xED50;
	s6 =	sadd.s32 $0x20, s2  }
0x315: {  	[hbm4b:s6+s3] =	stream.linear.scatter [tilespmem:s8], [sflag:$0x6], $0x80, $0x38;
	[tilespmem:$0x10A00] =	vst v63  }
0x316: {  	s10 =	simm.s32 $0xEDD8;
	s9 =	sadd.s32 $0x30, s2  }
0x317: {  	[hbm4b:s9+s3] =	stream.linear.scatter [tilespmem:s10], [sflag:$0x6], $0x80, $0x38;
	[tilespmem:$0x10A00] =	vst v63  }
0x318: {  	s13 =	simm.s32 $0xEE60;
	s11 =	sadd.s32 $0x40, s2  }
0x319: {  	[hbm4b:s11+s3] =	stream.linear.scatter [tilespmem:s13], [sflag:$0x6], $0x80, $0x38;
	[tilespmem:$0x10A00] =	vst v63  }
0x31a: {  	s24 =	simm.s32 $0xEEE8;
	s14 =	sadd.s32 $0x50, s2  }
0x31b: {  	[hbm4b:s14+s3] =	stream.linear.scatter [tilespmem:s24], [sflag:$0x6], $0x80, $0x38;
	[tilespmem:$0x10A00] =	vst v63  }
0x31c: {  	s25 =	sadd.s32 $0x60, s2;
	s28 =	simm.s32 $0xEF70  }
0x31d: {  	[hbm4b:s25+s3] =	stream.linear.scatter [tilespmem:s28], [sflag:$0x6], $0x80, $0x38;
	[tilespmem:$0x10A00] =	vst v63  }
0x31e: {  	s2 =	sadd.s32 $0x70, s2;
	s30 =	simm.s32 $0xEFF8  }
0x31f: {  	[hbm4b:s2+s3] =	stream.linear.scatter [tilespmem:s30], [sflag:$0x6], $0x80, $0x38;
	[tilespmem:$0x10A00] =	vst v63  }
0x320: {  	s6 =	simm.s32 $0xF080;
	s2 =	sadd.s32 s0, s17  }
0x321: {  	[hbm4b:s2+s3] =	stream.linear.scatter [tilespmem:s6], [sflag:$0x6], $0x80, $0x38;
	[tilespmem:$0x10A00] =	vst v63  }
0x322: {  	s9 =	simm.s32 $0xF108;
	s8 =	sadd.s32 $0x10, s2  }
0x323: {  	[hbm4b:s8+s3] =	stream.linear.scatter [tilespmem:s9], [sflag:$0x6], $0x80, $0x38;
	[tilespmem:$0x10A00] =	vst v63  }
0x324: {  	s11 =	simm.s32 $0xF190;
	s10 =	sadd.s32 $0x20, s2  }
0x325: {  	[hbm4b:s10+s3] =	stream.linear.scatter [tilespmem:s11], [sflag:$0x6], $0x80, $0x38;
	[tilespmem:$0x10A00] =	vst v63  }
0x326: {  	s14 =	simm.s32 $0xF218;
	s13 =	sadd.s32 $0x30, s2  }
0x327: {  	[hbm4b:s13+s3] =	stream.linear.scatter [tilespmem:s14], [sflag:$0x6], $0x80, $0x38;
	[tilespmem:$0x10A00] =	vst v63  }
0x328: {  	s25 =	simm.s32 $0xF2A0;
	s24 =	sadd.s32 $0x40, s2  }
0x329: {  	[hbm4b:s24+s3] =	stream.linear.scatter [tilespmem:s25], [sflag:$0x6], $0x80, $0x38;
	[tilespmem:$0x10A00] =	vst v63  }
0x32a: {  	s30 =	simm.s32 $0xF328;
	s28 =	sadd.s32 $0x50, s2  }
0x32b: {  	[hbm4b:s28+s3] =	stream.linear.scatter [tilespmem:s30], [sflag:$0x6], $0x80, $0x38;
	[tilespmem:$0x10A00] =	vst v63  }
0x32c: {  	s8 =	sadd.s32 $0x60, s2;
	s9 =	simm.s32 $0xF3B0  }
0x32d: {  	[hbm4b:s8+s3] =	stream.linear.scatter [tilespmem:s9], [sflag:$0x6], $0x80, $0x38;
	[tilespmem:$0x10A00] =	vst v63  }
0x32e: {  	s2 =	sadd.s32 $0x70, s2;
	s10 =	simm.s32 $0xF438  }
0x32f: {  	[hbm4b:s2+s3] =	stream.linear.scatter [tilespmem:s10], [sflag:$0x6], $0x80, $0x38;
	[tilespmem:$0x10A00] =	vst v63  }
0x330: {  	s11 =	simm.s32 $0xF4C0;
	s2 =	sadd.s32 s0, s18  }
0x331: {  	[hbm4b:s2+s3] =	stream.linear.scatter [tilespmem:s11], [sflag:$0x6], $0x80, $0x38;
	[tilespmem:$0x10A00] =	vst v63  }
0x332: {  	s14 =	simm.s32 $0xF548;
	s13 =	sadd.s32 $0x10, s2  }
0x333: {  	[hbm4b:s13+s3] =	stream.linear.scatter [tilespmem:s14], [sflag:$0x6], $0x80, $0x38;
	[tilespmem:$0x10A00] =	vst v63  }
0x334: {  	s25 =	simm.s32 $0xF5D0;
	s24 =	sadd.s32 $0x20, s2  }
0x335: {  	[hbm4b:s24+s3] =	stream.linear.scatter [tilespmem:s25], [sflag:$0x6], $0x80, $0x38;
	[tilespmem:$0x10A00] =	vst v63  }
0x336: {  	s30 =	simm.s32 $0xF658;
	s28 =	sadd.s32 $0x30, s2  }
0x337: {  	[hbm4b:s28+s3] =	stream.linear.scatter [tilespmem:s30], [sflag:$0x6], $0x80, $0x38;
	[tilespmem:$0x10A00] =	vst v63  }
0x338: {  	s9 =	simm.s32 $0xF6E0;
	s8 =	sadd.s32 $0x40, s2  }
0x339: {  	[hbm4b:s8+s3] =	stream.linear.scatter [tilespmem:s9], [sflag:$0x6], $0x80, $0x38;
	[tilespmem:$0x10A00] =	vst v63  }
0x33a: {  	s10 =	sadd.s32 $0x50, s2;
	s11 =	simm.s32 $0xF768  }
0x33b: {  	[hbm4b:s10+s3] =	stream.linear.scatter [tilespmem:s11], [sflag:$0x6], $0x80, $0x38;
	[tilespmem:$0x10A00] =	vst v63  }
0x33c: {  	s13 =	sadd.s32 $0x60, s2;
	s14 =	simm.s32 $0xF7F0  }
0x33d: {  	[hbm4b:s13+s3] =	stream.linear.scatter [tilespmem:s14], [sflag:$0x6], $0x80, $0x38;
	[tilespmem:$0x10A00] =	vst v63  }
0x33e: {  	s2 =	sadd.s32 $0x70, s2;
	s24 =	simm.s32 $0xF878  }
0x33f: {  	[hbm4b:s2+s3] =	stream.linear.scatter [tilespmem:s24], [sflag:$0x6], $0x80, $0x38;
	[tilespmem:$0x10A00] =	vst v63  }
0x340: {  	s25 =	simm.s32 $0xF900;
	s2 =	sadd.s32 s0, s19  }
0x341: {  	[hbm4b:s2+s3] =	stream.linear.scatter [tilespmem:s25], [sflag:$0x6], $0x80, $0x38;
	[tilespmem:$0x10A00] =	vst v63  }
0x342: {  	s30 =	simm.s32 $0xF988;
	s28 =	sadd.s32 $0x10, s2  }
0x343: {  	[hbm4b:s28+s3] =	stream.linear.scatter [tilespmem:s30], [sflag:$0x6], $0x80, $0x38;
	[tilespmem:$0x10A00] =	vst v63  }
0x344: {  	s8 =	simm.s32 $0xFA10;
	s6 =	sadd.s32 $0x20, s2  }
0x345: {  	[hbm4b:s6+s3] =	stream.linear.scatter [tilespmem:s8], [sflag:$0x6], $0x80, $0x38;
	[tilespmem:$0x10A00] =	vst v63  }
0x346: {  	s10 =	simm.s32 $0xFA98;
	s9 =	sadd.s32 $0x30, s2  }
0x347: {  	[hbm4b:s9+s3] =	stream.linear.scatter [tilespmem:s10], [sflag:$0x6], $0x80, $0x38;
	[tilespmem:$0x10A00] =	vst v63  }
0x348: {  	s13 =	simm.s32 $0xFB20;
	s11 =	sadd.s32 $0x40, s2  }
0x349: {  	[hbm4b:s11+s3] =	stream.linear.scatter [tilespmem:s13], [sflag:$0x6], $0x80, $0x38;
	[tilespmem:$0x10A00] =	vst v63  }
0x34a: {  	s24 =	simm.s32 $0xFBA8;
	s14 =	sadd.s32 $0x50, s2  }
0x34b: {  	[hbm4b:s14+s3] =	stream.linear.scatter [tilespmem:s24], [sflag:$0x6], $0x80, $0x38;
	[tilespmem:$0x10A00] =	vst v63  }
0x34c: {  	s25 =	sadd.s32 $0x60, s2;
	s28 =	simm.s32 $0xFC30  }
0x34d: {  	[hbm4b:s25+s3] =	stream.linear.scatter [tilespmem:s28], [sflag:$0x6], $0x80, $0x38;
	[tilespmem:$0x10A00] =	vst v63  }
0x34e: {  	s2 =	sadd.s32 $0x70, s2;
	s30 =	simm.s32 $0xFCB8  }
0x34f: {  	[hbm4b:s2+s3] =	stream.linear.scatter [tilespmem:s30], [sflag:$0x6], $0x80, $0x38;
	[tilespmem:$0x10A00] =	vst v63  }
0x350: {  	s6 =	simm.s32 $0xFD40;
	s2 =	sadd.s32 s0, s20  }
0x351: {  	[hbm4b:s2+s3] =	stream.linear.scatter [tilespmem:s6], [sflag:$0x6], $0x80, $0x38;
	[tilespmem:$0x10A00] =	vst v63  }
0x352: {  	s9 =	simm.s32 $0xFDC8;
	s8 =	sadd.s32 $0x10, s2  }
0x353: {  	[hbm4b:s8+s3] =	stream.linear.scatter [tilespmem:s9], [sflag:$0x6], $0x80, $0x38;
	[tilespmem:$0x10A00] =	vst v63  }
0x354: {  	s11 =	simm.s32 $0xFE50;
	s10 =	sadd.s32 $0x20, s2  }
0x355: {  	[hbm4b:s10+s3] =	stream.linear.scatter [tilespmem:s11], [sflag:$0x6], $0x80, $0x38;
	[tilespmem:$0x10A00] =	vst v63  }
0x356: {  	s14 =	simm.s32 $0xFED8;
	s13 =	sadd.s32 $0x30, s2  }
0x357: {  	[hbm4b:s13+s3] =	stream.linear.scatter [tilespmem:s14], [sflag:$0x6], $0x80, $0x38;
	[tilespmem:$0x10A00] =	vst v63  }
0x358: {  	s25 =	simm.s32 $0xFF60;
	s24 =	sadd.s32 $0x40, s2  }
0x359: {  	[hbm4b:s24+s3] =	stream.linear.scatter [tilespmem:s25], [sflag:$0x6], $0x80, $0x38;
	[tilespmem:$0x10A00] =	vst v63  }
0x35a: {  	s30 =	simm.s32 $0xFFE8;
	s28 =	sadd.s32 $0x50, s2  }
0x35b: {  	[hbm4b:s28+s3] =	stream.linear.scatter [tilespmem:s30], [sflag:$0x6], $0x80, $0x38;
	[tilespmem:$0x10A00] =	vst v63  }
0x35c: {  	s8 =	sadd.s32 $0x60, s2;
	s9 =	simm.s32 $0x10070  }
0x35d: {  	[hbm4b:s8+s3] =	stream.linear.scatter [tilespmem:s9], [sflag:$0x6], $0x80, $0x38;
	[tilespmem:$0x10A00] =	vst v63  }
0x35e: {  	s2 =	sadd.s32 $0x70, s2;
	s10 =	simm.s32 $0x100F8  }
0x35f: {  	[hbm4b:s2+s3] =	stream.linear.scatter [tilespmem:s10], [sflag:$0x6], $0x80, $0x38;
	[tilespmem:$0x10A00] =	vst v63  }
0x360: {  	s11 =	simm.s32 $0x10180;
	s2 =	sadd.s32 s0, s21  }
0x361: {  	[hbm4b:s2+s3] =	stream.linear.scatter [tilespmem:s11], [sflag:$0x6], $0x80, $0x38;
	[tilespmem:$0x10A00] =	vst v63  }
0x362: {  	s14 =	simm.s32 $0x10208;
	s13 =	sadd.s32 $0x10, s2  }
0x363: {  	[hbm4b:s13+s3] =	stream.linear.scatter [tilespmem:s14], [sflag:$0x6], $0x80, $0x38;
	[tilespmem:$0x10A00] =	vst v63  }
0x364: {  	s25 =	simm.s32 $0x10290;
	s24 =	sadd.s32 $0x20, s2  }
0x365: {  	[hbm4b:s24+s3] =	stream.linear.scatter [tilespmem:s25], [sflag:$0x6], $0x80, $0x38;
	[tilespmem:$0x10A00] =	vst v63  }
0x366: {  	s30 =	simm.s32 $0x10318;
	s28 =	sadd.s32 $0x30, s2  }
0x367: {  	[hbm4b:s28+s3] =	stream.linear.scatter [tilespmem:s30], [sflag:$0x6], $0x80, $0x38;
	[tilespmem:$0x10A00] =	vst v63  }
0x368: {  	s9 =	simm.s32 $0x103A0;
	s8 =	sadd.s32 $0x40, s2  }
0x369: {  	[hbm4b:s8+s3] =	stream.linear.scatter [tilespmem:s9], [sflag:$0x6], $0x80, $0x38;
	[tilespmem:$0x10A00] =	vst v63  }
0x36a: {  	s10 =	sadd.s32 $0x50, s2;
	s11 =	simm.s32 $0x10428  }
0x36b: {  	[hbm4b:s10+s3] =	stream.linear.scatter [tilespmem:s11], [sflag:$0x6], $0x80, $0x38;
	[tilespmem:$0x10A00] =	vst v63  }
0x36c: {  	s13 =	sadd.s32 $0x60, s2;
	s14 =	simm.s32 $0x104B0  }
0x36d: {  	[hbm4b:s13+s3] =	stream.linear.scatter [tilespmem:s14], [sflag:$0x6], $0x80, $0x38;
	[tilespmem:$0x10A00] =	vst v63  }
0x36e: {  	s2 =	sadd.s32 $0x70, s2;
	s24 =	simm.s32 $0x10538  }
0x36f: {  	[hbm4b:s2+s3] =	stream.linear.scatter [tilespmem:s24], [sflag:$0x6], $0x80, $0x38;
	[tilespmem:$0x10A00] =	vst v63  }
0x370: {  	s0 =	sadd.s32 s0, s22;
	s25 =	simm.s32 $0x105C0  }
0x371: {  	[hbm4b:s0+s3] =	stream.linear.scatter [tilespmem:s25], [sflag:$0x6], $0x80, $0x38;
	[tilespmem:$0x10A00] =	vst v63  }
0x372: {  	s28 =	sadd.s32 $0x10, s0;
	s30 =	simm.s32 $0x10648  }
0x373: {  	[hbm4b:s28+s3] =	stream.linear.scatter [tilespmem:s30], [sflag:$0x6], $0x80, $0x38;
	[tilespmem:$0x10A00] =	vst v63  }
0x374: {  	s6 =	sadd.s32 $0x20, s0;
	s8 =	simm.s32 $0x106D0  }
0x375: {  	[hbm4b:s6+s3] =	stream.linear.scatter [tilespmem:s8], [sflag:$0x6], $0x80, $0x38;
	[tilespmem:$0x10A00] =	vst v63  }
0x376: {  	s9 =	sadd.s32 $0x30, s0;
	s10 =	simm.s32 $0x10758  }
0x377: {  	[hbm4b:s9+s3] =	stream.linear.scatter [tilespmem:s10], [sflag:$0x6], $0x80, $0x38;
	[tilespmem:$0x10A00] =	vst v63  }
0x378: {  	s7 =	sadd.s32 $0x1, s7;
	s11 =	sadd.s32 $0x40, s0;
	s13 =	simm.s32 $0x107E0  }
0x379: {  	[hbm4b:s11+s3] =	stream.linear.scatter [tilespmem:s13], [sflag:$0x6], $0x80, $0x38;
	[tilespmem:$0x10A00] =	vst v63  }
0x37a: {  	p0 =	sne.s32 s7, $0xC8;
	s14 =	sadd.s32 $0x50, s0;
	s24 =	simm.s32 $0x10868  }
0x37b: {  	[hbm4b:s14+s3] =	stream.linear.scatter [tilespmem:s24], [sflag:$0x6], $0x80, $0x38;
	[tilespmem:$0x10A00] =	vst v63  }
.Ltmp2:
0x37c: {  	_ = 	snop;
	(pc) =	sbr.rel @p0 .LBB2_2-.Ltmp2, $4  }
0x37d: {  	s25 =	sadd.s32 $0x60, s0;
	s28 =	simm.s32 $0x108F0  }
0x37e: {  	[hbm4b:s25+s3] =	stream.linear.scatter [tilespmem:s28], [sflag:$0x6], $0x80, $0x38;
	[tilespmem:$0x10A00] =	vst v63  }
0x37f: {  	s0 =	sadd.s32 $0x70, s0;
	s30 =	simm.s32 $0x10978  }
0x380: {  	[hbm4b:s0+s3] =	stream.linear.scatter [tilespmem:s30], [sflag:$0x6], $0x80, $0x38;
	[tilespmem:$0x10A00] =	vst v63  }
0x381: {  	s0 =	simm.s32 $0x5  }
0x382: {  	_ =	swait.ge [sflag:s0], $0x400  }
0x383: {  	[sflag:s0] =	ssyncset.done $0x0  }
0x384: {  	[sflag:s0] =	ssyncadd.s32 $0xFFFFFC00  }
0x385: {  	_ =	swait.ge [sflag:s0], $0x400  }
0x386: {  	[sflag:s0] =	ssyncset.done $0x0  }
0x387: {  	[sflag:s0] =	ssyncadd.s32 $0xFFFFFC00  }
0x388: {  	_ =	swait.ge [sflag:s0], $0x400  }
0x389: {  	[sflag:s0] =	ssyncset.done $0x0  }
0x38a: {  	[sflag:s0] =	ssyncadd.s32 $0xFFFFFC00  }
0x38b: {  	_ =	swait.ge [sflag:s0], $0x400  }
0x38c: {  	[sflag:s0] =	ssyncset.done $0x0  }
0x38d: {  	[sflag:s0] =	ssyncadd.s32 $0xFFFFFC00  }
0x38e: {  	_ =	swait.ge [sflag:s0], $0x400  }
0x38f: {  	[sflag:s0] =	ssyncset.done $0x0  }
0x390: {  	[sflag:s0] =	ssyncadd.s32 $0xFFFFFC00  }
0x391: {  	_ =	swait.ge [sflag:s0], $0x400  }
0x392: {  	[sflag:s0] =	ssyncset.done $0x0  }
0x393: {  	[sflag:s0] =	ssyncadd.s32 $0xFFFFFC00  }
0x394: {  	_ =	swait.ge [sflag:s0], $0x400  }
0x395: {  	[sflag:s0] =	ssyncset.done $0x0  }
0x396: {  	[sflag:s0] =	ssyncadd.s32 $0xFFFFFC00  }
0x397: {  	_ =	swait.ge [sflag:s0], $0x400  }
0x398: {  	[sflag:s0] =	ssyncset.done $0x0  }
0x399: {  	[sflag:s0] =	ssyncadd.s32 $0xFFFFFC00  }
0x39a: {  	_ =	swait.ge [sflag:s0], $0x400  }
0x39b: {  	[sflag:s0] =	ssyncset.done $0x0  }
0x39c: {  	[sflag:s0] =	ssyncadd.s32 $0xFFFFFC00  }
0x39d: {  	_ =	swait.ge [sflag:s0], $0x400  }
0x39e: {  	[sflag:s0] =	ssyncset.done $0x0  }
0x39f: {  	[sflag:s0] =	ssyncadd.s32 $0xFFFFFC00  }
0x3a0: {  	_ =	swait.ge [sflag:s0], $0x400  }
0x3a1: {  	[sflag:s0] =	ssyncset.done $0x0  }
0x3a2: {  	[sflag:s0] =	ssyncadd.s32 $0xFFFFFC00  }
0x3a3: {  	_ =	swait.ge [sflag:s0], $0x400  }
0x3a4: {  	[sflag:s0] =	ssyncset.done $0x0  }
0x3a5: {  	[sflag:s0] =	ssyncadd.s32 $0xFFFFFC00  }
0x3a6: {  	_ =	swait.ge [sflag:s0], $0x400  }
0x3a7: {  	[sflag:s0] =	ssyncset.done $0x0  }
0x3a8: {  	[sflag:s0] =	ssyncadd.s32 $0xFFFFFC00  }
0x3a9: {  	_ =	swait.ge [sflag:s0], $0x400  }
0x3aa: {  	[sflag:s0] =	ssyncset.done $0x0  }
0x3ab: {  	[sflag:s0] =	ssyncadd.s32 $0xFFFFFC00  }
0x3ac: {  	_ =	swait.ge [sflag:s0], $0x400  }
0x3ad: {  	[sflag:s0] =	ssyncset.done $0x0  }
0x3ae: {  	[sflag:s0] =	ssyncadd.s32 $0xFFFFFC00  }
0x3af: {  	_ =	swait.ge [sflag:s0], $0x400  }
0x3b0: {  	[sflag:s0] =	ssyncset.done $0x0  }
0x3b1: {  	[sflag:s0] =	ssyncadd.s32 $0xFFFFFC00  }
0x3b2: {  	_ =	swait.ge [sflag:s31], $0x400  }
0x3b3: {  	[sflag:s31] =	ssyncset.done $0x0  }
0x3b4: {  	[sflag:s31] =	ssyncadd.s32 $0xFFFFFC00  }
0x3b5: {  	_ =	swait.ge [sflag:s31], $0x400  }
0x3b6: {  	[sflag:s31] =	ssyncset.done $0x0  }
0x3b7: {  	[sflag:s31] =	ssyncadd.s32 $0xFFFFFC00  }
0x3b8: {  	_ =	swait.ge [sflag:s31], $0x400  }
0x3b9: {  	[sflag:s31] =	ssyncset.done $0x0  }
0x3ba: {  	[sflag:s31] =	ssyncadd.s32 $0xFFFFFC00  }
0x3bb: {  	_ =	swait.ge [sflag:s31], $0x400  }
0x3bc: {  	[sflag:s31] =	ssyncset.done $0x0  }
0x3bd: {  	[sflag:s31] =	ssyncadd.s32 $0xFFFFFC00  }
0x3be: {  	_ =	swait.ge [sflag:s31], $0x400  }
0x3bf: {  	[sflag:s31] =	ssyncset.done $0x0  }
0x3c0: {  	[sflag:s31] =	ssyncadd.s32 $0xFFFFFC00  }
0x3c1: {  	_ =	swait.ge [sflag:s31], $0x400  }
0x3c2: {  	[sflag:s31] =	ssyncset.done $0x0  }
0x3c3: {  	[sflag:s31] =	ssyncadd.s32 $0xFFFFFC00  }
0x3c4: {  	_ =	swait.ge [sflag:s31], $0x400  }
0x3c5: {  	[sflag:s31] =	ssyncset.done $0x0  }
0x3c6: {  	[sflag:s31] =	ssyncadd.s32 $0xFFFFFC00  }
0x3c7: {  	_ =	swait.ge [sflag:s31], $0x400  }
0x3c8: {  	[sflag:s31] =	ssyncset.done $0x0  }
0x3c9: {  	[sflag:s31] =	ssyncadd.s32 $0xFFFFFC00  }
0x3ca: {  	_ =	swait.ge [sflag:s31], $0x400  }
0x3cb: {  	[sflag:s31] =	ssyncset.done $0x0  }
0x3cc: {  	[sflag:s31] =	ssyncadd.s32 $0xFFFFFC00  }
0x3cd: {  	_ =	swait.ge [sflag:s31], $0x400  }
0x3ce: {  	[sflag:s31] =	ssyncset.done $0x0  }
0x3cf: {  	[sflag:s31] =	ssyncadd.s32 $0xFFFFFC00  }
0x3d0: {  	_ =	swait.ge [sflag:s31], $0x400  }
0x3d1: {  	[sflag:s31] =	ssyncset.done $0x0  }
0x3d2: {  	[sflag:s31] =	ssyncadd.s32 $0xFFFFFC00  }
0x3d3: {  	_ =	swait.ge [sflag:s31], $0x400  }
0x3d4: {  	[sflag:s31] =	ssyncset.done $0x0  }
0x3d5: {  	[sflag:s31] =	ssyncadd.s32 $0xFFFFFC00  }
0x3d6: {  	_ =	swait.ge [sflag:s31], $0x400  }
0x3d7: {  	[sflag:s31] =	ssyncset.done $0x0  }
0x3d8: {  	[sflag:s31] =	ssyncadd.s32 $0xFFFFFC00  }
0x3d9: {  	_ =	swait.ge [sflag:s31], $0x400  }
0x3da: {  	[sflag:s31] =	ssyncset.done $0x0  }
0x3db: {  	[sflag:s31] =	ssyncadd.s32 $0xFFFFFC00  }
0x3dc: {  	_ =	swait.ge [sflag:s31], $0x400  }
0x3dd: {  	[sflag:s31] =	ssyncset.done $0x0  }
0x3de: {  	[sflag:s31] =	ssyncadd.s32 $0xFFFFFC00  }
0x3df: {  	_ =	swait.ge [sflag:s31], $0x400  }
0x3e0: {  	s2 =	rddreg [dreg:$0x10]  }
0x3e1: {  	s30 =	rddreg [dreg:$0xd];
	s2 =	sadd.s32 $0x1, s2  }
0x3e2: {  	p0 =	sne.s32 s2, s30  }
.Ltmp3:
0x3e3: {  	_ = 	snop;
	(pc) =	sbr.rel @p0 .LBB2_1-.Ltmp3, $3  }
0x3e4: {  	_ =	sdelay $0x1  }
0x3e5: {  	[sflag:s31] =	ssyncset.done $0x0  }
0x3e6: {  	[sflag:s31] =	ssyncadd.s32 $0xFFFFFC00  }
0x3e7: {  	_ =	sfence.sel $0x180000  }
0x3e8: {  	[bflag:$0x0] =	sbarrier.arrive $0xFFFF  }
0x3e9: {  	_ =	strace $0x90000047  }
0x3ea: {  	s0 =	stileid.u32;
	[bflag:$0x2] =	sbarrier.arrive $0xFFFF  }
0x3eb: {  	p0 =	sne.s32 s0, $0x0;
	s0 =	rddreg [dreg:$0x3]  }
0x3ec: {  	s0 =	sadd.s32 @!p0 $0x100000, s0  }
0x3ed: {  	[sflag:s0] =	ssyncadd.tile.s32 @!p0 $0x1;
	_ =	shalt  }
.Lfunc_end2:
_tile_overlayer_lowered:
.L_overlay_start_2:
0x3ee: {  	(tag) =	ssettag $0x2  }
0x3ef: {  	s0 =	rddreg [dreg:$0x0];
	s2 =	stileid.u32  }
0x3f0: {  	s1 =	rddreg [dreg:$0x1];
	p0 =	sne.s32 s2, $0x0  }
0x3f1: {  	s3 =	rddreg [dreg:$0x2];
	[bflag:$0x3] =	sbarrier.arrive $0xFFFF;
	s2 =	simm.s32 @!p0 $0x1C07  }
0x3f2: {  	[timem:s3], [sflag:s2] =	dma.local @!p0 [hbm:s0], s1  }
0x3f3: {  	s0 =	simm.s32 @!p0 $0x7  }
0x3f4: {  	_ =	swait.ge @!p0 [sflag:s0], s1  }
0x3f5: {  	s1 =	ssub.s32 @!p0 $0x0, s1;
	[sflag:s0] =	ssyncset.done @!p0 $0x0  }
0x3f6: {  	[sflag:s0] =	ssyncadd.s32 @!p0 s1  }
0x3f7: {  	[bflag:$0x3] =	sbarrier.arrive $0xFFFF  }
0x3f8: {  	_ =	shalt  }

</sc_bundles>
